<compile_context>
chip_gen: v7x
topology: tpu7x:2x2x1
jax: 0.10.2.dev20260603
libtpu: 0.0.44.dev20260713+nightly
codegen_flags: <defaults>
</compile_context>

<pallas_src>
import functools
import jax
import jax.numpy as jnp
from jax import lax
from jax.experimental import pallas as pl
from jax.experimental.pallas import tpu as pltpu
from jax.experimental.pallas import tpu_sc as plsc

N = 10000
E = 320000
NC = 2
NS = 16
NW = NC * NS
CH = 125
NCHUNK = E // NW // CH
NPAD = 10240
STRIPE = NPAD // NS
ZR = 64

_mesh = plsc.VectorSubcoreMesh(core_axis_name="c", subcore_axis_name="s")
_sc_params = pltpu.CompilerParams(use_tc_tiling_on_sc=False)



@functools.partial(
    pl.kernel,
    out_type=jax.ShapeDtypeStruct((NC * NPAD,), jnp.float32),
    mesh=_mesh,
    scratch_types=[
        pltpu.VMEM((NCHUNK, CH), jnp.int32),
        pltpu.VMEM((128,), jnp.float32),
        pltpu.VMEM((STRIPE,), jnp.float32),
        pltpu.SemaphoreType.DMA,
        pltpu.VMEM_SHARED((NPAD,), jnp.float32),
    ],
    compiler_params=_sc_params,
)
def _deg_kernel(dst_hbm, out_hbm, didx, ones, zrow, sem, acc):
    c = lax.axis_index("c")
    s = lax.axis_index("s")
    w = s * NC + c
    one16 = jnp.ones((16,), jnp.float32)
    zero16 = jnp.zeros((16,), jnp.float32)
    for k in range(128 // 16):
        ones[pl.ds(k * 16, 16)] = one16
    for k in range(STRIPE // 16):
        zrow[pl.ds(k * 16, 16)] = zero16
    pltpu.sync_copy(zrow, acc.at[pl.ds(s * STRIPE, STRIPE)])
    pltpu.sync_copy(dst_hbm.at[pl.ds(w * NCHUNK, NCHUNK)], didx)
    plsc.subcore_barrier()

    def body(j, carry):
        ds = [pltpu.async_copy(ones.at[pl.ds(0, CH)],
                               acc.at[didx.at[4 * j + b]], sem, add=True)
              for b in range(4)]
        for d in ds:
            d.wait()
        return carry

    lax.fori_loop(0, NCHUNK // 4, body, 0)
    plsc.subcore_barrier()
    pltpu.sync_copy(acc.at[pl.ds(s * STRIPE, STRIPE)],
                    out_hbm.at[pl.ds(c * NPAD + s * STRIPE, STRIPE)])


K = 8
NGRP = NCHUNK // K


def _make_rowsum(D, stage, ch=CH, nchunk=NCHUNK, k=K):

    ngrp = nchunk // k
    scratch = [
        pltpu.VMEM((nchunk, ch), jnp.int32),
        pltpu.VMEM((nchunk, ch), jnp.int32),
        pltpu.VMEM((k, ch, D), jnp.float32),
        pltpu.VMEM((ZR, D), jnp.float32),
        pltpu.SemaphoreType.DMA,
        pltpu.SemaphoreType.DMA,
        pltpu.VMEM_SHARED((NPAD, D), jnp.float32),
    ]
    if stage:
        scratch.append(pltpu.VMEM_SHARED((NPAD, D), jnp.float32))

    @functools.partial(
        pl.kernel,
        out_type=jax.ShapeDtypeStruct((NC * NPAD, D), jnp.float32),
        mesh=_mesh,
        scratch_types=scratch,
        compiler_params=_sc_params,
    )
    def _rowsum(vals_hbm, src_hbm, dst_hbm, out_hbm,
                sidx, didx, rows, zbuf, gsem, ssem, acc, *maybe_svals):
        c = lax.axis_index("c")
        s = lax.axis_index("s")
        w = s * NC + c
        if stage:
            svals = maybe_svals[0]
            for i in range(STRIPE // ZR):
                pltpu.sync_copy(vals_hbm.at[pl.ds(s * STRIPE + i * ZR, ZR)],
                                zbuf)
                pltpu.sync_copy(zbuf, svals.at[pl.ds(s * STRIPE + i * ZR, ZR)])
            gsrc = svals
        else:
            gsrc = vals_hbm
        zero16 = jnp.zeros((16,), jnp.float32)
        for r in range(ZR):
            for i in range(D // 16):
                zbuf[r, pl.ds(i * 16, 16)] = zero16
        for i in range(STRIPE // ZR):
            pltpu.sync_copy(zbuf, acc.at[pl.ds(s * STRIPE + i * ZR, ZR)])
        pltpu.sync_copy(src_hbm.at[pl.ds(w * nchunk, nchunk)], sidx)
        pltpu.sync_copy(dst_hbm.at[pl.ds(w * nchunk, nchunk)], didx)
        plsc.subcore_barrier()

        def group(g, carry):
            base = g * k
            gds = [pltpu.async_copy(gsrc.at[sidx.at[base + b]],
                                    rows.at[b], gsem) for b in range(k)]
            sds = []
            for b in range(k):
                gds[b].wait()
                sds.append(pltpu.async_copy(rows.at[b],
                                            acc.at[didx.at[base + b]],
                                            ssem, add=True))
            for d in sds:
                d.wait()
            return carry

        lax.fori_loop(0, ngrp, group, 0)
        plsc.subcore_barrier()
        pltpu.sync_copy(acc.at[pl.ds(s * STRIPE, STRIPE)],
                        out_hbm.at[pl.ds(c * NPAD + s * STRIPE, STRIPE)])

    return _rowsum


_CH64, _NCH64, _K64 = 250, 40, 4
_CH16, _NCH16, _K16 = 625, 16, 8
_rowsum64 = _make_rowsum(64, stage=False, ch=_CH64, nchunk=_NCH64, k=_K64)
_rowsum16 = _make_rowsum(16, stage=False, ch=_CH16, nchunk=_NCH16, k=_K16)



def _dinv_from(degp_ref):
    deg = degp_ref[0, :N] + degp_ref[1, :N] + 1.0
    return lax.rsqrt(deg)[:, None]


def _dense_body(x_ref, w1_ref, b1_ref, w2_ref, wc1_ref, b2_ref, degp_ref,
                ps_ref):
    wf = jnp.dot(w2_ref[...], wc1_ref[...], preferred_element_type=jnp.float32)
    h = jax.nn.relu(jnp.dot(x_ref[...], w1_ref[...],
                            preferred_element_type=jnp.float32) + b1_ref[...])
    bf = jnp.dot(b2_ref[...], wc1_ref[...], preferred_element_type=jnp.float32)
    p = jnp.dot(h, wf, preferred_element_type=jnp.float32) + bf
    ps_ref[0:N, :] = p * _dinv_from(degp_ref)
    ps_ref[N:NPAD, :] = jnp.zeros((NPAD - N, 64), jnp.float32)


_tc_dense = pl.pallas_call(
    _dense_body,
    out_shape=jax.ShapeDtypeStruct((NPAD, 64), jnp.float32),
)


def _bn_body(sp_ref, ps_ref, degp_ref, gamma_ref, beta_ref, wc2_ref, qp_ref):
    dinv = _dinv_from(degp_ref)
    h1 = dinv * (sp_ref[0:N, :] + sp_ref[NPAD:NPAD + N, :] + ps_ref[0:N, :])
    ones_row = jnp.ones((1, N), jnp.float32)
    mean = jnp.dot(ones_row, h1, preferred_element_type=jnp.float32) / N
    d = h1 - mean
    var = jnp.dot(ones_row, d * d, preferred_element_type=jnp.float32) / N
    z = jax.nn.relu((h1 - mean) * lax.rsqrt(var + 1e-5) * gamma_ref[...]
                    + beta_ref[...])
    q = jnp.dot(z, wc2_ref[...], preferred_element_type=jnp.float32) * dinv
    qp_ref[0:N, :] = jnp.concatenate(
        [q, jnp.zeros((N, 14), jnp.float32)], axis=1)
    qp_ref[N:NPAD, :] = jnp.zeros((NPAD - N, 16), jnp.float32)


_tc_bn = pl.pallas_call(
    _bn_body,
    out_shape=jax.ShapeDtypeStruct((NPAD, 16), jnp.float32),
)


def _final_body(s2_ref, qp_ref, degp_ref, bc2_ref, out_ref):
    dinv = _dinv_from(degp_ref)
    out_ref[...] = dinv * (s2_ref[0:N, 0:2] + s2_ref[NPAD:NPAD + N, 0:2]
                           + qp_ref[0:N, 0:2]) + bc2_ref[...]


_tc_final = pl.pallas_call(
    _final_body,
    out_shape=jax.ShapeDtypeStruct((N, 2), jnp.float32),
)



@jax.jit
def kernel(x, edge_index, W1, b1, W2, b2, Wc1, bc1, gamma, beta, Wc2, bc2):
    src = edge_index[0].reshape(NW * NCHUNK, CH)
    dst = edge_index[1].reshape(NW * NCHUNK, CH)
    src64 = edge_index[0].reshape(NW * _NCH64, _CH64)
    dst64 = edge_index[1].reshape(NW * _NCH64, _CH64)
    src16 = edge_index[0].reshape(NW * _NCH16, _CH16)
    dst16 = edge_index[1].reshape(NW * _NCH16, _CH16)

    degp = _deg_kernel(dst).reshape(NC, NPAD)
    ps = _tc_dense(x, W1, b1.reshape(1, 32), W2, Wc1, b2.reshape(1, 128),
                   degp)
    sp = _rowsum64(ps, src64, dst64)
    qp = _tc_bn(sp, ps, degp, gamma.reshape(1, 64), beta.reshape(1, 64), Wc2)
    s2 = _rowsum16(qp, src16, dst16)
    return _tc_final(s2, qp, degp, bc2.reshape(1, 2))

# --- scband reference (transcript-rebuilt; emitter-appended) ---
"""Pipeline reference for scband-gcn-77343771066554 (READ-ONLY COPY).

The authoritative reference and input builder live on the scoring server;
editing this copy changes nothing except your own understanding.
"""

import jax, jax.numpy as jnp
import numpy as np

N = 10000
E = 320000
D = 128
H = 64
C = 2


def gcn_conv(x, edge_index, W, b):
    # x: [N, d_in], edge_index: [2, E] (row=source, col=target), W: [d_in, d_out]
    h = x @ W
    src = edge_index[0]
    dst = edge_index[1]
    loop = jnp.arange(N, dtype=src.dtype)
    src = jnp.concatenate([src, loop])
    dst = jnp.concatenate([dst, loop])
    deg = jnp.zeros((N,), dtype=h.dtype).at[dst].add(1.0)
    deg_inv_sqrt = jnp.where(deg > 0, deg ** -0.5, 0.0)
    norm = deg_inv_sqrt[src] * deg_inv_sqrt[dst]
    msg = h[src] * norm[:, None]
    out = jnp.zeros((N, h.shape[1]), dtype=h.dtype).at[dst].add(msg)
    return out + b


def setup_inputs(seed: int = 0) -> dict:
    key = jax.random.key(seed)
    ks = jax.random.split(key, 12)
    x = jax.random.normal(ks[0], (N, D), dtype=jnp.float32)
    edge_index = jax.random.randint(ks[1], (2, E), 0, N, dtype=jnp.int32)
    W1 = jax.random.normal(ks[2], (D, 32), dtype=jnp.float32) / np.sqrt(D)
    b1 = jnp.zeros((32,), dtype=jnp.float32)
    W2 = jax.random.normal(ks[3], (32, D), dtype=jnp.float32) / np.sqrt(32)
    b2 = jnp.zeros((D,), dtype=jnp.float32)
    Wc1 = jax.random.normal(ks[4], (D, H), dtype=jnp.float32) / np.sqrt(D)
    bc1 = jnp.zeros((H,), dtype=jnp.float32)
    gamma = jnp.ones((H,), dtype=jnp.float32)
    beta = jnp.zeros((H,), dtype=jnp.float32)
    Wc2 = jax.random.normal(ks[5], (H, C), dtype=jnp.float32) / np.sqrt(H)
    bc2 = jnp.zeros((C,), dtype=jnp.float32)
    return {"x": x, "edge_index": edge_index, "W1": W1, "b1": b1, "W2": W2, "b2": b2,
            "Wc1": Wc1, "bc1": bc1, "gamma": gamma, "beta": beta, "Wc2": Wc2, "bc2": bc2}


def reference(x, edge_index, W1, b1, W2, b2, Wc1, bc1, gamma, beta, Wc2, bc2):
    # linear1 -> relu -> (dropout: identity, deterministic reference) -> linear2
    h = jax.nn.relu(x @ W1 + b1)
    h = h @ W2 + b2
    # GCNConv 1 (symmetric normalization with self-loops)
    h = gcn_conv(h, edge_index, Wc1, bc1)
    # BatchNorm1d (batch statistics, biased var, eps=1e-5)
    mean = jnp.mean(h, axis=0)
    var = jnp.mean((h - mean) ** 2, axis=0)
    h = (h - mean) / jnp.sqrt(var + 1e-5) * gamma + beta
    h = jax.nn.relu(h)
    # GCNConv 2
    out = gcn_conv(h, edge_index, Wc2, bc2)
    return out

if __name__ == "__main__":
    import jax
    _d = setup_inputs()
    print(jax.jit(kernel)(*tuple(_d.values())))

</pallas_src>

<mosaic_0001>
#map = affine_map<(d0, d1) -> (0, 0)>
#map1 = affine_map<(d0, d1) -> (0)>
module attributes {stable_mosaic.version = 14 : i64} {
  func.func @_deg_kernel(%arg0: i32, %arg1: i32, %arg2: memref<2560x125xi32, #tpu.memory_space<hbm>>, %arg3: memref<20480xf32, #tpu.memory_space<hbm>>, %arg4: memref<80x125xi32, #tpu.memory_space<vmem>>, %arg5: memref<128xf32, #tpu.memory_space<vmem>>, %arg6: memref<640xf32, #tpu.memory_space<vmem>>, %arg7: memref<!tpu.dma_semaphore, #tpu.memory_space<semaphore_mem>>, %arg8: memref<10240xf32, #tpu.memory_space<vmem_shared>>) attributes {dimension_semantics = [#tpu.dimension_semantics<core_parallel>, #tpu.dimension_semantics<subcore_parallel>], iteration_bounds = array<i64: 2, 16>, scalar_prefetch = 0 : i64, scratch_operands = 5 : i64, tpu.core_type = #tpu.core_type<sc_vector_subcore>, window_params = [{transform_indices = #map}, {transform_indices = #map1}]} {
    %mul3A = arith.constant 2 : i32
    %mul3A_0 = arith.muli %arg1, %mul3A : i32
    %add3A = arith.addi %mul3A_0, %arg0 : i32
    %broadcast_in_dim3A = arith.constant 1.000000e+00 : f32
    %broadcast_in_dim3A_1 = vector.broadcast %broadcast_in_dim3A : f32 to vector<16xf32>
    %broadcast_in_dim3A_2 = arith.constant 0.000000e+00 : f32
    %broadcast_in_dim3A_3 = vector.broadcast %broadcast_in_dim3A_2 : f32 to vector<16xf32>
    %swap3A = arith.constant 0 : index
    %swap3A_4 = tpu.vector_load %arg5[%swap3A] {strides = array<i32>} : memref<128xf32, #tpu.memory_space<vmem>>, vector<16xf32>,
    %swap3A_5 = vector.shape_cast %swap3A_4 : vector<16xf32> to vector<16xf32>
    %swap3A_6 = vector.shape_cast %broadcast_in_dim3A_1 : vector<16xf32> to vector<16xf32>
    tpu.vector_store %arg5[%swap3A], %swap3A_6 {strides = array<i32>} : memref<128xf32, #tpu.memory_space<vmem>>, vector<16xf32>,
    %swap3A_7 = arith.constant 16 : index
    %swap3A_8 = tpu.vector_load %arg5[%swap3A_7] {strides = array<i32>} : memref<128xf32, #tpu.memory_space<vmem>>, vector<16xf32>,
    %swap3A_9 = vector.shape_cast %swap3A_8 : vector<16xf32> to vector<16xf32>
    %swap3A_10 = vector.shape_cast %broadcast_in_dim3A_1 : vector<16xf32> to vector<16xf32>
    tpu.vector_store %arg5[%swap3A_7], %swap3A_10 {strides = array<i32>} : memref<128xf32, #tpu.memory_space<vmem>>, vector<16xf32>,
    %swap3A_11 = arith.constant 32 : index
    %swap3A_12 = tpu.vector_load %arg5[%swap3A_11] {strides = array<i32>} : memref<128xf32, #tpu.memory_space<vmem>>, vector<16xf32>,
    %swap3A_13 = vector.shape_cast %swap3A_12 : vector<16xf32> to vector<16xf32>
    %swap3A_14 = vector.shape_cast %broadcast_in_dim3A_1 : vector<16xf32> to vector<16xf32>
    tpu.vector_store %arg5[%swap3A_11], %swap3A_14 {strides = array<i32>} : memref<128xf32, #tpu.memory_space<vmem>>, vector<16xf32>,
    %swap3A_15 = arith.constant 48 : index
    %swap3A_16 = tpu.vector_load %arg5[%swap3A_15] {strides = array<i32>} : memref<128xf32, #tpu.memory_space<vmem>>, vector<16xf32>,
    %swap3A_17 = vector.shape_cast %swap3A_16 : vector<16xf32> to vector<16xf32>
    %swap3A_18 = vector.shape_cast %broadcast_in_dim3A_1 : vector<16xf32> to vector<16xf32>
    tpu.vector_store %arg5[%swap3A_15], %swap3A_18 {strides = array<i32>} : memref<128xf32, #tpu.memory_space<vmem>>, vector<16xf32>,
    %swap3A_19 = arith.constant 64 : index
    %swap3A_20 = tpu.vector_load %arg5[%swap3A_19] {strides = array<i32>} : memref<128xf32, #tpu.memory_space<vmem>>, vector<16xf32>,
    %swap3A_21 = vector.shape_cast %swap3A_20 : vector<16xf32> to vector<16xf32>
    %swap3A_22 = vector.shape_cast %broadcast_in_dim3A_1 : vector<16xf32> to vector<16xf32>
    tpu.vector_store %arg5[%swap3A_19], %swap3A_22 {strides = array<i32>} : memref<128xf32, #tpu.memory_space<vmem>>, vector<16xf32>,
    %swap3A_23 = arith.constant 80 : index
    %swap3A_24 = tpu.vector_load %arg5[%swap3A_23] {strides = array<i32>} : memref<128xf32, #tpu.memory_space<vmem>>, vector<16xf32>,
    %swap3A_25 = vector.shape_cast %swap3A_24 : vector<16xf32> to vector<16xf32>
    %swap3A_26 = vector.shape_cast %broadcast_in_dim3A_1 : vector<16xf32> to vector<16xf32>
    tpu.vector_store %arg5[%swap3A_23], %swap3A_26 {strides = array<i32>} : memref<128xf32, #tpu.memory_space<vmem>>, vector<16xf32>,
    %swap3A_27 = arith.constant 96 : index
    %swap3A_28 = tpu.vector_load %arg5[%swap3A_27] {strides = array<i32>} : memref<128xf32, #tpu.memory_space<vmem>>, vector<16xf32>,
    %swap3A_29 = vector.shape_cast %swap3A_28 : vector<16xf32> to vector<16xf32>
    %swap3A_30 = vector.shape_cast %broadcast_in_dim3A_1 : vector<16xf32> to vector<16xf32>
    tpu.vector_store %arg5[%swap3A_27], %swap3A_30 {strides = array<i32>} : memref<128xf32, #tpu.memory_space<vmem>>, vector<16xf32>,
    %swap3A_31 = arith.constant 112 : index
    %swap3A_32 = tpu.vector_load %arg5[%swap3A_31] {strides = array<i32>} : memref<128xf32, #tpu.memory_space<vmem>>, vector<16xf32>,
    %swap3A_33 = vector.shape_cast %swap3A_32 : vector<16xf32> to vector<16xf32>
    %swap3A_34 = vector.shape_cast %broadcast_in_dim3A_1 : vector<16xf32> to vector<16xf32>
    tpu.vector_store %arg5[%swap3A_31], %swap3A_34 {strides = array<i32>} : memref<128xf32, #tpu.memory_space<vmem>>, vector<16xf32>,
    %swap3A_35 = arith.constant 0 : index
    %swap3A_36 = tpu.vector_load %arg6[%swap3A_35] {strides = array<i32>} : memref<640xf32, #tpu.memory_space<vmem>>, vector<16xf32>,
    %swap3A_37 = vector.shape_cast %swap3A_36 : vector<16xf32> to vector<16xf32>
    %swap3A_38 = vector.shape_cast %broadcast_in_dim3A_3 : vector<16xf32> to vector<16xf32>
    tpu.vector_store %arg6[%swap3A_35], %swap3A_38 {strides = array<i32>} : memref<640xf32, #tpu.memory_space<vmem>>, vector<16xf32>,
    %swap3A_39 = arith.constant 16 : index
    %swap3A_40 = tpu.vector_load %arg6[%swap3A_39] {strides = array<i32>} : memref<640xf32, #tpu.memory_space<vmem>>, vector<16xf32>,
    %swap3A_41 = vector.shape_cast %swap3A_40 : vector<16xf32> to vector<16xf32>
    %swap3A_42 = vector.shape_cast %broadcast_in_dim3A_3 : vector<16xf32> to vector<16xf32>
    tpu.vector_store %arg6[%swap3A_39], %swap3A_42 {strides = array<i32>} : memref<640xf32, #tpu.memory_space<vmem>>, vector<16xf32>,
    %swap3A_43 = arith.constant 32 : index
    %swap3A_44 = tpu.vector_load %arg6[%swap3A_43] {strides = array<i32>} : memref<640xf32, #tpu.memory_space<vmem>>, vector<16xf32>,
    %swap3A_45 = vector.shape_cast %swap3A_44 : vector<16xf32> to vector<16xf32>
    %swap3A_46 = vector.shape_cast %broadcast_in_dim3A_3 : vector<16xf32> to vector<16xf32>
    tpu.vector_store %arg6[%swap3A_43], %swap3A_46 {strides = array<i32>} : memref<640xf32, #tpu.memory_space<vmem>>, vector<16xf32>,
    %swap3A_47 = arith.constant 48 : index
    %swap3A_48 = tpu.vector_load %arg6[%swap3A_47] {strides = array<i32>} : memref<640xf32, #tpu.memory_space<vmem>>, vector<16xf32>,
    %swap3A_49 = vector.shape_cast %swap3A_48 : vector<16xf32> to vector<16xf32>
    %swap3A_50 = vector.shape_cast %broadcast_in_dim3A_3 : vector<16xf32> to vector<16xf32>
    tpu.vector_store %arg6[%swap3A_47], %swap3A_50 {strides = array<i32>} : memref<640xf32, #tpu.memory_space<vmem>>, vector<16xf32>,
    %swap3A_51 = arith.constant 64 : index
    %swap3A_52 = tpu.vector_load %arg6[%swap3A_51] {strides = array<i32>} : memref<640xf32, #tpu.memory_space<vmem>>, vector<16xf32>,
    %swap3A_53 = vector.shape_cast %swap3A_52 : vector<16xf32> to vector<16xf32>
    %swap3A_54 = vector.shape_cast %broadcast_in_dim3A_3 : vector<16xf32> to vector<16xf32>
    tpu.vector_store %arg6[%swap3A_51], %swap3A_54 {strides = array<i32>} : memref<640xf32, #tpu.memory_space<vmem>>, vector<16xf32>,
    %swap3A_55 = arith.constant 80 : index
    %swap3A_56 = tpu.vector_load %arg6[%swap3A_55] {strides = array<i32>} : memref<640xf32, #tpu.memory_space<vmem>>, vector<16xf32>,
    %swap3A_57 = vector.shape_cast %swap3A_56 : vector<16xf32> to vector<16xf32>
    %swap3A_58 = vector.shape_cast %broadcast_in_dim3A_3 : vector<16xf32> to vector<16xf32>
    tpu.vector_store %arg6[%swap3A_55], %swap3A_58 {strides = array<i32>} : memref<640xf32, #tpu.memory_space<vmem>>, vector<16xf32>,
    %swap3A_59 = arith.constant 96 : index
    %swap3A_60 = tpu.vector_load %arg6[%swap3A_59] {strides = array<i32>} : memref<640xf32, #tpu.memory_space<vmem>>, vector<16xf32>,
    %swap3A_61 = vector.shape_cast %swap3A_60 : vector<16xf32> to vector<16xf32>
    %swap3A_62 = vector.shape_cast %broadcast_in_dim3A_3 : vector<16xf32> to vector<16xf32>
    tpu.vector_store %arg6[%swap3A_59], %swap3A_62 {strides = array<i32>} : memref<640xf32, #tpu.memory_space<vmem>>, vector<16xf32>,
    %swap3A_63 = arith.constant 112 : index
    %swap3A_64 = tpu.vector_load %arg6[%swap3A_63] {strides = array<i32>} : memref<640xf32, #tpu.memory_space<vmem>>, vector<16xf32>,
    %swap3A_65 = vector.shape_cast %swap3A_64 : vector<16xf32> to vector<16xf32>
    %swap3A_66 = vector.shape_cast %broadcast_in_dim3A_3 : vector<16xf32> to vector<16xf32>
    tpu.vector_store %arg6[%swap3A_63], %swap3A_66 {strides = array<i32>} : memref<640xf32, #tpu.memory_space<vmem>>, vector<16xf32>,
    %swap3A_67 = arith.constant 128 : index
    %swap3A_68 = tpu.vector_load %arg6[%swap3A_67] {strides = array<i32>} : memref<640xf32, #tpu.memory_space<vmem>>, vector<16xf32>,
    %swap3A_69 = vector.shape_cast %swap3A_68 : vector<16xf32> to vector<16xf32>
    %swap3A_70 = vector.shape_cast %broadcast_in_dim3A_3 : vector<16xf32> to vector<16xf32>
    tpu.vector_store %arg6[%swap3A_67], %swap3A_70 {strides = array<i32>} : memref<640xf32, #tpu.memory_space<vmem>>, vector<16xf32>,
    %swap3A_71 = arith.constant 144 : index
    %swap3A_72 = tpu.vector_load %arg6[%swap3A_71] {strides = array<i32>} : memref<640xf32, #tpu.memory_space<vmem>>, vector<16xf32>,
    %swap3A_73 = vector.shape_cast %swap3A_72 : vector<16xf32> to vector<16xf32>
    %swap3A_74 = vector.shape_cast %broadcast_in_dim3A_3 : vector<16xf32> to vector<16xf32>
    tpu.vector_store %arg6[%swap3A_71], %swap3A_74 {strides = array<i32>} : memref<640xf32, #tpu.memory_space<vmem>>, vector<16xf32>,
    %swap3A_75 = arith.constant 160 : index
    %swap3A_76 = tpu.vector_load %arg6[%swap3A_75] {strides = array<i32>} : memref<640xf32, #tpu.memory_space<vmem>>, vector<16xf32>,
    %swap3A_77 = vector.shape_cast %swap3A_76 : vector<16xf32> to vector<16xf32>
    %swap3A_78 = vector.shape_cast %broadcast_in_dim3A_3 : vector<16xf32> to vector<16xf32>
    tpu.vector_store %arg6[%swap3A_75], %swap3A_78 {strides = array<i32>} : memref<640xf32, #tpu.memory_space<vmem>>, vector<16xf32>,
    %swap3A_79 = arith.constant 176 : index
    %swap3A_80 = tpu.vector_load %arg6[%swap3A_79] {strides = array<i32>} : memref<640xf32, #tpu.memory_space<vmem>>, vector<16xf32>,
    %swap3A_81 = vector.shape_cast %swap3A_80 : vector<16xf32> to vector<16xf32>
    %swap3A_82 = vector.shape_cast %broadcast_in_dim3A_3 : vector<16xf32> to vector<16xf32>
    tpu.vector_store %arg6[%swap3A_79], %swap3A_82 {strides = array<i32>} : memref<640xf32, #tpu.memory_space<vmem>>, vector<16xf32>,
    %swap3A_83 = arith.constant 192 : index
    %swap3A_84 = tpu.vector_load %arg6[%swap3A_83] {strides = array<i32>} : memref<640xf32, #tpu.memory_space<vmem>>, vector<16xf32>,
    %swap3A_85 = vector.shape_cast %swap3A_84 : vector<16xf32> to vector<16xf32>
    %swap3A_86 = vector.shape_cast %broadcast_in_dim3A_3 : vector<16xf32> to vector<16xf32>
    tpu.vector_store %arg6[%swap3A_83], %swap3A_86 {strides = array<i32>} : memref<640xf32, #tpu.memory_space<vmem>>, vector<16xf32>,
    %swap3A_87 = arith.constant 208 : index
    %swap3A_88 = tpu.vector_load %arg6[%swap3A_87] {strides = array<i32>} : memref<640xf32, #tpu.memory_space<vmem>>, vector<16xf32>,
    %swap3A_89 = vector.shape_cast %swap3A_88 : vector<16xf32> to vector<16xf32>
    %swap3A_90 = vector.shape_cast %broadcast_in_dim3A_3 : vector<16xf32> to vector<16xf32>
    tpu.vector_store %arg6[%swap3A_87], %swap3A_90 {strides = array<i32>} : memref<640xf32, #tpu.memory_space<vmem>>, vector<16xf32>,
    %swap3A_91 = arith.constant 224 : index
    %swap3A_92 = tpu.vector_load %arg6[%swap3A_91] {strides = array<i32>} : memref<640xf32, #tpu.memory_space<vmem>>, vector<16xf32>,
    %swap3A_93 = vector.shape_cast %swap3A_92 : vector<16xf32> to vector<16xf32>
    %swap3A_94 = vector.shape_cast %broadcast_in_dim3A_3 : vector<16xf32> to vector<16xf32>
    tpu.vector_store %arg6[%swap3A_91], %swap3A_94 {strides = array<i32>} : memref<640xf32, #tpu.memory_space<vmem>>, vector<16xf32>,
    %swap3A_95 = arith.constant 240 : index
    %swap3A_96 = tpu.vector_load %arg6[%swap3A_95] {strides = array<i32>} : memref<640xf32, #tpu.memory_space<vmem>>, vector<16xf32>,
    %swap3A_97 = vector.shape_cast %swap3A_96 : vector<16xf32> to vector<16xf32>
    %swap3A_98 = vector.shape_cast %broadcast_in_dim3A_3 : vector<16xf32> to vector<16xf32>
    tpu.vector_store %arg6[%swap3A_95], %swap3A_98 {strides = array<i32>} : memref<640xf32, #tpu.memory_space<vmem>>, vector<16xf32>,
    %swap3A_99 = arith.constant 256 : index
    %swap3A_100 = tpu.vector_load %arg6[%swap3A_99] {strides = array<i32>} : memref<640xf32, #tpu.memory_space<vmem>>, vector<16xf32>,
    %swap3A_101 = vector.shape_cast %swap3A_100 : vector<16xf32> to vector<16xf32>
    %swap3A_102 = vector.shape_cast %broadcast_in_dim3A_3 : vector<16xf32> to vector<16xf32>
    tpu.vector_store %arg6[%swap3A_99], %swap3A_102 {strides = array<i32>} : memref<640xf32, #tpu.memory_space<vmem>>, vector<16xf32>,
    %swap3A_103 = arith.constant 272 : index
    %swap3A_104 = tpu.vector_load %arg6[%swap3A_103] {strides = array<i32>} : memref<640xf32, #tpu.memory_space<vmem>>, vector<16xf32>,
    %swap3A_105 = vector.shape_cast %swap3A_104 : vector<16xf32> to vector<16xf32>
    %swap3A_106 = vector.shape_cast %broadcast_in_dim3A_3 : vector<16xf32> to vector<16xf32>
    tpu.vector_store %arg6[%swap3A_103], %swap3A_106 {strides = array<i32>} : memref<640xf32, #tpu.memory_space<vmem>>, vector<16xf32>,
    %swap3A_107 = arith.constant 288 : index
    %swap3A_108 = tpu.vector_load %arg6[%swap3A_107] {strides = array<i32>} : memref<640xf32, #tpu.memory_space<vmem>>, vector<16xf32>,
    %swap3A_109 = vector.shape_cast %swap3A_108 : vector<16xf32> to vector<16xf32>
    %swap3A_110 = vector.shape_cast %broadcast_in_dim3A_3 : vector<16xf32> to vector<16xf32>
    tpu.vector_store %arg6[%swap3A_107], %swap3A_110 {strides = array<i32>} : memref<640xf32, #tpu.memory_space<vmem>>, vector<16xf32>,
    %swap3A_111 = arith.constant 304 : index
    %swap3A_112 = tpu.vector_load %arg6[%swap3A_111] {strides = array<i32>} : memref<640xf32, #tpu.memory_space<vmem>>, vector<16xf32>,
    %swap3A_113 = vector.shape_cast %swap3A_112 : vector<16xf32> to vector<16xf32>
    %swap3A_114 = vector.shape_cast %broadcast_in_dim3A_3 : vector<16xf32> to vector<16xf32>
    tpu.vector_store %arg6[%swap3A_111], %swap3A_114 {strides = array<i32>} : memref<640xf32, #tpu.memory_space<vmem>>, vector<16xf32>,
    %swap3A_115 = arith.constant 320 : index
    %swap3A_116 = tpu.vector_load %arg6[%swap3A_115] {strides = array<i32>} : memref<640xf32, #tpu.memory_space<vmem>>, vector<16xf32>,
    %swap3A_117 = vector.shape_cast %swap3A_116 : vector<16xf32> to vector<16xf32>
    %swap3A_118 = vector.shape_cast %broadcast_in_dim3A_3 : vector<16xf32> to vector<16xf32>
    tpu.vector_store %arg6[%swap3A_115], %swap3A_118 {strides = array<i32>} : memref<640xf32, #tpu.memory_space<vmem>>, vector<16xf32>,
    %swap3A_119 = arith.constant 336 : index
    %swap3A_120 = tpu.vector_load %arg6[%swap3A_119] {strides = array<i32>} : memref<640xf32, #tpu.memory_space<vmem>>, vector<16xf32>,
    %swap3A_121 = vector.shape_cast %swap3A_120 : vector<16xf32> to vector<16xf32>
    %swap3A_122 = vector.shape_cast %broadcast_in_dim3A_3 : vector<16xf32> to vector<16xf32>
    tpu.vector_store %arg6[%swap3A_119], %swap3A_122 {strides = array<i32>} : memref<640xf32, #tpu.memory_space<vmem>>, vector<16xf32>,
    %swap3A_123 = arith.constant 352 : index
    %swap3A_124 = tpu.vector_load %arg6[%swap3A_123] {strides = array<i32>} : memref<640xf32, #tpu.memory_space<vmem>>, vector<16xf32>,
    %swap3A_125 = vector.shape_cast %swap3A_124 : vector<16xf32> to vector<16xf32>
    %swap3A_126 = vector.shape_cast %broadcast_in_dim3A_3 : vector<16xf32> to vector<16xf32>
    tpu.vector_store %arg6[%swap3A_123], %swap3A_126 {strides = array<i32>} : memref<640xf32, #tpu.memory_space<vmem>>, vector<16xf32>,
    %swap3A_127 = arith.constant 368 : index
    %swap3A_128 = tpu.vector_load %arg6[%swap3A_127] {strides = array<i32>} : memref<640xf32, #tpu.memory_space<vmem>>, vector<16xf32>,
    %swap3A_129 = vector.shape_cast %swap3A_128 : vector<16xf32> to vector<16xf32>
    %swap3A_130 = vector.shape_cast %broadcast_in_dim3A_3 : vector<16xf32> to vector<16xf32>
    tpu.vector_store %arg6[%swap3A_127], %swap3A_130 {strides = array<i32>} : memref<640xf32, #tpu.memory_space<vmem>>, vector<16xf32>,
    %swap3A_131 = arith.constant 384 : index
    %swap3A_132 = tpu.vector_load %arg6[%swap3A_131] {strides = array<i32>} : memref<640xf32, #tpu.memory_space<vmem>>, vector<16xf32>,
    %swap3A_133 = vector.shape_cast %swap3A_132 : vector<16xf32> to vector<16xf32>
    %swap3A_134 = vector.shape_cast %broadcast_in_dim3A_3 : vector<16xf32> to vector<16xf32>
    tpu.vector_store %arg6[%swap3A_131], %swap3A_134 {strides = array<i32>} : memref<640xf32, #tpu.memory_space<vmem>>, vector<16xf32>,
    %swap3A_135 = arith.constant 400 : index
    %swap3A_136 = tpu.vector_load %arg6[%swap3A_135] {strides = array<i32>} : memref<640xf32, #tpu.memory_space<vmem>>, vector<16xf32>,
    %swap3A_137 = vector.shape_cast %swap3A_136 : vector<16xf32> to vector<16xf32>
    %swap3A_138 = vector.shape_cast %broadcast_in_dim3A_3 : vector<16xf32> to vector<16xf32>
    tpu.vector_store %arg6[%swap3A_135], %swap3A_138 {strides = array<i32>} : memref<640xf32, #tpu.memory_space<vmem>>, vector<16xf32>,
    %swap3A_139 = arith.constant 416 : index
    %swap3A_140 = tpu.vector_load %arg6[%swap3A_139] {strides = array<i32>} : memref<640xf32, #tpu.memory_space<vmem>>, vector<16xf32>,
    %swap3A_141 = vector.shape_cast %swap3A_140 : vector<16xf32> to vector<16xf32>
    %swap3A_142 = vector.shape_cast %broadcast_in_dim3A_3 : vector<16xf32> to vector<16xf32>
    tpu.vector_store %arg6[%swap3A_139], %swap3A_142 {strides = array<i32>} : memref<640xf32, #tpu.memory_space<vmem>>, vector<16xf32>,
    %swap3A_143 = arith.constant 432 : index
    %swap3A_144 = tpu.vector_load %arg6[%swap3A_143] {strides = array<i32>} : memref<640xf32, #tpu.memory_space<vmem>>, vector<16xf32>,
    %swap3A_145 = vector.shape_cast %swap3A_144 : vector<16xf32> to vector<16xf32>
    %swap3A_146 = vector.shape_cast %broadcast_in_dim3A_3 : vector<16xf32> to vector<16xf32>
    tpu.vector_store %arg6[%swap3A_143], %swap3A_146 {strides = array<i32>} : memref<640xf32, #tpu.memory_space<vmem>>, vector<16xf32>,
    %swap3A_147 = arith.constant 448 : index
    %swap3A_148 = tpu.vector_load %arg6[%swap3A_147] {strides = array<i32>} : memref<640xf32, #tpu.memory_space<vmem>>, vector<16xf32>,
    %swap3A_149 = vector.shape_cast %swap3A_148 : vector<16xf32> to vector<16xf32>
    %swap3A_150 = vector.shape_cast %broadcast_in_dim3A_3 : vector<16xf32> to vector<16xf32>
    tpu.vector_store %arg6[%swap3A_147], %swap3A_150 {strides = array<i32>} : memref<640xf32, #tpu.memory_space<vmem>>, vector<16xf32>,
    %swap3A_151 = arith.constant 464 : index
    %swap3A_152 = tpu.vector_load %arg6[%swap3A_151] {strides = array<i32>} : memref<640xf32, #tpu.memory_space<vmem>>, vector<16xf32>,
    %swap3A_153 = vector.shape_cast %swap3A_152 : vector<16xf32> to vector<16xf32>
    %swap3A_154 = vector.shape_cast %broadcast_in_dim3A_3 : vector<16xf32> to vector<16xf32>
    tpu.vector_store %arg6[%swap3A_151], %swap3A_154 {strides = array<i32>} : memref<640xf32, #tpu.memory_space<vmem>>, vector<16xf32>,
    %swap3A_155 = arith.constant 480 : index
    %swap3A_156 = tpu.vector_load %arg6[%swap3A_155] {strides = array<i32>} : memref<640xf32, #tpu.memory_space<vmem>>, vector<16xf32>,
    %swap3A_157 = vector.shape_cast %swap3A_156 : vector<16xf32> to vector<16xf32>
    %swap3A_158 = vector.shape_cast %broadcast_in_dim3A_3 : vector<16xf32> to vector<16xf32>
    tpu.vector_store %arg6[%swap3A_155], %swap3A_158 {strides = array<i32>} : memref<640xf32, #tpu.memory_space<vmem>>, vector<16xf32>,
    %swap3A_159 = arith.constant 496 : index
    %swap3A_160 = tpu.vector_load %arg6[%swap3A_159] {strides = array<i32>} : memref<640xf32, #tpu.memory_space<vmem>>, vector<16xf32>,
    %swap3A_161 = vector.shape_cast %swap3A_160 : vector<16xf32> to vector<16xf32>
    %swap3A_162 = vector.shape_cast %broadcast_in_dim3A_3 : vector<16xf32> to vector<16xf32>
    tpu.vector_store %arg6[%swap3A_159], %swap3A_162 {strides = array<i32>} : memref<640xf32, #tpu.memory_space<vmem>>, vector<16xf32>,
    %swap3A_163 = arith.constant 512 : index
    %swap3A_164 = tpu.vector_load %arg6[%swap3A_163] {strides = array<i32>} : memref<640xf32, #tpu.memory_space<vmem>>, vector<16xf32>,
    %swap3A_165 = vector.shape_cast %swap3A_164 : vector<16xf32> to vector<16xf32>
    %swap3A_166 = vector.shape_cast %broadcast_in_dim3A_3 : vector<16xf32> to vector<16xf32>
    tpu.vector_store %arg6[%swap3A_163], %swap3A_166 {strides = array<i32>} : memref<640xf32, #tpu.memory_space<vmem>>, vector<16xf32>,
    %swap3A_167 = arith.constant 528 : index
    %swap3A_168 = tpu.vector_load %arg6[%swap3A_167] {strides = array<i32>} : memref<640xf32, #tpu.memory_space<vmem>>, vector<16xf32>,
    %swap3A_169 = vector.shape_cast %swap3A_168 : vector<16xf32> to vector<16xf32>
    %swap3A_170 = vector.shape_cast %broadcast_in_dim3A_3 : vector<16xf32> to vector<16xf32>
    tpu.vector_store %arg6[%swap3A_167], %swap3A_170 {strides = array<i32>} : memref<640xf32, #tpu.memory_space<vmem>>, vector<16xf32>,
    %swap3A_171 = arith.constant 544 : index
    %swap3A_172 = tpu.vector_load %arg6[%swap3A_171] {strides = array<i32>} : memref<640xf32, #tpu.memory_space<vmem>>, vector<16xf32>,
    %swap3A_173 = vector.shape_cast %swap3A_172 : vector<16xf32> to vector<16xf32>
    %swap3A_174 = vector.shape_cast %broadcast_in_dim3A_3 : vector<16xf32> to vector<16xf32>
    tpu.vector_store %arg6[%swap3A_171], %swap3A_174 {strides = array<i32>} : memref<640xf32, #tpu.memory_space<vmem>>, vector<16xf32>,
    %swap3A_175 = arith.constant 560 : index
    %swap3A_176 = tpu.vector_load %arg6[%swap3A_175] {strides = array<i32>} : memref<640xf32, #tpu.memory_space<vmem>>, vector<16xf32>,
    %swap3A_177 = vector.shape_cast %swap3A_176 : vector<16xf32> to vector<16xf32>
    %swap3A_178 = vector.shape_cast %broadcast_in_dim3A_3 : vector<16xf32> to vector<16xf32>
    tpu.vector_store %arg6[%swap3A_175], %swap3A_178 {strides = array<i32>} : memref<640xf32, #tpu.memory_space<vmem>>, vector<16xf32>,
    %swap3A_179 = arith.constant 576 : index
    %swap3A_180 = tpu.vector_load %arg6[%swap3A_179] {strides = array<i32>} : memref<640xf32, #tpu.memory_space<vmem>>, vector<16xf32>,
    %swap3A_181 = vector.shape_cast %swap3A_180 : vector<16xf32> to vector<16xf32>
    %swap3A_182 = vector.shape_cast %broadcast_in_dim3A_3 : vector<16xf32> to vector<16xf32>
    tpu.vector_store %arg6[%swap3A_179], %swap3A_182 {strides = array<i32>} : memref<640xf32, #tpu.memory_space<vmem>>, vector<16xf32>,
    %swap3A_183 = arith.constant 592 : index
    %swap3A_184 = tpu.vector_load %arg6[%swap3A_183] {strides = array<i32>} : memref<640xf32, #tpu.memory_space<vmem>>, vector<16xf32>,
    %swap3A_185 = vector.shape_cast %swap3A_184 : vector<16xf32> to vector<16xf32>
    %swap3A_186 = vector.shape_cast %broadcast_in_dim3A_3 : vector<16xf32> to vector<16xf32>
    tpu.vector_store %arg6[%swap3A_183], %swap3A_186 {strides = array<i32>} : memref<640xf32, #tpu.memory_space<vmem>>, vector<16xf32>,
    %swap3A_187 = arith.constant 608 : index
    %swap3A_188 = tpu.vector_load %arg6[%swap3A_187] {strides = array<i32>} : memref<640xf32, #tpu.memory_space<vmem>>, vector<16xf32>,
    %swap3A_189 = vector.shape_cast %swap3A_188 : vector<16xf32> to vector<16xf32>
    %swap3A_190 = vector.shape_cast %broadcast_in_dim3A_3 : vector<16xf32> to vector<16xf32>
    tpu.vector_store %arg6[%swap3A_187], %swap3A_190 {strides = array<i32>} : memref<640xf32, #tpu.memory_space<vmem>>, vector<16xf32>,
    %swap3A_191 = arith.constant 624 : index
    %swap3A_192 = tpu.vector_load %arg6[%swap3A_191] {strides = array<i32>} : memref<640xf32, #tpu.memory_space<vmem>>, vector<16xf32>,
    %swap3A_193 = vector.shape_cast %swap3A_192 : vector<16xf32> to vector<16xf32>
    %swap3A_194 = vector.shape_cast %broadcast_in_dim3A_3 : vector<16xf32> to vector<16xf32>
    tpu.vector_store %arg6[%swap3A_191], %swap3A_194 {strides = array<i32>} : memref<640xf32, #tpu.memory_space<vmem>>, vector<16xf32>,
    %mul3A_195 = arith.constant 640 : i32
    %mul3A_196 = arith.muli %arg1, %mul3A_195 : i32
    "tpu.region"() ({
      %run_scoped3A = tpu.sem_alloc : memref<!tpu.dma_semaphore, #tpu.memory_space<semaphore_mem>>
      %dma_start3A = tpu.memref_slice %arg8[%mul3A_196] : memref<10240xf32, #tpu.memory_space<vmem_shared>> -> memref<640xf32, #tpu.memory_space<vmem_shared>>
      %dma_start3A_212 = tpu.memref_slice %arg8[%mul3A_196] : memref<10240xf32, #tpu.memory_space<vmem_shared>> -> memref<640xf32, #tpu.memory_space<vmem_shared>>
      tpu.enqueue_dma source(%arg6 : memref<640xf32, #tpu.memory_space<vmem>>) target(%dma_start3A_212 : memref<640xf32, #tpu.memory_space<vmem_shared>>) target_semaphore(%run_scoped3A : memref<!tpu.dma_semaphore, #tpu.memory_space<semaphore_mem>>)
      %dma_wait3A = tpu.memref_slice %arg8[%mul3A_196] : memref<10240xf32, #tpu.memory_space<vmem_shared>> -> memref<640xf32, #tpu.memory_space<vmem_shared>>
      %dma_wait3A_213 = tpu.memref_slice %arg8[%mul3A_196] : memref<10240xf32, #tpu.memory_space<vmem_shared>> -> memref<640xf32, #tpu.memory_space<vmem_shared>>
      tpu.wait_dma2 semaphore(%run_scoped3A : memref<!tpu.dma_semaphore, #tpu.memory_space<semaphore_mem>>) src(%arg6 : memref<640xf32, #tpu.memory_space<vmem>>) dst(%dma_wait3A_213 : memref<640xf32, #tpu.memory_space<vmem_shared>>)
      tpu.yield
    }) : () -> ()
    %mul3A_197 = arith.constant 80 : i32
    %mul3A_198 = arith.muli %add3A, %mul3A_197 : i32
    "tpu.region"() ({
      %run_scoped3A = tpu.sem_alloc : memref<!tpu.dma_semaphore, #tpu.memory_space<semaphore_mem>>
      %dma_start3A = arith.constant 0 : i32
      %dma_start3A_212 = tpu.memref_slice %arg2[%mul3A_198, %dma_start3A] : memref<2560x125xi32, #tpu.memory_space<hbm>> -> memref<80x125xi32, #tpu.memory_space<hbm>>
      %dma_start3A_213 = arith.constant 0 : i32
      %dma_start3A_214 = tpu.memref_slice %arg2[%mul3A_198, %dma_start3A_213] : memref<2560x125xi32, #tpu.memory_space<hbm>> -> memref<80x125xi32, #tpu.memory_space<hbm>>
      tpu.enqueue_dma source(%dma_start3A_214 : memref<80x125xi32, #tpu.memory_space<hbm>>) target(%arg4 : memref<80x125xi32, #tpu.memory_space<vmem>>) target_semaphore(%run_scoped3A : memref<!tpu.dma_semaphore, #tpu.memory_space<semaphore_mem>>)
      %dma_wait3A = arith.constant 0 : i32
      %dma_wait3A_215 = tpu.memref_slice %arg2[%mul3A_198, %dma_wait3A] : memref<2560x125xi32, #tpu.memory_space<hbm>> -> memref<80x125xi32, #tpu.memory_space<hbm>>
      %dma_wait3A_216 = arith.constant 0 : i32
      %dma_wait3A_217 = tpu.memref_slice %arg2[%mul3A_198, %dma_wait3A_216] : memref<2560x125xi32, #tpu.memory_space<hbm>> -> memref<80x125xi32, #tpu.memory_space<hbm>>
      tpu.wait_dma2 semaphore(%run_scoped3A : memref<!tpu.dma_semaphore, #tpu.memory_space<semaphore_mem>>) src(%dma_wait3A_217 : memref<80x125xi32, #tpu.memory_space<hbm>>) dst(%arg4 : memref<80x125xi32, #tpu.memory_space<vmem>>)
      tpu.yield
    }) : () -> ()
    %barrier3A = arith.constant 0 : index
    tpu.barrier barrier_id(%barrier3A)
    %scan3A = arith.constant 0 : i32
    %scan3A_199 = arith.constant 0 : i32
    %scan3A_200 = arith.constant 20 : i32
    %scan3A_201 = arith.addi %scan3A_199, %scan3A_200 : i32
    %scan3A_202 = arith.constant 1 : i32
    scf.for %scan3A_212 = %scan3A_199 to %scan3A_201 step %scan3A_202  : i32 {
      %mul3A_213 = arith.constant 4 : i32
      %mul3A_214 = arith.muli %mul3A_213, %scan3A_212 : i32
      %add3A_215 = arith.constant 0 : i32
      %add3A_216 = arith.addi %mul3A_214, %add3A_215 : i32
      %dma_start3A = arith.constant 0 : i32
      %dma_start3A_217 = tpu.memref_slice %arg5[%dma_start3A] : memref<128xf32, #tpu.memory_space<vmem>> -> memref<125xf32, #tpu.memory_space<vmem>>
      %dma_start3A_218 = arith.constant 0 : i32
      %dma_start3A_219 = tpu.memref_slice %arg4[%add3A_216, %dma_start3A_218] : memref<80x125xi32, #tpu.memory_space<vmem>> -> memref<1x125xi32, #tpu.memory_space<vmem>>
      %dma_start3A_220 = tpu.memref_squeeze %dma_start3A_219 : memref<1x125xi32, #tpu.memory_space<vmem>> -> memref<125xi32, #tpu.memory_space<vmem>>
      %dma_start3A_221 = arith.constant 0 : i32
      %dma_start3A_222 = tpu.memref_slice %arg8[%dma_start3A_221] : memref<10240xf32, #tpu.memory_space<vmem_shared>> -> memref<10240xf32, #tpu.memory_space<vmem_shared>>
      tpu.enqueue_indirect_dma source(%dma_start3A_217 : memref<125xf32, #tpu.memory_space<vmem>>) target(%dma_start3A_222 : memref<10240xf32, #tpu.memory_space<vmem_shared>>) offsets(%dma_start3A_220 : memref<125xi32, #tpu.memory_space<vmem>>) semaphore(%arg7 : memref<!tpu.dma_semaphore, #tpu.memory_space<semaphore_mem>>) {add = true}
      %mul3A_223 = arith.constant 4 : i32
      %mul3A_224 = arith.muli %mul3A_223, %scan3A_212 : i32
      %add3A_225 = arith.constant 1 : i32
      %add3A_226 = arith.addi %mul3A_224, %add3A_225 : i32
      %dma_start3A_227 = arith.constant 0 : i32
      %dma_start3A_228 = tpu.memref_slice %arg5[%dma_start3A_227] : memref<128xf32, #tpu.memory_space<vmem>> -> memref<125xf32, #tpu.memory_space<vmem>>
      %dma_start3A_229 = arith.constant 0 : i32
      %dma_start3A_230 = tpu.memref_slice %arg4[%add3A_226, %dma_start3A_229] : memref<80x125xi32, #tpu.memory_space<vmem>> -> memref<1x125xi32, #tpu.memory_space<vmem>>
      %dma_start3A_231 = tpu.memref_squeeze %dma_start3A_230 : memref<1x125xi32, #tpu.memory_space<vmem>> -> memref<125xi32, #tpu.memory_space<vmem>>
      %dma_start3A_232 = arith.constant 0 : i32
      %dma_start3A_233 = tpu.memref_slice %arg8[%dma_start3A_232] : memref<10240xf32, #tpu.memory_space<vmem_shared>> -> memref<10240xf32, #tpu.memory_space<vmem_shared>>
      tpu.enqueue_indirect_dma source(%dma_start3A_228 : memref<125xf32, #tpu.memory_space<vmem>>) target(%dma_start3A_233 : memref<10240xf32, #tpu.memory_space<vmem_shared>>) offsets(%dma_start3A_231 : memref<125xi32, #tpu.memory_space<vmem>>) semaphore(%arg7 : memref<!tpu.dma_semaphore, #tpu.memory_space<semaphore_mem>>) {add = true}
      %mul3A_234 = arith.constant 4 : i32
      %mul3A_235 = arith.muli %mul3A_234, %scan3A_212 : i32
      %add3A_236 = arith.constant 2 : i32
      %add3A_237 = arith.addi %mul3A_235, %add3A_236 : i32
      %dma_start3A_238 = arith.constant 0 : i32
      %dma_start3A_239 = tpu.memref_slice %arg5[%dma_start3A_238] : memref<128xf32, #tpu.memory_space<vmem>> -> memref<125xf32, #tpu.memory_space<vmem>>
      %dma_start3A_240 = arith.constant 0 : i32
      %dma_start3A_241 = tpu.memref_slice %arg4[%add3A_237, %dma_start3A_240] : memref<80x125xi32, #tpu.memory_space<vmem>> -> memref<1x125xi32, #tpu.memory_space<vmem>>
      %dma_start3A_242 = tpu.memref_squeeze %dma_start3A_241 : memref<1x125xi32, #tpu.memory_space<vmem>> -> memref<125xi32, #tpu.memory_space<vmem>>
      %dma_start3A_243 = arith.constant 0 : i32
      %dma_start3A_244 = tpu.memref_slice %arg8[%dma_start3A_243] : memref<10240xf32, #tpu.memory_space<vmem_shared>> -> memref<10240xf32, #tpu.memory_space<vmem_shared>>
      tpu.enqueue_indirect_dma source(%dma_start3A_239 : memref<125xf32, #tpu.memory_space<vmem>>) target(%dma_start3A_244 : memref<10240xf32, #tpu.memory_space<vmem_shared>>) offsets(%dma_start3A_242 : memref<125xi32, #tpu.memory_space<vmem>>) semaphore(%arg7 : memref<!tpu.dma_semaphore, #tpu.memory_space<semaphore_mem>>) {add = true}
      %mul3A_245 = arith.constant 4 : i32
      %mul3A_246 = arith.muli %mul3A_245, %scan3A_212 : i32
      %add3A_247 = arith.constant 3 : i32
      %add3A_248 = arith.addi %mul3A_246, %add3A_247 : i32
      %dma_start3A_249 = arith.constant 0 : i32
      %dma_start3A_250 = tpu.memref_slice %arg5[%dma_start3A_249] : memref<128xf32, #tpu.memory_space<vmem>> -> memref<125xf32, #tpu.memory_space<vmem>>
      %dma_start3A_251 = arith.constant 0 : i32
      %dma_start3A_252 = tpu.memref_slice %arg4[%add3A_248, %dma_start3A_251] : memref<80x125xi32, #tpu.memory_space<vmem>> -> memref<1x125xi32, #tpu.memory_space<vmem>>
      %dma_start3A_253 = tpu.memref_squeeze %dma_start3A_252 : memref<1x125xi32, #tpu.memory_space<vmem>> -> memref<125xi32, #tpu.memory_space<vmem>>
      %dma_start3A_254 = arith.constant 0 : i32
      %dma_start3A_255 = tpu.memref_slice %arg8[%dma_start3A_254] : memref<10240xf32, #tpu.memory_space<vmem_shared>> -> memref<10240xf32, #tpu.memory_space<vmem_shared>>
      tpu.enqueue_indirect_dma source(%dma_start3A_250 : memref<125xf32, #tpu.memory_space<vmem>>) target(%dma_start3A_255 : memref<10240xf32, #tpu.memory_space<vmem_shared>>) offsets(%dma_start3A_253 : memref<125xi32, #tpu.memory_space<vmem>>) semaphore(%arg7 : memref<!tpu.dma_semaphore, #tpu.memory_space<semaphore_mem>>) {add = true}
      %dma_wait3A = arith.constant 0 : i32
      %dma_wait3A_256 = tpu.memref_slice %arg5[%dma_wait3A] : memref<128xf32, #tpu.memory_space<vmem>> -> memref<125xf32, #tpu.memory_space<vmem>>
      %dma_wait3A_257 = arith.constant 0 : i32
      %dma_wait3A_258 = tpu.memref_slice %arg4[%add3A_216, %dma_wait3A_257] : memref<80x125xi32, #tpu.memory_space<vmem>> -> memref<1x125xi32, #tpu.memory_space<vmem>>
      %dma_wait3A_259 = tpu.memref_squeeze %dma_wait3A_258 : memref<1x125xi32, #tpu.memory_space<vmem>> -> memref<125xi32, #tpu.memory_space<vmem>>
      %dma_wait3A_260 = arith.constant 0 : i32
      %dma_wait3A_261 = tpu.memref_slice %arg8[%dma_wait3A_260] : memref<10240xf32, #tpu.memory_space<vmem_shared>> -> memref<10240xf32, #tpu.memory_space<vmem_shared>>
      tpu.wait_indirect_dma semaphore(%arg7 : memref<!tpu.dma_semaphore, #tpu.memory_space<semaphore_mem>>) src(%dma_wait3A_256 : memref<125xf32, #tpu.memory_space<vmem>>) dst(%dma_wait3A_261 : memref<10240xf32, #tpu.memory_space<vmem_shared>>)
      %dma_wait3A_262 = arith.constant 0 : i32
      %dma_wait3A_263 = tpu.memref_slice %arg5[%dma_wait3A_262] : memref<128xf32, #tpu.memory_space<vmem>> -> memref<125xf32, #tpu.memory_space<vmem>>
      %dma_wait3A_264 = arith.constant 0 : i32
      %dma_wait3A_265 = tpu.memref_slice %arg4[%add3A_226, %dma_wait3A_264] : memref<80x125xi32, #tpu.memory_space<vmem>> -> memref<1x125xi32, #tpu.memory_space<vmem>>
      %dma_wait3A_266 = tpu.memref_squeeze %dma_wait3A_265 : memref<1x125xi32, #tpu.memory_space<vmem>> -> memref<125xi32, #tpu.memory_space<vmem>>
      %dma_wait3A_267 = arith.constant 0 : i32
      %dma_wait3A_268 = tpu.memref_slice %arg8[%dma_wait3A_267] : memref<10240xf32, #tpu.memory_space<vmem_shared>> -> memref<10240xf32, #tpu.memory_space<vmem_shared>>
      tpu.wait_indirect_dma semaphore(%arg7 : memref<!tpu.dma_semaphore, #tpu.memory_space<semaphore_mem>>) src(%dma_wait3A_263 : memref<125xf32, #tpu.memory_space<vmem>>) dst(%dma_wait3A_268 : memref<10240xf32, #tpu.memory_space<vmem_shared>>)
      %dma_wait3A_269 = arith.constant 0 : i32
      %dma_wait3A_270 = tpu.memref_slice %arg5[%dma_wait3A_269] : memref<128xf32, #tpu.memory_space<vmem>> -> memref<125xf32, #tpu.memory_space<vmem>>
      %dma_wait3A_271 = arith.constant 0 : i32
      %dma_wait3A_272 = tpu.memref_slice %arg4[%add3A_237, %dma_wait3A_271] : memref<80x125xi32, #tpu.memory_space<vmem>> -> memref<1x125xi32, #tpu.memory_space<vmem>>
      %dma_wait3A_273 = tpu.memref_squeeze %dma_wait3A_272 : memref<1x125xi32, #tpu.memory_space<vmem>> -> memref<125xi32, #tpu.memory_space<vmem>>
      %dma_wait3A_274 = arith.constant 0 : i32
      %dma_wait3A_275 = tpu.memref_slice %arg8[%dma_wait3A_274] : memref<10240xf32, #tpu.memory_space<vmem_shared>> -> memref<10240xf32, #tpu.memory_space<vmem_shared>>
      tpu.wait_indirect_dma semaphore(%arg7 : memref<!tpu.dma_semaphore, #tpu.memory_space<semaphore_mem>>) src(%dma_wait3A_270 : memref<125xf32, #tpu.memory_space<vmem>>) dst(%dma_wait3A_275 : memref<10240xf32, #tpu.memory_space<vmem_shared>>)
      %dma_wait3A_276 = arith.constant 0 : i32
      %dma_wait3A_277 = tpu.memref_slice %arg5[%dma_wait3A_276] : memref<128xf32, #tpu.memory_space<vmem>> -> memref<125xf32, #tpu.memory_space<vmem>>
      %dma_wait3A_278 = arith.constant 0 : i32
      %dma_wait3A_279 = tpu.memref_slice %arg4[%add3A_248, %dma_wait3A_278] : memref<80x125xi32, #tpu.memory_space<vmem>> -> memref<1x125xi32, #tpu.memory_space<vmem>>
      %dma_wait3A_280 = tpu.memref_squeeze %dma_wait3A_279 : memref<1x125xi32, #tpu.memory_space<vmem>> -> memref<125xi32, #tpu.memory_space<vmem>>
      %dma_wait3A_281 = arith.constant 0 : i32
      %dma_wait3A_282 = tpu.memref_slice %arg8[%dma_wait3A_281] : memref<10240xf32, #tpu.memory_space<vmem_shared>> -> memref<10240xf32, #tpu.memory_space<vmem_shared>>
      tpu.wait_indirect_dma semaphore(%arg7 : memref<!tpu.dma_semaphore, #tpu.memory_space<semaphore_mem>>) src(%dma_wait3A_277 : memref<125xf32, #tpu.memory_space<vmem>>) dst(%dma_wait3A_282 : memref<10240xf32, #tpu.memory_space<vmem_shared>>)
    }
    %scan3A_203 = arith.constant 20 : i32
    %barrier3A_204 = arith.constant 0 : index
    tpu.barrier barrier_id(%barrier3A_204)
    %mul3A_205 = arith.constant 640 : i32
    %mul3A_206 = arith.muli %arg1, %mul3A_205 : i32
    %mul3A_207 = arith.constant 10240 : i32
    %mul3A_208 = arith.muli %arg0, %mul3A_207 : i32
    %mul3A_209 = arith.constant 640 : i32
    %mul3A_210 = arith.muli %arg1, %mul3A_209 : i32
    %add3A_211 = arith.addi %mul3A_208, %mul3A_210 : i32
    "tpu.region"() ({
      %run_scoped3A = tpu.sem_alloc : memref<!tpu.dma_semaphore, #tpu.memory_space<semaphore_mem>>
      %dma_start3A = tpu.memref_slice %arg3[%add3A_211] : memref<20480xf32, #tpu.memory_space<hbm>> -> memref<640xf32, #tpu.memory_space<hbm>>
      %dma_start3A_212 = tpu.memref_slice %arg8[%mul3A_206] : memref<10240xf32, #tpu.memory_space<vmem_shared>> -> memref<640xf32, #tpu.memory_space<vmem_shared>>
      tpu.enqueue_dma source(%dma_start3A_212 : memref<640xf32, #tpu.memory_space<vmem_shared>>) target(%dma_start3A : memref<640xf32, #tpu.memory_space<hbm>>) target_semaphore(%run_scoped3A : memref<!tpu.dma_semaphore, #tpu.memory_space<semaphore_mem>>)
      %dma_wait3A = tpu.memref_slice %arg3[%add3A_211] : memref<20480xf32, #tpu.memory_space<hbm>> -> memref<640xf32, #tpu.memory_space<hbm>>
      %dma_wait3A_213 = tpu.memref_slice %arg8[%mul3A_206] : memref<10240xf32, #tpu.memory_space<vmem_shared>> -> memref<640xf32, #tpu.memory_space<vmem_shared>>
      tpu.wait_dma2 semaphore(%run_scoped3A : memref<!tpu.dma_semaphore, #tpu.memory_space<semaphore_mem>>) src(%dma_wait3A_213 : memref<640xf32, #tpu.memory_space<vmem_shared>>) dst(%dma_wait3A : memref<640xf32, #tpu.memory_space<hbm>>)
      tpu.yield
    }) : () -> ()
    return
  }
}

#map = affine_map<(d0, d1) -> (0, 0)>
module attributes {stable_mosaic.version = 14 : i64} {
  func.func @_rowsum(%arg0: i32, %arg1: i32, %arg2: memref<10240x16xf32, #tpu.memory_space<hbm>>, %arg3: memref<512x625xi32, #tpu.memory_space<hbm>>, %arg4: memref<512x625xi32, #tpu.memory_space<hbm>>, %arg5: memref<20480x16xf32, #tpu.memory_space<hbm>>, %arg6: memref<16x625xi32, #tpu.memory_space<vmem>>, %arg7: memref<16x625xi32, #tpu.memory_space<vmem>>, %arg8: memref<8x625x16xf32, #tpu.memory_space<vmem>>, %arg9: memref<64x16xf32, #tpu.memory_space<vmem>>, %arg10: memref<!tpu.dma_semaphore, #tpu.memory_space<semaphore_mem>>, %arg11: memref<!tpu.dma_semaphore, #tpu.memory_space<semaphore_mem>>, %arg12: memref<10240x16xf32, #tpu.memory_space<vmem_shared>>) attributes {dimension_semantics = [#tpu.dimension_semantics<core_parallel>, #tpu.dimension_semantics<subcore_parallel>], iteration_bounds = array<i64: 2, 16>, scalar_prefetch = 0 : i64, scratch_operands = 7 : i64, tpu.core_type = #tpu.core_type<sc_vector_subcore>, window_params = [{transform_indices = #map}, {transform_indices = #map}, {transform_indices = #map}, {transform_indices = #map}]} {
    %mul3A = arith.constant 2 : i32
    %mul3A_0 = arith.muli %arg1, %mul3A : i32
    %add3A = arith.addi %mul3A_0, %arg0 : i32
    %broadcast_in_dim3A = arith.constant 0.000000e+00 : f32
    %broadcast_in_dim3A_1 = vector.broadcast %broadcast_in_dim3A : f32 to vector<16xf32>
    %swap3A = arith.constant 0 : i32
    %swap3A_2 = arith.index_cast %swap3A : i32 to index
    %swap3A_3 = arith.constant 0 : index
    %swap3A_4 = tpu.vector_load %arg9[%swap3A_2, %swap3A_3] {strides = array<i32>} : memref<64x16xf32, #tpu.memory_space<vmem>>, vector<1x16xf32>,
    %swap3A_5 = vector.shape_cast %swap3A_4 : vector<1x16xf32> to vector<16xf32>
    %swap3A_6 = vector.shape_cast %broadcast_in_dim3A_1 : vector<16xf32> to vector<1x16xf32>
    tpu.vector_store %arg9[%swap3A_2, %swap3A_3], %swap3A_6 {strides = array<i32>} : memref<64x16xf32, #tpu.memory_space<vmem>>, vector<1x16xf32>,
    %swap3A_7 = arith.constant 1 : i32
    %swap3A_8 = arith.index_cast %swap3A_7 : i32 to index
    %swap3A_9 = arith.constant 0 : index
    %swap3A_10 = tpu.vector_load %arg9[%swap3A_8, %swap3A_9] {strides = array<i32>} : memref<64x16xf32, #tpu.memory_space<vmem>>, vector<1x16xf32>,
    %swap3A_11 = vector.shape_cast %swap3A_10 : vector<1x16xf32> to vector<16xf32>
    %swap3A_12 = vector.shape_cast %broadcast_in_dim3A_1 : vector<16xf32> to vector<1x16xf32>
    tpu.vector_store %arg9[%swap3A_8, %swap3A_9], %swap3A_12 {strides = array<i32>} : memref<64x16xf32, #tpu.memory_space<vmem>>, vector<1x16xf32>,
    %swap3A_13 = arith.constant 2 : i32
    %swap3A_14 = arith.index_cast %swap3A_13 : i32 to index
    %swap3A_15 = arith.constant 0 : index
    %swap3A_16 = tpu.vector_load %arg9[%swap3A_14, %swap3A_15] {strides = array<i32>} : memref<64x16xf32, #tpu.memory_space<vmem>>, vector<1x16xf32>,
    %swap3A_17 = vector.shape_cast %swap3A_16 : vector<1x16xf32> to vector<16xf32>
    %swap3A_18 = vector.shape_cast %broadcast_in_dim3A_1 : vector<16xf32> to vector<1x16xf32>
    tpu.vector_store %arg9[%swap3A_14, %swap3A_15], %swap3A_18 {strides = array<i32>} : memref<64x16xf32, #tpu.memory_space<vmem>>, vector<1x16xf32>,
    %swap3A_19 = arith.constant 3 : i32
    %swap3A_20 = arith.index_cast %swap3A_19 : i32 to index
    %swap3A_21 = arith.constant 0 : index
    %swap3A_22 = tpu.vector_load %arg9[%swap3A_20, %swap3A_21] {strides = array<i32>} : memref<64x16xf32, #tpu.memory_space<vmem>>, vector<1x16xf32>,
    %swap3A_23 = vector.shape_cast %swap3A_22 : vector<1x16xf32> to vector<16xf32>
    %swap3A_24 = vector.shape_cast %broadcast_in_dim3A_1 : vector<16xf32> to vector<1x16xf32>
    tpu.vector_store %arg9[%swap3A_20, %swap3A_21], %swap3A_24 {strides = array<i32>} : memref<64x16xf32, #tpu.memory_space<vmem>>, vector<1x16xf32>,
    %swap3A_25 = arith.constant 4 : i32
    %swap3A_26 = arith.index_cast %swap3A_25 : i32 to index
    %swap3A_27 = arith.constant 0 : index
    %swap3A_28 = tpu.vector_load %arg9[%swap3A_26, %swap3A_27] {strides = array<i32>} : memref<64x16xf32, #tpu.memory_space<vmem>>, vector<1x16xf32>,
    %swap3A_29 = vector.shape_cast %swap3A_28 : vector<1x16xf32> to vector<16xf32>
    %swap3A_30 = vector.shape_cast %broadcast_in_dim3A_1 : vector<16xf32> to vector<1x16xf32>
    tpu.vector_store %arg9[%swap3A_26, %swap3A_27], %swap3A_30 {strides = array<i32>} : memref<64x16xf32, #tpu.memory_space<vmem>>, vector<1x16xf32>,
    %swap3A_31 = arith.constant 5 : i32
    %swap3A_32 = arith.index_cast %swap3A_31 : i32 to index
    %swap3A_33 = arith.constant 0 : index
    %swap3A_34 = tpu.vector_load %arg9[%swap3A_32, %swap3A_33] {strides = array<i32>} : memref<64x16xf32, #tpu.memory_space<vmem>>, vector<1x16xf32>,
    %swap3A_35 = vector.shape_cast %swap3A_34 : vector<1x16xf32> to vector<16xf32>
    %swap3A_36 = vector.shape_cast %broadcast_in_dim3A_1 : vector<16xf32> to vector<1x16xf32>
    tpu.vector_store %arg9[%swap3A_32, %swap3A_33], %swap3A_36 {strides = array<i32>} : memref<64x16xf32, #tpu.memory_space<vmem>>, vector<1x16xf32>,
    %swap3A_37 = arith.constant 6 : i32
    %swap3A_38 = arith.index_cast %swap3A_37 : i32 to index
    %swap3A_39 = arith.constant 0 : index
    %swap3A_40 = tpu.vector_load %arg9[%swap3A_38, %swap3A_39] {strides = array<i32>} : memref<64x16xf32, #tpu.memory_space<vmem>>, vector<1x16xf32>,
    %swap3A_41 = vector.shape_cast %swap3A_40 : vector<1x16xf32> to vector<16xf32>
    %swap3A_42 = vector.shape_cast %broadcast_in_dim3A_1 : vector<16xf32> to vector<1x16xf32>
    tpu.vector_store %arg9[%swap3A_38, %swap3A_39], %swap3A_42 {strides = array<i32>} : memref<64x16xf32, #tpu.memory_space<vmem>>, vector<1x16xf32>,
    %swap3A_43 = arith.constant 7 : i32
    %swap3A_44 = arith.index_cast %swap3A_43 : i32 to index
    %swap3A_45 = arith.constant 0 : index
    %swap3A_46 = tpu.vector_load %arg9[%swap3A_44, %swap3A_45] {strides = array<i32>} : memref<64x16xf32, #tpu.memory_space<vmem>>, vector<1x16xf32>,
    %swap3A_47 = vector.shape_cast %swap3A_46 : vector<1x16xf32> to vector<16xf32>
    %swap3A_48 = vector.shape_cast %broadcast_in_dim3A_1 : vector<16xf32> to vector<1x16xf32>
    tpu.vector_store %arg9[%swap3A_44, %swap3A_45], %swap3A_48 {strides = array<i32>} : memref<64x16xf32, #tpu.memory_space<vmem>>, vector<1x16xf32>,
    %swap3A_49 = arith.constant 8 : i32
    %swap3A_50 = arith.index_cast %swap3A_49 : i32 to index
    %swap3A_51 = arith.constant 0 : index
    %swap3A_52 = tpu.vector_load %arg9[%swap3A_50, %swap3A_51] {strides = array<i32>} : memref<64x16xf32, #tpu.memory_space<vmem>>, vector<1x16xf32>,
    %swap3A_53 = vector.shape_cast %swap3A_52 : vector<1x16xf32> to vector<16xf32>
    %swap3A_54 = vector.shape_cast %broadcast_in_dim3A_1 : vector<16xf32> to vector<1x16xf32>
    tpu.vector_store %arg9[%swap3A_50, %swap3A_51], %swap3A_54 {strides = array<i32>} : memref<64x16xf32, #tpu.memory_space<vmem>>, vector<1x16xf32>,
    %swap3A_55 = arith.constant 9 : i32
    %swap3A_56 = arith.index_cast %swap3A_55 : i32 to index
    %swap3A_57 = arith.constant 0 : index
    %swap3A_58 = tpu.vector_load %arg9[%swap3A_56, %swap3A_57] {strides = array<i32>} : memref<64x16xf32, #tpu.memory_space<vmem>>, vector<1x16xf32>,
    %swap3A_59 = vector.shape_cast %swap3A_58 : vector<1x16xf32> to vector<16xf32>
    %swap3A_60 = vector.shape_cast %broadcast_in_dim3A_1 : vector<16xf32> to vector<1x16xf32>
    tpu.vector_store %arg9[%swap3A_56, %swap3A_57], %swap3A_60 {strides = array<i32>} : memref<64x16xf32, #tpu.memory_space<vmem>>, vector<1x16xf32>,
    %swap3A_61 = arith.constant 10 : i32
    %swap3A_62 = arith.index_cast %swap3A_61 : i32 to index
    %swap3A_63 = arith.constant 0 : index
    %swap3A_64 = tpu.vector_load %arg9[%swap3A_62, %swap3A_63] {strides = array<i32>} : memref<64x16xf32, #tpu.memory_space<vmem>>, vector<1x16xf32>,
    %swap3A_65 = vector.shape_cast %swap3A_64 : vector<1x16xf32> to vector<16xf32>
    %swap3A_66 = vector.shape_cast %broadcast_in_dim3A_1 : vector<16xf32> to vector<1x16xf32>
    tpu.vector_store %arg9[%swap3A_62, %swap3A_63], %swap3A_66 {strides = array<i32>} : memref<64x16xf32, #tpu.memory_space<vmem>>, vector<1x16xf32>,
    %swap3A_67 = arith.constant 11 : i32
    %swap3A_68 = arith.index_cast %swap3A_67 : i32 to index
    %swap3A_69 = arith.constant 0 : index
    %swap3A_70 = tpu.vector_load %arg9[%swap3A_68, %swap3A_69] {strides = array<i32>} : memref<64x16xf32, #tpu.memory_space<vmem>>, vector<1x16xf32>,
    %swap3A_71 = vector.shape_cast %swap3A_70 : vector<1x16xf32> to vector<16xf32>
    %swap3A_72 = vector.shape_cast %broadcast_in_dim3A_1 : vector<16xf32> to vector<1x16xf32>
    tpu.vector_store %arg9[%swap3A_68, %swap3A_69], %swap3A_72 {strides = array<i32>} : memref<64x16xf32, #tpu.memory_space<vmem>>, vector<1x16xf32>,
    %swap3A_73 = arith.constant 12 : i32
    %swap3A_74 = arith.index_cast %swap3A_73 : i32 to index
    %swap3A_75 = arith.constant 0 : index
    %swap3A_76 = tpu.vector_load %arg9[%swap3A_74, %swap3A_75] {strides = array<i32>} : memref<64x16xf32, #tpu.memory_space<vmem>>, vector<1x16xf32>,
    %swap3A_77 = vector.shape_cast %swap3A_76 : vector<1x16xf32> to vector<16xf32>
    %swap3A_78 = vector.shape_cast %broadcast_in_dim3A_1 : vector<16xf32> to vector<1x16xf32>
    tpu.vector_store %arg9[%swap3A_74, %swap3A_75], %swap3A_78 {strides = array<i32>} : memref<64x16xf32, #tpu.memory_space<vmem>>, vector<1x16xf32>,
    %swap3A_79 = arith.constant 13 : i32
    %swap3A_80 = arith.index_cast %swap3A_79 : i32 to index
    %swap3A_81 = arith.constant 0 : index
    %swap3A_82 = tpu.vector_load %arg9[%swap3A_80, %swap3A_81] {strides = array<i32>} : memref<64x16xf32, #tpu.memory_space<vmem>>, vector<1x16xf32>,
    %swap3A_83 = vector.shape_cast %swap3A_82 : vector<1x16xf32> to vector<16xf32>
    %swap3A_84 = vector.shape_cast %broadcast_in_dim3A_1 : vector<16xf32> to vector<1x16xf32>
    tpu.vector_store %arg9[%swap3A_80, %swap3A_81], %swap3A_84 {strides = array<i32>} : memref<64x16xf32, #tpu.memory_space<vmem>>, vector<1x16xf32>,
    %swap3A_85 = arith.constant 14 : i32
    %swap3A_86 = arith.index_cast %swap3A_85 : i32 to index
    %swap3A_87 = arith.constant 0 : index
    %swap3A_88 = tpu.vector_load %arg9[%swap3A_86, %swap3A_87] {strides = array<i32>} : memref<64x16xf32, #tpu.memory_space<vmem>>, vector<1x16xf32>,
    %swap3A_89 = vector.shape_cast %swap3A_88 : vector<1x16xf32> to vector<16xf32>
    %swap3A_90 = vector.shape_cast %broadcast_in_dim3A_1 : vector<16xf32> to vector<1x16xf32>
    tpu.vector_store %arg9[%swap3A_86, %swap3A_87], %swap3A_90 {strides = array<i32>} : memref<64x16xf32, #tpu.memory_space<vmem>>, vector<1x16xf32>,
    %swap3A_91 = arith.constant 15 : i32
    %swap3A_92 = arith.index_cast %swap3A_91 : i32 to index
    %swap3A_93 = arith.constant 0 : index
    %swap3A_94 = tpu.vector_load %arg9[%swap3A_92, %swap3A_93] {strides = array<i32>} : memref<64x16xf32, #tpu.memory_space<vmem>>, vector<1x16xf32>,
    %swap3A_95 = vector.shape_cast %swap3A_94 : vector<1x16xf32> to vector<16xf32>
    %swap3A_96 = vector.shape_cast %broadcast_in_dim3A_1 : vector<16xf32> to vector<1x16xf32>
    tpu.vector_store %arg9[%swap3A_92, %swap3A_93], %swap3A_96 {strides = array<i32>} : memref<64x16xf32, #tpu.memory_space<vmem>>, vector<1x16xf32>,
    %swap3A_97 = arith.constant 16 : i32
    %swap3A_98 = arith.index_cast %swap3A_97 : i32 to index
    %swap3A_99 = arith.constant 0 : index
    %swap3A_100 = tpu.vector_load %arg9[%swap3A_98, %swap3A_99] {strides = array<i32>} : memref<64x16xf32, #tpu.memory_space<vmem>>, vector<1x16xf32>,
    %swap3A_101 = vector.shape_cast %swap3A_100 : vector<1x16xf32> to vector<16xf32>
    %swap3A_102 = vector.shape_cast %broadcast_in_dim3A_1 : vector<16xf32> to vector<1x16xf32>
    tpu.vector_store %arg9[%swap3A_98, %swap3A_99], %swap3A_102 {strides = array<i32>} : memref<64x16xf32, #tpu.memory_space<vmem>>, vector<1x16xf32>,
    %swap3A_103 = arith.constant 17 : i32
    %swap3A_104 = arith.index_cast %swap3A_103 : i32 to index
    %swap3A_105 = arith.constant 0 : index
    %swap3A_106 = tpu.vector_load %arg9[%swap3A_104, %swap3A_105] {strides = array<i32>} : memref<64x16xf32, #tpu.memory_space<vmem>>, vector<1x16xf32>,
    %swap3A_107 = vector.shape_cast %swap3A_106 : vector<1x16xf32> to vector<16xf32>
    %swap3A_108 = vector.shape_cast %broadcast_in_dim3A_1 : vector<16xf32> to vector<1x16xf32>
    tpu.vector_store %arg9[%swap3A_104, %swap3A_105], %swap3A_108 {strides = array<i32>} : memref<64x16xf32, #tpu.memory_space<vmem>>, vector<1x16xf32>,
    %swap3A_109 = arith.constant 18 : i32
    %swap3A_110 = arith.index_cast %swap3A_109 : i32 to index
    %swap3A_111 = arith.constant 0 : index
    %swap3A_112 = tpu.vector_load %arg9[%swap3A_110, %swap3A_111] {strides = array<i32>} : memref<64x16xf32, #tpu.memory_space<vmem>>, vector<1x16xf32>,
    %swap3A_113 = vector.shape_cast %swap3A_112 : vector<1x16xf32> to vector<16xf32>
    %swap3A_114 = vector.shape_cast %broadcast_in_dim3A_1 : vector<16xf32> to vector<1x16xf32>
    tpu.vector_store %arg9[%swap3A_110, %swap3A_111], %swap3A_114 {strides = array<i32>} : memref<64x16xf32, #tpu.memory_space<vmem>>, vector<1x16xf32>,
    %swap3A_115 = arith.constant 19 : i32
    %swap3A_116 = arith.index_cast %swap3A_115 : i32 to index
    %swap3A_117 = arith.constant 0 : index
    %swap3A_118 = tpu.vector_load %arg9[%swap3A_116, %swap3A_117] {strides = array<i32>} : memref<64x16xf32, #tpu.memory_space<vmem>>, vector<1x16xf32>,
    %swap3A_119 = vector.shape_cast %swap3A_118 : vector<1x16xf32> to vector<16xf32>
    %swap3A_120 = vector.shape_cast %broadcast_in_dim3A_1 : vector<16xf32> to vector<1x16xf32>
    tpu.vector_store %arg9[%swap3A_116, %swap3A_117], %swap3A_120 {strides = array<i32>} : memref<64x16xf32, #tpu.memory_space<vmem>>, vector<1x16xf32>,
    %swap3A_121 = arith.constant 20 : i32
    %swap3A_122 = arith.index_cast %swap3A_121 : i32 to index
    %swap3A_123 = arith.constant 0 : index
    %swap3A_124 = tpu.vector_load %arg9[%swap3A_122, %swap3A_123] {strides = array<i32>} : memref<64x16xf32, #tpu.memory_space<vmem>>, vector<1x16xf32>,
    %swap3A_125 = vector.shape_cast %swap3A_124 : vector<1x16xf32> to vector<16xf32>
    %swap3A_126 = vector.shape_cast %broadcast_in_dim3A_1 : vector<16xf32> to vector<1x16xf32>
    tpu.vector_store %arg9[%swap3A_122, %swap3A_123], %swap3A_126 {strides = array<i32>} : memref<64x16xf32, #tpu.memory_space<vmem>>, vector<1x16xf32>,
    %swap3A_127 = arith.constant 21 : i32
    %swap3A_128 = arith.index_cast %swap3A_127 : i32 to index
    %swap3A_129 = arith.constant 0 : index
    %swap3A_130 = tpu.vector_load %arg9[%swap3A_128, %swap3A_129] {strides = array<i32>} : memref<64x16xf32, #tpu.memory_space<vmem>>, vector<1x16xf32>,
    %swap3A_131 = vector.shape_cast %swap3A_130 : vector<1x16xf32> to vector<16xf32>
    %swap3A_132 = vector.shape_cast %broadcast_in_dim3A_1 : vector<16xf32> to vector<1x16xf32>
    tpu.vector_store %arg9[%swap3A_128, %swap3A_129], %swap3A_132 {strides = array<i32>} : memref<64x16xf32, #tpu.memory_space<vmem>>, vector<1x16xf32>,
    %swap3A_133 = arith.constant 22 : i32
    %swap3A_134 = arith.index_cast %swap3A_133 : i32 to index
    %swap3A_135 = arith.constant 0 : index
    %swap3A_136 = tpu.vector_load %arg9[%swap3A_134, %swap3A_135] {strides = array<i32>} : memref<64x16xf32, #tpu.memory_space<vmem>>, vector<1x16xf32>,
    %swap3A_137 = vector.shape_cast %swap3A_136 : vector<1x16xf32> to vector<16xf32>
    %swap3A_138 = vector.shape_cast %broadcast_in_dim3A_1 : vector<16xf32> to vector<1x16xf32>
    tpu.vector_store %arg9[%swap3A_134, %swap3A_135], %swap3A_138 {strides = array<i32>} : memref<64x16xf32, #tpu.memory_space<vmem>>, vector<1x16xf32>,
    %swap3A_139 = arith.constant 23 : i32
    %swap3A_140 = arith.index_cast %swap3A_139 : i32 to index
    %swap3A_141 = arith.constant 0 : index
    %swap3A_142 = tpu.vector_load %arg9[%swap3A_140, %swap3A_141] {strides = array<i32>} : memref<64x16xf32, #tpu.memory_space<vmem>>, vector<1x16xf32>,
    %swap3A_143 = vector.shape_cast %swap3A_142 : vector<1x16xf32> to vector<16xf32>
    %swap3A_144 = vector.shape_cast %broadcast_in_dim3A_1 : vector<16xf32> to vector<1x16xf32>
    tpu.vector_store %arg9[%swap3A_140, %swap3A_141], %swap3A_144 {strides = array<i32>} : memref<64x16xf32, #tpu.memory_space<vmem>>, vector<1x16xf32>,
    %swap3A_145 = arith.constant 24 : i32
    %swap3A_146 = arith.index_cast %swap3A_145 : i32 to index
    %swap3A_147 = arith.constant 0 : index
    %swap3A_148 = tpu.vector_load %arg9[%swap3A_146, %swap3A_147] {strides = array<i32>} : memref<64x16xf32, #tpu.memory_space<vmem>>, vector<1x16xf32>,
    %swap3A_149 = vector.shape_cast %swap3A_148 : vector<1x16xf32> to vector<16xf32>
    %swap3A_150 = vector.shape_cast %broadcast_in_dim3A_1 : vector<16xf32> to vector<1x16xf32>
    tpu.vector_store %arg9[%swap3A_146, %swap3A_147], %swap3A_150 {strides = array<i32>} : memref<64x16xf32, #tpu.memory_space<vmem>>, vector<1x16xf32>,
    %swap3A_151 = arith.constant 25 : i32
    %swap3A_152 = arith.index_cast %swap3A_151 : i32 to index
    %swap3A_153 = arith.constant 0 : index
    %swap3A_154 = tpu.vector_load %arg9[%swap3A_152, %swap3A_153] {strides = array<i32>} : memref<64x16xf32, #tpu.memory_space<vmem>>, vector<1x16xf32>,
    %swap3A_155 = vector.shape_cast %swap3A_154 : vector<1x16xf32> to vector<16xf32>
    %swap3A_156 = vector.shape_cast %broadcast_in_dim3A_1 : vector<16xf32> to vector<1x16xf32>
    tpu.vector_store %arg9[%swap3A_152, %swap3A_153], %swap3A_156 {strides = array<i32>} : memref<64x16xf32, #tpu.memory_space<vmem>>, vector<1x16xf32>,
    %swap3A_157 = arith.constant 26 : i32
    %swap3A_158 = arith.index_cast %swap3A_157 : i32 to index
    %swap3A_159 = arith.constant 0 : index
    %swap3A_160 = tpu.vector_load %arg9[%swap3A_158, %swap3A_159] {strides = array<i32>} : memref<64x16xf32, #tpu.memory_space<vmem>>, vector<1x16xf32>,
    %swap3A_161 = vector.shape_cast %swap3A_160 : vector<1x16xf32> to vector<16xf32>
    %swap3A_162 = vector.shape_cast %broadcast_in_dim3A_1 : vector<16xf32> to vector<1x16xf32>
    tpu.vector_store %arg9[%swap3A_158, %swap3A_159], %swap3A_162 {strides = array<i32>} : memref<64x16xf32, #tpu.memory_space<vmem>>, vector<1x16xf32>,
    %swap3A_163 = arith.constant 27 : i32
    %swap3A_164 = arith.index_cast %swap3A_163 : i32 to index
    %swap3A_165 = arith.constant 0 : index
    %swap3A_166 = tpu.vector_load %arg9[%swap3A_164, %swap3A_165] {strides = array<i32>} : memref<64x16xf32, #tpu.memory_space<vmem>>, vector<1x16xf32>,
    %swap3A_167 = vector.shape_cast %swap3A_166 : vector<1x16xf32> to vector<16xf32>
    %swap3A_168 = vector.shape_cast %broadcast_in_dim3A_1 : vector<16xf32> to vector<1x16xf32>
    tpu.vector_store %arg9[%swap3A_164, %swap3A_165], %swap3A_168 {strides = array<i32>} : memref<64x16xf32, #tpu.memory_space<vmem>>, vector<1x16xf32>,
    %swap3A_169 = arith.constant 28 : i32
    %swap3A_170 = arith.index_cast %swap3A_169 : i32 to index
    %swap3A_171 = arith.constant 0 : index
    %swap3A_172 = tpu.vector_load %arg9[%swap3A_170, %swap3A_171] {strides = array<i32>} : memref<64x16xf32, #tpu.memory_space<vmem>>, vector<1x16xf32>,
    %swap3A_173 = vector.shape_cast %swap3A_172 : vector<1x16xf32> to vector<16xf32>
    %swap3A_174 = vector.shape_cast %broadcast_in_dim3A_1 : vector<16xf32> to vector<1x16xf32>
    tpu.vector_store %arg9[%swap3A_170, %swap3A_171], %swap3A_174 {strides = array<i32>} : memref<64x16xf32, #tpu.memory_space<vmem>>, vector<1x16xf32>,
    %swap3A_175 = arith.constant 29 : i32
    %swap3A_176 = arith.index_cast %swap3A_175 : i32 to index
    %swap3A_177 = arith.constant 0 : index
    %swap3A_178 = tpu.vector_load %arg9[%swap3A_176, %swap3A_177] {strides = array<i32>} : memref<64x16xf32, #tpu.memory_space<vmem>>, vector<1x16xf32>,
    %swap3A_179 = vector.shape_cast %swap3A_178 : vector<1x16xf32> to vector<16xf32>
    %swap3A_180 = vector.shape_cast %broadcast_in_dim3A_1 : vector<16xf32> to vector<1x16xf32>
    tpu.vector_store %arg9[%swap3A_176, %swap3A_177], %swap3A_180 {strides = array<i32>} : memref<64x16xf32, #tpu.memory_space<vmem>>, vector<1x16xf32>,
    %swap3A_181 = arith.constant 30 : i32
    %swap3A_182 = arith.index_cast %swap3A_181 : i32 to index
    %swap3A_183 = arith.constant 0 : index
    %swap3A_184 = tpu.vector_load %arg9[%swap3A_182, %swap3A_183] {strides = array<i32>} : memref<64x16xf32, #tpu.memory_space<vmem>>, vector<1x16xf32>,
    %swap3A_185 = vector.shape_cast %swap3A_184 : vector<1x16xf32> to vector<16xf32>
    %swap3A_186 = vector.shape_cast %broadcast_in_dim3A_1 : vector<16xf32> to vector<1x16xf32>
    tpu.vector_store %arg9[%swap3A_182, %swap3A_183], %swap3A_186 {strides = array<i32>} : memref<64x16xf32, #tpu.memory_space<vmem>>, vector<1x16xf32>,
    %swap3A_187 = arith.constant 31 : i32
    %swap3A_188 = arith.index_cast %swap3A_187 : i32 to index
    %swap3A_189 = arith.constant 0 : index
    %swap3A_190 = tpu.vector_load %arg9[%swap3A_188, %swap3A_189] {strides = array<i32>} : memref<64x16xf32, #tpu.memory_space<vmem>>, vector<1x16xf32>,
    %swap3A_191 = vector.shape_cast %swap3A_190 : vector<1x16xf32> to vector<16xf32>
    %swap3A_192 = vector.shape_cast %broadcast_in_dim3A_1 : vector<16xf32> to vector<1x16xf32>
    tpu.vector_store %arg9[%swap3A_188, %swap3A_189], %swap3A_192 {strides = array<i32>} : memref<64x16xf32, #tpu.memory_space<vmem>>, vector<1x16xf32>,
    %swap3A_193 = arith.constant 32 : i32
    %swap3A_194 = arith.index_cast %swap3A_193 : i32 to index
    %swap3A_195 = arith.constant 0 : index
    %swap3A_196 = tpu.vector_load %arg9[%swap3A_194, %swap3A_195] {strides = array<i32>} : memref<64x16xf32, #tpu.memory_space<vmem>>, vector<1x16xf32>,
    %swap3A_197 = vector.shape_cast %swap3A_196 : vector<1x16xf32> to vector<16xf32>
    %swap3A_198 = vector.shape_cast %broadcast_in_dim3A_1 : vector<16xf32> to vector<1x16xf32>
    tpu.vector_store %arg9[%swap3A_194, %swap3A_195], %swap3A_198 {strides = array<i32>} : memref<64x16xf32, #tpu.memory_space<vmem>>, vector<1x16xf32>,
    %swap3A_199 = arith.constant 33 : i32
    %swap3A_200 = arith.index_cast %swap3A_199 : i32 to index
    %swap3A_201 = arith.constant 0 : index
    %swap3A_202 = tpu.vector_load %arg9[%swap3A_200, %swap3A_201] {strides = array<i32>} : memref<64x16xf32, #tpu.memory_space<vmem>>, vector<1x16xf32>,
    %swap3A_203 = vector.shape_cast %swap3A_202 : vector<1x16xf32> to vector<16xf32>
    %swap3A_204 = vector.shape_cast %broadcast_in_dim3A_1 : vector<16xf32> to vector<1x16xf32>
    tpu.vector_store %arg9[%swap3A_200, %swap3A_201], %swap3A_204 {strides = array<i32>} : memref<64x16xf32, #tpu.memory_space<vmem>>, vector<1x16xf32>,
    %swap3A_205 = arith.constant 34 : i32
    %swap3A_206 = arith.index_cast %swap3A_205 : i32 to index
    %swap3A_207 = arith.constant 0 : index
    %swap3A_208 = tpu.vector_load %arg9[%swap3A_206, %swap3A_207] {strides = array<i32>} : memref<64x16xf32, #tpu.memory_space<vmem>>, vector<1x16xf32>,
    %swap3A_209 = vector.shape_cast %swap3A_208 : vector<1x16xf32> to vector<16xf32>
    %swap3A_210 = vector.shape_cast %broadcast_in_dim3A_1 : vector<16xf32> to vector<1x16xf32>
    tpu.vector_store %arg9[%swap3A_206, %swap3A_207], %swap3A_210 {strides = array<i32>} : memref<64x16xf32, #tpu.memory_space<vmem>>, vector<1x16xf32>,
    %swap3A_211 = arith.constant 35 : i32
    %swap3A_212 = arith.index_cast %swap3A_211 : i32 to index
    %swap3A_213 = arith.constant 0 : index
    %swap3A_214 = tpu.vector_load %arg9[%swap3A_212, %swap3A_213] {strides = array<i32>} : memref<64x16xf32, #tpu.memory_space<vmem>>, vector<1x16xf32>,
    %swap3A_215 = vector.shape_cast %swap3A_214 : vector<1x16xf32> to vector<16xf32>
    %swap3A_216 = vector.shape_cast %broadcast_in_dim3A_1 : vector<16xf32> to vector<1x16xf32>
    tpu.vector_store %arg9[%swap3A_212, %swap3A_213], %swap3A_216 {strides = array<i32>} : memref<64x16xf32, #tpu.memory_space<vmem>>, vector<1x16xf32>,
    %swap3A_217 = arith.constant 36 : i32
    %swap3A_218 = arith.index_cast %swap3A_217 : i32 to index
    %swap3A_219 = arith.constant 0 : index
    %swap3A_220 = tpu.vector_load %arg9[%swap3A_218, %swap3A_219] {strides = array<i32>} : memref<64x16xf32, #tpu.memory_space<vmem>>, vector<1x16xf32>,
    %swap3A_221 = vector.shape_cast %swap3A_220 : vector<1x16xf32> to vector<16xf32>
    %swap3A_222 = vector.shape_cast %broadcast_in_dim3A_1 : vector<16xf32> to vector<1x16xf32>
    tpu.vector_store %arg9[%swap3A_218, %swap3A_219], %swap3A_222 {strides = array<i32>} : memref<64x16xf32, #tpu.memory_space<vmem>>, vector<1x16xf32>,
    %swap3A_223 = arith.constant 37 : i32
    %swap3A_224 = arith.index_cast %swap3A_223 : i32 to index
    %swap3A_225 = arith.constant 0 : index
    %swap3A_226 = tpu.vector_load %arg9[%swap3A_224, %swap3A_225] {strides = array<i32>} : memref<64x16xf32, #tpu.memory_space<vmem>>, vector<1x16xf32>,
    %swap3A_227 = vector.shape_cast %swap3A_226 : vector<1x16xf32> to vector<16xf32>
    %swap3A_228 = vector.shape_cast %broadcast_in_dim3A_1 : vector<16xf32> to vector<1x16xf32>
    tpu.vector_store %arg9[%swap3A_224, %swap3A_225], %swap3A_228 {strides = array<i32>} : memref<64x16xf32, #tpu.memory_space<vmem>>, vector<1x16xf32>,
    %swap3A_229 = arith.constant 38 : i32
    %swap3A_230 = arith.index_cast %swap3A_229 : i32 to index
    %swap3A_231 = arith.constant 0 : index
    %swap3A_232 = tpu.vector_load %arg9[%swap3A_230, %swap3A_231] {strides = array<i32>} : memref<64x16xf32, #tpu.memory_space<vmem>>, vector<1x16xf32>,
    %swap3A_233 = vector.shape_cast %swap3A_232 : vector<1x16xf32> to vector<16xf32>
    %swap3A_234 = vector.shape_cast %broadcast_in_dim3A_1 : vector<16xf32> to vector<1x16xf32>
    tpu.vector_store %arg9[%swap3A_230, %swap3A_231], %swap3A_234 {strides = array<i32>} : memref<64x16xf32, #tpu.memory_space<vmem>>, vector<1x16xf32>,
    %swap3A_235 = arith.constant 39 : i32
    %swap3A_236 = arith.index_cast %swap3A_235 : i32 to index
    %swap3A_237 = arith.constant 0 : index
    %swap3A_238 = tpu.vector_load %arg9[%swap3A_236, %swap3A_237] {strides = array<i32>} : memref<64x16xf32, #tpu.memory_space<vmem>>, vector<1x16xf32>,
    %swap3A_239 = vector.shape_cast %swap3A_238 : vector<1x16xf32> to vector<16xf32>
    %swap3A_240 = vector.shape_cast %broadcast_in_dim3A_1 : vector<16xf32> to vector<1x16xf32>
    tpu.vector_store %arg9[%swap3A_236, %swap3A_237], %swap3A_240 {strides = array<i32>} : memref<64x16xf32, #tpu.memory_space<vmem>>, vector<1x16xf32>,
    %swap3A_241 = arith.constant 40 : i32
    %swap3A_242 = arith.index_cast %swap3A_241 : i32 to index
    %swap3A_243 = arith.constant 0 : index
    %swap3A_244 = tpu.vector_load %arg9[%swap3A_242, %swap3A_243] {strides = array<i32>} : memref<64x16xf32, #tpu.memory_space<vmem>>, vector<1x16xf32>,
    %swap3A_245 = vector.shape_cast %swap3A_244 : vector<1x16xf32> to vector<16xf32>
    %swap3A_246 = vector.shape_cast %broadcast_in_dim3A_1 : vector<16xf32> to vector<1x16xf32>
    tpu.vector_store %arg9[%swap3A_242, %swap3A_243], %swap3A_246 {strides = array<i32>} : memref<64x16xf32, #tpu.memory_space<vmem>>, vector<1x16xf32>,
    %swap3A_247 = arith.constant 41 : i32
    %swap3A_248 = arith.index_cast %swap3A_247 : i32 to index
    %swap3A_249 = arith.constant 0 : index
    %swap3A_250 = tpu.vector_load %arg9[%swap3A_248, %swap3A_249] {strides = array<i32>} : memref<64x16xf32, #tpu.memory_space<vmem>>, vector<1x16xf32>,
    %swap3A_251 = vector.shape_cast %swap3A_250 : vector<1x16xf32> to vector<16xf32>
    %swap3A_252 = vector.shape_cast %broadcast_in_dim3A_1 : vector<16xf32> to vector<1x16xf32>
    tpu.vector_store %arg9[%swap3A_248, %swap3A_249], %swap3A_252 {strides = array<i32>} : memref<64x16xf32, #tpu.memory_space<vmem>>, vector<1x16xf32>,
    %swap3A_253 = arith.constant 42 : i32
    %swap3A_254 = arith.index_cast %swap3A_253 : i32 to index
    %swap3A_255 = arith.constant 0 : index
    %swap3A_256 = tpu.vector_load %arg9[%swap3A_254, %swap3A_255] {strides = array<i32>} : memref<64x16xf32, #tpu.memory_space<vmem>>, vector<1x16xf32>,
    %swap3A_257 = vector.shape_cast %swap3A_256 : vector<1x16xf32> to vector<16xf32>
    %swap3A_258 = vector.shape_cast %broadcast_in_dim3A_1 : vector<16xf32> to vector<1x16xf32>
    tpu.vector_store %arg9[%swap3A_254, %swap3A_255], %swap3A_258 {strides = array<i32>} : memref<64x16xf32, #tpu.memory_space<vmem>>, vector<1x16xf32>,
    %swap3A_259 = arith.constant 43 : i32
    %swap3A_260 = arith.index_cast %swap3A_259 : i32 to index
    %swap3A_261 = arith.constant 0 : index
    %swap3A_262 = tpu.vector_load %arg9[%swap3A_260, %swap3A_261] {strides = array<i32>} : memref<64x16xf32, #tpu.memory_space<vmem>>, vector<1x16xf32>,
    %swap3A_263 = vector.shape_cast %swap3A_262 : vector<1x16xf32> to vector<16xf32>
    %swap3A_264 = vector.shape_cast %broadcast_in_dim3A_1 : vector<16xf32> to vector<1x16xf32>
    tpu.vector_store %arg9[%swap3A_260, %swap3A_261], %swap3A_264 {strides = array<i32>} : memref<64x16xf32, #tpu.memory_space<vmem>>, vector<1x16xf32>,
    %swap3A_265 = arith.constant 44 : i32
    %swap3A_266 = arith.index_cast %swap3A_265 : i32 to index
    %swap3A_267 = arith.constant 0 : index
    %swap3A_268 = tpu.vector_load %arg9[%swap3A_266, %swap3A_267] {strides = array<i32>} : memref<64x16xf32, #tpu.memory_space<vmem>>, vector<1x16xf32>,
    %swap3A_269 = vector.shape_cast %swap3A_268 : vector<1x16xf32> to vector<16xf32>
    %swap3A_270 = vector.shape_cast %broadcast_in_dim3A_1 : vector<16xf32> to vector<1x16xf32>
    tpu.vector_store %arg9[%swap3A_266, %swap3A_267], %swap3A_270 {strides = array<i32>} : memref<64x16xf32, #tpu.memory_space<vmem>>, vector<1x16xf32>,
    %swap3A_271 = arith.constant 45 : i32
    %swap3A_272 = arith.index_cast %swap3A_271 : i32 to index
    %swap3A_273 = arith.constant 0 : index
    %swap3A_274 = tpu.vector_load %arg9[%swap3A_272, %swap3A_273] {strides = array<i32>} : memref<64x16xf32, #tpu.memory_space<vmem>>, vector<1x16xf32>,
    %swap3A_275 = vector.shape_cast %swap3A_274 : vector<1x16xf32> to vector<16xf32>
    %swap3A_276 = vector.shape_cast %broadcast_in_dim3A_1 : vector<16xf32> to vector<1x16xf32>
    tpu.vector_store %arg9[%swap3A_272, %swap3A_273], %swap3A_276 {strides = array<i32>} : memref<64x16xf32, #tpu.memory_space<vmem>>, vector<1x16xf32>,
    %swap3A_277 = arith.constant 46 : i32
    %swap3A_278 = arith.index_cast %swap3A_277 : i32 to index
    %swap3A_279 = arith.constant 0 : index
    %swap3A_280 = tpu.vector_load %arg9[%swap3A_278, %swap3A_279] {strides = array<i32>} : memref<64x16xf32, #tpu.memory_space<vmem>>, vector<1x16xf32>,
    %swap3A_281 = vector.shape_cast %swap3A_280 : vector<1x16xf32> to vector<16xf32>
    %swap3A_282 = vector.shape_cast %broadcast_in_dim3A_1 : vector<16xf32> to vector<1x16xf32>
    tpu.vector_store %arg9[%swap3A_278, %swap3A_279], %swap3A_282 {strides = array<i32>} : memref<64x16xf32, #tpu.memory_space<vmem>>, vector<1x16xf32>,
    %swap3A_283 = arith.constant 47 : i32
    %swap3A_284 = arith.index_cast %swap3A_283 : i32 to index
    %swap3A_285 = arith.constant 0 : index
    %swap3A_286 = tpu.vector_load %arg9[%swap3A_284, %swap3A_285] {strides = array<i32>} : memref<64x16xf32, #tpu.memory_space<vmem>>, vector<1x16xf32>,
    %swap3A_287 = vector.shape_cast %swap3A_286 : vector<1x16xf32> to vector<16xf32>
    %swap3A_288 = vector.shape_cast %broadcast_in_dim3A_1 : vector<16xf32> to vector<1x16xf32>
    tpu.vector_store %arg9[%swap3A_284, %swap3A_285], %swap3A_288 {strides = array<i32>} : memref<64x16xf32, #tpu.memory_space<vmem>>, vector<1x16xf32>,
    %swap3A_289 = arith.constant 48 : i32
    %swap3A_290 = arith.index_cast %swap3A_289 : i32 to index
    %swap3A_291 = arith.constant 0 : index
    %swap3A_292 = tpu.vector_load %arg9[%swap3A_290, %swap3A_291] {strides = array<i32>} : memref<64x16xf32, #tpu.memory_space<vmem>>, vector<1x16xf32>,
    %swap3A_293 = vector.shape_cast %swap3A_292 : vector<1x16xf32> to vector<16xf32>
    %swap3A_294 = vector.shape_cast %broadcast_in_dim3A_1 : vector<16xf32> to vector<1x16xf32>
    tpu.vector_store %arg9[%swap3A_290, %swap3A_291], %swap3A_294 {strides = array<i32>} : memref<64x16xf32, #tpu.memory_space<vmem>>, vector<1x16xf32>,
    %swap3A_295 = arith.constant 49 : i32
    %swap3A_296 = arith.index_cast %swap3A_295 : i32 to index
    %swap3A_297 = arith.constant 0 : index
    %swap3A_298 = tpu.vector_load %arg9[%swap3A_296, %swap3A_297] {strides = array<i32>} : memref<64x16xf32, #tpu.memory_space<vmem>>, vector<1x16xf32>,
    %swap3A_299 = vector.shape_cast %swap3A_298 : vector<1x16xf32> to vector<16xf32>
    %swap3A_300 = vector.shape_cast %broadcast_in_dim3A_1 : vector<16xf32> to vector<1x16xf32>
    tpu.vector_store %arg9[%swap3A_296, %swap3A_297], %swap3A_300 {strides = array<i32>} : memref<64x16xf32, #tpu.memory_space<vmem>>, vector<1x16xf32>,
    %swap3A_301 = arith.constant 50 : i32
    %swap3A_302 = arith.index_cast %swap3A_301 : i32 to index
    %swap3A_303 = arith.constant 0 : index
    %swap3A_304 = tpu.vector_load %arg9[%swap3A_302, %swap3A_303] {strides = array<i32>} : memref<64x16xf32, #tpu.memory_space<vmem>>, vector<1x16xf32>,
    %swap3A_305 = vector.shape_cast %swap3A_304 : vector<1x16xf32> to vector<16xf32>
    %swap3A_306 = vector.shape_cast %broadcast_in_dim3A_1 : vector<16xf32> to vector<1x16xf32>
    tpu.vector_store %arg9[%swap3A_302, %swap3A_303], %swap3A_306 {strides = array<i32>} : memref<64x16xf32, #tpu.memory_space<vmem>>, vector<1x16xf32>,
    %swap3A_307 = arith.constant 51 : i32
    %swap3A_308 = arith.index_cast %swap3A_307 : i32 to index
    %swap3A_309 = arith.constant 0 : index
    %swap3A_310 = tpu.vector_load %arg9[%swap3A_308, %swap3A_309] {strides = array<i32>} : memref<64x16xf32, #tpu.memory_space<vmem>>, vector<1x16xf32>,
    %swap3A_311 = vector.shape_cast %swap3A_310 : vector<1x16xf32> to vector<16xf32>
    %swap3A_312 = vector.shape_cast %broadcast_in_dim3A_1 : vector<16xf32> to vector<1x16xf32>
    tpu.vector_store %arg9[%swap3A_308, %swap3A_309], %swap3A_312 {strides = array<i32>} : memref<64x16xf32, #tpu.memory_space<vmem>>, vector<1x16xf32>,
    %swap3A_313 = arith.constant 52 : i32
    %swap3A_314 = arith.index_cast %swap3A_313 : i32 to index
    %swap3A_315 = arith.constant 0 : index
    %swap3A_316 = tpu.vector_load %arg9[%swap3A_314, %swap3A_315] {strides = array<i32>} : memref<64x16xf32, #tpu.memory_space<vmem>>, vector<1x16xf32>,
    %swap3A_317 = vector.shape_cast %swap3A_316 : vector<1x16xf32> to vector<16xf32>
    %swap3A_318 = vector.shape_cast %broadcast_in_dim3A_1 : vector<16xf32> to vector<1x16xf32>
    tpu.vector_store %arg9[%swap3A_314, %swap3A_315], %swap3A_318 {strides = array<i32>} : memref<64x16xf32, #tpu.memory_space<vmem>>, vector<1x16xf32>,
    %swap3A_319 = arith.constant 53 : i32
    %swap3A_320 = arith.index_cast %swap3A_319 : i32 to index
    %swap3A_321 = arith.constant 0 : index
    %swap3A_322 = tpu.vector_load %arg9[%swap3A_320, %swap3A_321] {strides = array<i32>} : memref<64x16xf32, #tpu.memory_space<vmem>>, vector<1x16xf32>,
    %swap3A_323 = vector.shape_cast %swap3A_322 : vector<1x16xf32> to vector<16xf32>
    %swap3A_324 = vector.shape_cast %broadcast_in_dim3A_1 : vector<16xf32> to vector<1x16xf32>
    tpu.vector_store %arg9[%swap3A_320, %swap3A_321], %swap3A_324 {strides = array<i32>} : memref<64x16xf32, #tpu.memory_space<vmem>>, vector<1x16xf32>,
    %swap3A_325 = arith.constant 54 : i32
    %swap3A_326 = arith.index_cast %swap3A_325 : i32 to index
    %swap3A_327 = arith.constant 0 : index
    %swap3A_328 = tpu.vector_load %arg9[%swap3A_326, %swap3A_327] {strides = array<i32>} : memref<64x16xf32, #tpu.memory_space<vmem>>, vector<1x16xf32>,
    %swap3A_329 = vector.shape_cast %swap3A_328 : vector<1x16xf32> to vector<16xf32>
    %swap3A_330 = vector.shape_cast %broadcast_in_dim3A_1 : vector<16xf32> to vector<1x16xf32>
    tpu.vector_store %arg9[%swap3A_326, %swap3A_327], %swap3A_330 {strides = array<i32>} : memref<64x16xf32, #tpu.memory_space<vmem>>, vector<1x16xf32>,
    %swap3A_331 = arith.constant 55 : i32
    %swap3A_332 = arith.index_cast %swap3A_331 : i32 to index
    %swap3A_333 = arith.constant 0 : index
    %swap3A_334 = tpu.vector_load %arg9[%swap3A_332, %swap3A_333] {strides = array<i32>} : memref<64x16xf32, #tpu.memory_space<vmem>>, vector<1x16xf32>,
    %swap3A_335 = vector.shape_cast %swap3A_334 : vector<1x16xf32> to vector<16xf32>
    %swap3A_336 = vector.shape_cast %broadcast_in_dim3A_1 : vector<16xf32> to vector<1x16xf32>
    tpu.vector_store %arg9[%swap3A_332, %swap3A_333], %swap3A_336 {strides = array<i32>} : memref<64x16xf32, #tpu.memory_space<vmem>>, vector<1x16xf32>,
    %swap3A_337 = arith.constant 56 : i32
    %swap3A_338 = arith.index_cast %swap3A_337 : i32 to index
    %swap3A_339 = arith.constant 0 : index
    %swap3A_340 = tpu.vector_load %arg9[%swap3A_338, %swap3A_339] {strides = array<i32>} : memref<64x16xf32, #tpu.memory_space<vmem>>, vector<1x16xf32>,
    %swap3A_341 = vector.shape_cast %swap3A_340 : vector<1x16xf32> to vector<16xf32>
    %swap3A_342 = vector.shape_cast %broadcast_in_dim3A_1 : vector<16xf32> to vector<1x16xf32>
    tpu.vector_store %arg9[%swap3A_338, %swap3A_339], %swap3A_342 {strides = array<i32>} : memref<64x16xf32, #tpu.memory_space<vmem>>, vector<1x16xf32>,
    %swap3A_343 = arith.constant 57 : i32
    %swap3A_344 = arith.index_cast %swap3A_343 : i32 to index
    %swap3A_345 = arith.constant 0 : index
    %swap3A_346 = tpu.vector_load %arg9[%swap3A_344, %swap3A_345] {strides = array<i32>} : memref<64x16xf32, #tpu.memory_space<vmem>>, vector<1x16xf32>,
    %swap3A_347 = vector.shape_cast %swap3A_346 : vector<1x16xf32> to vector<16xf32>
    %swap3A_348 = vector.shape_cast %broadcast_in_dim3A_1 : vector<16xf32> to vector<1x16xf32>
    tpu.vector_store %arg9[%swap3A_344, %swap3A_345], %swap3A_348 {strides = array<i32>} : memref<64x16xf32, #tpu.memory_space<vmem>>, vector<1x16xf32>,
    %swap3A_349 = arith.constant 58 : i32
    %swap3A_350 = arith.index_cast %swap3A_349 : i32 to index
    %swap3A_351 = arith.constant 0 : index
    %swap3A_352 = tpu.vector_load %arg9[%swap3A_350, %swap3A_351] {strides = array<i32>} : memref<64x16xf32, #tpu.memory_space<vmem>>, vector<1x16xf32>,
    %swap3A_353 = vector.shape_cast %swap3A_352 : vector<1x16xf32> to vector<16xf32>
    %swap3A_354 = vector.shape_cast %broadcast_in_dim3A_1 : vector<16xf32> to vector<1x16xf32>
    tpu.vector_store %arg9[%swap3A_350, %swap3A_351], %swap3A_354 {strides = array<i32>} : memref<64x16xf32, #tpu.memory_space<vmem>>, vector<1x16xf32>,
    %swap3A_355 = arith.constant 59 : i32
    %swap3A_356 = arith.index_cast %swap3A_355 : i32 to index
    %swap3A_357 = arith.constant 0 : index
    %swap3A_358 = tpu.vector_load %arg9[%swap3A_356, %swap3A_357] {strides = array<i32>} : memref<64x16xf32, #tpu.memory_space<vmem>>, vector<1x16xf32>,
    %swap3A_359 = vector.shape_cast %swap3A_358 : vector<1x16xf32> to vector<16xf32>
    %swap3A_360 = vector.shape_cast %broadcast_in_dim3A_1 : vector<16xf32> to vector<1x16xf32>
    tpu.vector_store %arg9[%swap3A_356, %swap3A_357], %swap3A_360 {strides = array<i32>} : memref<64x16xf32, #tpu.memory_space<vmem>>, vector<1x16xf32>,
    %swap3A_361 = arith.constant 60 : i32
    %swap3A_362 = arith.index_cast %swap3A_361 : i32 to index
    %swap3A_363 = arith.constant 0 : index
    %swap3A_364 = tpu.vector_load %arg9[%swap3A_362, %swap3A_363] {strides = array<i32>} : memref<64x16xf32, #tpu.memory_space<vmem>>, vector<1x16xf32>,
    %swap3A_365 = vector.shape_cast %swap3A_364 : vector<1x16xf32> to vector<16xf32>
    %swap3A_366 = vector.shape_cast %broadcast_in_dim3A_1 : vector<16xf32> to vector<1x16xf32>
    tpu.vector_store %arg9[%swap3A_362, %swap3A_363], %swap3A_366 {strides = array<i32>} : memref<64x16xf32, #tpu.memory_space<vmem>>, vector<1x16xf32>,
    %swap3A_367 = arith.constant 61 : i32
    %swap3A_368 = arith.index_cast %swap3A_367 : i32 to index
    %swap3A_369 = arith.constant 0 : index
    %swap3A_370 = tpu.vector_load %arg9[%swap3A_368, %swap3A_369] {strides = array<i32>} : memref<64x16xf32, #tpu.memory_space<vmem>>, vector<1x16xf32>,
    %swap3A_371 = vector.shape_cast %swap3A_370 : vector<1x16xf32> to vector<16xf32>
    %swap3A_372 = vector.shape_cast %broadcast_in_dim3A_1 : vector<16xf32> to vector<1x16xf32>
    tpu.vector_store %arg9[%swap3A_368, %swap3A_369], %swap3A_372 {strides = array<i32>} : memref<64x16xf32, #tpu.memory_space<vmem>>, vector<1x16xf32>,
    %swap3A_373 = arith.constant 62 : i32
    %swap3A_374 = arith.index_cast %swap3A_373 : i32 to index
    %swap3A_375 = arith.constant 0 : index
    %swap3A_376 = tpu.vector_load %arg9[%swap3A_374, %swap3A_375] {strides = array<i32>} : memref<64x16xf32, #tpu.memory_space<vmem>>, vector<1x16xf32>,
    %swap3A_377 = vector.shape_cast %swap3A_376 : vector<1x16xf32> to vector<16xf32>
    %swap3A_378 = vector.shape_cast %broadcast_in_dim3A_1 : vector<16xf32> to vector<1x16xf32>
    tpu.vector_store %arg9[%swap3A_374, %swap3A_375], %swap3A_378 {strides = array<i32>} : memref<64x16xf32, #tpu.memory_space<vmem>>, vector<1x16xf32>,
    %swap3A_379 = arith.constant 63 : i32
    %swap3A_380 = arith.index_cast %swap3A_379 : i32 to index
    %swap3A_381 = arith.constant 0 : index
    %swap3A_382 = tpu.vector_load %arg9[%swap3A_380, %swap3A_381] {strides = array<i32>} : memref<64x16xf32, #tpu.memory_space<vmem>>, vector<1x16xf32>,
    %swap3A_383 = vector.shape_cast %swap3A_382 : vector<1x16xf32> to vector<16xf32>
    %swap3A_384 = vector.shape_cast %broadcast_in_dim3A_1 : vector<16xf32> to vector<1x16xf32>
    tpu.vector_store %arg9[%swap3A_380, %swap3A_381], %swap3A_384 {strides = array<i32>} : memref<64x16xf32, #tpu.memory_space<vmem>>, vector<1x16xf32>,
    %mul3A_385 = arith.constant 640 : i32
    %mul3A_386 = arith.muli %arg1, %mul3A_385 : i32
    %add3A_387 = arith.constant 0 : i32
    %add3A_388 = arith.addi %mul3A_386, %add3A_387 : i32
    "tpu.region"() ({
      %run_scoped3A = tpu.sem_alloc : memref<!tpu.dma_semaphore, #tpu.memory_space<semaphore_mem>>
      %dma_start3A = arith.constant 0 : i32
      %dma_start3A_442 = tpu.memref_slice %arg12[%add3A_388, %dma_start3A] : memref<10240x16xf32, #tpu.memory_space<vmem_shared>> -> memref<64x16xf32, #tpu.memory_space<vmem_shared>>
      %dma_start3A_443 = arith.constant 0 : i32
      %dma_start3A_444 = tpu.memref_slice %arg12[%add3A_388, %dma_start3A_443] : memref<10240x16xf32, #tpu.memory_space<vmem_shared>> -> memref<64x16xf32, #tpu.memory_space<vmem_shared>>
      tpu.enqueue_dma source(%arg9 : memref<64x16xf32, #tpu.memory_space<vmem>>) target(%dma_start3A_444 : memref<64x16xf32, #tpu.memory_space<vmem_shared>>) target_semaphore(%run_scoped3A : memref<!tpu.dma_semaphore, #tpu.memory_space<semaphore_mem>>)
      %dma_wait3A = arith.constant 0 : i32
      %dma_wait3A_445 = tpu.memref_slice %arg12[%add3A_388, %dma_wait3A] : memref<10240x16xf32, #tpu.memory_space<vmem_shared>> -> memref<64x16xf32, #tpu.memory_space<vmem_shared>>
      %dma_wait3A_446 = arith.constant 0 : i32
      %dma_wait3A_447 = tpu.memref_slice %arg12[%add3A_388, %dma_wait3A_446] : memref<10240x16xf32, #tpu.memory_space<vmem_shared>> -> memref<64x16xf32, #tpu.memory_space<vmem_shared>>
      tpu.wait_dma2 semaphore(%run_scoped3A : memref<!tpu.dma_semaphore, #tpu.memory_space<semaphore_mem>>) src(%arg9 : memref<64x16xf32, #tpu.memory_space<vmem>>) dst(%dma_wait3A_447 : memref<64x16xf32, #tpu.memory_space<vmem_shared>>)
      tpu.yield
    }) : () -> ()
    %mul3A_389 = arith.constant 640 : i32
    %mul3A_390 = arith.muli %arg1, %mul3A_389 : i32
    %add3A_391 = arith.constant 64 : i32
    %add3A_392 = arith.addi %mul3A_390, %add3A_391 : i32
    "tpu.region"() ({
      %run_scoped3A = tpu.sem_alloc : memref<!tpu.dma_semaphore, #tpu.memory_space<semaphore_mem>>
      %dma_start3A = arith.constant 0 : i32
      %dma_start3A_442 = tpu.memref_slice %arg12[%add3A_392, %dma_start3A] : memref<10240x16xf32, #tpu.memory_space<vmem_shared>> -> memref<64x16xf32, #tpu.memory_space<vmem_shared>>
      %dma_start3A_443 = arith.constant 0 : i32
      %dma_start3A_444 = tpu.memref_slice %arg12[%add3A_392, %dma_start3A_443] : memref<10240x16xf32, #tpu.memory_space<vmem_shared>> -> memref<64x16xf32, #tpu.memory_space<vmem_shared>>
      tpu.enqueue_dma source(%arg9 : memref<64x16xf32, #tpu.memory_space<vmem>>) target(%dma_start3A_444 : memref<64x16xf32, #tpu.memory_space<vmem_shared>>) target_semaphore(%run_scoped3A : memref<!tpu.dma_semaphore, #tpu.memory_space<semaphore_mem>>)
      %dma_wait3A = arith.constant 0 : i32
      %dma_wait3A_445 = tpu.memref_slice %arg12[%add3A_392, %dma_wait3A] : memref<10240x16xf32, #tpu.memory_space<vmem_shared>> -> memref<64x16xf32, #tpu.memory_space<vmem_shared>>
      %dma_wait3A_446 = arith.constant 0 : i32
      %dma_wait3A_447 = tpu.memref_slice %arg12[%add3A_392, %dma_wait3A_446] : memref<10240x16xf32, #tpu.memory_space<vmem_shared>> -> memref<64x16xf32, #tpu.memory_space<vmem_shared>>
      tpu.wait_dma2 semaphore(%run_scoped3A : memref<!tpu.dma_semaphore, #tpu.memory_space<semaphore_mem>>) src(%arg9 : memref<64x16xf32, #tpu.memory_space<vmem>>) dst(%dma_wait3A_447 : memref<64x16xf32, #tpu.memory_space<vmem_shared>>)
      tpu.yield
    }) : () -> ()
    %mul3A_393 = arith.constant 640 : i32
    %mul3A_394 = arith.muli %arg1, %mul3A_393 : i32
    %add3A_395 = arith.constant 128 : i32
    %add3A_396 = arith.addi %mul3A_394, %add3A_395 : i32
    "tpu.region"() ({
      %run_scoped3A = tpu.sem_alloc : memref<!tpu.dma_semaphore, #tpu.memory_space<semaphore_mem>>
      %dma_start3A = arith.constant 0 : i32
      %dma_start3A_442 = tpu.memref_slice %arg12[%add3A_396, %dma_start3A] : memref<10240x16xf32, #tpu.memory_space<vmem_shared>> -> memref<64x16xf32, #tpu.memory_space<vmem_shared>>
      %dma_start3A_443 = arith.constant 0 : i32
      %dma_start3A_444 = tpu.memref_slice %arg12[%add3A_396, %dma_start3A_443] : memref<10240x16xf32, #tpu.memory_space<vmem_shared>> -> memref<64x16xf32, #tpu.memory_space<vmem_shared>>
      tpu.enqueue_dma source(%arg9 : memref<64x16xf32, #tpu.memory_space<vmem>>) target(%dma_start3A_444 : memref<64x16xf32, #tpu.memory_space<vmem_shared>>) target_semaphore(%run_scoped3A : memref<!tpu.dma_semaphore, #tpu.memory_space<semaphore_mem>>)
      %dma_wait3A = arith.constant 0 : i32
      %dma_wait3A_445 = tpu.memref_slice %arg12[%add3A_396, %dma_wait3A] : memref<10240x16xf32, #tpu.memory_space<vmem_shared>> -> memref<64x16xf32, #tpu.memory_space<vmem_shared>>
      %dma_wait3A_446 = arith.constant 0 : i32
      %dma_wait3A_447 = tpu.memref_slice %arg12[%add3A_396, %dma_wait3A_446] : memref<10240x16xf32, #tpu.memory_space<vmem_shared>> -> memref<64x16xf32, #tpu.memory_space<vmem_shared>>
      tpu.wait_dma2 semaphore(%run_scoped3A : memref<!tpu.dma_semaphore, #tpu.memory_space<semaphore_mem>>) src(%arg9 : memref<64x16xf32, #tpu.memory_space<vmem>>) dst(%dma_wait3A_447 : memref<64x16xf32, #tpu.memory_space<vmem_shared>>)
      tpu.yield
    }) : () -> ()
    %mul3A_397 = arith.constant 640 : i32
    %mul3A_398 = arith.muli %arg1, %mul3A_397 : i32
    %add3A_399 = arith.constant 192 : i32
    %add3A_400 = arith.addi %mul3A_398, %add3A_399 : i32
    "tpu.region"() ({
      %run_scoped3A = tpu.sem_alloc : memref<!tpu.dma_semaphore, #tpu.memory_space<semaphore_mem>>
      %dma_start3A = arith.constant 0 : i32
      %dma_start3A_442 = tpu.memref_slice %arg12[%add3A_400, %dma_start3A] : memref<10240x16xf32, #tpu.memory_space<vmem_shared>> -> memref<64x16xf32, #tpu.memory_space<vmem_shared>>
      %dma_start3A_443 = arith.constant 0 : i32
      %dma_start3A_444 = tpu.memref_slice %arg12[%add3A_400, %dma_start3A_443] : memref<10240x16xf32, #tpu.memory_space<vmem_shared>> -> memref<64x16xf32, #tpu.memory_space<vmem_shared>>
      tpu.enqueue_dma source(%arg9 : memref<64x16xf32, #tpu.memory_space<vmem>>) target(%dma_start3A_444 : memref<64x16xf32, #tpu.memory_space<vmem_shared>>) target_semaphore(%run_scoped3A : memref<!tpu.dma_semaphore, #tpu.memory_space<semaphore_mem>>)
      %dma_wait3A = arith.constant 0 : i32
      %dma_wait3A_445 = tpu.memref_slice %arg12[%add3A_400, %dma_wait3A] : memref<10240x16xf32, #tpu.memory_space<vmem_shared>> -> memref<64x16xf32, #tpu.memory_space<vmem_shared>>
      %dma_wait3A_446 = arith.constant 0 : i32
      %dma_wait3A_447 = tpu.memref_slice %arg12[%add3A_400, %dma_wait3A_446] : memref<10240x16xf32, #tpu.memory_space<vmem_shared>> -> memref<64x16xf32, #tpu.memory_space<vmem_shared>>
      tpu.wait_dma2 semaphore(%run_scoped3A : memref<!tpu.dma_semaphore, #tpu.memory_space<semaphore_mem>>) src(%arg9 : memref<64x16xf32, #tpu.memory_space<vmem>>) dst(%dma_wait3A_447 : memref<64x16xf32, #tpu.memory_space<vmem_shared>>)
      tpu.yield
    }) : () -> ()
    %mul3A_401 = arith.constant 640 : i32
    %mul3A_402 = arith.muli %arg1, %mul3A_401 : i32
    %add3A_403 = arith.constant 256 : i32
    %add3A_404 = arith.addi %mul3A_402, %add3A_403 : i32
    "tpu.region"() ({
      %run_scoped3A = tpu.sem_alloc : memref<!tpu.dma_semaphore, #tpu.memory_space<semaphore_mem>>
      %dma_start3A = arith.constant 0 : i32
      %dma_start3A_442 = tpu.memref_slice %arg12[%add3A_404, %dma_start3A] : memref<10240x16xf32, #tpu.memory_space<vmem_shared>> -> memref<64x16xf32, #tpu.memory_space<vmem_shared>>
      %dma_start3A_443 = arith.constant 0 : i32
      %dma_start3A_444 = tpu.memref_slice %arg12[%add3A_404, %dma_start3A_443] : memref<10240x16xf32, #tpu.memory_space<vmem_shared>> -> memref<64x16xf32, #tpu.memory_space<vmem_shared>>
      tpu.enqueue_dma source(%arg9 : memref<64x16xf32, #tpu.memory_space<vmem>>) target(%dma_start3A_444 : memref<64x16xf32, #tpu.memory_space<vmem_shared>>) target_semaphore(%run_scoped3A : memref<!tpu.dma_semaphore, #tpu.memory_space<semaphore_mem>>)
      %dma_wait3A = arith.constant 0 : i32
      %dma_wait3A_445 = tpu.memref_slice %arg12[%add3A_404, %dma_wait3A] : memref<10240x16xf32, #tpu.memory_space<vmem_shared>> -> memref<64x16xf32, #tpu.memory_space<vmem_shared>>
      %dma_wait3A_446 = arith.constant 0 : i32
      %dma_wait3A_447 = tpu.memref_slice %arg12[%add3A_404, %dma_wait3A_446] : memref<10240x16xf32, #tpu.memory_space<vmem_shared>> -> memref<64x16xf32, #tpu.memory_space<vmem_shared>>
      tpu.wait_dma2 semaphore(%run_scoped3A : memref<!tpu.dma_semaphore, #tpu.memory_space<semaphore_mem>>) src(%arg9 : memref<64x16xf32, #tpu.memory_space<vmem>>) dst(%dma_wait3A_447 : memref<64x16xf32, #tpu.memory_space<vmem_shared>>)
      tpu.yield
    }) : () -> ()
    %mul3A_405 = arith.constant 640 : i32
    %mul3A_406 = arith.muli %arg1, %mul3A_405 : i32
    %add3A_407 = arith.constant 320 : i32
    %add3A_408 = arith.addi %mul3A_406, %add3A_407 : i32
    "tpu.region"() ({
      %run_scoped3A = tpu.sem_alloc : memref<!tpu.dma_semaphore, #tpu.memory_space<semaphore_mem>>
      %dma_start3A = arith.constant 0 : i32
      %dma_start3A_442 = tpu.memref_slice %arg12[%add3A_408, %dma_start3A] : memref<10240x16xf32, #tpu.memory_space<vmem_shared>> -> memref<64x16xf32, #tpu.memory_space<vmem_shared>>
      %dma_start3A_443 = arith.constant 0 : i32
      %dma_start3A_444 = tpu.memref_slice %arg12[%add3A_408, %dma_start3A_443] : memref<10240x16xf32, #tpu.memory_space<vmem_shared>> -> memref<64x16xf32, #tpu.memory_space<vmem_shared>>
      tpu.enqueue_dma source(%arg9 : memref<64x16xf32, #tpu.memory_space<vmem>>) target(%dma_start3A_444 : memref<64x16xf32, #tpu.memory_space<vmem_shared>>) target_semaphore(%run_scoped3A : memref<!tpu.dma_semaphore, #tpu.memory_space<semaphore_mem>>)
      %dma_wait3A = arith.constant 0 : i32
      %dma_wait3A_445 = tpu.memref_slice %arg12[%add3A_408, %dma_wait3A] : memref<10240x16xf32, #tpu.memory_space<vmem_shared>> -> memref<64x16xf32, #tpu.memory_space<vmem_shared>>
      %dma_wait3A_446 = arith.constant 0 : i32
      %dma_wait3A_447 = tpu.memref_slice %arg12[%add3A_408, %dma_wait3A_446] : memref<10240x16xf32, #tpu.memory_space<vmem_shared>> -> memref<64x16xf32, #tpu.memory_space<vmem_shared>>
      tpu.wait_dma2 semaphore(%run_scoped3A : memref<!tpu.dma_semaphore, #tpu.memory_space<semaphore_mem>>) src(%arg9 : memref<64x16xf32, #tpu.memory_space<vmem>>) dst(%dma_wait3A_447 : memref<64x16xf32, #tpu.memory_space<vmem_shared>>)
      tpu.yield
    }) : () -> ()
    %mul3A_409 = arith.constant 640 : i32
    %mul3A_410 = arith.muli %arg1, %mul3A_409 : i32
    %add3A_411 = arith.constant 384 : i32
    %add3A_412 = arith.addi %mul3A_410, %add3A_411 : i32
    "tpu.region"() ({
      %run_scoped3A = tpu.sem_alloc : memref<!tpu.dma_semaphore, #tpu.memory_space<semaphore_mem>>
      %dma_start3A = arith.constant 0 : i32
      %dma_start3A_442 = tpu.memref_slice %arg12[%add3A_412, %dma_start3A] : memref<10240x16xf32, #tpu.memory_space<vmem_shared>> -> memref<64x16xf32, #tpu.memory_space<vmem_shared>>
      %dma_start3A_443 = arith.constant 0 : i32
      %dma_start3A_444 = tpu.memref_slice %arg12[%add3A_412, %dma_start3A_443] : memref<10240x16xf32, #tpu.memory_space<vmem_shared>> -> memref<64x16xf32, #tpu.memory_space<vmem_shared>>
      tpu.enqueue_dma source(%arg9 : memref<64x16xf32, #tpu.memory_space<vmem>>) target(%dma_start3A_444 : memref<64x16xf32, #tpu.memory_space<vmem_shared>>) target_semaphore(%run_scoped3A : memref<!tpu.dma_semaphore, #tpu.memory_space<semaphore_mem>>)
      %dma_wait3A = arith.constant 0 : i32
      %dma_wait3A_445 = tpu.memref_slice %arg12[%add3A_412, %dma_wait3A] : memref<10240x16xf32, #tpu.memory_space<vmem_shared>> -> memref<64x16xf32, #tpu.memory_space<vmem_shared>>
      %dma_wait3A_446 = arith.constant 0 : i32
      %dma_wait3A_447 = tpu.memref_slice %arg12[%add3A_412, %dma_wait3A_446] : memref<10240x16xf32, #tpu.memory_space<vmem_shared>> -> memref<64x16xf32, #tpu.memory_space<vmem_shared>>
      tpu.wait_dma2 semaphore(%run_scoped3A : memref<!tpu.dma_semaphore, #tpu.memory_space<semaphore_mem>>) src(%arg9 : memref<64x16xf32, #tpu.memory_space<vmem>>) dst(%dma_wait3A_447 : memref<64x16xf32, #tpu.memory_space<vmem_shared>>)
      tpu.yield
    }) : () -> ()
    %mul3A_413 = arith.constant 640 : i32
    %mul3A_414 = arith.muli %arg1, %mul3A_413 : i32
    %add3A_415 = arith.constant 448 : i32
    %add3A_416 = arith.addi %mul3A_414, %add3A_415 : i32
    "tpu.region"() ({
      %run_scoped3A = tpu.sem_alloc : memref<!tpu.dma_semaphore, #tpu.memory_space<semaphore_mem>>
      %dma_start3A = arith.constant 0 : i32
      %dma_start3A_442 = tpu.memref_slice %arg12[%add3A_416, %dma_start3A] : memref<10240x16xf32, #tpu.memory_space<vmem_shared>> -> memref<64x16xf32, #tpu.memory_space<vmem_shared>>
      %dma_start3A_443 = arith.constant 0 : i32
      %dma_start3A_444 = tpu.memref_slice %arg12[%add3A_416, %dma_start3A_443] : memref<10240x16xf32, #tpu.memory_space<vmem_shared>> -> memref<64x16xf32, #tpu.memory_space<vmem_shared>>
      tpu.enqueue_dma source(%arg9 : memref<64x16xf32, #tpu.memory_space<vmem>>) target(%dma_start3A_444 : memref<64x16xf32, #tpu.memory_space<vmem_shared>>) target_semaphore(%run_scoped3A : memref<!tpu.dma_semaphore, #tpu.memory_space<semaphore_mem>>)
      %dma_wait3A = arith.constant 0 : i32
      %dma_wait3A_445 = tpu.memref_slice %arg12[%add3A_416, %dma_wait3A] : memref<10240x16xf32, #tpu.memory_space<vmem_shared>> -> memref<64x16xf32, #tpu.memory_space<vmem_shared>>
      %dma_wait3A_446 = arith.constant 0 : i32
      %dma_wait3A_447 = tpu.memref_slice %arg12[%add3A_416, %dma_wait3A_446] : memref<10240x16xf32, #tpu.memory_space<vmem_shared>> -> memref<64x16xf32, #tpu.memory_space<vmem_shared>>
      tpu.wait_dma2 semaphore(%run_scoped3A : memref<!tpu.dma_semaphore, #tpu.memory_space<semaphore_mem>>) src(%arg9 : memref<64x16xf32, #tpu.memory_space<vmem>>) dst(%dma_wait3A_447 : memref<64x16xf32, #tpu.memory_space<vmem_shared>>)
      tpu.yield
    }) : () -> ()
    %mul3A_417 = arith.constant 640 : i32
    %mul3A_418 = arith.muli %arg1, %mul3A_417 : i32
    %add3A_419 = arith.constant 512 : i32
    %add3A_420 = arith.addi %mul3A_418, %add3A_419 : i32
    "tpu.region"() ({
      %run_scoped3A = tpu.sem_alloc : memref<!tpu.dma_semaphore, #tpu.memory_space<semaphore_mem>>
      %dma_start3A = arith.constant 0 : i32
      %dma_start3A_442 = tpu.memref_slice %arg12[%add3A_420, %dma_start3A] : memref<10240x16xf32, #tpu.memory_space<vmem_shared>> -> memref<64x16xf32, #tpu.memory_space<vmem_shared>>
      %dma_start3A_443 = arith.constant 0 : i32
      %dma_start3A_444 = tpu.memref_slice %arg12[%add3A_420, %dma_start3A_443] : memref<10240x16xf32, #tpu.memory_space<vmem_shared>> -> memref<64x16xf32, #tpu.memory_space<vmem_shared>>
      tpu.enqueue_dma source(%arg9 : memref<64x16xf32, #tpu.memory_space<vmem>>) target(%dma_start3A_444 : memref<64x16xf32, #tpu.memory_space<vmem_shared>>) target_semaphore(%run_scoped3A : memref<!tpu.dma_semaphore, #tpu.memory_space<semaphore_mem>>)
      %dma_wait3A = arith.constant 0 : i32
      %dma_wait3A_445 = tpu.memref_slice %arg12[%add3A_420, %dma_wait3A] : memref<10240x16xf32, #tpu.memory_space<vmem_shared>> -> memref<64x16xf32, #tpu.memory_space<vmem_shared>>
      %dma_wait3A_446 = arith.constant 0 : i32
      %dma_wait3A_447 = tpu.memref_slice %arg12[%add3A_420, %dma_wait3A_446] : memref<10240x16xf32, #tpu.memory_space<vmem_shared>> -> memref<64x16xf32, #tpu.memory_space<vmem_shared>>
      tpu.wait_dma2 semaphore(%run_scoped3A : memref<!tpu.dma_semaphore, #tpu.memory_space<semaphore_mem>>) src(%arg9 : memref<64x16xf32, #tpu.memory_space<vmem>>) dst(%dma_wait3A_447 : memref<64x16xf32, #tpu.memory_space<vmem_shared>>)
      tpu.yield
    }) : () -> ()
    %mul3A_421 = arith.constant 640 : i32
    %mul3A_422 = arith.muli %arg1, %mul3A_421 : i32
    %add3A_423 = arith.constant 576 : i32
    %add3A_424 = arith.addi %mul3A_422, %add3A_423 : i32
    "tpu.region"() ({
      %run_scoped3A = tpu.sem_alloc : memref<!tpu.dma_semaphore, #tpu.memory_space<semaphore_mem>>
      %dma_start3A = arith.constant 0 : i32
      %dma_start3A_442 = tpu.memref_slice %arg12[%add3A_424, %dma_start3A] : memref<10240x16xf32, #tpu.memory_space<vmem_shared>> -> memref<64x16xf32, #tpu.memory_space<vmem_shared>>
      %dma_start3A_443 = arith.constant 0 : i32
      %dma_start3A_444 = tpu.memref_slice %arg12[%add3A_424, %dma_start3A_443] : memref<10240x16xf32, #tpu.memory_space<vmem_shared>> -> memref<64x16xf32, #tpu.memory_space<vmem_shared>>
      tpu.enqueue_dma source(%arg9 : memref<64x16xf32, #tpu.memory_space<vmem>>) target(%dma_start3A_444 : memref<64x16xf32, #tpu.memory_space<vmem_shared>>) target_semaphore(%run_scoped3A : memref<!tpu.dma_semaphore, #tpu.memory_space<semaphore_mem>>)
      %dma_wait3A = arith.constant 0 : i32
      %dma_wait3A_445 = tpu.memref_slice %arg12[%add3A_424, %dma_wait3A] : memref<10240x16xf32, #tpu.memory_space<vmem_shared>> -> memref<64x16xf32, #tpu.memory_space<vmem_shared>>
      %dma_wait3A_446 = arith.constant 0 : i32
      %dma_wait3A_447 = tpu.memref_slice %arg12[%add3A_424, %dma_wait3A_446] : memref<10240x16xf32, #tpu.memory_space<vmem_shared>> -> memref<64x16xf32, #tpu.memory_space<vmem_shared>>
      tpu.wait_dma2 semaphore(%run_scoped3A : memref<!tpu.dma_semaphore, #tpu.memory_space<semaphore_mem>>) src(%arg9 : memref<64x16xf32, #tpu.memory_space<vmem>>) dst(%dma_wait3A_447 : memref<64x16xf32, #tpu.memory_space<vmem_shared>>)
      tpu.yield
    }) : () -> ()
    %mul3A_425 = arith.constant 16 : i32
    %mul3A_426 = arith.muli %add3A, %mul3A_425 : i32
    "tpu.region"() ({
      %run_scoped3A = tpu.sem_alloc : memref<!tpu.dma_semaphore, #tpu.memory_space<semaphore_mem>>
      %dma_start3A = arith.constant 0 : i32
      %dma_start3A_442 = tpu.memref_slice %arg3[%mul3A_426, %dma_start3A] : memref<512x625xi32, #tpu.memory_space<hbm>> -> memref<16x625xi32, #tpu.memory_space<hbm>>
      %dma_start3A_443 = arith.constant 0 : i32
      %dma_start3A_444 = tpu.memref_slice %arg3[%mul3A_426, %dma_start3A_443] : memref<512x625xi32, #tpu.memory_space<hbm>> -> memref<16x625xi32, #tpu.memory_space<hbm>>
      tpu.enqueue_dma source(%dma_start3A_444 : memref<16x625xi32, #tpu.memory_space<hbm>>) target(%arg6 : memref<16x625xi32, #tpu.memory_space<vmem>>) target_semaphore(%run_scoped3A : memref<!tpu.dma_semaphore, #tpu.memory_space<semaphore_mem>>)
      %dma_wait3A = arith.constant 0 : i32
      %dma_wait3A_445 = tpu.memref_slice %arg3[%mul3A_426, %dma_wait3A] : memref<512x625xi32, #tpu.memory_space<hbm>> -> memref<16x625xi32, #tpu.memory_space<hbm>>
      %dma_wait3A_446 = arith.constant 0 : i32
      %dma_wait3A_447 = tpu.memref_slice %arg3[%mul3A_426, %dma_wait3A_446] : memref<512x625xi32, #tpu.memory_space<hbm>> -> memref<16x625xi32, #tpu.memory_space<hbm>>
      tpu.wait_dma2 semaphore(%run_scoped3A : memref<!tpu.dma_semaphore, #tpu.memory_space<semaphore_mem>>) src(%dma_wait3A_447 : memref<16x625xi32, #tpu.memory_space<hbm>>) dst(%arg6 : memref<16x625xi32, #tpu.memory_space<vmem>>)
      tpu.yield
    }) : () -> ()
    %mul3A_427 = arith.constant 16 : i32
    %mul3A_428 = arith.muli %add3A, %mul3A_427 : i32
    "tpu.region"() ({
      %run_scoped3A = tpu.sem_alloc : memref<!tpu.dma_semaphore, #tpu.memory_space<semaphore_mem>>
      %dma_start3A = arith.constant 0 : i32
      %dma_start3A_442 = tpu.memref_slice %arg4[%mul3A_428, %dma_start3A] : memref<512x625xi32, #tpu.memory_space<hbm>> -> memref<16x625xi32, #tpu.memory_space<hbm>>
      %dma_start3A_443 = arith.constant 0 : i32
      %dma_start3A_444 = tpu.memref_slice %arg4[%mul3A_428, %dma_start3A_443] : memref<512x625xi32, #tpu.memory_space<hbm>> -> memref<16x625xi32, #tpu.memory_space<hbm>>
      tpu.enqueue_dma source(%dma_start3A_444 : memref<16x625xi32, #tpu.memory_space<hbm>>) target(%arg7 : memref<16x625xi32, #tpu.memory_space<vmem>>) target_semaphore(%run_scoped3A : memref<!tpu.dma_semaphore, #tpu.memory_space<semaphore_mem>>)
      %dma_wait3A = arith.constant 0 : i32
      %dma_wait3A_445 = tpu.memref_slice %arg4[%mul3A_428, %dma_wait3A] : memref<512x625xi32, #tpu.memory_space<hbm>> -> memref<16x625xi32, #tpu.memory_space<hbm>>
      %dma_wait3A_446 = arith.constant 0 : i32
      %dma_wait3A_447 = tpu.memref_slice %arg4[%mul3A_428, %dma_wait3A_446] : memref<512x625xi32, #tpu.memory_space<hbm>> -> memref<16x625xi32, #tpu.memory_space<hbm>>
      tpu.wait_dma2 semaphore(%run_scoped3A : memref<!tpu.dma_semaphore, #tpu.memory_space<semaphore_mem>>) src(%dma_wait3A_447 : memref<16x625xi32, #tpu.memory_space<hbm>>) dst(%arg7 : memref<16x625xi32, #tpu.memory_space<vmem>>)
      tpu.yield
    }) : () -> ()
    %barrier3A = arith.constant 0 : index
    tpu.barrier barrier_id(%barrier3A)
    %scan3A = arith.constant 0 : i32
    %scan3A_429 = arith.constant 0 : i32
    %scan3A_430 = arith.constant 2 : i32
    %scan3A_431 = arith.addi %scan3A_429, %scan3A_430 : i32
    %scan3A_432 = arith.constant 1 : i32
    scf.for %scan3A_442 = %scan3A_429 to %scan3A_431 step %scan3A_432  : i32 {
      %mul3A_443 = arith.constant 8 : i32
      %mul3A_444 = arith.muli %scan3A_442, %mul3A_443 : i32
      %add3A_445 = arith.constant 0 : i32
      %add3A_446 = arith.addi %mul3A_444, %add3A_445 : i32
      %dma_start3A = arith.constant 0 : i32
      %dma_start3A_447 = arith.constant 0 : i32
      %dma_start3A_448 = arith.constant 0 : i32
      %dma_start3A_449 = tpu.memref_slice %arg8[%dma_start3A, %dma_start3A_447, %dma_start3A_448] : memref<8x625x16xf32, #tpu.memory_space<vmem>> -> memref<1x625x16xf32, #tpu.memory_space<vmem>>
      %dma_start3A_450 = tpu.memref_squeeze %dma_start3A_449 : memref<1x625x16xf32, #tpu.memory_space<vmem>> -> memref<625x16xf32, #tpu.memory_space<vmem>>
      %dma_start3A_451 = arith.constant 0 : i32
      %dma_start3A_452 = tpu.memref_slice %arg6[%add3A_446, %dma_start3A_451] : memref<16x625xi32, #tpu.memory_space<vmem>> -> memref<1x625xi32, #tpu.memory_space<vmem>>
      %dma_start3A_453 = tpu.memref_squeeze %dma_start3A_452 : memref<1x625xi32, #tpu.memory_space<vmem>> -> memref<625xi32, #tpu.memory_space<vmem>>
      %dma_start3A_454 = arith.constant 0 : i32
      %dma_start3A_455 = arith.constant 0 : i32
      %dma_start3A_456 = tpu.memref_slice %arg2[%dma_start3A_454, %dma_start3A_455] : memref<10240x16xf32, #tpu.memory_space<hbm>> -> memref<10240x16xf32, #tpu.memory_space<hbm>>
      tpu.enqueue_indirect_dma source(%dma_start3A_456 : memref<10240x16xf32, #tpu.memory_space<hbm>>) target(%dma_start3A_450 : memref<625x16xf32, #tpu.memory_space<vmem>>) offsets(%dma_start3A_453 : memref<625xi32, #tpu.memory_space<vmem>>) semaphore(%arg10 : memref<!tpu.dma_semaphore, #tpu.memory_space<semaphore_mem>>)
      %add3A_457 = arith.constant 1 : i32
      %add3A_458 = arith.addi %mul3A_444, %add3A_457 : i32
      %dma_start3A_459 = arith.constant 1 : i32
      %dma_start3A_460 = arith.constant 0 : i32
      %dma_start3A_461 = arith.constant 0 : i32
      %dma_start3A_462 = tpu.memref_slice %arg8[%dma_start3A_459, %dma_start3A_460, %dma_start3A_461] : memref<8x625x16xf32, #tpu.memory_space<vmem>> -> memref<1x625x16xf32, #tpu.memory_space<vmem>>
      %dma_start3A_463 = tpu.memref_squeeze %dma_start3A_462 : memref<1x625x16xf32, #tpu.memory_space<vmem>> -> memref<625x16xf32, #tpu.memory_space<vmem>>
      %dma_start3A_464 = arith.constant 0 : i32
      %dma_start3A_465 = tpu.memref_slice %arg6[%add3A_458, %dma_start3A_464] : memref<16x625xi32, #tpu.memory_space<vmem>> -> memref<1x625xi32, #tpu.memory_space<vmem>>
      %dma_start3A_466 = tpu.memref_squeeze %dma_start3A_465 : memref<1x625xi32, #tpu.memory_space<vmem>> -> memref<625xi32, #tpu.memory_space<vmem>>
      %dma_start3A_467 = arith.constant 0 : i32
      %dma_start3A_468 = arith.constant 0 : i32
      %dma_start3A_469 = tpu.memref_slice %arg2[%dma_start3A_467, %dma_start3A_468] : memref<10240x16xf32, #tpu.memory_space<hbm>> -> memref<10240x16xf32, #tpu.memory_space<hbm>>
      tpu.enqueue_indirect_dma source(%dma_start3A_469 : memref<10240x16xf32, #tpu.memory_space<hbm>>) target(%dma_start3A_463 : memref<625x16xf32, #tpu.memory_space<vmem>>) offsets(%dma_start3A_466 : memref<625xi32, #tpu.memory_space<vmem>>) semaphore(%arg10 : memref<!tpu.dma_semaphore, #tpu.memory_space<semaphore_mem>>)
      %add3A_470 = arith.constant 2 : i32
      %add3A_471 = arith.addi %mul3A_444, %add3A_470 : i32
      %dma_start3A_472 = arith.constant 2 : i32
      %dma_start3A_473 = arith.constant 0 : i32
      %dma_start3A_474 = arith.constant 0 : i32
      %dma_start3A_475 = tpu.memref_slice %arg8[%dma_start3A_472, %dma_start3A_473, %dma_start3A_474] : memref<8x625x16xf32, #tpu.memory_space<vmem>> -> memref<1x625x16xf32, #tpu.memory_space<vmem>>
      %dma_start3A_476 = tpu.memref_squeeze %dma_start3A_475 : memref<1x625x16xf32, #tpu.memory_space<vmem>> -> memref<625x16xf32, #tpu.memory_space<vmem>>
      %dma_start3A_477 = arith.constant 0 : i32
      %dma_start3A_478 = tpu.memref_slice %arg6[%add3A_471, %dma_start3A_477] : memref<16x625xi32, #tpu.memory_space<vmem>> -> memref<1x625xi32, #tpu.memory_space<vmem>>
      %dma_start3A_479 = tpu.memref_squeeze %dma_start3A_478 : memref<1x625xi32, #tpu.memory_space<vmem>> -> memref<625xi32, #tpu.memory_space<vmem>>
      %dma_start3A_480 = arith.constant 0 : i32
      %dma_start3A_481 = arith.constant 0 : i32
      %dma_start3A_482 = tpu.memref_slice %arg2[%dma_start3A_480, %dma_start3A_481] : memref<10240x16xf32, #tpu.memory_space<hbm>> -> memref<10240x16xf32, #tpu.memory_space<hbm>>
      tpu.enqueue_indirect_dma source(%dma_start3A_482 : memref<10240x16xf32, #tpu.memory_space<hbm>>) target(%dma_start3A_476 : memref<625x16xf32, #tpu.memory_space<vmem>>) offsets(%dma_start3A_479 : memref<625xi32, #tpu.memory_space<vmem>>) semaphore(%arg10 : memref<!tpu.dma_semaphore, #tpu.memory_space<semaphore_mem>>)
      %add3A_483 = arith.constant 3 : i32
      %add3A_484 = arith.addi %mul3A_444, %add3A_483 : i32
      %dma_start3A_485 = arith.constant 3 : i32
      %dma_start3A_486 = arith.constant 0 : i32
      %dma_start3A_487 = arith.constant 0 : i32
      %dma_start3A_488 = tpu.memref_slice %arg8[%dma_start3A_485, %dma_start3A_486, %dma_start3A_487] : memref<8x625x16xf32, #tpu.memory_space<vmem>> -> memref<1x625x16xf32, #tpu.memory_space<vmem>>
      %dma_start3A_489 = tpu.memref_squeeze %dma_start3A_488 : memref<1x625x16xf32, #tpu.memory_space<vmem>> -> memref<625x16xf32, #tpu.memory_space<vmem>>
      %dma_start3A_490 = arith.constant 0 : i32
      %dma_start3A_491 = tpu.memref_slice %arg6[%add3A_484, %dma_start3A_490] : memref<16x625xi32, #tpu.memory_space<vmem>> -> memref<1x625xi32, #tpu.memory_space<vmem>>
      %dma_start3A_492 = tpu.memref_squeeze %dma_start3A_491 : memref<1x625xi32, #tpu.memory_space<vmem>> -> memref<625xi32, #tpu.memory_space<vmem>>
      %dma_start3A_493 = arith.constant 0 : i32
      %dma_start3A_494 = arith.constant 0 : i32
      %dma_start3A_495 = tpu.memref_slice %arg2[%dma_start3A_493, %dma_start3A_494] : memref<10240x16xf32, #tpu.memory_space<hbm>> -> memref<10240x16xf32, #tpu.memory_space<hbm>>
      tpu.enqueue_indirect_dma source(%dma_start3A_495 : memref<10240x16xf32, #tpu.memory_space<hbm>>) target(%dma_start3A_489 : memref<625x16xf32, #tpu.memory_space<vmem>>) offsets(%dma_start3A_492 : memref<625xi32, #tpu.memory_space<vmem>>) semaphore(%arg10 : memref<!tpu.dma_semaphore, #tpu.memory_space<semaphore_mem>>)
      %add3A_496 = arith.constant 4 : i32
      %add3A_497 = arith.addi %mul3A_444, %add3A_496 : i32
      %dma_start3A_498 = arith.constant 4 : i32
      %dma_start3A_499 = arith.constant 0 : i32
      %dma_start3A_500 = arith.constant 0 : i32
      %dma_start3A_501 = tpu.memref_slice %arg8[%dma_start3A_498, %dma_start3A_499, %dma_start3A_500] : memref<8x625x16xf32, #tpu.memory_space<vmem>> -> memref<1x625x16xf32, #tpu.memory_space<vmem>>
      %dma_start3A_502 = tpu.memref_squeeze %dma_start3A_501 : memref<1x625x16xf32, #tpu.memory_space<vmem>> -> memref<625x16xf32, #tpu.memory_space<vmem>>
      %dma_start3A_503 = arith.constant 0 : i32
      %dma_start3A_504 = tpu.memref_slice %arg6[%add3A_497, %dma_start3A_503] : memref<16x625xi32, #tpu.memory_space<vmem>> -> memref<1x625xi32, #tpu.memory_space<vmem>>
      %dma_start3A_505 = tpu.memref_squeeze %dma_start3A_504 : memref<1x625xi32, #tpu.memory_space<vmem>> -> memref<625xi32, #tpu.memory_space<vmem>>
      %dma_start3A_506 = arith.constant 0 : i32
      %dma_start3A_507 = arith.constant 0 : i32
      %dma_start3A_508 = tpu.memref_slice %arg2[%dma_start3A_506, %dma_start3A_507] : memref<10240x16xf32, #tpu.memory_space<hbm>> -> memref<10240x16xf32, #tpu.memory_space<hbm>>
      tpu.enqueue_indirect_dma source(%dma_start3A_508 : memref<10240x16xf32, #tpu.memory_space<hbm>>) target(%dma_start3A_502 : memref<625x16xf32, #tpu.memory_space<vmem>>) offsets(%dma_start3A_505 : memref<625xi32, #tpu.memory_space<vmem>>) semaphore(%arg10 : memref<!tpu.dma_semaphore, #tpu.memory_space<semaphore_mem>>)
      %add3A_509 = arith.constant 5 : i32
      %add3A_510 = arith.addi %mul3A_444, %add3A_509 : i32
      %dma_start3A_511 = arith.constant 5 : i32
      %dma_start3A_512 = arith.constant 0 : i32
      %dma_start3A_513 = arith.constant 0 : i32
      %dma_start3A_514 = tpu.memref_slice %arg8[%dma_start3A_511, %dma_start3A_512, %dma_start3A_513] : memref<8x625x16xf32, #tpu.memory_space<vmem>> -> memref<1x625x16xf32, #tpu.memory_space<vmem>>
      %dma_start3A_515 = tpu.memref_squeeze %dma_start3A_514 : memref<1x625x16xf32, #tpu.memory_space<vmem>> -> memref<625x16xf32, #tpu.memory_space<vmem>>
      %dma_start3A_516 = arith.constant 0 : i32
      %dma_start3A_517 = tpu.memref_slice %arg6[%add3A_510, %dma_start3A_516] : memref<16x625xi32, #tpu.memory_space<vmem>> -> memref<1x625xi32, #tpu.memory_space<vmem>>
      %dma_start3A_518 = tpu.memref_squeeze %dma_start3A_517 : memref<1x625xi32, #tpu.memory_space<vmem>> -> memref<625xi32, #tpu.memory_space<vmem>>
      %dma_start3A_519 = arith.constant 0 : i32
      %dma_start3A_520 = arith.constant 0 : i32
      %dma_start3A_521 = tpu.memref_slice %arg2[%dma_start3A_519, %dma_start3A_520] : memref<10240x16xf32, #tpu.memory_space<hbm>> -> memref<10240x16xf32, #tpu.memory_space<hbm>>
      tpu.enqueue_indirect_dma source(%dma_start3A_521 : memref<10240x16xf32, #tpu.memory_space<hbm>>) target(%dma_start3A_515 : memref<625x16xf32, #tpu.memory_space<vmem>>) offsets(%dma_start3A_518 : memref<625xi32, #tpu.memory_space<vmem>>) semaphore(%arg10 : memref<!tpu.dma_semaphore, #tpu.memory_space<semaphore_mem>>)
      %add3A_522 = arith.constant 6 : i32
      %add3A_523 = arith.addi %mul3A_444, %add3A_522 : i32
      %dma_start3A_524 = arith.constant 6 : i32
      %dma_start3A_525 = arith.constant 0 : i32
      %dma_start3A_526 = arith.constant 0 : i32
      %dma_start3A_527 = tpu.memref_slice %arg8[%dma_start3A_524, %dma_start3A_525, %dma_start3A_526] : memref<8x625x16xf32, #tpu.memory_space<vmem>> -> memref<1x625x16xf32, #tpu.memory_space<vmem>>
      %dma_start3A_528 = tpu.memref_squeeze %dma_start3A_527 : memref<1x625x16xf32, #tpu.memory_space<vmem>> -> memref<625x16xf32, #tpu.memory_space<vmem>>
      %dma_start3A_529 = arith.constant 0 : i32
      %dma_start3A_530 = tpu.memref_slice %arg6[%add3A_523, %dma_start3A_529] : memref<16x625xi32, #tpu.memory_space<vmem>> -> memref<1x625xi32, #tpu.memory_space<vmem>>
      %dma_start3A_531 = tpu.memref_squeeze %dma_start3A_530 : memref<1x625xi32, #tpu.memory_space<vmem>> -> memref<625xi32, #tpu.memory_space<vmem>>
      %dma_start3A_532 = arith.constant 0 : i32
      %dma_start3A_533 = arith.constant 0 : i32
      %dma_start3A_534 = tpu.memref_slice %arg2[%dma_start3A_532, %dma_start3A_533] : memref<10240x16xf32, #tpu.memory_space<hbm>> -> memref<10240x16xf32, #tpu.memory_space<hbm>>
      tpu.enqueue_indirect_dma source(%dma_start3A_534 : memref<10240x16xf32, #tpu.memory_space<hbm>>) target(%dma_start3A_528 : memref<625x16xf32, #tpu.memory_space<vmem>>) offsets(%dma_start3A_531 : memref<625xi32, #tpu.memory_space<vmem>>) semaphore(%arg10 : memref<!tpu.dma_semaphore, #tpu.memory_space<semaphore_mem>>)
      %add3A_535 = arith.constant 7 : i32
      %add3A_536 = arith.addi %mul3A_444, %add3A_535 : i32
      %dma_start3A_537 = arith.constant 7 : i32
      %dma_start3A_538 = arith.constant 0 : i32
      %dma_start3A_539 = arith.constant 0 : i32
      %dma_start3A_540 = tpu.memref_slice %arg8[%dma_start3A_537, %dma_start3A_538, %dma_start3A_539] : memref<8x625x16xf32, #tpu.memory_space<vmem>> -> memref<1x625x16xf32, #tpu.memory_space<vmem>>
      %dma_start3A_541 = tpu.memref_squeeze %dma_start3A_540 : memref<1x625x16xf32, #tpu.memory_space<vmem>> -> memref<625x16xf32, #tpu.memory_space<vmem>>
      %dma_start3A_542 = arith.constant 0 : i32
      %dma_start3A_543 = tpu.memref_slice %arg6[%add3A_536, %dma_start3A_542] : memref<16x625xi32, #tpu.memory_space<vmem>> -> memref<1x625xi32, #tpu.memory_space<vmem>>
      %dma_start3A_544 = tpu.memref_squeeze %dma_start3A_543 : memref<1x625xi32, #tpu.memory_space<vmem>> -> memref<625xi32, #tpu.memory_space<vmem>>
      %dma_start3A_545 = arith.constant 0 : i32
      %dma_start3A_546 = arith.constant 0 : i32
      %dma_start3A_547 = tpu.memref_slice %arg2[%dma_start3A_545, %dma_start3A_546] : memref<10240x16xf32, #tpu.memory_space<hbm>> -> memref<10240x16xf32, #tpu.memory_space<hbm>>
      tpu.enqueue_indirect_dma source(%dma_start3A_547 : memref<10240x16xf32, #tpu.memory_space<hbm>>) target(%dma_start3A_541 : memref<625x16xf32, #tpu.memory_space<vmem>>) offsets(%dma_start3A_544 : memref<625xi32, #tpu.memory_space<vmem>>) semaphore(%arg10 : memref<!tpu.dma_semaphore, #tpu.memory_space<semaphore_mem>>)
      %dma_wait3A = arith.constant 0 : i32
      %dma_wait3A_548 = arith.constant 0 : i32
      %dma_wait3A_549 = arith.constant 0 : i32
      %dma_wait3A_550 = tpu.memref_slice %arg8[%dma_wait3A, %dma_wait3A_548, %dma_wait3A_549] : memref<8x625x16xf32, #tpu.memory_space<vmem>> -> memref<1x625x16xf32, #tpu.memory_space<vmem>>
      %dma_wait3A_551 = tpu.memref_squeeze %dma_wait3A_550 : memref<1x625x16xf32, #tpu.memory_space<vmem>> -> memref<625x16xf32, #tpu.memory_space<vmem>>
      %dma_wait3A_552 = arith.constant 0 : i32
      %dma_wait3A_553 = tpu.memref_slice %arg6[%add3A_446, %dma_wait3A_552] : memref<16x625xi32, #tpu.memory_space<vmem>> -> memref<1x625xi32, #tpu.memory_space<vmem>>
      %dma_wait3A_554 = tpu.memref_squeeze %dma_wait3A_553 : memref<1x625xi32, #tpu.memory_space<vmem>> -> memref<625xi32, #tpu.memory_space<vmem>>
      %dma_wait3A_555 = arith.constant 0 : i32
      %dma_wait3A_556 = arith.constant 0 : i32
      %dma_wait3A_557 = tpu.memref_slice %arg2[%dma_wait3A_555, %dma_wait3A_556] : memref<10240x16xf32, #tpu.memory_space<hbm>> -> memref<10240x16xf32, #tpu.memory_space<hbm>>
      tpu.wait_indirect_dma semaphore(%arg10 : memref<!tpu.dma_semaphore, #tpu.memory_space<semaphore_mem>>) src(%dma_wait3A_557 : memref<10240x16xf32, #tpu.memory_space<hbm>>) dst(%dma_wait3A_551 : memref<625x16xf32, #tpu.memory_space<vmem>>)
      %add3A_558 = arith.constant 0 : i32
      %add3A_559 = arith.addi %mul3A_444, %add3A_558 : i32
      %dma_start3A_560 = arith.constant 0 : i32
      %dma_start3A_561 = arith.constant 0 : i32
      %dma_start3A_562 = arith.constant 0 : i32
      %dma_start3A_563 = tpu.memref_slice %arg8[%dma_start3A_560, %dma_start3A_561, %dma_start3A_562] : memref<8x625x16xf32, #tpu.memory_space<vmem>> -> memref<1x625x16xf32, #tpu.memory_space<vmem>>
      %dma_start3A_564 = tpu.memref_squeeze %dma_start3A_563 : memref<1x625x16xf32, #tpu.memory_space<vmem>> -> memref<625x16xf32, #tpu.memory_space<vmem>>
      %dma_start3A_565 = arith.constant 0 : i32
      %dma_start3A_566 = tpu.memref_slice %arg7[%add3A_559, %dma_start3A_565] : memref<16x625xi32, #tpu.memory_space<vmem>> -> memref<1x625xi32, #tpu.memory_space<vmem>>
      %dma_start3A_567 = tpu.memref_squeeze %dma_start3A_566 : memref<1x625xi32, #tpu.memory_space<vmem>> -> memref<625xi32, #tpu.memory_space<vmem>>
      %dma_start3A_568 = arith.constant 0 : i32
      %dma_start3A_569 = arith.constant 0 : i32
      %dma_start3A_570 = tpu.memref_slice %arg12[%dma_start3A_568, %dma_start3A_569] : memref<10240x16xf32, #tpu.memory_space<vmem_shared>> -> memref<10240x16xf32, #tpu.memory_space<vmem_shared>>
      tpu.enqueue_indirect_dma source(%dma_start3A_564 : memref<625x16xf32, #tpu.memory_space<vmem>>) target(%dma_start3A_570 : memref<10240x16xf32, #tpu.memory_space<vmem_shared>>) offsets(%dma_start3A_567 : memref<625xi32, #tpu.memory_space<vmem>>) semaphore(%arg11 : memref<!tpu.dma_semaphore, #tpu.memory_space<semaphore_mem>>) {add = true}
      %dma_wait3A_571 = arith.constant 1 : i32
      %dma_wait3A_572 = arith.constant 0 : i32
      %dma_wait3A_573 = arith.constant 0 : i32
      %dma_wait3A_574 = tpu.memref_slice %arg8[%dma_wait3A_571, %dma_wait3A_572, %dma_wait3A_573] : memref<8x625x16xf32, #tpu.memory_space<vmem>> -> memref<1x625x16xf32, #tpu.memory_space<vmem>>
      %dma_wait3A_575 = tpu.memref_squeeze %dma_wait3A_574 : memref<1x625x16xf32, #tpu.memory_space<vmem>> -> memref<625x16xf32, #tpu.memory_space<vmem>>
      %dma_wait3A_576 = arith.constant 0 : i32
      %dma_wait3A_577 = tpu.memref_slice %arg6[%add3A_458, %dma_wait3A_576] : memref<16x625xi32, #tpu.memory_space<vmem>> -> memref<1x625xi32, #tpu.memory_space<vmem>>
      %dma_wait3A_578 = tpu.memref_squeeze %dma_wait3A_577 : memref<1x625xi32, #tpu.memory_space<vmem>> -> memref<625xi32, #tpu.memory_space<vmem>>
      %dma_wait3A_579 = arith.constant 0 : i32
      %dma_wait3A_580 = arith.constant 0 : i32
      %dma_wait3A_581 = tpu.memref_slice %arg2[%dma_wait3A_579, %dma_wait3A_580] : memref<10240x16xf32, #tpu.memory_space<hbm>> -> memref<10240x16xf32, #tpu.memory_space<hbm>>
      tpu.wait_indirect_dma semaphore(%arg10 : memref<!tpu.dma_semaphore, #tpu.memory_space<semaphore_mem>>) src(%dma_wait3A_581 : memref<10240x16xf32, #tpu.memory_space<hbm>>) dst(%dma_wait3A_575 : memref<625x16xf32, #tpu.memory_space<vmem>>)
      %add3A_582 = arith.constant 1 : i32
      %add3A_583 = arith.addi %mul3A_444, %add3A_582 : i32
      %dma_start3A_584 = arith.constant 1 : i32
      %dma_start3A_585 = arith.constant 0 : i32
      %dma_start3A_586 = arith.constant 0 : i32
      %dma_start3A_587 = tpu.memref_slice %arg8[%dma_start3A_584, %dma_start3A_585, %dma_start3A_586] : memref<8x625x16xf32, #tpu.memory_space<vmem>> -> memref<1x625x16xf32, #tpu.memory_space<vmem>>
      %dma_start3A_588 = tpu.memref_squeeze %dma_start3A_587 : memref<1x625x16xf32, #tpu.memory_space<vmem>> -> memref<625x16xf32, #tpu.memory_space<vmem>>
      %dma_start3A_589 = arith.constant 0 : i32
      %dma_start3A_590 = tpu.memref_slice %arg7[%add3A_583, %dma_start3A_589] : memref<16x625xi32, #tpu.memory_space<vmem>> -> memref<1x625xi32, #tpu.memory_space<vmem>>
      %dma_start3A_591 = tpu.memref_squeeze %dma_start3A_590 : memref<1x625xi32, #tpu.memory_space<vmem>> -> memref<625xi32, #tpu.memory_space<vmem>>
      %dma_start3A_592 = arith.constant 0 : i32
      %dma_start3A_593 = arith.constant 0 : i32
      %dma_start3A_594 = tpu.memref_slice %arg12[%dma_start3A_592, %dma_start3A_593] : memref<10240x16xf32, #tpu.memory_space<vmem_shared>> -> memref<10240x16xf32, #tpu.memory_space<vmem_shared>>
      tpu.enqueue_indirect_dma source(%dma_start3A_588 : memref<625x16xf32, #tpu.memory_space<vmem>>) target(%dma_start3A_594 : memref<10240x16xf32, #tpu.memory_space<vmem_shared>>) offsets(%dma_start3A_591 : memref<625xi32, #tpu.memory_space<vmem>>) semaphore(%arg11 : memref<!tpu.dma_semaphore, #tpu.memory_space<semaphore_mem>>) {add = true}
      %dma_wait3A_595 = arith.constant 2 : i32
      %dma_wait3A_596 = arith.constant 0 : i32
      %dma_wait3A_597 = arith.constant 0 : i32
      %dma_wait3A_598 = tpu.memref_slice %arg8[%dma_wait3A_595, %dma_wait3A_596, %dma_wait3A_597] : memref<8x625x16xf32, #tpu.memory_space<vmem>> -> memref<1x625x16xf32, #tpu.memory_space<vmem>>
      %dma_wait3A_599 = tpu.memref_squeeze %dma_wait3A_598 : memref<1x625x16xf32, #tpu.memory_space<vmem>> -> memref<625x16xf32, #tpu.memory_space<vmem>>
      %dma_wait3A_600 = arith.constant 0 : i32
      %dma_wait3A_601 = tpu.memref_slice %arg6[%add3A_471, %dma_wait3A_600] : memref<16x625xi32, #tpu.memory_space<vmem>> -> memref<1x625xi32, #tpu.memory_space<vmem>>
      %dma_wait3A_602 = tpu.memref_squeeze %dma_wait3A_601 : memref<1x625xi32, #tpu.memory_space<vmem>> -> memref<625xi32, #tpu.memory_space<vmem>>
      %dma_wait3A_603 = arith.constant 0 : i32
      %dma_wait3A_604 = arith.constant 0 : i32
      %dma_wait3A_605 = tpu.memref_slice %arg2[%dma_wait3A_603, %dma_wait3A_604] : memref<10240x16xf32, #tpu.memory_space<hbm>> -> memref<10240x16xf32, #tpu.memory_space<hbm>>
      tpu.wait_indirect_dma semaphore(%arg10 : memref<!tpu.dma_semaphore, #tpu.memory_space<semaphore_mem>>) src(%dma_wait3A_605 : memref<10240x16xf32, #tpu.memory_space<hbm>>) dst(%dma_wait3A_599 : memref<625x16xf32, #tpu.memory_space<vmem>>)
      %add3A_606 = arith.constant 2 : i32
      %add3A_607 = arith.addi %mul3A_444, %add3A_606 : i32
      %dma_start3A_608 = arith.constant 2 : i32
      %dma_start3A_609 = arith.constant 0 : i32
      %dma_start3A_610 = arith.constant 0 : i32
      %dma_start3A_611 = tpu.memref_slice %arg8[%dma_start3A_608, %dma_start3A_609, %dma_start3A_610] : memref<8x625x16xf32, #tpu.memory_space<vmem>> -> memref<1x625x16xf32, #tpu.memory_space<vmem>>
      %dma_start3A_612 = tpu.memref_squeeze %dma_start3A_611 : memref<1x625x16xf32, #tpu.memory_space<vmem>> -> memref<625x16xf32, #tpu.memory_space<vmem>>
      %dma_start3A_613 = arith.constant 0 : i32
      %dma_start3A_614 = tpu.memref_slice %arg7[%add3A_607, %dma_start3A_613] : memref<16x625xi32, #tpu.memory_space<vmem>> -> memref<1x625xi32, #tpu.memory_space<vmem>>
      %dma_start3A_615 = tpu.memref_squeeze %dma_start3A_614 : memref<1x625xi32, #tpu.memory_space<vmem>> -> memref<625xi32, #tpu.memory_space<vmem>>
      %dma_start3A_616 = arith.constant 0 : i32
      %dma_start3A_617 = arith.constant 0 : i32
      %dma_start3A_618 = tpu.memref_slice %arg12[%dma_start3A_616, %dma_start3A_617] : memref<10240x16xf32, #tpu.memory_space<vmem_shared>> -> memref<10240x16xf32, #tpu.memory_space<vmem_shared>>
      tpu.enqueue_indirect_dma source(%dma_start3A_612 : memref<625x16xf32, #tpu.memory_space<vmem>>) target(%dma_start3A_618 : memref<10240x16xf32, #tpu.memory_space<vmem_shared>>) offsets(%dma_start3A_615 : memref<625xi32, #tpu.memory_space<vmem>>) semaphore(%arg11 : memref<!tpu.dma_semaphore, #tpu.memory_space<semaphore_mem>>) {add = true}
      %dma_wait3A_619 = arith.constant 3 : i32
      %dma_wait3A_620 = arith.constant 0 : i32
      %dma_wait3A_621 = arith.constant 0 : i32
      %dma_wait3A_622 = tpu.memref_slice %arg8[%dma_wait3A_619, %dma_wait3A_620, %dma_wait3A_621] : memref<8x625x16xf32, #tpu.memory_space<vmem>> -> memref<1x625x16xf32, #tpu.memory_space<vmem>>
      %dma_wait3A_623 = tpu.memref_squeeze %dma_wait3A_622 : memref<1x625x16xf32, #tpu.memory_space<vmem>> -> memref<625x16xf32, #tpu.memory_space<vmem>>
      %dma_wait3A_624 = arith.constant 0 : i32
      %dma_wait3A_625 = tpu.memref_slice %arg6[%add3A_484, %dma_wait3A_624] : memref<16x625xi32, #tpu.memory_space<vmem>> -> memref<1x625xi32, #tpu.memory_space<vmem>>
      %dma_wait3A_626 = tpu.memref_squeeze %dma_wait3A_625 : memref<1x625xi32, #tpu.memory_space<vmem>> -> memref<625xi32, #tpu.memory_space<vmem>>
      %dma_wait3A_627 = arith.constant 0 : i32
      %dma_wait3A_628 = arith.constant 0 : i32
      %dma_wait3A_629 = tpu.memref_slice %arg2[%dma_wait3A_627, %dma_wait3A_628] : memref<10240x16xf32, #tpu.memory_space<hbm>> -> memref<10240x16xf32, #tpu.memory_space<hbm>>
      tpu.wait_indirect_dma semaphore(%arg10 : memref<!tpu.dma_semaphore, #tpu.memory_space<semaphore_mem>>) src(%dma_wait3A_629 : memref<10240x16xf32, #tpu.memory_space<hbm>>) dst(%dma_wait3A_623 : memref<625x16xf32, #tpu.memory_space<vmem>>)
      %add3A_630 = arith.constant 3 : i32
      %add3A_631 = arith.addi %mul3A_444, %add3A_630 : i32
      %dma_start3A_632 = arith.constant 3 : i32
      %dma_start3A_633 = arith.constant 0 : i32
      %dma_start3A_634 = arith.constant 0 : i32
      %dma_start3A_635 = tpu.memref_slice %arg8[%dma_start3A_632, %dma_start3A_633, %dma_start3A_634] : memref<8x625x16xf32, #tpu.memory_space<vmem>> -> memref<1x625x16xf32, #tpu.memory_space<vmem>>
      %dma_start3A_636 = tpu.memref_squeeze %dma_start3A_635 : memref<1x625x16xf32, #tpu.memory_space<vmem>> -> memref<625x16xf32, #tpu.memory_space<vmem>>
      %dma_start3A_637 = arith.constant 0 : i32
      %dma_start3A_638 = tpu.memref_slice %arg7[%add3A_631, %dma_start3A_637] : memref<16x625xi32, #tpu.memory_space<vmem>> -> memref<1x625xi32, #tpu.memory_space<vmem>>
      %dma_start3A_639 = tpu.memref_squeeze %dma_start3A_638 : memref<1x625xi32, #tpu.memory_space<vmem>> -> memref<625xi32, #tpu.memory_space<vmem>>
      %dma_start3A_640 = arith.constant 0 : i32
      %dma_start3A_641 = arith.constant 0 : i32
      %dma_start3A_642 = tpu.memref_slice %arg12[%dma_start3A_640, %dma_start3A_641] : memref<10240x16xf32, #tpu.memory_space<vmem_shared>> -> memref<10240x16xf32, #tpu.memory_space<vmem_shared>>
      tpu.enqueue_indirect_dma source(%dma_start3A_636 : memref<625x16xf32, #tpu.memory_space<vmem>>) target(%dma_start3A_642 : memref<10240x16xf32, #tpu.memory_space<vmem_shared>>) offsets(%dma_start3A_639 : memref<625xi32, #tpu.memory_space<vmem>>) semaphore(%arg11 : memref<!tpu.dma_semaphore, #tpu.memory_space<semaphore_mem>>) {add = true}
      %dma_wait3A_643 = arith.constant 4 : i32
      %dma_wait3A_644 = arith.constant 0 : i32
      %dma_wait3A_645 = arith.constant 0 : i32
      %dma_wait3A_646 = tpu.memref_slice %arg8[%dma_wait3A_643, %dma_wait3A_644, %dma_wait3A_645] : memref<8x625x16xf32, #tpu.memory_space<vmem>> -> memref<1x625x16xf32, #tpu.memory_space<vmem>>
      %dma_wait3A_647 = tpu.memref_squeeze %dma_wait3A_646 : memref<1x625x16xf32, #tpu.memory_space<vmem>> -> memref<625x16xf32, #tpu.memory_space<vmem>>
      %dma_wait3A_648 = arith.constant 0 : i32
      %dma_wait3A_649 = tpu.memref_slice %arg6[%add3A_497, %dma_wait3A_648] : memref<16x625xi32, #tpu.memory_space<vmem>> -> memref<1x625xi32, #tpu.memory_space<vmem>>
      %dma_wait3A_650 = tpu.memref_squeeze %dma_wait3A_649 : memref<1x625xi32, #tpu.memory_space<vmem>> -> memref<625xi32, #tpu.memory_space<vmem>>
      %dma_wait3A_651 = arith.constant 0 : i32
      %dma_wait3A_652 = arith.constant 0 : i32
      %dma_wait3A_653 = tpu.memref_slice %arg2[%dma_wait3A_651, %dma_wait3A_652] : memref<10240x16xf32, #tpu.memory_space<hbm>> -> memref<10240x16xf32, #tpu.memory_space<hbm>>
      tpu.wait_indirect_dma semaphore(%arg10 : memref<!tpu.dma_semaphore, #tpu.memory_space<semaphore_mem>>) src(%dma_wait3A_653 : memref<10240x16xf32, #tpu.memory_space<hbm>>) dst(%dma_wait3A_647 : memref<625x16xf32, #tpu.memory_space<vmem>>)
      %add3A_654 = arith.constant 4 : i32
      %add3A_655 = arith.addi %mul3A_444, %add3A_654 : i32
      %dma_start3A_656 = arith.constant 4 : i32
      %dma_start3A_657 = arith.constant 0 : i32
      %dma_start3A_658 = arith.constant 0 : i32
      %dma_start3A_659 = tpu.memref_slice %arg8[%dma_start3A_656, %dma_start3A_657, %dma_start3A_658] : memref<8x625x16xf32, #tpu.memory_space<vmem>> -> memref<1x625x16xf32, #tpu.memory_space<vmem>>
      %dma_start3A_660 = tpu.memref_squeeze %dma_start3A_659 : memref<1x625x16xf32, #tpu.memory_space<vmem>> -> memref<625x16xf32, #tpu.memory_space<vmem>>
      %dma_start3A_661 = arith.constant 0 : i32
      %dma_start3A_662 = tpu.memref_slice %arg7[%add3A_655, %dma_start3A_661] : memref<16x625xi32, #tpu.memory_space<vmem>> -> memref<1x625xi32, #tpu.memory_space<vmem>>
      %dma_start3A_663 = tpu.memref_squeeze %dma_start3A_662 : memref<1x625xi32, #tpu.memory_space<vmem>> -> memref<625xi32, #tpu.memory_space<vmem>>
      %dma_start3A_664 = arith.constant 0 : i32
      %dma_start3A_665 = arith.constant 0 : i32
      %dma_start3A_666 = tpu.memref_slice %arg12[%dma_start3A_664, %dma_start3A_665] : memref<10240x16xf32, #tpu.memory_space<vmem_shared>> -> memref<10240x16xf32, #tpu.memory_space<vmem_shared>>
      tpu.enqueue_indirect_dma source(%dma_start3A_660 : memref<625x16xf32, #tpu.memory_space<vmem>>) target(%dma_start3A_666 : memref<10240x16xf32, #tpu.memory_space<vmem_shared>>) offsets(%dma_start3A_663 : memref<625xi32, #tpu.memory_space<vmem>>) semaphore(%arg11 : memref<!tpu.dma_semaphore, #tpu.memory_space<semaphore_mem>>) {add = true}
      %dma_wait3A_667 = arith.constant 5 : i32
      %dma_wait3A_668 = arith.constant 0 : i32
      %dma_wait3A_669 = arith.constant 0 : i32
      %dma_wait3A_670 = tpu.memref_slice %arg8[%dma_wait3A_667, %dma_wait3A_668, %dma_wait3A_669] : memref<8x625x16xf32, #tpu.memory_space<vmem>> -> memref<1x625x16xf32, #tpu.memory_space<vmem>>
      %dma_wait3A_671 = tpu.memref_squeeze %dma_wait3A_670 : memref<1x625x16xf32, #tpu.memory_space<vmem>> -> memref<625x16xf32, #tpu.memory_space<vmem>>
      %dma_wait3A_672 = arith.constant 0 : i32
      %dma_wait3A_673 = tpu.memref_slice %arg6[%add3A_510, %dma_wait3A_672] : memref<16x625xi32, #tpu.memory_space<vmem>> -> memref<1x625xi32, #tpu.memory_space<vmem>>
      %dma_wait3A_674 = tpu.memref_squeeze %dma_wait3A_673 : memref<1x625xi32, #tpu.memory_space<vmem>> -> memref<625xi32, #tpu.memory_space<vmem>>
      %dma_wait3A_675 = arith.constant 0 : i32
      %dma_wait3A_676 = arith.constant 0 : i32
      %dma_wait3A_677 = tpu.memref_slice %arg2[%dma_wait3A_675, %dma_wait3A_676] : memref<10240x16xf32, #tpu.memory_space<hbm>> -> memref<10240x16xf32, #tpu.memory_space<hbm>>
      tpu.wait_indirect_dma semaphore(%arg10 : memref<!tpu.dma_semaphore, #tpu.memory_space<semaphore_mem>>) src(%dma_wait3A_677 : memref<10240x16xf32, #tpu.memory_space<hbm>>) dst(%dma_wait3A_671 : memref<625x16xf32, #tpu.memory_space<vmem>>)
      %add3A_678 = arith.constant 5 : i32
      %add3A_679 = arith.addi %mul3A_444, %add3A_678 : i32
      %dma_start3A_680 = arith.constant 5 : i32
      %dma_start3A_681 = arith.constant 0 : i32
      %dma_start3A_682 = arith.constant 0 : i32
      %dma_start3A_683 = tpu.memref_slice %arg8[%dma_start3A_680, %dma_start3A_681, %dma_start3A_682] : memref<8x625x16xf32, #tpu.memory_space<vmem>> -> memref<1x625x16xf32, #tpu.memory_space<vmem>>
      %dma_start3A_684 = tpu.memref_squeeze %dma_start3A_683 : memref<1x625x16xf32, #tpu.memory_space<vmem>> -> memref<625x16xf32, #tpu.memory_space<vmem>>
      %dma_start3A_685 = arith.constant 0 : i32
      %dma_start3A_686 = tpu.memref_slice %arg7[%add3A_679, %dma_start3A_685] : memref<16x625xi32, #tpu.memory_space<vmem>> -> memref<1x625xi32, #tpu.memory_space<vmem>>
      %dma_start3A_687 = tpu.memref_squeeze %dma_start3A_686 : memref<1x625xi32, #tpu.memory_space<vmem>> -> memref<625xi32, #tpu.memory_space<vmem>>
      %dma_start3A_688 = arith.constant 0 : i32
      %dma_start3A_689 = arith.constant 0 : i32
      %dma_start3A_690 = tpu.memref_slice %arg12[%dma_start3A_688, %dma_start3A_689] : memref<10240x16xf32, #tpu.memory_space<vmem_shared>> -> memref<10240x16xf32, #tpu.memory_space<vmem_shared>>
      tpu.enqueue_indirect_dma source(%dma_start3A_684 : memref<625x16xf32, #tpu.memory_space<vmem>>) target(%dma_start3A_690 : memref<10240x16xf32, #tpu.memory_space<vmem_shared>>) offsets(%dma_start3A_687 : memref<625xi32, #tpu.memory_space<vmem>>) semaphore(%arg11 : memref<!tpu.dma_semaphore, #tpu.memory_space<semaphore_mem>>) {add = true}
      %dma_wait3A_691 = arith.constant 6 : i32
      %dma_wait3A_692 = arith.constant 0 : i32
      %dma_wait3A_693 = arith.constant 0 : i32
      %dma_wait3A_694 = tpu.memref_slice %arg8[%dma_wait3A_691, %dma_wait3A_692, %dma_wait3A_693] : memref<8x625x16xf32, #tpu.memory_space<vmem>> -> memref<1x625x16xf32, #tpu.memory_space<vmem>>
      %dma_wait3A_695 = tpu.memref_squeeze %dma_wait3A_694 : memref<1x625x16xf32, #tpu.memory_space<vmem>> -> memref<625x16xf32, #tpu.memory_space<vmem>>
      %dma_wait3A_696 = arith.constant 0 : i32
      %dma_wait3A_697 = tpu.memref_slice %arg6[%add3A_523, %dma_wait3A_696] : memref<16x625xi32, #tpu.memory_space<vmem>> -> memref<1x625xi32, #tpu.memory_space<vmem>>
      %dma_wait3A_698 = tpu.memref_squeeze %dma_wait3A_697 : memref<1x625xi32, #tpu.memory_space<vmem>> -> memref<625xi32, #tpu.memory_space<vmem>>
      %dma_wait3A_699 = arith.constant 0 : i32
      %dma_wait3A_700 = arith.constant 0 : i32
      %dma_wait3A_701 = tpu.memref_slice %arg2[%dma_wait3A_699, %dma_wait3A_700] : memref<10240x16xf32, #tpu.memory_space<hbm>> -> memref<10240x16xf32, #tpu.memory_space<hbm>>
      tpu.wait_indirect_dma semaphore(%arg10 : memref<!tpu.dma_semaphore, #tpu.memory_space<semaphore_mem>>) src(%dma_wait3A_701 : memref<10240x16xf32, #tpu.memory_space<hbm>>) dst(%dma_wait3A_695 : memref<625x16xf32, #tpu.memory_space<vmem>>)
      %add3A_702 = arith.constant 6 : i32
      %add3A_703 = arith.addi %mul3A_444, %add3A_702 : i32
      %dma_start3A_704 = arith.constant 6 : i32
      %dma_start3A_705 = arith.constant 0 : i32
      %dma_start3A_706 = arith.constant 0 : i32
      %dma_start3A_707 = tpu.memref_slice %arg8[%dma_start3A_704, %dma_start3A_705, %dma_start3A_706] : memref<8x625x16xf32, #tpu.memory_space<vmem>> -> memref<1x625x16xf32, #tpu.memory_space<vmem>>
      %dma_start3A_708 = tpu.memref_squeeze %dma_start3A_707 : memref<1x625x16xf32, #tpu.memory_space<vmem>> -> memref<625x16xf32, #tpu.memory_space<vmem>>
      %dma_start3A_709 = arith.constant 0 : i32
      %dma_start3A_710 = tpu.memref_slice %arg7[%add3A_703, %dma_start3A_709] : memref<16x625xi32, #tpu.memory_space<vmem>> -> memref<1x625xi32, #tpu.memory_space<vmem>>
      %dma_start3A_711 = tpu.memref_squeeze %dma_start3A_710 : memref<1x625xi32, #tpu.memory_space<vmem>> -> memref<625xi32, #tpu.memory_space<vmem>>
      %dma_start3A_712 = arith.constant 0 : i32
      %dma_start3A_713 = arith.constant 0 : i32
      %dma_start3A_714 = tpu.memref_slice %arg12[%dma_start3A_712, %dma_start3A_713] : memref<10240x16xf32, #tpu.memory_space<vmem_shared>> -> memref<10240x16xf32, #tpu.memory_space<vmem_shared>>
      tpu.enqueue_indirect_dma source(%dma_start3A_708 : memref<625x16xf32, #tpu.memory_space<vmem>>) target(%dma_start3A_714 : memref<10240x16xf32, #tpu.memory_space<vmem_shared>>) offsets(%dma_start3A_711 : memref<625xi32, #tpu.memory_space<vmem>>) semaphore(%arg11 : memref<!tpu.dma_semaphore, #tpu.memory_space<semaphore_mem>>) {add = true}
      %dma_wait3A_715 = arith.constant 7 : i32
      %dma_wait3A_716 = arith.constant 0 : i32
      %dma_wait3A_717 = arith.constant 0 : i32
      %dma_wait3A_718 = tpu.memref_slice %arg8[%dma_wait3A_715, %dma_wait3A_716, %dma_wait3A_717] : memref<8x625x16xf32, #tpu.memory_space<vmem>> -> memref<1x625x16xf32, #tpu.memory_space<vmem>>
      %dma_wait3A_719 = tpu.memref_squeeze %dma_wait3A_718 : memref<1x625x16xf32, #tpu.memory_space<vmem>> -> memref<625x16xf32, #tpu.memory_space<vmem>>
      %dma_wait3A_720 = arith.constant 0 : i32
      %dma_wait3A_721 = tpu.memref_slice %arg6[%add3A_536, %dma_wait3A_720] : memref<16x625xi32, #tpu.memory_space<vmem>> -> memref<1x625xi32, #tpu.memory_space<vmem>>
      %dma_wait3A_722 = tpu.memref_squeeze %dma_wait3A_721 : memref<1x625xi32, #tpu.memory_space<vmem>> -> memref<625xi32, #tpu.memory_space<vmem>>
      %dma_wait3A_723 = arith.constant 0 : i32
      %dma_wait3A_724 = arith.constant 0 : i32
      %dma_wait3A_725 = tpu.memref_slice %arg2[%dma_wait3A_723, %dma_wait3A_724] : memref<10240x16xf32, #tpu.memory_space<hbm>> -> memref<10240x16xf32, #tpu.memory_space<hbm>>
      tpu.wait_indirect_dma semaphore(%arg10 : memref<!tpu.dma_semaphore, #tpu.memory_space<semaphore_mem>>) src(%dma_wait3A_725 : memref<10240x16xf32, #tpu.memory_space<hbm>>) dst(%dma_wait3A_719 : memref<625x16xf32, #tpu.memory_space<vmem>>)
      %add3A_726 = arith.constant 7 : i32
      %add3A_727 = arith.addi %mul3A_444, %add3A_726 : i32
      %dma_start3A_728 = arith.constant 7 : i32
      %dma_start3A_729 = arith.constant 0 : i32
      %dma_start3A_730 = arith.constant 0 : i32
      %dma_start3A_731 = tpu.memref_slice %arg8[%dma_start3A_728, %dma_start3A_729, %dma_start3A_730] : memref<8x625x16xf32, #tpu.memory_space<vmem>> -> memref<1x625x16xf32, #tpu.memory_space<vmem>>
      %dma_start3A_732 = tpu.memref_squeeze %dma_start3A_731 : memref<1x625x16xf32, #tpu.memory_space<vmem>> -> memref<625x16xf32, #tpu.memory_space<vmem>>
      %dma_start3A_733 = arith.constant 0 : i32
      %dma_start3A_734 = tpu.memref_slice %arg7[%add3A_727, %dma_start3A_733] : memref<16x625xi32, #tpu.memory_space<vmem>> -> memref<1x625xi32, #tpu.memory_space<vmem>>
      %dma_start3A_735 = tpu.memref_squeeze %dma_start3A_734 : memref<1x625xi32, #tpu.memory_space<vmem>> -> memref<625xi32, #tpu.memory_space<vmem>>
      %dma_start3A_736 = arith.constant 0 : i32
      %dma_start3A_737 = arith.constant 0 : i32
      %dma_start3A_738 = tpu.memref_slice %arg12[%dma_start3A_736, %dma_start3A_737] : memref<10240x16xf32, #tpu.memory_space<vmem_shared>> -> memref<10240x16xf32, #tpu.memory_space<vmem_shared>>
      tpu.enqueue_indirect_dma source(%dma_start3A_732 : memref<625x16xf32, #tpu.memory_space<vmem>>) target(%dma_start3A_738 : memref<10240x16xf32, #tpu.memory_space<vmem_shared>>) offsets(%dma_start3A_735 : memref<625xi32, #tpu.memory_space<vmem>>) semaphore(%arg11 : memref<!tpu.dma_semaphore, #tpu.memory_space<semaphore_mem>>) {add = true}
      %dma_wait3A_739 = arith.constant 0 : i32
      %dma_wait3A_740 = arith.constant 0 : i32
      %dma_wait3A_741 = arith.constant 0 : i32
      %dma_wait3A_742 = tpu.memref_slice %arg8[%dma_wait3A_739, %dma_wait3A_740, %dma_wait3A_741] : memref<8x625x16xf32, #tpu.memory_space<vmem>> -> memref<1x625x16xf32, #tpu.memory_space<vmem>>
      %dma_wait3A_743 = tpu.memref_squeeze %dma_wait3A_742 : memref<1x625x16xf32, #tpu.memory_space<vmem>> -> memref<625x16xf32, #tpu.memory_space<vmem>>
      %dma_wait3A_744 = arith.constant 0 : i32
      %dma_wait3A_745 = tpu.memref_slice %arg7[%add3A_559, %dma_wait3A_744] : memref<16x625xi32, #tpu.memory_space<vmem>> -> memref<1x625xi32, #tpu.memory_space<vmem>>
      %dma_wait3A_746 = tpu.memref_squeeze %dma_wait3A_745 : memref<1x625xi32, #tpu.memory_space<vmem>> -> memref<625xi32, #tpu.memory_space<vmem>>
      %dma_wait3A_747 = arith.constant 0 : i32
      %dma_wait3A_748 = arith.constant 0 : i32
      %dma_wait3A_749 = tpu.memref_slice %arg12[%dma_wait3A_747, %dma_wait3A_748] : memref<10240x16xf32, #tpu.memory_space<vmem_shared>> -> memref<10240x16xf32, #tpu.memory_space<vmem_shared>>
      tpu.wait_indirect_dma semaphore(%arg11 : memref<!tpu.dma_semaphore, #tpu.memory_space<semaphore_mem>>) src(%dma_wait3A_743 : memref<625x16xf32, #tpu.memory_space<vmem>>) dst(%dma_wait3A_749 : memref<10240x16xf32, #tpu.memory_space<vmem_shared>>)
      %dma_wait3A_750 = arith.constant 1 : i32
      %dma_wait3A_751 = arith.constant 0 : i32
      %dma_wait3A_752 = arith.constant 0 : i32
      %dma_wait3A_753 = tpu.memref_slice %arg8[%dma_wait3A_750, %dma_wait3A_751, %dma_wait3A_752] : memref<8x625x16xf32, #tpu.memory_space<vmem>> -> memref<1x625x16xf32, #tpu.memory_space<vmem>>
      %dma_wait3A_754 = tpu.memref_squeeze %dma_wait3A_753 : memref<1x625x16xf32, #tpu.memory_space<vmem>> -> memref<625x16xf32, #tpu.memory_space<vmem>>
      %dma_wait3A_755 = arith.constant 0 : i32
      %dma_wait3A_756 = tpu.memref_slice %arg7[%add3A_583, %dma_wait3A_755] : memref<16x625xi32, #tpu.memory_space<vmem>> -> memref<1x625xi32, #tpu.memory_space<vmem>>
      %dma_wait3A_757 = tpu.memref_squeeze %dma_wait3A_756 : memref<1x625xi32, #tpu.memory_space<vmem>> -> memref<625xi32, #tpu.memory_space<vmem>>
      %dma_wait3A_758 = arith.constant 0 : i32
      %dma_wait3A_759 = arith.constant 0 : i32
      %dma_wait3A_760 = tpu.memref_slice %arg12[%dma_wait3A_758, %dma_wait3A_759] : memref<10240x16xf32, #tpu.memory_space<vmem_shared>> -> memref<10240x16xf32, #tpu.memory_space<vmem_shared>>
      tpu.wait_indirect_dma semaphore(%arg11 : memref<!tpu.dma_semaphore, #tpu.memory_space<semaphore_mem>>) src(%dma_wait3A_754 : memref<625x16xf32, #tpu.memory_space<vmem>>) dst(%dma_wait3A_760 : memref<10240x16xf32, #tpu.memory_space<vmem_shared>>)
      %dma_wait3A_761 = arith.constant 2 : i32
      %dma_wait3A_762 = arith.constant 0 : i32
      %dma_wait3A_763 = arith.constant 0 : i32
      %dma_wait3A_764 = tpu.memref_slice %arg8[%dma_wait3A_761, %dma_wait3A_762, %dma_wait3A_763] : memref<8x625x16xf32, #tpu.memory_space<vmem>> -> memref<1x625x16xf32, #tpu.memory_space<vmem>>
      %dma_wait3A_765 = tpu.memref_squeeze %dma_wait3A_764 : memref<1x625x16xf32, #tpu.memory_space<vmem>> -> memref<625x16xf32, #tpu.memory_space<vmem>>
      %dma_wait3A_766 = arith.constant 0 : i32
      %dma_wait3A_767 = tpu.memref_slice %arg7[%add3A_607, %dma_wait3A_766] : memref<16x625xi32, #tpu.memory_space<vmem>> -> memref<1x625xi32, #tpu.memory_space<vmem>>
      %dma_wait3A_768 = tpu.memref_squeeze %dma_wait3A_767 : memref<1x625xi32, #tpu.memory_space<vmem>> -> memref<625xi32, #tpu.memory_space<vmem>>
      %dma_wait3A_769 = arith.constant 0 : i32
      %dma_wait3A_770 = arith.constant 0 : i32
      %dma_wait3A_771 = tpu.memref_slice %arg12[%dma_wait3A_769, %dma_wait3A_770] : memref<10240x16xf32, #tpu.memory_space<vmem_shared>> -> memref<10240x16xf32, #tpu.memory_space<vmem_shared>>
      tpu.wait_indirect_dma semaphore(%arg11 : memref<!tpu.dma_semaphore, #tpu.memory_space<semaphore_mem>>) src(%dma_wait3A_765 : memref<625x16xf32, #tpu.memory_space<vmem>>) dst(%dma_wait3A_771 : memref<10240x16xf32, #tpu.memory_space<vmem_shared>>)
      %dma_wait3A_772 = arith.constant 3 : i32
      %dma_wait3A_773 = arith.constant 0 : i32
      %dma_wait3A_774 = arith.constant 0 : i32
      %dma_wait3A_775 = tpu.memref_slice %arg8[%dma_wait3A_772, %dma_wait3A_773, %dma_wait3A_774] : memref<8x625x16xf32, #tpu.memory_space<vmem>> -> memref<1x625x16xf32, #tpu.memory_space<vmem>>
      %dma_wait3A_776 = tpu.memref_squeeze %dma_wait3A_775 : memref<1x625x16xf32, #tpu.memory_space<vmem>> -> memref<625x16xf32, #tpu.memory_space<vmem>>
      %dma_wait3A_777 = arith.constant 0 : i32
      %dma_wait3A_778 = tpu.memref_slice %arg7[%add3A_631, %dma_wait3A_777] : memref<16x625xi32, #tpu.memory_space<vmem>> -> memref<1x625xi32, #tpu.memory_space<vmem>>
      %dma_wait3A_779 = tpu.memref_squeeze %dma_wait3A_778 : memref<1x625xi32, #tpu.memory_space<vmem>> -> memref<625xi32, #tpu.memory_space<vmem>>
      %dma_wait3A_780 = arith.constant 0 : i32
      %dma_wait3A_781 = arith.constant 0 : i32
      %dma_wait3A_782 = tpu.memref_slice %arg12[%dma_wait3A_780, %dma_wait3A_781] : memref<10240x16xf32, #tpu.memory_space<vmem_shared>> -> memref<10240x16xf32, #tpu.memory_space<vmem_shared>>
      tpu.wait_indirect_dma semaphore(%arg11 : memref<!tpu.dma_semaphore, #tpu.memory_space<semaphore_mem>>) src(%dma_wait3A_776 : memref<625x16xf32, #tpu.memory_space<vmem>>) dst(%dma_wait3A_782 : memref<10240x16xf32, #tpu.memory_space<vmem_shared>>)
      %dma_wait3A_783 = arith.constant 4 : i32
      %dma_wait3A_784 = arith.constant 0 : i32
      %dma_wait3A_785 = arith.constant 0 : i32
      %dma_wait3A_786 = tpu.memref_slice %arg8[%dma_wait3A_783, %dma_wait3A_784, %dma_wait3A_785] : memref<8x625x16xf32, #tpu.memory_space<vmem>> -> memref<1x625x16xf32, #tpu.memory_space<vmem>>
      %dma_wait3A_787 = tpu.memref_squeeze %dma_wait3A_786 : memref<1x625x16xf32, #tpu.memory_space<vmem>> -> memref<625x16xf32, #tpu.memory_space<vmem>>
      %dma_wait3A_788 = arith.constant 0 : i32
      %dma_wait3A_789 = tpu.memref_slice %arg7[%add3A_655, %dma_wait3A_788] : memref<16x625xi32, #tpu.memory_space<vmem>> -> memref<1x625xi32, #tpu.memory_space<vmem>>
      %dma_wait3A_790 = tpu.memref_squeeze %dma_wait3A_789 : memref<1x625xi32, #tpu.memory_space<vmem>> -> memref<625xi32, #tpu.memory_space<vmem>>
      %dma_wait3A_791 = arith.constant 0 : i32
      %dma_wait3A_792 = arith.constant 0 : i32
      %dma_wait3A_793 = tpu.memref_slice %arg12[%dma_wait3A_791, %dma_wait3A_792] : memref<10240x16xf32, #tpu.memory_space<vmem_shared>> -> memref<10240x16xf32, #tpu.memory_space<vmem_shared>>
      tpu.wait_indirect_dma semaphore(%arg11 : memref<!tpu.dma_semaphore, #tpu.memory_space<semaphore_mem>>) src(%dma_wait3A_787 : memref<625x16xf32, #tpu.memory_space<vmem>>) dst(%dma_wait3A_793 : memref<10240x16xf32, #tpu.memory_space<vmem_shared>>)
      %dma_wait3A_794 = arith.constant 5 : i32
      %dma_wait3A_795 = arith.constant 0 : i32
      %dma_wait3A_796 = arith.constant 0 : i32
      %dma_wait3A_797 = tpu.memref_slice %arg8[%dma_wait3A_794, %dma_wait3A_795, %dma_wait3A_796] : memref<8x625x16xf32, #tpu.memory_space<vmem>> -> memref<1x625x16xf32, #tpu.memory_space<vmem>>
      %dma_wait3A_798 = tpu.memref_squeeze %dma_wait3A_797 : memref<1x625x16xf32, #tpu.memory_space<vmem>> -> memref<625x16xf32, #tpu.memory_space<vmem>>
      %dma_wait3A_799 = arith.constant 0 : i32
      %dma_wait3A_800 = tpu.memref_slice %arg7[%add3A_679, %dma_wait3A_799] : memref<16x625xi32, #tpu.memory_space<vmem>> -> memref<1x625xi32, #tpu.memory_space<vmem>>
      %dma_wait3A_801 = tpu.memref_squeeze %dma_wait3A_800 : memref<1x625xi32, #tpu.memory_space<vmem>> -> memref<625xi32, #tpu.memory_space<vmem>>
      %dma_wait3A_802 = arith.constant 0 : i32
      %dma_wait3A_803 = arith.constant 0 : i32
      %dma_wait3A_804 = tpu.memref_slice %arg12[%dma_wait3A_802, %dma_wait3A_803] : memref<10240x16xf32, #tpu.memory_space<vmem_shared>> -> memref<10240x16xf32, #tpu.memory_space<vmem_shared>>
      tpu.wait_indirect_dma semaphore(%arg11 : memref<!tpu.dma_semaphore, #tpu.memory_space<semaphore_mem>>) src(%dma_wait3A_798 : memref<625x16xf32, #tpu.memory_space<vmem>>) dst(%dma_wait3A_804 : memref<10240x16xf32, #tpu.memory_space<vmem_shared>>)
      %dma_wait3A_805 = arith.constant 6 : i32
      %dma_wait3A_806 = arith.constant 0 : i32
      %dma_wait3A_807 = arith.constant 0 : i32
      %dma_wait3A_808 = tpu.memref_slice %arg8[%dma_wait3A_805, %dma_wait3A_806, %dma_wait3A_807] : memref<8x625x16xf32, #tpu.memory_space<vmem>> -> memref<1x625x16xf32, #tpu.memory_space<vmem>>
      %dma_wait3A_809 = tpu.memref_squeeze %dma_wait3A_808 : memref<1x625x16xf32, #tpu.memory_space<vmem>> -> memref<625x16xf32, #tpu.memory_space<vmem>>
      %dma_wait3A_810 = arith.constant 0 : i32
      %dma_wait3A_811 = tpu.memref_slice %arg7[%add3A_703, %dma_wait3A_810] : memref<16x625xi32, #tpu.memory_space<vmem>> -> memref<1x625xi32, #tpu.memory_space<vmem>>
      %dma_wait3A_812 = tpu.memref_squeeze %dma_wait3A_811 : memref<1x625xi32, #tpu.memory_space<vmem>> -> memref<625xi32, #tpu.memory_space<vmem>>
      %dma_wait3A_813 = arith.constant 0 : i32
      %dma_wait3A_814 = arith.constant 0 : i32
      %dma_wait3A_815 = tpu.memref_slice %arg12[%dma_wait3A_813, %dma_wait3A_814] : memref<10240x16xf32, #tpu.memory_space<vmem_shared>> -> memref<10240x16xf32, #tpu.memory_space<vmem_shared>>
      tpu.wait_indirect_dma semaphore(%arg11 : memref<!tpu.dma_semaphore, #tpu.memory_space<semaphore_mem>>) src(%dma_wait3A_809 : memref<625x16xf32, #tpu.memory_space<vmem>>) dst(%dma_wait3A_815 : memref<10240x16xf32, #tpu.memory_space<vmem_shared>>)
      %dma_wait3A_816 = arith.constant 7 : i32
      %dma_wait3A_817 = arith.constant 0 : i32
      %dma_wait3A_818 = arith.constant 0 : i32
      %dma_wait3A_819 = tpu.memref_slice %arg8[%dma_wait3A_816, %dma_wait3A_817, %dma_wait3A_818] : memref<8x625x16xf32, #tpu.memory_space<vmem>> -> memref<1x625x16xf32, #tpu.memory_space<vmem>>
      %dma_wait3A_820 = tpu.memref_squeeze %dma_wait3A_819 : memref<1x625x16xf32, #tpu.memory_space<vmem>> -> memref<625x16xf32, #tpu.memory_space<vmem>>
      %dma_wait3A_821 = arith.constant 0 : i32
      %dma_wait3A_822 = tpu.memref_slice %arg7[%add3A_727, %dma_wait3A_821] : memref<16x625xi32, #tpu.memory_space<vmem>> -> memref<1x625xi32, #tpu.memory_space<vmem>>
      %dma_wait3A_823 = tpu.memref_squeeze %dma_wait3A_822 : memref<1x625xi32, #tpu.memory_space<vmem>> -> memref<625xi32, #tpu.memory_space<vmem>>
      %dma_wait3A_824 = arith.constant 0 : i32
      %dma_wait3A_825 = arith.constant 0 : i32
      %dma_wait3A_826 = tpu.memref_slice %arg12[%dma_wait3A_824, %dma_wait3A_825] : memref<10240x16xf32, #tpu.memory_space<vmem_shared>> -> memref<10240x16xf32, #tpu.memory_space<vmem_shared>>
      tpu.wait_indirect_dma semaphore(%arg11 : memref<!tpu.dma_semaphore, #tpu.memory_space<semaphore_mem>>) src(%dma_wait3A_820 : memref<625x16xf32, #tpu.memory_space<vmem>>) dst(%dma_wait3A_826 : memref<10240x16xf32, #tpu.memory_space<vmem_shared>>)
    }
    %scan3A_433 = arith.constant 2 : i32
    %barrier3A_434 = arith.constant 0 : index
    tpu.barrier barrier_id(%barrier3A_434)
    %mul3A_435 = arith.constant 640 : i32
    %mul3A_436 = arith.muli %arg1, %mul3A_435 : i32
    %mul3A_437 = arith.constant 10240 : i32
    %mul3A_438 = arith.muli %arg0, %mul3A_437 : i32
    %mul3A_439 = arith.constant 640 : i32
    %mul3A_440 = arith.muli %arg1, %mul3A_439 : i32
    %add3A_441 = arith.addi %mul3A_438, %mul3A_440 : i32
    "tpu.region"() ({
      %run_scoped3A = tpu.sem_alloc : memref<!tpu.dma_semaphore, #tpu.memory_space<semaphore_mem>>
      %dma_start3A = arith.constant 0 : i32
      %dma_start3A_442 = tpu.memref_slice %arg5[%add3A_441, %dma_start3A] : memref<20480x16xf32, #tpu.memory_space<hbm>> -> memref<640x16xf32, #tpu.memory_space<hbm>>
      %dma_start3A_443 = arith.constant 0 : i32
      %dma_start3A_444 = tpu.memref_slice %arg12[%mul3A_436, %dma_start3A_443] : memref<10240x16xf32, #tpu.memory_space<vmem_shared>> -> memref<640x16xf32, #tpu.memory_space<vmem_shared>>
      tpu.enqueue_dma source(%dma_start3A_444 : memref<640x16xf32, #tpu.memory_space<vmem_shared>>) target(%dma_start3A_442 : memref<640x16xf32, #tpu.memory_space<hbm>>) target_semaphore(%run_scoped3A : memref<!tpu.dma_semaphore, #tpu.memory_space<semaphore_mem>>)
      %dma_wait3A = arith.constant 0 : i32
      %dma_wait3A_445 = tpu.memref_slice %arg5[%add3A_441, %dma_wait3A] : memref<20480x16xf32, #tpu.memory_space<hbm>> -> memref<640x16xf32, #tpu.memory_space<hbm>>
      %dma_wait3A_446 = arith.constant 0 : i32
      %dma_wait3A_447 = tpu.memref_slice %arg12[%mul3A_436, %dma_wait3A_446] : memref<10240x16xf32, #tpu.memory_space<vmem_shared>> -> memref<640x16xf32, #tpu.memory_space<vmem_shared>>
      tpu.wait_dma2 semaphore(%run_scoped3A : memref<!tpu.dma_semaphore, #tpu.memory_space<semaphore_mem>>) src(%dma_wait3A_447 : memref<640x16xf32, #tpu.memory_space<vmem_shared>>) dst(%dma_wait3A_445 : memref<640x16xf32, #tpu.memory_space<hbm>>)
      tpu.yield
    }) : () -> ()
    return
  }
}

#map = affine_map<(d0, d1) -> (0, 0)>
module attributes {stable_mosaic.version = 14 : i64} {
  func.func @_rowsum(%arg0: i32, %arg1: i32, %arg2: memref<10240x64xf32, #tpu.memory_space<hbm>>, %arg3: memref<1280x250xi32, #tpu.memory_space<hbm>>, %arg4: memref<1280x250xi32, #tpu.memory_space<hbm>>, %arg5: memref<20480x64xf32, #tpu.memory_space<hbm>>, %arg6: memref<40x250xi32, #tpu.memory_space<vmem>>, %arg7: memref<40x250xi32, #tpu.memory_space<vmem>>, %arg8: memref<4x250x64xf32, #tpu.memory_space<vmem>>, %arg9: memref<64x64xf32, #tpu.memory_space<vmem>>, %arg10: memref<!tpu.dma_semaphore, #tpu.memory_space<semaphore_mem>>, %arg11: memref<!tpu.dma_semaphore, #tpu.memory_space<semaphore_mem>>, %arg12: memref<10240x64xf32, #tpu.memory_space<vmem_shared>>) attributes {dimension_semantics = [#tpu.dimension_semantics<core_parallel>, #tpu.dimension_semantics<subcore_parallel>], iteration_bounds = array<i64: 2, 16>, scalar_prefetch = 0 : i64, scratch_operands = 7 : i64, tpu.core_type = #tpu.core_type<sc_vector_subcore>, window_params = [{transform_indices = #map}, {transform_indices = #map}, {transform_indices = #map}, {transform_indices = #map}]} {
    %mul3A = arith.constant 2 : i32
    %mul3A_0 = arith.muli %arg1, %mul3A : i32
    %add3A = arith.addi %mul3A_0, %arg0 : i32
    %broadcast_in_dim3A = arith.constant 0.000000e+00 : f32
    %broadcast_in_dim3A_1 = vector.broadcast %broadcast_in_dim3A : f32 to vector<16xf32>
    %swap3A = arith.constant 0 : i32
    %swap3A_2 = arith.index_cast %swap3A : i32 to index
    %swap3A_3 = arith.constant 0 : index
    %swap3A_4 = tpu.vector_load %arg9[%swap3A_2, %swap3A_3] {strides = array<i32>} : memref<64x64xf32, #tpu.memory_space<vmem>>, vector<1x16xf32>,
    %swap3A_5 = vector.shape_cast %swap3A_4 : vector<1x16xf32> to vector<16xf32>
    %swap3A_6 = vector.shape_cast %broadcast_in_dim3A_1 : vector<16xf32> to vector<1x16xf32>
    tpu.vector_store %arg9[%swap3A_2, %swap3A_3], %swap3A_6 {strides = array<i32>} : memref<64x64xf32, #tpu.memory_space<vmem>>, vector<1x16xf32>,
    %swap3A_7 = arith.constant 0 : i32
    %swap3A_8 = arith.index_cast %swap3A_7 : i32 to index
    %swap3A_9 = arith.constant 16 : index
    %swap3A_10 = tpu.vector_load %arg9[%swap3A_8, %swap3A_9] {strides = array<i32>} : memref<64x64xf32, #tpu.memory_space<vmem>>, vector<1x16xf32>,
    %swap3A_11 = vector.shape_cast %swap3A_10 : vector<1x16xf32> to vector<16xf32>
    %swap3A_12 = vector.shape_cast %broadcast_in_dim3A_1 : vector<16xf32> to vector<1x16xf32>
    tpu.vector_store %arg9[%swap3A_8, %swap3A_9], %swap3A_12 {strides = array<i32>} : memref<64x64xf32, #tpu.memory_space<vmem>>, vector<1x16xf32>,
    %swap3A_13 = arith.constant 0 : i32
    %swap3A_14 = arith.index_cast %swap3A_13 : i32 to index
    %swap3A_15 = arith.constant 32 : index
    %swap3A_16 = tpu.vector_load %arg9[%swap3A_14, %swap3A_15] {strides = array<i32>} : memref<64x64xf32, #tpu.memory_space<vmem>>, vector<1x16xf32>,
    %swap3A_17 = vector.shape_cast %swap3A_16 : vector<1x16xf32> to vector<16xf32>
    %swap3A_18 = vector.shape_cast %broadcast_in_dim3A_1 : vector<16xf32> to vector<1x16xf32>
    tpu.vector_store %arg9[%swap3A_14, %swap3A_15], %swap3A_18 {strides = array<i32>} : memref<64x64xf32, #tpu.memory_space<vmem>>, vector<1x16xf32>,
    %swap3A_19 = arith.constant 0 : i32
    %swap3A_20 = arith.index_cast %swap3A_19 : i32 to index
    %swap3A_21 = arith.constant 48 : index
    %swap3A_22 = tpu.vector_load %arg9[%swap3A_20, %swap3A_21] {strides = array<i32>} : memref<64x64xf32, #tpu.memory_space<vmem>>, vector<1x16xf32>,
    %swap3A_23 = vector.shape_cast %swap3A_22 : vector<1x16xf32> to vector<16xf32>
    %swap3A_24 = vector.shape_cast %broadcast_in_dim3A_1 : vector<16xf32> to vector<1x16xf32>
    tpu.vector_store %arg9[%swap3A_20, %swap3A_21], %swap3A_24 {strides = array<i32>} : memref<64x64xf32, #tpu.memory_space<vmem>>, vector<1x16xf32>,
    %swap3A_25 = arith.constant 1 : i32
    %swap3A_26 = arith.index_cast %swap3A_25 : i32 to index
    %swap3A_27 = arith.constant 0 : index
    %swap3A_28 = tpu.vector_load %arg9[%swap3A_26, %swap3A_27] {strides = array<i32>} : memref<64x64xf32, #tpu.memory_space<vmem>>, vector<1x16xf32>,
    %swap3A_29 = vector.shape_cast %swap3A_28 : vector<1x16xf32> to vector<16xf32>
    %swap3A_30 = vector.shape_cast %broadcast_in_dim3A_1 : vector<16xf32> to vector<1x16xf32>
    tpu.vector_store %arg9[%swap3A_26, %swap3A_27], %swap3A_30 {strides = array<i32>} : memref<64x64xf32, #tpu.memory_space<vmem>>, vector<1x16xf32>,
    %swap3A_31 = arith.constant 1 : i32
    %swap3A_32 = arith.index_cast %swap3A_31 : i32 to index
    %swap3A_33 = arith.constant 16 : index
    %swap3A_34 = tpu.vector_load %arg9[%swap3A_32, %swap3A_33] {strides = array<i32>} : memref<64x64xf32, #tpu.memory_space<vmem>>, vector<1x16xf32>,
    %swap3A_35 = vector.shape_cast %swap3A_34 : vector<1x16xf32> to vector<16xf32>
    %swap3A_36 = vector.shape_cast %broadcast_in_dim3A_1 : vector<16xf32> to vector<1x16xf32>
    tpu.vector_store %arg9[%swap3A_32, %swap3A_33], %swap3A_36 {strides = array<i32>} : memref<64x64xf32, #tpu.memory_space<vmem>>, vector<1x16xf32>,
    %swap3A_37 = arith.constant 1 : i32
    %swap3A_38 = arith.index_cast %swap3A_37 : i32 to index
    %swap3A_39 = arith.constant 32 : index
    %swap3A_40 = tpu.vector_load %arg9[%swap3A_38, %swap3A_39] {strides = array<i32>} : memref<64x64xf32, #tpu.memory_space<vmem>>, vector<1x16xf32>,
    %swap3A_41 = vector.shape_cast %swap3A_40 : vector<1x16xf32> to vector<16xf32>
    %swap3A_42 = vector.shape_cast %broadcast_in_dim3A_1 : vector<16xf32> to vector<1x16xf32>
    tpu.vector_store %arg9[%swap3A_38, %swap3A_39], %swap3A_42 {strides = array<i32>} : memref<64x64xf32, #tpu.memory_space<vmem>>, vector<1x16xf32>,
    %swap3A_43 = arith.constant 1 : i32
    %swap3A_44 = arith.index_cast %swap3A_43 : i32 to index
    %swap3A_45 = arith.constant 48 : index
    %swap3A_46 = tpu.vector_load %arg9[%swap3A_44, %swap3A_45] {strides = array<i32>} : memref<64x64xf32, #tpu.memory_space<vmem>>, vector<1x16xf32>,
    %swap3A_47 = vector.shape_cast %swap3A_46 : vector<1x16xf32> to vector<16xf32>
    %swap3A_48 = vector.shape_cast %broadcast_in_dim3A_1 : vector<16xf32> to vector<1x16xf32>
    tpu.vector_store %arg9[%swap3A_44, %swap3A_45], %swap3A_48 {strides = array<i32>} : memref<64x64xf32, #tpu.memory_space<vmem>>, vector<1x16xf32>,
    %swap3A_49 = arith.constant 2 : i32
    %swap3A_50 = arith.index_cast %swap3A_49 : i32 to index
    %swap3A_51 = arith.constant 0 : index
    %swap3A_52 = tpu.vector_load %arg9[%swap3A_50, %swap3A_51] {strides = array<i32>} : memref<64x64xf32, #tpu.memory_space<vmem>>, vector<1x16xf32>,
    %swap3A_53 = vector.shape_cast %swap3A_52 : vector<1x16xf32> to vector<16xf32>
    %swap3A_54 = vector.shape_cast %broadcast_in_dim3A_1 : vector<16xf32> to vector<1x16xf32>
    tpu.vector_store %arg9[%swap3A_50, %swap3A_51], %swap3A_54 {strides = array<i32>} : memref<64x64xf32, #tpu.memory_space<vmem>>, vector<1x16xf32>,
    %swap3A_55 = arith.constant 2 : i32
    %swap3A_56 = arith.index_cast %swap3A_55 : i32 to index
    %swap3A_57 = arith.constant 16 : index
    %swap3A_58 = tpu.vector_load %arg9[%swap3A_56, %swap3A_57] {strides = array<i32>} : memref<64x64xf32, #tpu.memory_space<vmem>>, vector<1x16xf32>,
    %swap3A_59 = vector.shape_cast %swap3A_58 : vector<1x16xf32> to vector<16xf32>
    %swap3A_60 = vector.shape_cast %broadcast_in_dim3A_1 : vector<16xf32> to vector<1x16xf32>
    tpu.vector_store %arg9[%swap3A_56, %swap3A_57], %swap3A_60 {strides = array<i32>} : memref<64x64xf32, #tpu.memory_space<vmem>>, vector<1x16xf32>,
    %swap3A_61 = arith.constant 2 : i32
    %swap3A_62 = arith.index_cast %swap3A_61 : i32 to index
    %swap3A_63 = arith.constant 32 : index
    %swap3A_64 = tpu.vector_load %arg9[%swap3A_62, %swap3A_63] {strides = array<i32>} : memref<64x64xf32, #tpu.memory_space<vmem>>, vector<1x16xf32>,
    %swap3A_65 = vector.shape_cast %swap3A_64 : vector<1x16xf32> to vector<16xf32>
    %swap3A_66 = vector.shape_cast %broadcast_in_dim3A_1 : vector<16xf32> to vector<1x16xf32>
    tpu.vector_store %arg9[%swap3A_62, %swap3A_63], %swap3A_66 {strides = array<i32>} : memref<64x64xf32, #tpu.memory_space<vmem>>, vector<1x16xf32>,
    %swap3A_67 = arith.constant 2 : i32
    %swap3A_68 = arith.index_cast %swap3A_67 : i32 to index
    %swap3A_69 = arith.constant 48 : index
    %swap3A_70 = tpu.vector_load %arg9[%swap3A_68, %swap3A_69] {strides = array<i32>} : memref<64x64xf32, #tpu.memory_space<vmem>>, vector<1x16xf32>,
    %swap3A_71 = vector.shape_cast %swap3A_70 : vector<1x16xf32> to vector<16xf32>
    %swap3A_72 = vector.shape_cast %broadcast_in_dim3A_1 : vector<16xf32> to vector<1x16xf32>
    tpu.vector_store %arg9[%swap3A_68, %swap3A_69], %swap3A_72 {strides = array<i32>} : memref<64x64xf32, #tpu.memory_space<vmem>>, vector<1x16xf32>,
    %swap3A_73 = arith.constant 3 : i32
    %swap3A_74 = arith.index_cast %swap3A_73 : i32 to index
    %swap3A_75 = arith.constant 0 : index
    %swap3A_76 = tpu.vector_load %arg9[%swap3A_74, %swap3A_75] {strides = array<i32>} : memref<64x64xf32, #tpu.memory_space<vmem>>, vector<1x16xf32>,
    %swap3A_77 = vector.shape_cast %swap3A_76 : vector<1x16xf32> to vector<16xf32>
    %swap3A_78 = vector.shape_cast %broadcast_in_dim3A_1 : vector<16xf32> to vector<1x16xf32>
    tpu.vector_store %arg9[%swap3A_74, %swap3A_75], %swap3A_78 {strides = array<i32>} : memref<64x64xf32, #tpu.memory_space<vmem>>, vector<1x16xf32>,
    %swap3A_79 = arith.constant 3 : i32
    %swap3A_80 = arith.index_cast %swap3A_79 : i32 to index
    %swap3A_81 = arith.constant 16 : index
    %swap3A_82 = tpu.vector_load %arg9[%swap3A_80, %swap3A_81] {strides = array<i32>} : memref<64x64xf32, #tpu.memory_space<vmem>>, vector<1x16xf32>,
    %swap3A_83 = vector.shape_cast %swap3A_82 : vector<1x16xf32> to vector<16xf32>
    %swap3A_84 = vector.shape_cast %broadcast_in_dim3A_1 : vector<16xf32> to vector<1x16xf32>
    tpu.vector_store %arg9[%swap3A_80, %swap3A_81], %swap3A_84 {strides = array<i32>} : memref<64x64xf32, #tpu.memory_space<vmem>>, vector<1x16xf32>,
    %swap3A_85 = arith.constant 3 : i32
    %swap3A_86 = arith.index_cast %swap3A_85 : i32 to index
    %swap3A_87 = arith.constant 32 : index
    %swap3A_88 = tpu.vector_load %arg9[%swap3A_86, %swap3A_87] {strides = array<i32>} : memref<64x64xf32, #tpu.memory_space<vmem>>, vector<1x16xf32>,
    %swap3A_89 = vector.shape_cast %swap3A_88 : vector<1x16xf32> to vector<16xf32>
    %swap3A_90 = vector.shape_cast %broadcast_in_dim3A_1 : vector<16xf32> to vector<1x16xf32>
    tpu.vector_store %arg9[%swap3A_86, %swap3A_87], %swap3A_90 {strides = array<i32>} : memref<64x64xf32, #tpu.memory_space<vmem>>, vector<1x16xf32>,
    %swap3A_91 = arith.constant 3 : i32
    %swap3A_92 = arith.index_cast %swap3A_91 : i32 to index
    %swap3A_93 = arith.constant 48 : index
    %swap3A_94 = tpu.vector_load %arg9[%swap3A_92, %swap3A_93] {strides = array<i32>} : memref<64x64xf32, #tpu.memory_space<vmem>>, vector<1x16xf32>,
    %swap3A_95 = vector.shape_cast %swap3A_94 : vector<1x16xf32> to vector<16xf32>
    %swap3A_96 = vector.shape_cast %broadcast_in_dim3A_1 : vector<16xf32> to vector<1x16xf32>
    tpu.vector_store %arg9[%swap3A_92, %swap3A_93], %swap3A_96 {strides = array<i32>} : memref<64x64xf32, #tpu.memory_space<vmem>>, vector<1x16xf32>,
    %swap3A_97 = arith.constant 4 : i32
    %swap3A_98 = arith.index_cast %swap3A_97 : i32 to index
    %swap3A_99 = arith.constant 0 : index
    %swap3A_100 = tpu.vector_load %arg9[%swap3A_98, %swap3A_99] {strides = array<i32>} : memref<64x64xf32, #tpu.memory_space<vmem>>, vector<1x16xf32>,
    %swap3A_101 = vector.shape_cast %swap3A_100 : vector<1x16xf32> to vector<16xf32>
    %swap3A_102 = vector.shape_cast %broadcast_in_dim3A_1 : vector<16xf32> to vector<1x16xf32>
    tpu.vector_store %arg9[%swap3A_98, %swap3A_99], %swap3A_102 {strides = array<i32>} : memref<64x64xf32, #tpu.memory_space<vmem>>, vector<1x16xf32>,
    %swap3A_103 = arith.constant 4 : i32
    %swap3A_104 = arith.index_cast %swap3A_103 : i32 to index
    %swap3A_105 = arith.constant 16 : index
    %swap3A_106 = tpu.vector_load %arg9[%swap3A_104, %swap3A_105] {strides = array<i32>} : memref<64x64xf32, #tpu.memory_space<vmem>>, vector<1x16xf32>,
    %swap3A_107 = vector.shape_cast %swap3A_106 : vector<1x16xf32> to vector<16xf32>
    %swap3A_108 = vector.shape_cast %broadcast_in_dim3A_1 : vector<16xf32> to vector<1x16xf32>
    tpu.vector_store %arg9[%swap3A_104, %swap3A_105], %swap3A_108 {strides = array<i32>} : memref<64x64xf32, #tpu.memory_space<vmem>>, vector<1x16xf32>,
    %swap3A_109 = arith.constant 4 : i32
    %swap3A_110 = arith.index_cast %swap3A_109 : i32 to index
    %swap3A_111 = arith.constant 32 : index
    %swap3A_112 = tpu.vector_load %arg9[%swap3A_110, %swap3A_111] {strides = array<i32>} : memref<64x64xf32, #tpu.memory_space<vmem>>, vector<1x16xf32>,
    %swap3A_113 = vector.shape_cast %swap3A_112 : vector<1x16xf32> to vector<16xf32>
    %swap3A_114 = vector.shape_cast %broadcast_in_dim3A_1 : vector<16xf32> to vector<1x16xf32>
    tpu.vector_store %arg9[%swap3A_110, %swap3A_111], %swap3A_114 {strides = array<i32>} : memref<64x64xf32, #tpu.memory_space<vmem>>, vector<1x16xf32>,
    %swap3A_115 = arith.constant 4 : i32
    %swap3A_116 = arith.index_cast %swap3A_115 : i32 to index
    %swap3A_117 = arith.constant 48 : index
    %swap3A_118 = tpu.vector_load %arg9[%swap3A_116, %swap3A_117] {strides = array<i32>} : memref<64x64xf32, #tpu.memory_space<vmem>>, vector<1x16xf32>,
    %swap3A_119 = vector.shape_cast %swap3A_118 : vector<1x16xf32> to vector<16xf32>
    %swap3A_120 = vector.shape_cast %broadcast_in_dim3A_1 : vector<16xf32> to vector<1x16xf32>
    tpu.vector_store %arg9[%swap3A_116, %swap3A_117], %swap3A_120 {strides = array<i32>} : memref<64x64xf32, #tpu.memory_space<vmem>>, vector<1x16xf32>,
    %swap3A_121 = arith.constant 5 : i32
    %swap3A_122 = arith.index_cast %swap3A_121 : i32 to index
    %swap3A_123 = arith.constant 0 : index
    %swap3A_124 = tpu.vector_load %arg9[%swap3A_122, %swap3A_123] {strides = array<i32>} : memref<64x64xf32, #tpu.memory_space<vmem>>, vector<1x16xf32>,
    %swap3A_125 = vector.shape_cast %swap3A_124 : vector<1x16xf32> to vector<16xf32>
    %swap3A_126 = vector.shape_cast %broadcast_in_dim3A_1 : vector<16xf32> to vector<1x16xf32>
    tpu.vector_store %arg9[%swap3A_122, %swap3A_123], %swap3A_126 {strides = array<i32>} : memref<64x64xf32, #tpu.memory_space<vmem>>, vector<1x16xf32>,
    %swap3A_127 = arith.constant 5 : i32
    %swap3A_128 = arith.index_cast %swap3A_127 : i32 to index
    %swap3A_129 = arith.constant 16 : index
    %swap3A_130 = tpu.vector_load %arg9[%swap3A_128, %swap3A_129] {strides = array<i32>} : memref<64x64xf32, #tpu.memory_space<vmem>>, vector<1x16xf32>,
    %swap3A_131 = vector.shape_cast %swap3A_130 : vector<1x16xf32> to vector<16xf32>
    %swap3A_132 = vector.shape_cast %broadcast_in_dim3A_1 : vector<16xf32> to vector<1x16xf32>
    tpu.vector_store %arg9[%swap3A_128, %swap3A_129], %swap3A_132 {strides = array<i32>} : memref<64x64xf32, #tpu.memory_space<vmem>>, vector<1x16xf32>,
    %swap3A_133 = arith.constant 5 : i32
    %swap3A_134 = arith.index_cast %swap3A_133 : i32 to index
    %swap3A_135 = arith.constant 32 : index
    %swap3A_136 = tpu.vector_load %arg9[%swap3A_134, %swap3A_135] {strides = array<i32>} : memref<64x64xf32, #tpu.memory_space<vmem>>, vector<1x16xf32>,
    %swap3A_137 = vector.shape_cast %swap3A_136 : vector<1x16xf32> to vector<16xf32>
    %swap3A_138 = vector.shape_cast %broadcast_in_dim3A_1 : vector<16xf32> to vector<1x16xf32>
    tpu.vector_store %arg9[%swap3A_134, %swap3A_135], %swap3A_138 {strides = array<i32>} : memref<64x64xf32, #tpu.memory_space<vmem>>, vector<1x16xf32>,
    %swap3A_139 = arith.constant 5 : i32
    %swap3A_140 = arith.index_cast %swap3A_139 : i32 to index
    %swap3A_141 = arith.constant 48 : index
    %swap3A_142 = tpu.vector_load %arg9[%swap3A_140, %swap3A_141] {strides = array<i32>} : memref<64x64xf32, #tpu.memory_space<vmem>>, vector<1x16xf32>,
    %swap3A_143 = vector.shape_cast %swap3A_142 : vector<1x16xf32> to vector<16xf32>
    %swap3A_144 = vector.shape_cast %broadcast_in_dim3A_1 : vector<16xf32> to vector<1x16xf32>
    tpu.vector_store %arg9[%swap3A_140, %swap3A_141], %swap3A_144 {strides = array<i32>} : memref<64x64xf32, #tpu.memory_space<vmem>>, vector<1x16xf32>,
    %swap3A_145 = arith.constant 6 : i32
    %swap3A_146 = arith.index_cast %swap3A_145 : i32 to index
    %swap3A_147 = arith.constant 0 : index
    %swap3A_148 = tpu.vector_load %arg9[%swap3A_146, %swap3A_147] {strides = array<i32>} : memref<64x64xf32, #tpu.memory_space<vmem>>, vector<1x16xf32>,
    %swap3A_149 = vector.shape_cast %swap3A_148 : vector<1x16xf32> to vector<16xf32>
    %swap3A_150 = vector.shape_cast %broadcast_in_dim3A_1 : vector<16xf32> to vector<1x16xf32>
    tpu.vector_store %arg9[%swap3A_146, %swap3A_147], %swap3A_150 {strides = array<i32>} : memref<64x64xf32, #tpu.memory_space<vmem>>, vector<1x16xf32>,
    %swap3A_151 = arith.constant 6 : i32
    %swap3A_152 = arith.index_cast %swap3A_151 : i32 to index
    %swap3A_153 = arith.constant 16 : index
    %swap3A_154 = tpu.vector_load %arg9[%swap3A_152, %swap3A_153] {strides = array<i32>} : memref<64x64xf32, #tpu.memory_space<vmem>>, vector<1x16xf32>,
    %swap3A_155 = vector.shape_cast %swap3A_154 : vector<1x16xf32> to vector<16xf32>
    %swap3A_156 = vector.shape_cast %broadcast_in_dim3A_1 : vector<16xf32> to vector<1x16xf32>
    tpu.vector_store %arg9[%swap3A_152, %swap3A_153], %swap3A_156 {strides = array<i32>} : memref<64x64xf32, #tpu.memory_space<vmem>>, vector<1x16xf32>,
    %swap3A_157 = arith.constant 6 : i32
    %swap3A_158 = arith.index_cast %swap3A_157 : i32 to index
    %swap3A_159 = arith.constant 32 : index
    %swap3A_160 = tpu.vector_load %arg9[%swap3A_158, %swap3A_159] {strides = array<i32>} : memref<64x64xf32, #tpu.memory_space<vmem>>, vector<1x16xf32>,
    %swap3A_161 = vector.shape_cast %swap3A_160 : vector<1x16xf32> to vector<16xf32>
    %swap3A_162 = vector.shape_cast %broadcast_in_dim3A_1 : vector<16xf32> to vector<1x16xf32>
    tpu.vector_store %arg9[%swap3A_158, %swap3A_159], %swap3A_162 {strides = array<i32>} : memref<64x64xf32, #tpu.memory_space<vmem>>, vector<1x16xf32>,
    %swap3A_163 = arith.constant 6 : i32
    %swap3A_164 = arith.index_cast %swap3A_163 : i32 to index
    %swap3A_165 = arith.constant 48 : index
    %swap3A_166 = tpu.vector_load %arg9[%swap3A_164, %swap3A_165] {strides = array<i32>} : memref<64x64xf32, #tpu.memory_space<vmem>>, vector<1x16xf32>,
    %swap3A_167 = vector.shape_cast %swap3A_166 : vector<1x16xf32> to vector<16xf32>
    %swap3A_168 = vector.shape_cast %broadcast_in_dim3A_1 : vector<16xf32> to vector<1x16xf32>
    tpu.vector_store %arg9[%swap3A_164, %swap3A_165], %swap3A_168 {strides = array<i32>} : memref<64x64xf32, #tpu.memory_space<vmem>>, vector<1x16xf32>,
    %swap3A_169 = arith.constant 7 : i32
    %swap3A_170 = arith.index_cast %swap3A_169 : i32 to index
    %swap3A_171 = arith.constant 0 : index
    %swap3A_172 = tpu.vector_load %arg9[%swap3A_170, %swap3A_171] {strides = array<i32>} : memref<64x64xf32, #tpu.memory_space<vmem>>, vector<1x16xf32>,
    %swap3A_173 = vector.shape_cast %swap3A_172 : vector<1x16xf32> to vector<16xf32>
    %swap3A_174 = vector.shape_cast %broadcast_in_dim3A_1 : vector<16xf32> to vector<1x16xf32>
    tpu.vector_store %arg9[%swap3A_170, %swap3A_171], %swap3A_174 {strides = array<i32>} : memref<64x64xf32, #tpu.memory_space<vmem>>, vector<1x16xf32>,
    %swap3A_175 = arith.constant 7 : i32
    %swap3A_176 = arith.index_cast %swap3A_175 : i32 to index
    %swap3A_177 = arith.constant 16 : index
    %swap3A_178 = tpu.vector_load %arg9[%swap3A_176, %swap3A_177] {strides = array<i32>} : memref<64x64xf32, #tpu.memory_space<vmem>>, vector<1x16xf32>,
    %swap3A_179 = vector.shape_cast %swap3A_178 : vector<1x16xf32> to vector<16xf32>
    %swap3A_180 = vector.shape_cast %broadcast_in_dim3A_1 : vector<16xf32> to vector<1x16xf32>
    tpu.vector_store %arg9[%swap3A_176, %swap3A_177], %swap3A_180 {strides = array<i32>} : memref<64x64xf32, #tpu.memory_space<vmem>>, vector<1x16xf32>,
    %swap3A_181 = arith.constant 7 : i32
    %swap3A_182 = arith.index_cast %swap3A_181 : i32 to index
    %swap3A_183 = arith.constant 32 : index
    %swap3A_184 = tpu.vector_load %arg9[%swap3A_182, %swap3A_183] {strides = array<i32>} : memref<64x64xf32, #tpu.memory_space<vmem>>, vector<1x16xf32>,
    %swap3A_185 = vector.shape_cast %swap3A_184 : vector<1x16xf32> to vector<16xf32>
    %swap3A_186 = vector.shape_cast %broadcast_in_dim3A_1 : vector<16xf32> to vector<1x16xf32>
    tpu.vector_store %arg9[%swap3A_182, %swap3A_183], %swap3A_186 {strides = array<i32>} : memref<64x64xf32, #tpu.memory_space<vmem>>, vector<1x16xf32>,
    %swap3A_187 = arith.constant 7 : i32
    %swap3A_188 = arith.index_cast %swap3A_187 : i32 to index
    %swap3A_189 = arith.constant 48 : index
    %swap3A_190 = tpu.vector_load %arg9[%swap3A_188, %swap3A_189] {strides = array<i32>} : memref<64x64xf32, #tpu.memory_space<vmem>>, vector<1x16xf32>,
    %swap3A_191 = vector.shape_cast %swap3A_190 : vector<1x16xf32> to vector<16xf32>
    %swap3A_192 = vector.shape_cast %broadcast_in_dim3A_1 : vector<16xf32> to vector<1x16xf32>
    tpu.vector_store %arg9[%swap3A_188, %swap3A_189], %swap3A_192 {strides = array<i32>} : memref<64x64xf32, #tpu.memory_space<vmem>>, vector<1x16xf32>,
    %swap3A_193 = arith.constant 8 : i32
    %swap3A_194 = arith.index_cast %swap3A_193 : i32 to index
    %swap3A_195 = arith.constant 0 : index
    %swap3A_196 = tpu.vector_load %arg9[%swap3A_194, %swap3A_195] {strides = array<i32>} : memref<64x64xf32, #tpu.memory_space<vmem>>, vector<1x16xf32>,
    %swap3A_197 = vector.shape_cast %swap3A_196 : vector<1x16xf32> to vector<16xf32>
    %swap3A_198 = vector.shape_cast %broadcast_in_dim3A_1 : vector<16xf32> to vector<1x16xf32>
    tpu.vector_store %arg9[%swap3A_194, %swap3A_195], %swap3A_198 {strides = array<i32>} : memref<64x64xf32, #tpu.memory_space<vmem>>, vector<1x16xf32>,
    %swap3A_199 = arith.constant 8 : i32
    %swap3A_200 = arith.index_cast %swap3A_199 : i32 to index
    %swap3A_201 = arith.constant 16 : index
    %swap3A_202 = tpu.vector_load %arg9[%swap3A_200, %swap3A_201] {strides = array<i32>} : memref<64x64xf32, #tpu.memory_space<vmem>>, vector<1x16xf32>,
    %swap3A_203 = vector.shape_cast %swap3A_202 : vector<1x16xf32> to vector<16xf32>
    %swap3A_204 = vector.shape_cast %broadcast_in_dim3A_1 : vector<16xf32> to vector<1x16xf32>
    tpu.vector_store %arg9[%swap3A_200, %swap3A_201], %swap3A_204 {strides = array<i32>} : memref<64x64xf32, #tpu.memory_space<vmem>>, vector<1x16xf32>,
    %swap3A_205 = arith.constant 8 : i32
    %swap3A_206 = arith.index_cast %swap3A_205 : i32 to index
    %swap3A_207 = arith.constant 32 : index
    %swap3A_208 = tpu.vector_load %arg9[%swap3A_206, %swap3A_207] {strides = array<i32>} : memref<64x64xf32, #tpu.memory_space<vmem>>, vector<1x16xf32>,
    %swap3A_209 = vector.shape_cast %swap3A_208 : vector<1x16xf32> to vector<16xf32>
    %swap3A_210 = vector.shape_cast %broadcast_in_dim3A_1 : vector<16xf32> to vector<1x16xf32>
    tpu.vector_store %arg9[%swap3A_206, %swap3A_207], %swap3A_210 {strides = array<i32>} : memref<64x64xf32, #tpu.memory_space<vmem>>, vector<1x16xf32>,
    %swap3A_211 = arith.constant 8 : i32
    %swap3A_212 = arith.index_cast %swap3A_211 : i32 to index
    %swap3A_213 = arith.constant 48 : index
    %swap3A_214 = tpu.vector_load %arg9[%swap3A_212, %swap3A_213] {strides = array<i32>} : memref<64x64xf32, #tpu.memory_space<vmem>>, vector<1x16xf32>,
    %swap3A_215 = vector.shape_cast %swap3A_214 : vector<1x16xf32> to vector<16xf32>
    %swap3A_216 = vector.shape_cast %broadcast_in_dim3A_1 : vector<16xf32> to vector<1x16xf32>
    tpu.vector_store %arg9[%swap3A_212, %swap3A_213], %swap3A_216 {strides = array<i32>} : memref<64x64xf32, #tpu.memory_space<vmem>>, vector<1x16xf32>,
    %swap3A_217 = arith.constant 9 : i32
    %swap3A_218 = arith.index_cast %swap3A_217 : i32 to index
    %swap3A_219 = arith.constant 0 : index
    %swap3A_220 = tpu.vector_load %arg9[%swap3A_218, %swap3A_219] {strides = array<i32>} : memref<64x64xf32, #tpu.memory_space<vmem>>, vector<1x16xf32>,
    %swap3A_221 = vector.shape_cast %swap3A_220 : vector<1x16xf32> to vector<16xf32>
    %swap3A_222 = vector.shape_cast %broadcast_in_dim3A_1 : vector<16xf32> to vector<1x16xf32>
    tpu.vector_store %arg9[%swap3A_218, %swap3A_219], %swap3A_222 {strides = array<i32>} : memref<64x64xf32, #tpu.memory_space<vmem>>, vector<1x16xf32>,
    %swap3A_223 = arith.constant 9 : i32
    %swap3A_224 = arith.index_cast %swap3A_223 : i32 to index
    %swap3A_225 = arith.constant 16 : index
    %swap3A_226 = tpu.vector_load %arg9[%swap3A_224, %swap3A_225] {strides = array<i32>} : memref<64x64xf32, #tpu.memory_space<vmem>>, vector<1x16xf32>,
    %swap3A_227 = vector.shape_cast %swap3A_226 : vector<1x16xf32> to vector<16xf32>
    %swap3A_228 = vector.shape_cast %broadcast_in_dim3A_1 : vector<16xf32> to vector<1x16xf32>
    tpu.vector_store %arg9[%swap3A_224, %swap3A_225], %swap3A_228 {strides = array<i32>} : memref<64x64xf32, #tpu.memory_space<vmem>>, vector<1x16xf32>,
    %swap3A_229 = arith.constant 9 : i32
    %swap3A_230 = arith.index_cast %swap3A_229 : i32 to index
    %swap3A_231 = arith.constant 32 : index
    %swap3A_232 = tpu.vector_load %arg9[%swap3A_230, %swap3A_231] {strides = array<i32>} : memref<64x64xf32, #tpu.memory_space<vmem>>, vector<1x16xf32>,
    %swap3A_233 = vector.shape_cast %swap3A_232 : vector<1x16xf32> to vector<16xf32>
    %swap3A_234 = vector.shape_cast %broadcast_in_dim3A_1 : vector<16xf32> to vector<1x16xf32>
    tpu.vector_store %arg9[%swap3A_230, %swap3A_231], %swap3A_234 {strides = array<i32>} : memref<64x64xf32, #tpu.memory_space<vmem>>, vector<1x16xf32>,
    %swap3A_235 = arith.constant 9 : i32
    %swap3A_236 = arith.index_cast %swap3A_235 : i32 to index
    %swap3A_237 = arith.constant 48 : index
    %swap3A_238 = tpu.vector_load %arg9[%swap3A_236, %swap3A_237] {strides = array<i32>} : memref<64x64xf32, #tpu.memory_space<vmem>>, vector<1x16xf32>,
    %swap3A_239 = vector.shape_cast %swap3A_238 : vector<1x16xf32> to vector<16xf32>
    %swap3A_240 = vector.shape_cast %broadcast_in_dim3A_1 : vector<16xf32> to vector<1x16xf32>
    tpu.vector_store %arg9[%swap3A_236, %swap3A_237], %swap3A_240 {strides = array<i32>} : memref<64x64xf32, #tpu.memory_space<vmem>>, vector<1x16xf32>,
    %swap3A_241 = arith.constant 10 : i32
    %swap3A_242 = arith.index_cast %swap3A_241 : i32 to index
    %swap3A_243 = arith.constant 0 : index
    %swap3A_244 = tpu.vector_load %arg9[%swap3A_242, %swap3A_243] {strides = array<i32>} : memref<64x64xf32, #tpu.memory_space<vmem>>, vector<1x16xf32>,
    %swap3A_245 = vector.shape_cast %swap3A_244 : vector<1x16xf32> to vector<16xf32>
    %swap3A_246 = vector.shape_cast %broadcast_in_dim3A_1 : vector<16xf32> to vector<1x16xf32>
    tpu.vector_store %arg9[%swap3A_242, %swap3A_243], %swap3A_246 {strides = array<i32>} : memref<64x64xf32, #tpu.memory_space<vmem>>, vector<1x16xf32>,
    %swap3A_247 = arith.constant 10 : i32
    %swap3A_248 = arith.index_cast %swap3A_247 : i32 to index
    %swap3A_249 = arith.constant 16 : index
    %swap3A_250 = tpu.vector_load %arg9[%swap3A_248, %swap3A_249] {strides = array<i32>} : memref<64x64xf32, #tpu.memory_space<vmem>>, vector<1x16xf32>,
    %swap3A_251 = vector.shape_cast %swap3A_250 : vector<1x16xf32> to vector<16xf32>
    %swap3A_252 = vector.shape_cast %broadcast_in_dim3A_1 : vector<16xf32> to vector<1x16xf32>
    tpu.vector_store %arg9[%swap3A_248, %swap3A_249], %swap3A_252 {strides = array<i32>} : memref<64x64xf32, #tpu.memory_space<vmem>>, vector<1x16xf32>,
    %swap3A_253 = arith.constant 10 : i32
    %swap3A_254 = arith.index_cast %swap3A_253 : i32 to index
    %swap3A_255 = arith.constant 32 : index
    %swap3A_256 = tpu.vector_load %arg9[%swap3A_254, %swap3A_255] {strides = array<i32>} : memref<64x64xf32, #tpu.memory_space<vmem>>, vector<1x16xf32>,
    %swap3A_257 = vector.shape_cast %swap3A_256 : vector<1x16xf32> to vector<16xf32>
    %swap3A_258 = vector.shape_cast %broadcast_in_dim3A_1 : vector<16xf32> to vector<1x16xf32>
    tpu.vector_store %arg9[%swap3A_254, %swap3A_255], %swap3A_258 {strides = array<i32>} : memref<64x64xf32, #tpu.memory_space<vmem>>, vector<1x16xf32>,
    %swap3A_259 = arith.constant 10 : i32
    %swap3A_260 = arith.index_cast %swap3A_259 : i32 to index
    %swap3A_261 = arith.constant 48 : index
    %swap3A_262 = tpu.vector_load %arg9[%swap3A_260, %swap3A_261] {strides = array<i32>} : memref<64x64xf32, #tpu.memory_space<vmem>>, vector<1x16xf32>,
    %swap3A_263 = vector.shape_cast %swap3A_262 : vector<1x16xf32> to vector<16xf32>
    %swap3A_264 = vector.shape_cast %broadcast_in_dim3A_1 : vector<16xf32> to vector<1x16xf32>
    tpu.vector_store %arg9[%swap3A_260, %swap3A_261], %swap3A_264 {strides = array<i32>} : memref<64x64xf32, #tpu.memory_space<vmem>>, vector<1x16xf32>,
    %swap3A_265 = arith.constant 11 : i32
    %swap3A_266 = arith.index_cast %swap3A_265 : i32 to index
    %swap3A_267 = arith.constant 0 : index
    %swap3A_268 = tpu.vector_load %arg9[%swap3A_266, %swap3A_267] {strides = array<i32>} : memref<64x64xf32, #tpu.memory_space<vmem>>, vector<1x16xf32>,
    %swap3A_269 = vector.shape_cast %swap3A_268 : vector<1x16xf32> to vector<16xf32>
    %swap3A_270 = vector.shape_cast %broadcast_in_dim3A_1 : vector<16xf32> to vector<1x16xf32>
    tpu.vector_store %arg9[%swap3A_266, %swap3A_267], %swap3A_270 {strides = array<i32>} : memref<64x64xf32, #tpu.memory_space<vmem>>, vector<1x16xf32>,
    %swap3A_271 = arith.constant 11 : i32
    %swap3A_272 = arith.index_cast %swap3A_271 : i32 to index
    %swap3A_273 = arith.constant 16 : index
    %swap3A_274 = tpu.vector_load %arg9[%swap3A_272, %swap3A_273] {strides = array<i32>} : memref<64x64xf32, #tpu.memory_space<vmem>>, vector<1x16xf32>,
    %swap3A_275 = vector.shape_cast %swap3A_274 : vector<1x16xf32> to vector<16xf32>
    %swap3A_276 = vector.shape_cast %broadcast_in_dim3A_1 : vector<16xf32> to vector<1x16xf32>
    tpu.vector_store %arg9[%swap3A_272, %swap3A_273], %swap3A_276 {strides = array<i32>} : memref<64x64xf32, #tpu.memory_space<vmem>>, vector<1x16xf32>,
    %swap3A_277 = arith.constant 11 : i32
    %swap3A_278 = arith.index_cast %swap3A_277 : i32 to index
    %swap3A_279 = arith.constant 32 : index
    %swap3A_280 = tpu.vector_load %arg9[%swap3A_278, %swap3A_279] {strides = array<i32>} : memref<64x64xf32, #tpu.memory_space<vmem>>, vector<1x16xf32>,
    %swap3A_281 = vector.shape_cast %swap3A_280 : vector<1x16xf32> to vector<16xf32>
    %swap3A_282 = vector.shape_cast %broadcast_in_dim3A_1 : vector<16xf32> to vector<1x16xf32>
    tpu.vector_store %arg9[%swap3A_278, %swap3A_279], %swap3A_282 {strides = array<i32>} : memref<64x64xf32, #tpu.memory_space<vmem>>, vector<1x16xf32>,
    %swap3A_283 = arith.constant 11 : i32
    %swap3A_284 = arith.index_cast %swap3A_283 : i32 to index
    %swap3A_285 = arith.constant 48 : index
    %swap3A_286 = tpu.vector_load %arg9[%swap3A_284, %swap3A_285] {strides = array<i32>} : memref<64x64xf32, #tpu.memory_space<vmem>>, vector<1x16xf32>,
    %swap3A_287 = vector.shape_cast %swap3A_286 : vector<1x16xf32> to vector<16xf32>
    %swap3A_288 = vector.shape_cast %broadcast_in_dim3A_1 : vector<16xf32> to vector<1x16xf32>
    tpu.vector_store %arg9[%swap3A_284, %swap3A_285], %swap3A_288 {strides = array<i32>} : memref<64x64xf32, #tpu.memory_space<vmem>>, vector<1x16xf32>,
    %swap3A_289 = arith.constant 12 : i32
    %swap3A_290 = arith.index_cast %swap3A_289 : i32 to index
    %swap3A_291 = arith.constant 0 : index
    %swap3A_292 = tpu.vector_load %arg9[%swap3A_290, %swap3A_291] {strides = array<i32>} : memref<64x64xf32, #tpu.memory_space<vmem>>, vector<1x16xf32>,
    %swap3A_293 = vector.shape_cast %swap3A_292 : vector<1x16xf32> to vector<16xf32>
    %swap3A_294 = vector.shape_cast %broadcast_in_dim3A_1 : vector<16xf32> to vector<1x16xf32>
    tpu.vector_store %arg9[%swap3A_290, %swap3A_291], %swap3A_294 {strides = array<i32>} : memref<64x64xf32, #tpu.memory_space<vmem>>, vector<1x16xf32>,
    %swap3A_295 = arith.constant 12 : i32
    %swap3A_296 = arith.index_cast %swap3A_295 : i32 to index
    %swap3A_297 = arith.constant 16 : index
    %swap3A_298 = tpu.vector_load %arg9[%swap3A_296, %swap3A_297] {strides = array<i32>} : memref<64x64xf32, #tpu.memory_space<vmem>>, vector<1x16xf32>,
    %swap3A_299 = vector.shape_cast %swap3A_298 : vector<1x16xf32> to vector<16xf32>
    %swap3A_300 = vector.shape_cast %broadcast_in_dim3A_1 : vector<16xf32> to vector<1x16xf32>
    tpu.vector_store %arg9[%swap3A_296, %swap3A_297], %swap3A_300 {strides = array<i32>} : memref<64x64xf32, #tpu.memory_space<vmem>>, vector<1x16xf32>,
    %swap3A_301 = arith.constant 12 : i32
    %swap3A_302 = arith.index_cast %swap3A_301 : i32 to index
    %swap3A_303 = arith.constant 32 : index
    %swap3A_304 = tpu.vector_load %arg9[%swap3A_302, %swap3A_303] {strides = array<i32>} : memref<64x64xf32, #tpu.memory_space<vmem>>, vector<1x16xf32>,
    %swap3A_305 = vector.shape_cast %swap3A_304 : vector<1x16xf32> to vector<16xf32>
    %swap3A_306 = vector.shape_cast %broadcast_in_dim3A_1 : vector<16xf32> to vector<1x16xf32>
    tpu.vector_store %arg9[%swap3A_302, %swap3A_303], %swap3A_306 {strides = array<i32>} : memref<64x64xf32, #tpu.memory_space<vmem>>, vector<1x16xf32>,
    %swap3A_307 = arith.constant 12 : i32
    %swap3A_308 = arith.index_cast %swap3A_307 : i32 to index
    %swap3A_309 = arith.constant 48 : index
    %swap3A_310 = tpu.vector_load %arg9[%swap3A_308, %swap3A_309] {strides = array<i32>} : memref<64x64xf32, #tpu.memory_space<vmem>>, vector<1x16xf32>,
    %swap3A_311 = vector.shape_cast %swap3A_310 : vector<1x16xf32> to vector<16xf32>
    %swap3A_312 = vector.shape_cast %broadcast_in_dim3A_1 : vector<16xf32> to vector<1x16xf32>
    tpu.vector_store %arg9[%swap3A_308, %swap3A_309], %swap3A_312 {strides = array<i32>} : memref<64x64xf32, #tpu.memory_space<vmem>>, vector<1x16xf32>,
    %swap3A_313 = arith.constant 13 : i32
    %swap3A_314 = arith.index_cast %swap3A_313 : i32 to index
    %swap3A_315 = arith.constant 0 : index
    %swap3A_316 = tpu.vector_load %arg9[%swap3A_314, %swap3A_315] {strides = array<i32>} : memref<64x64xf32, #tpu.memory_space<vmem>>, vector<1x16xf32>,
    %swap3A_317 = vector.shape_cast %swap3A_316 : vector<1x16xf32> to vector<16xf32>
    %swap3A_318 = vector.shape_cast %broadcast_in_dim3A_1 : vector<16xf32> to vector<1x16xf32>
    tpu.vector_store %arg9[%swap3A_314, %swap3A_315], %swap3A_318 {strides = array<i32>} : memref<64x64xf32, #tpu.memory_space<vmem>>, vector<1x16xf32>,
    %swap3A_319 = arith.constant 13 : i32
    %swap3A_320 = arith.index_cast %swap3A_319 : i32 to index
    %swap3A_321 = arith.constant 16 : index
    %swap3A_322 = tpu.vector_load %arg9[%swap3A_320, %swap3A_321] {strides = array<i32>} : memref<64x64xf32, #tpu.memory_space<vmem>>, vector<1x16xf32>,
    %swap3A_323 = vector.shape_cast %swap3A_322 : vector<1x16xf32> to vector<16xf32>
    %swap3A_324 = vector.shape_cast %broadcast_in_dim3A_1 : vector<16xf32> to vector<1x16xf32>
    tpu.vector_store %arg9[%swap3A_320, %swap3A_321], %swap3A_324 {strides = array<i32>} : memref<64x64xf32, #tpu.memory_space<vmem>>, vector<1x16xf32>,
    %swap3A_325 = arith.constant 13 : i32
    %swap3A_326 = arith.index_cast %swap3A_325 : i32 to index
    %swap3A_327 = arith.constant 32 : index
    %swap3A_328 = tpu.vector_load %arg9[%swap3A_326, %swap3A_327] {strides = array<i32>} : memref<64x64xf32, #tpu.memory_space<vmem>>, vector<1x16xf32>,
    %swap3A_329 = vector.shape_cast %swap3A_328 : vector<1x16xf32> to vector<16xf32>
    %swap3A_330 = vector.shape_cast %broadcast_in_dim3A_1 : vector<16xf32> to vector<1x16xf32>
    tpu.vector_store %arg9[%swap3A_326, %swap3A_327], %swap3A_330 {strides = array<i32>} : memref<64x64xf32, #tpu.memory_space<vmem>>, vector<1x16xf32>,
    %swap3A_331 = arith.constant 13 : i32
    %swap3A_332 = arith.index_cast %swap3A_331 : i32 to index
    %swap3A_333 = arith.constant 48 : index
    %swap3A_334 = tpu.vector_load %arg9[%swap3A_332, %swap3A_333] {strides = array<i32>} : memref<64x64xf32, #tpu.memory_space<vmem>>, vector<1x16xf32>,
    %swap3A_335 = vector.shape_cast %swap3A_334 : vector<1x16xf32> to vector<16xf32>
    %swap3A_336 = vector.shape_cast %broadcast_in_dim3A_1 : vector<16xf32> to vector<1x16xf32>
    tpu.vector_store %arg9[%swap3A_332, %swap3A_333], %swap3A_336 {strides = array<i32>} : memref<64x64xf32, #tpu.memory_space<vmem>>, vector<1x16xf32>,
    %swap3A_337 = arith.constant 14 : i32
    %swap3A_338 = arith.index_cast %swap3A_337 : i32 to index
    %swap3A_339 = arith.constant 0 : index
    %swap3A_340 = tpu.vector_load %arg9[%swap3A_338, %swap3A_339] {strides = array<i32>} : memref<64x64xf32, #tpu.memory_space<vmem>>, vector<1x16xf32>,
    %swap3A_341 = vector.shape_cast %swap3A_340 : vector<1x16xf32> to vector<16xf32>
    %swap3A_342 = vector.shape_cast %broadcast_in_dim3A_1 : vector<16xf32> to vector<1x16xf32>
    tpu.vector_store %arg9[%swap3A_338, %swap3A_339], %swap3A_342 {strides = array<i32>} : memref<64x64xf32, #tpu.memory_space<vmem>>, vector<1x16xf32>,
    %swap3A_343 = arith.constant 14 : i32
    %swap3A_344 = arith.index_cast %swap3A_343 : i32 to index
    %swap3A_345 = arith.constant 16 : index
    %swap3A_346 = tpu.vector_load %arg9[%swap3A_344, %swap3A_345] {strides = array<i32>} : memref<64x64xf32, #tpu.memory_space<vmem>>, vector<1x16xf32>,
    %swap3A_347 = vector.shape_cast %swap3A_346 : vector<1x16xf32> to vector<16xf32>
    %swap3A_348 = vector.shape_cast %broadcast_in_dim3A_1 : vector<16xf32> to vector<1x16xf32>
    tpu.vector_store %arg9[%swap3A_344, %swap3A_345], %swap3A_348 {strides = array<i32>} : memref<64x64xf32, #tpu.memory_space<vmem>>, vector<1x16xf32>,
    %swap3A_349 = arith.constant 14 : i32
    %swap3A_350 = arith.index_cast %swap3A_349 : i32 to index
    %swap3A_351 = arith.constant 32 : index
    %swap3A_352 = tpu.vector_load %arg9[%swap3A_350, %swap3A_351] {strides = array<i32>} : memref<64x64xf32, #tpu.memory_space<vmem>>, vector<1x16xf32>,
    %swap3A_353 = vector.shape_cast %swap3A_352 : vector<1x16xf32> to vector<16xf32>
    %swap3A_354 = vector.shape_cast %broadcast_in_dim3A_1 : vector<16xf32> to vector<1x16xf32>
    tpu.vector_store %arg9[%swap3A_350, %swap3A_351], %swap3A_354 {strides = array<i32>} : memref<64x64xf32, #tpu.memory_space<vmem>>, vector<1x16xf32>,
    %swap3A_355 = arith.constant 14 : i32
    %swap3A_356 = arith.index_cast %swap3A_355 : i32 to index
    %swap3A_357 = arith.constant 48 : index
    %swap3A_358 = tpu.vector_load %arg9[%swap3A_356, %swap3A_357] {strides = array<i32>} : memref<64x64xf32, #tpu.memory_space<vmem>>, vector<1x16xf32>,
    %swap3A_359 = vector.shape_cast %swap3A_358 : vector<1x16xf32> to vector<16xf32>
    %swap3A_360 = vector.shape_cast %broadcast_in_dim3A_1 : vector<16xf32> to vector<1x16xf32>
    tpu.vector_store %arg9[%swap3A_356, %swap3A_357], %swap3A_360 {strides = array<i32>} : memref<64x64xf32, #tpu.memory_space<vmem>>, vector<1x16xf32>,
    %swap3A_361 = arith.constant 15 : i32
    %swap3A_362 = arith.index_cast %swap3A_361 : i32 to index
    %swap3A_363 = arith.constant 0 : index
    %swap3A_364 = tpu.vector_load %arg9[%swap3A_362, %swap3A_363] {strides = array<i32>} : memref<64x64xf32, #tpu.memory_space<vmem>>, vector<1x16xf32>,
    %swap3A_365 = vector.shape_cast %swap3A_364 : vector<1x16xf32> to vector<16xf32>
    %swap3A_366 = vector.shape_cast %broadcast_in_dim3A_1 : vector<16xf32> to vector<1x16xf32>
    tpu.vector_store %arg9[%swap3A_362, %swap3A_363], %swap3A_366 {strides = array<i32>} : memref<64x64xf32, #tpu.memory_space<vmem>>, vector<1x16xf32>,
    %swap3A_367 = arith.constant 15 : i32
    %swap3A_368 = arith.index_cast %swap3A_367 : i32 to index
    %swap3A_369 = arith.constant 16 : index
    %swap3A_370 = tpu.vector_load %arg9[%swap3A_368, %swap3A_369] {strides = array<i32>} : memref<64x64xf32, #tpu.memory_space<vmem>>, vector<1x16xf32>,
    %swap3A_371 = vector.shape_cast %swap3A_370 : vector<1x16xf32> to vector<16xf32>
    %swap3A_372 = vector.shape_cast %broadcast_in_dim3A_1 : vector<16xf32> to vector<1x16xf32>
    tpu.vector_store %arg9[%swap3A_368, %swap3A_369], %swap3A_372 {strides = array<i32>} : memref<64x64xf32, #tpu.memory_space<vmem>>, vector<1x16xf32>,
    %swap3A_373 = arith.constant 15 : i32
    %swap3A_374 = arith.index_cast %swap3A_373 : i32 to index
    %swap3A_375 = arith.constant 32 : index
    %swap3A_376 = tpu.vector_load %arg9[%swap3A_374, %swap3A_375] {strides = array<i32>} : memref<64x64xf32, #tpu.memory_space<vmem>>, vector<1x16xf32>,
    %swap3A_377 = vector.shape_cast %swap3A_376 : vector<1x16xf32> to vector<16xf32>
    %swap3A_378 = vector.shape_cast %broadcast_in_dim3A_1 : vector<16xf32> to vector<1x16xf32>
    tpu.vector_store %arg9[%swap3A_374, %swap3A_375], %swap3A_378 {strides = array<i32>} : memref<64x64xf32, #tpu.memory_space<vmem>>, vector<1x16xf32>,
    %swap3A_379 = arith.constant 15 : i32
    %swap3A_380 = arith.index_cast %swap3A_379 : i32 to index
    %swap3A_381 = arith.constant 48 : index
    %swap3A_382 = tpu.vector_load %arg9[%swap3A_380, %swap3A_381] {strides = array<i32>} : memref<64x64xf32, #tpu.memory_space<vmem>>, vector<1x16xf32>,
    %swap3A_383 = vector.shape_cast %swap3A_382 : vector<1x16xf32> to vector<16xf32>
    %swap3A_384 = vector.shape_cast %broadcast_in_dim3A_1 : vector<16xf32> to vector<1x16xf32>
    tpu.vector_store %arg9[%swap3A_380, %swap3A_381], %swap3A_384 {strides = array<i32>} : memref<64x64xf32, #tpu.memory_space<vmem>>, vector<1x16xf32>,
    %swap3A_385 = arith.constant 16 : i32
    %swap3A_386 = arith.index_cast %swap3A_385 : i32 to index
    %swap3A_387 = arith.constant 0 : index
    %swap3A_388 = tpu.vector_load %arg9[%swap3A_386, %swap3A_387] {strides = array<i32>} : memref<64x64xf32, #tpu.memory_space<vmem>>, vector<1x16xf32>,
    %swap3A_389 = vector.shape_cast %swap3A_388 : vector<1x16xf32> to vector<16xf32>
    %swap3A_390 = vector.shape_cast %broadcast_in_dim3A_1 : vector<16xf32> to vector<1x16xf32>
    tpu.vector_store %arg9[%swap3A_386, %swap3A_387], %swap3A_390 {strides = array<i32>} : memref<64x64xf32, #tpu.memory_space<vmem>>, vector<1x16xf32>,
    %swap3A_391 = arith.constant 16 : i32
    %swap3A_392 = arith.index_cast %swap3A_391 : i32 to index
    %swap3A_393 = arith.constant 16 : index
    %swap3A_394 = tpu.vector_load %arg9[%swap3A_392, %swap3A_393] {strides = array<i32>} : memref<64x64xf32, #tpu.memory_space<vmem>>, vector<1x16xf32>,
    %swap3A_395 = vector.shape_cast %swap3A_394 : vector<1x16xf32> to vector<16xf32>
    %swap3A_396 = vector.shape_cast %broadcast_in_dim3A_1 : vector<16xf32> to vector<1x16xf32>
    tpu.vector_store %arg9[%swap3A_392, %swap3A_393], %swap3A_396 {strides = array<i32>} : memref<64x64xf32, #tpu.memory_space<vmem>>, vector<1x16xf32>,
    %swap3A_397 = arith.constant 16 : i32
    %swap3A_398 = arith.index_cast %swap3A_397 : i32 to index
    %swap3A_399 = arith.constant 32 : index
    %swap3A_400 = tpu.vector_load %arg9[%swap3A_398, %swap3A_399] {strides = array<i32>} : memref<64x64xf32, #tpu.memory_space<vmem>>, vector<1x16xf32>,
    %swap3A_401 = vector.shape_cast %swap3A_400 : vector<1x16xf32> to vector<16xf32>
    %swap3A_402 = vector.shape_cast %broadcast_in_dim3A_1 : vector<16xf32> to vector<1x16xf32>
    tpu.vector_store %arg9[%swap3A_398, %swap3A_399], %swap3A_402 {strides = array<i32>} : memref<64x64xf32, #tpu.memory_space<vmem>>, vector<1x16xf32>,
    %swap3A_403 = arith.constant 16 : i32
    %swap3A_404 = arith.index_cast %swap3A_403 : i32 to index
    %swap3A_405 = arith.constant 48 : index
    %swap3A_406 = tpu.vector_load %arg9[%swap3A_404, %swap3A_405] {strides = array<i32>} : memref<64x64xf32, #tpu.memory_space<vmem>>, vector<1x16xf32>,
    %swap3A_407 = vector.shape_cast %swap3A_406 : vector<1x16xf32> to vector<16xf32>
    %swap3A_408 = vector.shape_cast %broadcast_in_dim3A_1 : vector<16xf32> to vector<1x16xf32>
    tpu.vector_store %arg9[%swap3A_404, %swap3A_405], %swap3A_408 {strides = array<i32>} : memref<64x64xf32, #tpu.memory_space<vmem>>, vector<1x16xf32>,
    %swap3A_409 = arith.constant 17 : i32
    %swap3A_410 = arith.index_cast %swap3A_409 : i32 to index
    %swap3A_411 = arith.constant 0 : index
    %swap3A_412 = tpu.vector_load %arg9[%swap3A_410, %swap3A_411] {strides = array<i32>} : memref<64x64xf32, #tpu.memory_space<vmem>>, vector<1x16xf32>,
    %swap3A_413 = vector.shape_cast %swap3A_412 : vector<1x16xf32> to vector<16xf32>
    %swap3A_414 = vector.shape_cast %broadcast_in_dim3A_1 : vector<16xf32> to vector<1x16xf32>
    tpu.vector_store %arg9[%swap3A_410, %swap3A_411], %swap3A_414 {strides = array<i32>} : memref<64x64xf32, #tpu.memory_space<vmem>>, vector<1x16xf32>,
    %swap3A_415 = arith.constant 17 : i32
    %swap3A_416 = arith.index_cast %swap3A_415 : i32 to index
    %swap3A_417 = arith.constant 16 : index
    %swap3A_418 = tpu.vector_load %arg9[%swap3A_416, %swap3A_417] {strides = array<i32>} : memref<64x64xf32, #tpu.memory_space<vmem>>, vector<1x16xf32>,
    %swap3A_419 = vector.shape_cast %swap3A_418 : vector<1x16xf32> to vector<16xf32>
    %swap3A_420 = vector.shape_cast %broadcast_in_dim3A_1 : vector<16xf32> to vector<1x16xf32>
    tpu.vector_store %arg9[%swap3A_416, %swap3A_417], %swap3A_420 {strides = array<i32>} : memref<64x64xf32, #tpu.memory_space<vmem>>, vector<1x16xf32>,
    %swap3A_421 = arith.constant 17 : i32
    %swap3A_422 = arith.index_cast %swap3A_421 : i32 to index
    %swap3A_423 = arith.constant 32 : index
    %swap3A_424 = tpu.vector_load %arg9[%swap3A_422, %swap3A_423] {strides = array<i32>} : memref<64x64xf32, #tpu.memory_space<vmem>>, vector<1x16xf32>,
    %swap3A_425 = vector.shape_cast %swap3A_424 : vector<1x16xf32> to vector<16xf32>
    %swap3A_426 = vector.shape_cast %broadcast_in_dim3A_1 : vector<16xf32> to vector<1x16xf32>
    tpu.vector_store %arg9[%swap3A_422, %swap3A_423], %swap3A_426 {strides = array<i32>} : memref<64x64xf32, #tpu.memory_space<vmem>>, vector<1x16xf32>,
    %swap3A_427 = arith.constant 17 : i32
    %swap3A_428 = arith.index_cast %swap3A_427 : i32 to index
    %swap3A_429 = arith.constant 48 : index
    %swap3A_430 = tpu.vector_load %arg9[%swap3A_428, %swap3A_429] {strides = array<i32>} : memref<64x64xf32, #tpu.memory_space<vmem>>, vector<1x16xf32>,
    %swap3A_431 = vector.shape_cast %swap3A_430 : vector<1x16xf32> to vector<16xf32>
    %swap3A_432 = vector.shape_cast %broadcast_in_dim3A_1 : vector<16xf32> to vector<1x16xf32>
    tpu.vector_store %arg9[%swap3A_428, %swap3A_429], %swap3A_432 {strides = array<i32>} : memref<64x64xf32, #tpu.memory_space<vmem>>, vector<1x16xf32>,
    %swap3A_433 = arith.constant 18 : i32
    %swap3A_434 = arith.index_cast %swap3A_433 : i32 to index
    %swap3A_435 = arith.constant 0 : index
    %swap3A_436 = tpu.vector_load %arg9[%swap3A_434, %swap3A_435] {strides = array<i32>} : memref<64x64xf32, #tpu.memory_space<vmem>>, vector<1x16xf32>,
    %swap3A_437 = vector.shape_cast %swap3A_436 : vector<1x16xf32> to vector<16xf32>
    %swap3A_438 = vector.shape_cast %broadcast_in_dim3A_1 : vector<16xf32> to vector<1x16xf32>
    tpu.vector_store %arg9[%swap3A_434, %swap3A_435], %swap3A_438 {strides = array<i32>} : memref<64x64xf32, #tpu.memory_space<vmem>>, vector<1x16xf32>,
    %swap3A_439 = arith.constant 18 : i32
    %swap3A_440 = arith.index_cast %swap3A_439 : i32 to index
    %swap3A_441 = arith.constant 16 : index
    %swap3A_442 = tpu.vector_load %arg9[%swap3A_440, %swap3A_441] {strides = array<i32>} : memref<64x64xf32, #tpu.memory_space<vmem>>, vector<1x16xf32>,
    %swap3A_443 = vector.shape_cast %swap3A_442 : vector<1x16xf32> to vector<16xf32>
    %swap3A_444 = vector.shape_cast %broadcast_in_dim3A_1 : vector<16xf32> to vector<1x16xf32>
    tpu.vector_store %arg9[%swap3A_440, %swap3A_441], %swap3A_444 {strides = array<i32>} : memref<64x64xf32, #tpu.memory_space<vmem>>, vector<1x16xf32>,
    %swap3A_445 = arith.constant 18 : i32
    %swap3A_446 = arith.index_cast %swap3A_445 : i32 to index
    %swap3A_447 = arith.constant 32 : index
    %swap3A_448 = tpu.vector_load %arg9[%swap3A_446, %swap3A_447] {strides = array<i32>} : memref<64x64xf32, #tpu.memory_space<vmem>>, vector<1x16xf32>,
    %swap3A_449 = vector.shape_cast %swap3A_448 : vector<1x16xf32> to vector<16xf32>
    %swap3A_450 = vector.shape_cast %broadcast_in_dim3A_1 : vector<16xf32> to vector<1x16xf32>
    tpu.vector_store %arg9[%swap3A_446, %swap3A_447], %swap3A_450 {strides = array<i32>} : memref<64x64xf32, #tpu.memory_space<vmem>>, vector<1x16xf32>,
    %swap3A_451 = arith.constant 18 : i32
    %swap3A_452 = arith.index_cast %swap3A_451 : i32 to index
    %swap3A_453 = arith.constant 48 : index
    %swap3A_454 = tpu.vector_load %arg9[%swap3A_452, %swap3A_453] {strides = array<i32>} : memref<64x64xf32, #tpu.memory_space<vmem>>, vector<1x16xf32>,
    %swap3A_455 = vector.shape_cast %swap3A_454 : vector<1x16xf32> to vector<16xf32>
    %swap3A_456 = vector.shape_cast %broadcast_in_dim3A_1 : vector<16xf32> to vector<1x16xf32>
    tpu.vector_store %arg9[%swap3A_452, %swap3A_453], %swap3A_456 {strides = array<i32>} : memref<64x64xf32, #tpu.memory_space<vmem>>, vector<1x16xf32>,
    %swap3A_457 = arith.constant 19 : i32
    %swap3A_458 = arith.index_cast %swap3A_457 : i32 to index
    %swap3A_459 = arith.constant 0 : index
    %swap3A_460 = tpu.vector_load %arg9[%swap3A_458, %swap3A_459] {strides = array<i32>} : memref<64x64xf32, #tpu.memory_space<vmem>>, vector<1x16xf32>,
    %swap3A_461 = vector.shape_cast %swap3A_460 : vector<1x16xf32> to vector<16xf32>
    %swap3A_462 = vector.shape_cast %broadcast_in_dim3A_1 : vector<16xf32> to vector<1x16xf32>
    tpu.vector_store %arg9[%swap3A_458, %swap3A_459], %swap3A_462 {strides = array<i32>} : memref<64x64xf32, #tpu.memory_space<vmem>>, vector<1x16xf32>,
    %swap3A_463 = arith.constant 19 : i32
    %swap3A_464 = arith.index_cast %swap3A_463 : i32 to index
    %swap3A_465 = arith.constant 16 : index
    %swap3A_466 = tpu.vector_load %arg9[%swap3A_464, %swap3A_465] {strides = array<i32>} : memref<64x64xf32, #tpu.memory_space<vmem>>, vector<1x16xf32>,
    %swap3A_467 = vector.shape_cast %swap3A_466 : vector<1x16xf32> to vector<16xf32>
    %swap3A_468 = vector.shape_cast %broadcast_in_dim3A_1 : vector<16xf32> to vector<1x16xf32>
    tpu.vector_store %arg9[%swap3A_464, %swap3A_465], %swap3A_468 {strides = array<i32>} : memref<64x64xf32, #tpu.memory_space<vmem>>, vector<1x16xf32>,
    %swap3A_469 = arith.constant 19 : i32
    %swap3A_470 = arith.index_cast %swap3A_469 : i32 to index
    %swap3A_471 = arith.constant 32 : index
    %swap3A_472 = tpu.vector_load %arg9[%swap3A_470, %swap3A_471] {strides = array<i32>} : memref<64x64xf32, #tpu.memory_space<vmem>>, vector<1x16xf32>,
    %swap3A_473 = vector.shape_cast %swap3A_472 : vector<1x16xf32> to vector<16xf32>
    %swap3A_474 = vector.shape_cast %broadcast_in_dim3A_1 : vector<16xf32> to vector<1x16xf32>
    tpu.vector_store %arg9[%swap3A_470, %swap3A_471], %swap3A_474 {strides = array<i32>} : memref<64x64xf32, #tpu.memory_space<vmem>>, vector<1x16xf32>,
    %swap3A_475 = arith.constant 19 : i32
    %swap3A_476 = arith.index_cast %swap3A_475 : i32 to index
    %swap3A_477 = arith.constant 48 : index
    %swap3A_478 = tpu.vector_load %arg9[%swap3A_476, %swap3A_477] {strides = array<i32>} : memref<64x64xf32, #tpu.memory_space<vmem>>, vector<1x16xf32>,
    %swap3A_479 = vector.shape_cast %swap3A_478 : vector<1x16xf32> to vector<16xf32>
    %swap3A_480 = vector.shape_cast %broadcast_in_dim3A_1 : vector<16xf32> to vector<1x16xf32>
    tpu.vector_store %arg9[%swap3A_476, %swap3A_477], %swap3A_480 {strides = array<i32>} : memref<64x64xf32, #tpu.memory_space<vmem>>, vector<1x16xf32>,
    %swap3A_481 = arith.constant 20 : i32
    %swap3A_482 = arith.index_cast %swap3A_481 : i32 to index
    %swap3A_483 = arith.constant 0 : index
    %swap3A_484 = tpu.vector_load %arg9[%swap3A_482, %swap3A_483] {strides = array<i32>} : memref<64x64xf32, #tpu.memory_space<vmem>>, vector<1x16xf32>,
    %swap3A_485 = vector.shape_cast %swap3A_484 : vector<1x16xf32> to vector<16xf32>
    %swap3A_486 = vector.shape_cast %broadcast_in_dim3A_1 : vector<16xf32> to vector<1x16xf32>
    tpu.vector_store %arg9[%swap3A_482, %swap3A_483], %swap3A_486 {strides = array<i32>} : memref<64x64xf32, #tpu.memory_space<vmem>>, vector<1x16xf32>,
    %swap3A_487 = arith.constant 20 : i32
    %swap3A_488 = arith.index_cast %swap3A_487 : i32 to index
    %swap3A_489 = arith.constant 16 : index
    %swap3A_490 = tpu.vector_load %arg9[%swap3A_488, %swap3A_489] {strides = array<i32>} : memref<64x64xf32, #tpu.memory_space<vmem>>, vector<1x16xf32>,
    %swap3A_491 = vector.shape_cast %swap3A_490 : vector<1x16xf32> to vector<16xf32>
    %swap3A_492 = vector.shape_cast %broadcast_in_dim3A_1 : vector<16xf32> to vector<1x16xf32>
    tpu.vector_store %arg9[%swap3A_488, %swap3A_489], %swap3A_492 {strides = array<i32>} : memref<64x64xf32, #tpu.memory_space<vmem>>, vector<1x16xf32>,
    %swap3A_493 = arith.constant 20 : i32
    %swap3A_494 = arith.index_cast %swap3A_493 : i32 to index
    %swap3A_495 = arith.constant 32 : index
    %swap3A_496 = tpu.vector_load %arg9[%swap3A_494, %swap3A_495] {strides = array<i32>} : memref<64x64xf32, #tpu.memory_space<vmem>>, vector<1x16xf32>,
    %swap3A_497 = vector.shape_cast %swap3A_496 : vector<1x16xf32> to vector<16xf32>
    %swap3A_498 = vector.shape_cast %broadcast_in_dim3A_1 : vector<16xf32> to vector<1x16xf32>
    tpu.vector_store %arg9[%swap3A_494, %swap3A_495], %swap3A_498 {strides = array<i32>} : memref<64x64xf32, #tpu.memory_space<vmem>>, vector<1x16xf32>,
    %swap3A_499 = arith.constant 20 : i32
    %swap3A_500 = arith.index_cast %swap3A_499 : i32 to index
    %swap3A_501 = arith.constant 48 : index
    %swap3A_502 = tpu.vector_load %arg9[%swap3A_500, %swap3A_501] {strides = array<i32>} : memref<64x64xf32, #tpu.memory_space<vmem>>, vector<1x16xf32>,
    %swap3A_503 = vector.shape_cast %swap3A_502 : vector<1x16xf32> to vector<16xf32>
    %swap3A_504 = vector.shape_cast %broadcast_in_dim3A_1 : vector<16xf32> to vector<1x16xf32>
    tpu.vector_store %arg9[%swap3A_500, %swap3A_501], %swap3A_504 {strides = array<i32>} : memref<64x64xf32, #tpu.memory_space<vmem>>, vector<1x16xf32>,
    %swap3A_505 = arith.constant 21 : i32
    %swap3A_506 = arith.index_cast %swap3A_505 : i32 to index
    %swap3A_507 = arith.constant 0 : index
    %swap3A_508 = tpu.vector_load %arg9[%swap3A_506, %swap3A_507] {strides = array<i32>} : memref<64x64xf32, #tpu.memory_space<vmem>>, vector<1x16xf32>,
    %swap3A_509 = vector.shape_cast %swap3A_508 : vector<1x16xf32> to vector<16xf32>
    %swap3A_510 = vector.shape_cast %broadcast_in_dim3A_1 : vector<16xf32> to vector<1x16xf32>
    tpu.vector_store %arg9[%swap3A_506, %swap3A_507], %swap3A_510 {strides = array<i32>} : memref<64x64xf32, #tpu.memory_space<vmem>>, vector<1x16xf32>,
    %swap3A_511 = arith.constant 21 : i32
    %swap3A_512 = arith.index_cast %swap3A_511 : i32 to index
    %swap3A_513 = arith.constant 16 : index
    %swap3A_514 = tpu.vector_load %arg9[%swap3A_512, %swap3A_513] {strides = array<i32>} : memref<64x64xf32, #tpu.memory_space<vmem>>, vector<1x16xf32>,
    %swap3A_515 = vector.shape_cast %swap3A_514 : vector<1x16xf32> to vector<16xf32>
    %swap3A_516 = vector.shape_cast %broadcast_in_dim3A_1 : vector<16xf32> to vector<1x16xf32>
    tpu.vector_store %arg9[%swap3A_512, %swap3A_513], %swap3A_516 {strides = array<i32>} : memref<64x64xf32, #tpu.memory_space<vmem>>, vector<1x16xf32>,
    %swap3A_517 = arith.constant 21 : i32
    %swap3A_518 = arith.index_cast %swap3A_517 : i32 to index
    %swap3A_519 = arith.constant 32 : index
    %swap3A_520 = tpu.vector_load %arg9[%swap3A_518, %swap3A_519] {strides = array<i32>} : memref<64x64xf32, #tpu.memory_space<vmem>>, vector<1x16xf32>,
    %swap3A_521 = vector.shape_cast %swap3A_520 : vector<1x16xf32> to vector<16xf32>
    %swap3A_522 = vector.shape_cast %broadcast_in_dim3A_1 : vector<16xf32> to vector<1x16xf32>
    tpu.vector_store %arg9[%swap3A_518, %swap3A_519], %swap3A_522 {strides = array<i32>} : memref<64x64xf32, #tpu.memory_space<vmem>>, vector<1x16xf32>,
    %swap3A_523 = arith.constant 21 : i32
    %swap3A_524 = arith.index_cast %swap3A_523 : i32 to index
    %swap3A_525 = arith.constant 48 : index
    %swap3A_526 = tpu.vector_load %arg9[%swap3A_524, %swap3A_525] {strides = array<i32>} : memref<64x64xf32, #tpu.memory_space<vmem>>, vector<1x16xf32>,
    %swap3A_527 = vector.shape_cast %swap3A_526 : vector<1x16xf32> to vector<16xf32>
    %swap3A_528 = vector.shape_cast %broadcast_in_dim3A_1 : vector<16xf32> to vector<1x16xf32>
    tpu.vector_store %arg9[%swap3A_524, %swap3A_525], %swap3A_528 {strides = array<i32>} : memref<64x64xf32, #tpu.memory_space<vmem>>, vector<1x16xf32>,
    %swap3A_529 = arith.constant 22 : i32
    %swap3A_530 = arith.index_cast %swap3A_529 : i32 to index
    %swap3A_531 = arith.constant 0 : index
    %swap3A_532 = tpu.vector_load %arg9[%swap3A_530, %swap3A_531] {strides = array<i32>} : memref<64x64xf32, #tpu.memory_space<vmem>>, vector<1x16xf32>,
    %swap3A_533 = vector.shape_cast %swap3A_532 : vector<1x16xf32> to vector<16xf32>
    %swap3A_534 = vector.shape_cast %broadcast_in_dim3A_1 : vector<16xf32> to vector<1x16xf32>
    tpu.vector_store %arg9[%swap3A_530, %swap3A_531], %swap3A_534 {strides = array<i32>} : memref<64x64xf32, #tpu.memory_space<vmem>>, vector<1x16xf32>,
    %swap3A_535 = arith.constant 22 : i32
    %swap3A_536 = arith.index_cast %swap3A_535 : i32 to index
    %swap3A_537 = arith.constant 16 : index
    %swap3A_538 = tpu.vector_load %arg9[%swap3A_536, %swap3A_537] {strides = array<i32>} : memref<64x64xf32, #tpu.memory_space<vmem>>, vector<1x16xf32>,
    %swap3A_539 = vector.shape_cast %swap3A_538 : vector<1x16xf32> to vector<16xf32>
    %swap3A_540 = vector.shape_cast %broadcast_in_dim3A_1 : vector<16xf32> to vector<1x16xf32>
    tpu.vector_store %arg9[%swap3A_536, %swap3A_537], %swap3A_540 {strides = array<i32>} : memref<64x64xf32, #tpu.memory_space<vmem>>, vector<1x16xf32>,
    %swap3A_541 = arith.constant 22 : i32
    %swap3A_542 = arith.index_cast %swap3A_541 : i32 to index
    %swap3A_543 = arith.constant 32 : index
    %swap3A_544 = tpu.vector_load %arg9[%swap3A_542, %swap3A_543] {strides = array<i32>} : memref<64x64xf32, #tpu.memory_space<vmem>>, vector<1x16xf32>,
    %swap3A_545 = vector.shape_cast %swap3A_544 : vector<1x16xf32> to vector<16xf32>
    %swap3A_546 = vector.shape_cast %broadcast_in_dim3A_1 : vector<16xf32> to vector<1x16xf32>
    tpu.vector_store %arg9[%swap3A_542, %swap3A_543], %swap3A_546 {strides = array<i32>} : memref<64x64xf32, #tpu.memory_space<vmem>>, vector<1x16xf32>,
    %swap3A_547 = arith.constant 22 : i32
    %swap3A_548 = arith.index_cast %swap3A_547 : i32 to index
    %swap3A_549 = arith.constant 48 : index
    %swap3A_550 = tpu.vector_load %arg9[%swap3A_548, %swap3A_549] {strides = array<i32>} : memref<64x64xf32, #tpu.memory_space<vmem>>, vector<1x16xf32>,
    %swap3A_551 = vector.shape_cast %swap3A_550 : vector<1x16xf32> to vector<16xf32>
    %swap3A_552 = vector.shape_cast %broadcast_in_dim3A_1 : vector<16xf32> to vector<1x16xf32>
    tpu.vector_store %arg9[%swap3A_548, %swap3A_549], %swap3A_552 {strides = array<i32>} : memref<64x64xf32, #tpu.memory_space<vmem>>, vector<1x16xf32>,
    %swap3A_553 = arith.constant 23 : i32
    %swap3A_554 = arith.index_cast %swap3A_553 : i32 to index
    %swap3A_555 = arith.constant 0 : index
    %swap3A_556 = tpu.vector_load %arg9[%swap3A_554, %swap3A_555] {strides = array<i32>} : memref<64x64xf32, #tpu.memory_space<vmem>>, vector<1x16xf32>,
    %swap3A_557 = vector.shape_cast %swap3A_556 : vector<1x16xf32> to vector<16xf32>
    %swap3A_558 = vector.shape_cast %broadcast_in_dim3A_1 : vector<16xf32> to vector<1x16xf32>
    tpu.vector_store %arg9[%swap3A_554, %swap3A_555], %swap3A_558 {strides = array<i32>} : memref<64x64xf32, #tpu.memory_space<vmem>>, vector<1x16xf32>,
    %swap3A_559 = arith.constant 23 : i32
    %swap3A_560 = arith.index_cast %swap3A_559 : i32 to index
    %swap3A_561 = arith.constant 16 : index
    %swap3A_562 = tpu.vector_load %arg9[%swap3A_560, %swap3A_561] {strides = array<i32>} : memref<64x64xf32, #tpu.memory_space<vmem>>, vector<1x16xf32>,
    %swap3A_563 = vector.shape_cast %swap3A_562 : vector<1x16xf32> to vector<16xf32>
    %swap3A_564 = vector.shape_cast %broadcast_in_dim3A_1 : vector<16xf32> to vector<1x16xf32>
    tpu.vector_store %arg9[%swap3A_560, %swap3A_561], %swap3A_564 {strides = array<i32>} : memref<64x64xf32, #tpu.memory_space<vmem>>, vector<1x16xf32>,
    %swap3A_565 = arith.constant 23 : i32
    %swap3A_566 = arith.index_cast %swap3A_565 : i32 to index
    %swap3A_567 = arith.constant 32 : index
    %swap3A_568 = tpu.vector_load %arg9[%swap3A_566, %swap3A_567] {strides = array<i32>} : memref<64x64xf32, #tpu.memory_space<vmem>>, vector<1x16xf32>,
    %swap3A_569 = vector.shape_cast %swap3A_568 : vector<1x16xf32> to vector<16xf32>
    %swap3A_570 = vector.shape_cast %broadcast_in_dim3A_1 : vector<16xf32> to vector<1x16xf32>
    tpu.vector_store %arg9[%swap3A_566, %swap3A_567], %swap3A_570 {strides = array<i32>} : memref<64x64xf32, #tpu.memory_space<vmem>>, vector<1x16xf32>,
    %swap3A_571 = arith.constant 23 : i32
    %swap3A_572 = arith.index_cast %swap3A_571 : i32 to index
    %swap3A_573 = arith.constant 48 : index
    %swap3A_574 = tpu.vector_load %arg9[%swap3A_572, %swap3A_573] {strides = array<i32>} : memref<64x64xf32, #tpu.memory_space<vmem>>, vector<1x16xf32>,
    %swap3A_575 = vector.shape_cast %swap3A_574 : vector<1x16xf32> to vector<16xf32>
    %swap3A_576 = vector.shape_cast %broadcast_in_dim3A_1 : vector<16xf32> to vector<1x16xf32>
    tpu.vector_store %arg9[%swap3A_572, %swap3A_573], %swap3A_576 {strides = array<i32>} : memref<64x64xf32, #tpu.memory_space<vmem>>, vector<1x16xf32>,
    %swap3A_577 = arith.constant 24 : i32
    %swap3A_578 = arith.index_cast %swap3A_577 : i32 to index
    %swap3A_579 = arith.constant 0 : index
    %swap3A_580 = tpu.vector_load %arg9[%swap3A_578, %swap3A_579] {strides = array<i32>} : memref<64x64xf32, #tpu.memory_space<vmem>>, vector<1x16xf32>,
    %swap3A_581 = vector.shape_cast %swap3A_580 : vector<1x16xf32> to vector<16xf32>
    %swap3A_582 = vector.shape_cast %broadcast_in_dim3A_1 : vector<16xf32> to vector<1x16xf32>
    tpu.vector_store %arg9[%swap3A_578, %swap3A_579], %swap3A_582 {strides = array<i32>} : memref<64x64xf32, #tpu.memory_space<vmem>>, vector<1x16xf32>,
    %swap3A_583 = arith.constant 24 : i32
    %swap3A_584 = arith.index_cast %swap3A_583 : i32 to index
    %swap3A_585 = arith.constant 16 : index
    %swap3A_586 = tpu.vector_load %arg9[%swap3A_584, %swap3A_585] {strides = array<i32>} : memref<64x64xf32, #tpu.memory_space<vmem>>, vector<1x16xf32>,
    %swap3A_587 = vector.shape_cast %swap3A_586 : vector<1x16xf32> to vector<16xf32>
    %swap3A_588 = vector.shape_cast %broadcast_in_dim3A_1 : vector<16xf32> to vector<1x16xf32>
    tpu.vector_store %arg9[%swap3A_584, %swap3A_585], %swap3A_588 {strides = array<i32>} : memref<64x64xf32, #tpu.memory_space<vmem>>, vector<1x16xf32>,
    %swap3A_589 = arith.constant 24 : i32
    %swap3A_590 = arith.index_cast %swap3A_589 : i32 to index
    %swap3A_591 = arith.constant 32 : index
    %swap3A_592 = tpu.vector_load %arg9[%swap3A_590, %swap3A_591] {strides = array<i32>} : memref<64x64xf32, #tpu.memory_space<vmem>>, vector<1x16xf32>,
    %swap3A_593 = vector.shape_cast %swap3A_592 : vector<1x16xf32> to vector<16xf32>
    %swap3A_594 = vector.shape_cast %broadcast_in_dim3A_1 : vector<16xf32> to vector<1x16xf32>
    tpu.vector_store %arg9[%swap3A_590, %swap3A_591], %swap3A_594 {strides = array<i32>} : memref<64x64xf32, #tpu.memory_space<vmem>>, vector<1x16xf32>,
    %swap3A_595 = arith.constant 24 : i32
    %swap3A_596 = arith.index_cast %swap3A_595 : i32 to index
    %swap3A_597 = arith.constant 48 : index
    %swap3A_598 = tpu.vector_load %arg9[%swap3A_596, %swap3A_597] {strides = array<i32>} : memref<64x64xf32, #tpu.memory_space<vmem>>, vector<1x16xf32>,
    %swap3A_599 = vector.shape_cast %swap3A_598 : vector<1x16xf32> to vector<16xf32>
    %swap3A_600 = vector.shape_cast %broadcast_in_dim3A_1 : vector<16xf32> to vector<1x16xf32>
    tpu.vector_store %arg9[%swap3A_596, %swap3A_597], %swap3A_600 {strides = array<i32>} : memref<64x64xf32, #tpu.memory_space<vmem>>, vector<1x16xf32>,
    %swap3A_601 = arith.constant 25 : i32
    %swap3A_602 = arith.index_cast %swap3A_601 : i32 to index
    %swap3A_603 = arith.constant 0 : index
    %swap3A_604 = tpu.vector_load %arg9[%swap3A_602, %swap3A_603] {strides = array<i32>} : memref<64x64xf32, #tpu.memory_space<vmem>>, vector<1x16xf32>,
    %swap3A_605 = vector.shape_cast %swap3A_604 : vector<1x16xf32> to vector<16xf32>
    %swap3A_606 = vector.shape_cast %broadcast_in_dim3A_1 : vector<16xf32> to vector<1x16xf32>
    tpu.vector_store %arg9[%swap3A_602, %swap3A_603], %swap3A_606 {strides = array<i32>} : memref<64x64xf32, #tpu.memory_space<vmem>>, vector<1x16xf32>,
    %swap3A_607 = arith.constant 25 : i32
    %swap3A_608 = arith.index_cast %swap3A_607 : i32 to index
    %swap3A_609 = arith.constant 16 : index
    %swap3A_610 = tpu.vector_load %arg9[%swap3A_608, %swap3A_609] {strides = array<i32>} : memref<64x64xf32, #tpu.memory_space<vmem>>, vector<1x16xf32>,
    %swap3A_611 = vector.shape_cast %swap3A_610 : vector<1x16xf32> to vector<16xf32>
    %swap3A_612 = vector.shape_cast %broadcast_in_dim3A_1 : vector<16xf32> to vector<1x16xf32>
    tpu.vector_store %arg9[%swap3A_608, %swap3A_609], %swap3A_612 {strides = array<i32>} : memref<64x64xf32, #tpu.memory_space<vmem>>, vector<1x16xf32>,
    %swap3A_613 = arith.constant 25 : i32
    %swap3A_614 = arith.index_cast %swap3A_613 : i32 to index
    %swap3A_615 = arith.constant 32 : index
    %swap3A_616 = tpu.vector_load %arg9[%swap3A_614, %swap3A_615] {strides = array<i32>} : memref<64x64xf32, #tpu.memory_space<vmem>>, vector<1x16xf32>,
    %swap3A_617 = vector.shape_cast %swap3A_616 : vector<1x16xf32> to vector<16xf32>
    %swap3A_618 = vector.shape_cast %broadcast_in_dim3A_1 : vector<16xf32> to vector<1x16xf32>
    tpu.vector_store %arg9[%swap3A_614, %swap3A_615], %swap3A_618 {strides = array<i32>} : memref<64x64xf32, #tpu.memory_space<vmem>>, vector<1x16xf32>,
    %swap3A_619 = arith.constant 25 : i32
    %swap3A_620 = arith.index_cast %swap3A_619 : i32 to index
    %swap3A_621 = arith.constant 48 : index
    %swap3A_622 = tpu.vector_load %arg9[%swap3A_620, %swap3A_621] {strides = array<i32>} : memref<64x64xf32, #tpu.memory_space<vmem>>, vector<1x16xf32>,
    %swap3A_623 = vector.shape_cast %swap3A_622 : vector<1x16xf32> to vector<16xf32>
    %swap3A_624 = vector.shape_cast %broadcast_in_dim3A_1 : vector<16xf32> to vector<1x16xf32>
    tpu.vector_store %arg9[%swap3A_620, %swap3A_621], %swap3A_624 {strides = array<i32>} : memref<64x64xf32, #tpu.memory_space<vmem>>, vector<1x16xf32>,
    %swap3A_625 = arith.constant 26 : i32
    %swap3A_626 = arith.index_cast %swap3A_625 : i32 to index
    %swap3A_627 = arith.constant 0 : index
    %swap3A_628 = tpu.vector_load %arg9[%swap3A_626, %swap3A_627] {strides = array<i32>} : memref<64x64xf32, #tpu.memory_space<vmem>>, vector<1x16xf32>,
    %swap3A_629 = vector.shape_cast %swap3A_628 : vector<1x16xf32> to vector<16xf32>
    %swap3A_630 = vector.shape_cast %broadcast_in_dim3A_1 : vector<16xf32> to vector<1x16xf32>
    tpu.vector_store %arg9[%swap3A_626, %swap3A_627], %swap3A_630 {strides = array<i32>} : memref<64x64xf32, #tpu.memory_space<vmem>>, vector<1x16xf32>,
    %swap3A_631 = arith.constant 26 : i32
    %swap3A_632 = arith.index_cast %swap3A_631 : i32 to index
    %swap3A_633 = arith.constant 16 : index
    %swap3A_634 = tpu.vector_load %arg9[%swap3A_632, %swap3A_633] {strides = array<i32>} : memref<64x64xf32, #tpu.memory_space<vmem>>, vector<1x16xf32>,
    %swap3A_635 = vector.shape_cast %swap3A_634 : vector<1x16xf32> to vector<16xf32>
    %swap3A_636 = vector.shape_cast %broadcast_in_dim3A_1 : vector<16xf32> to vector<1x16xf32>
    tpu.vector_store %arg9[%swap3A_632, %swap3A_633], %swap3A_636 {strides = array<i32>} : memref<64x64xf32, #tpu.memory_space<vmem>>, vector<1x16xf32>,
    %swap3A_637 = arith.constant 26 : i32
    %swap3A_638 = arith.index_cast %swap3A_637 : i32 to index
    %swap3A_639 = arith.constant 32 : index
    %swap3A_640 = tpu.vector_load %arg9[%swap3A_638, %swap3A_639] {strides = array<i32>} : memref<64x64xf32, #tpu.memory_space<vmem>>, vector<1x16xf32>,
    %swap3A_641 = vector.shape_cast %swap3A_640 : vector<1x16xf32> to vector<16xf32>
    %swap3A_642 = vector.shape_cast %broadcast_in_dim3A_1 : vector<16xf32> to vector<1x16xf32>
    tpu.vector_store %arg9[%swap3A_638, %swap3A_639], %swap3A_642 {strides = array<i32>} : memref<64x64xf32, #tpu.memory_space<vmem>>, vector<1x16xf32>,
    %swap3A_643 = arith.constant 26 : i32
    %swap3A_644 = arith.index_cast %swap3A_643 : i32 to index
    %swap3A_645 = arith.constant 48 : index
    %swap3A_646 = tpu.vector_load %arg9[%swap3A_644, %swap3A_645] {strides = array<i32>} : memref<64x64xf32, #tpu.memory_space<vmem>>, vector<1x16xf32>,
    %swap3A_647 = vector.shape_cast %swap3A_646 : vector<1x16xf32> to vector<16xf32>
    %swap3A_648 = vector.shape_cast %broadcast_in_dim3A_1 : vector<16xf32> to vector<1x16xf32>
    tpu.vector_store %arg9[%swap3A_644, %swap3A_645], %swap3A_648 {strides = array<i32>} : memref<64x64xf32, #tpu.memory_space<vmem>>, vector<1x16xf32>,
    %swap3A_649 = arith.constant 27 : i32
    %swap3A_650 = arith.index_cast %swap3A_649 : i32 to index
    %swap3A_651 = arith.constant 0 : index
    %swap3A_652 = tpu.vector_load %arg9[%swap3A_650, %swap3A_651] {strides = array<i32>} : memref<64x64xf32, #tpu.memory_space<vmem>>, vector<1x16xf32>,
    %swap3A_653 = vector.shape_cast %swap3A_652 : vector<1x16xf32> to vector<16xf32>
    %swap3A_654 = vector.shape_cast %broadcast_in_dim3A_1 : vector<16xf32> to vector<1x16xf32>
    tpu.vector_store %arg9[%swap3A_650, %swap3A_651], %swap3A_654 {strides = array<i32>} : memref<64x64xf32, #tpu.memory_space<vmem>>, vector<1x16xf32>,
    %swap3A_655 = arith.constant 27 : i32
    %swap3A_656 = arith.index_cast %swap3A_655 : i32 to index
    %swap3A_657 = arith.constant 16 : index
    %swap3A_658 = tpu.vector_load %arg9[%swap3A_656, %swap3A_657] {strides = array<i32>} : memref<64x64xf32, #tpu.memory_space<vmem>>, vector<1x16xf32>,
    %swap3A_659 = vector.shape_cast %swap3A_658 : vector<1x16xf32> to vector<16xf32>
    %swap3A_660 = vector.shape_cast %broadcast_in_dim3A_1 : vector<16xf32> to vector<1x16xf32>
    tpu.vector_store %arg9[%swap3A_656, %swap3A_657], %swap3A_660 {strides = array<i32>} : memref<64x64xf32, #tpu.memory_space<vmem>>, vector<1x16xf32>,
    %swap3A_661 = arith.constant 27 : i32
    %swap3A_662 = arith.index_cast %swap3A_661 : i32 to index
    %swap3A_663 = arith.constant 32 : index
    %swap3A_664 = tpu.vector_load %arg9[%swap3A_662, %swap3A_663] {strides = array<i32>} : memref<64x64xf32, #tpu.memory_space<vmem>>, vector<1x16xf32>,
    %swap3A_665 = vector.shape_cast %swap3A_664 : vector<1x16xf32> to vector<16xf32>
    %swap3A_666 = vector.shape_cast %broadcast_in_dim3A_1 : vector<16xf32> to vector<1x16xf32>
    tpu.vector_store %arg9[%swap3A_662, %swap3A_663], %swap3A_666 {strides = array<i32>} : memref<64x64xf32, #tpu.memory_space<vmem>>, vector<1x16xf32>,
    %swap3A_667 = arith.constant 27 : i32
    %swap3A_668 = arith.index_cast %swap3A_667 : i32 to index
    %swap3A_669 = arith.constant 48 : index
    %swap3A_670 = tpu.vector_load %arg9[%swap3A_668, %swap3A_669] {strides = array<i32>} : memref<64x64xf32, #tpu.memory_space<vmem>>, vector<1x16xf32>,
    %swap3A_671 = vector.shape_cast %swap3A_670 : vector<1x16xf32> to vector<16xf32>
    %swap3A_672 = vector.shape_cast %broadcast_in_dim3A_1 : vector<16xf32> to vector<1x16xf32>
    tpu.vector_store %arg9[%swap3A_668, %swap3A_669], %swap3A_672 {strides = array<i32>} : memref<64x64xf32, #tpu.memory_space<vmem>>, vector<1x16xf32>,
    %swap3A_673 = arith.constant 28 : i32
    %swap3A_674 = arith.index_cast %swap3A_673 : i32 to index
    %swap3A_675 = arith.constant 0 : index
    %swap3A_676 = tpu.vector_load %arg9[%swap3A_674, %swap3A_675] {strides = array<i32>} : memref<64x64xf32, #tpu.memory_space<vmem>>, vector<1x16xf32>,
    %swap3A_677 = vector.shape_cast %swap3A_676 : vector<1x16xf32> to vector<16xf32>
    %swap3A_678 = vector.shape_cast %broadcast_in_dim3A_1 : vector<16xf32> to vector<1x16xf32>
    tpu.vector_store %arg9[%swap3A_674, %swap3A_675], %swap3A_678 {strides = array<i32>} : memref<64x64xf32, #tpu.memory_space<vmem>>, vector<1x16xf32>,
    %swap3A_679 = arith.constant 28 : i32
    %swap3A_680 = arith.index_cast %swap3A_679 : i32 to index
    %swap3A_681 = arith.constant 16 : index
    %swap3A_682 = tpu.vector_load %arg9[%swap3A_680, %swap3A_681] {strides = array<i32>} : memref<64x64xf32, #tpu.memory_space<vmem>>, vector<1x16xf32>,
    %swap3A_683 = vector.shape_cast %swap3A_682 : vector<1x16xf32> to vector<16xf32>
    %swap3A_684 = vector.shape_cast %broadcast_in_dim3A_1 : vector<16xf32> to vector<1x16xf32>
    tpu.vector_store %arg9[%swap3A_680, %swap3A_681], %swap3A_684 {strides = array<i32>} : memref<64x64xf32, #tpu.memory_space<vmem>>, vector<1x16xf32>,
    %swap3A_685 = arith.constant 28 : i32
    %swap3A_686 = arith.index_cast %swap3A_685 : i32 to index
    %swap3A_687 = arith.constant 32 : index
    %swap3A_688 = tpu.vector_load %arg9[%swap3A_686, %swap3A_687] {strides = array<i32>} : memref<64x64xf32, #tpu.memory_space<vmem>>, vector<1x16xf32>,
    %swap3A_689 = vector.shape_cast %swap3A_688 : vector<1x16xf32> to vector<16xf32>
    %swap3A_690 = vector.shape_cast %broadcast_in_dim3A_1 : vector<16xf32> to vector<1x16xf32>
    tpu.vector_store %arg9[%swap3A_686, %swap3A_687], %swap3A_690 {strides = array<i32>} : memref<64x64xf32, #tpu.memory_space<vmem>>, vector<1x16xf32>,
    %swap3A_691 = arith.constant 28 : i32
    %swap3A_692 = arith.index_cast %swap3A_691 : i32 to index
    %swap3A_693 = arith.constant 48 : index
    %swap3A_694 = tpu.vector_load %arg9[%swap3A_692, %swap3A_693] {strides = array<i32>} : memref<64x64xf32, #tpu.memory_space<vmem>>, vector<1x16xf32>,
    %swap3A_695 = vector.shape_cast %swap3A_694 : vector<1x16xf32> to vector<16xf32>
    %swap3A_696 = vector.shape_cast %broadcast_in_dim3A_1 : vector<16xf32> to vector<1x16xf32>
    tpu.vector_store %arg9[%swap3A_692, %swap3A_693], %swap3A_696 {strides = array<i32>} : memref<64x64xf32, #tpu.memory_space<vmem>>, vector<1x16xf32>,
    %swap3A_697 = arith.constant 29 : i32
    %swap3A_698 = arith.index_cast %swap3A_697 : i32 to index
    %swap3A_699 = arith.constant 0 : index
    %swap3A_700 = tpu.vector_load %arg9[%swap3A_698, %swap3A_699] {strides = array<i32>} : memref<64x64xf32, #tpu.memory_space<vmem>>, vector<1x16xf32>,
    %swap3A_701 = vector.shape_cast %swap3A_700 : vector<1x16xf32> to vector<16xf32>
    %swap3A_702 = vector.shape_cast %broadcast_in_dim3A_1 : vector<16xf32> to vector<1x16xf32>
    tpu.vector_store %arg9[%swap3A_698, %swap3A_699], %swap3A_702 {strides = array<i32>} : memref<64x64xf32, #tpu.memory_space<vmem>>, vector<1x16xf32>,
    %swap3A_703 = arith.constant 29 : i32
    %swap3A_704 = arith.index_cast %swap3A_703 : i32 to index
    %swap3A_705 = arith.constant 16 : index
    %swap3A_706 = tpu.vector_load %arg9[%swap3A_704, %swap3A_705] {strides = array<i32>} : memref<64x64xf32, #tpu.memory_space<vmem>>, vector<1x16xf32>,
    %swap3A_707 = vector.shape_cast %swap3A_706 : vector<1x16xf32> to vector<16xf32>
    %swap3A_708 = vector.shape_cast %broadcast_in_dim3A_1 : vector<16xf32> to vector<1x16xf32>
    tpu.vector_store %arg9[%swap3A_704, %swap3A_705], %swap3A_708 {strides = array<i32>} : memref<64x64xf32, #tpu.memory_space<vmem>>, vector<1x16xf32>,
    %swap3A_709 = arith.constant 29 : i32
    %swap3A_710 = arith.index_cast %swap3A_709 : i32 to index
    %swap3A_711 = arith.constant 32 : index
    %swap3A_712 = tpu.vector_load %arg9[%swap3A_710, %swap3A_711] {strides = array<i32>} : memref<64x64xf32, #tpu.memory_space<vmem>>, vector<1x16xf32>,
    %swap3A_713 = vector.shape_cast %swap3A_712 : vector<1x16xf32> to vector<16xf32>
    %swap3A_714 = vector.shape_cast %broadcast_in_dim3A_1 : vector<16xf32> to vector<1x16xf32>
    tpu.vector_store %arg9[%swap3A_710, %swap3A_711], %swap3A_714 {strides = array<i32>} : memref<64x64xf32, #tpu.memory_space<vmem>>, vector<1x16xf32>,
    %swap3A_715 = arith.constant 29 : i32
    %swap3A_716 = arith.index_cast %swap3A_715 : i32 to index
    %swap3A_717 = arith.constant 48 : index
    %swap3A_718 = tpu.vector_load %arg9[%swap3A_716, %swap3A_717] {strides = array<i32>} : memref<64x64xf32, #tpu.memory_space<vmem>>, vector<1x16xf32>,
    %swap3A_719 = vector.shape_cast %swap3A_718 : vector<1x16xf32> to vector<16xf32>
    %swap3A_720 = vector.shape_cast %broadcast_in_dim3A_1 : vector<16xf32> to vector<1x16xf32>
    tpu.vector_store %arg9[%swap3A_716, %swap3A_717], %swap3A_720 {strides = array<i32>} : memref<64x64xf32, #tpu.memory_space<vmem>>, vector<1x16xf32>,
    %swap3A_721 = arith.constant 30 : i32
    %swap3A_722 = arith.index_cast %swap3A_721 : i32 to index
    %swap3A_723 = arith.constant 0 : index
    %swap3A_724 = tpu.vector_load %arg9[%swap3A_722, %swap3A_723] {strides = array<i32>} : memref<64x64xf32, #tpu.memory_space<vmem>>, vector<1x16xf32>,
    %swap3A_725 = vector.shape_cast %swap3A_724 : vector<1x16xf32> to vector<16xf32>
    %swap3A_726 = vector.shape_cast %broadcast_in_dim3A_1 : vector<16xf32> to vector<1x16xf32>
    tpu.vector_store %arg9[%swap3A_722, %swap3A_723], %swap3A_726 {strides = array<i32>} : memref<64x64xf32, #tpu.memory_space<vmem>>, vector<1x16xf32>,
    %swap3A_727 = arith.constant 30 : i32
    %swap3A_728 = arith.index_cast %swap3A_727 : i32 to index
    %swap3A_729 = arith.constant 16 : index
    %swap3A_730 = tpu.vector_load %arg9[%swap3A_728, %swap3A_729] {strides = array<i32>} : memref<64x64xf32, #tpu.memory_space<vmem>>, vector<1x16xf32>,
    %swap3A_731 = vector.shape_cast %swap3A_730 : vector<1x16xf32> to vector<16xf32>
    %swap3A_732 = vector.shape_cast %broadcast_in_dim3A_1 : vector<16xf32> to vector<1x16xf32>
    tpu.vector_store %arg9[%swap3A_728, %swap3A_729], %swap3A_732 {strides = array<i32>} : memref<64x64xf32, #tpu.memory_space<vmem>>, vector<1x16xf32>,
    %swap3A_733 = arith.constant 30 : i32
    %swap3A_734 = arith.index_cast %swap3A_733 : i32 to index
    %swap3A_735 = arith.constant 32 : index
    %swap3A_736 = tpu.vector_load %arg9[%swap3A_734, %swap3A_735] {strides = array<i32>} : memref<64x64xf32, #tpu.memory_space<vmem>>, vector<1x16xf32>,
    %swap3A_737 = vector.shape_cast %swap3A_736 : vector<1x16xf32> to vector<16xf32>
    %swap3A_738 = vector.shape_cast %broadcast_in_dim3A_1 : vector<16xf32> to vector<1x16xf32>
    tpu.vector_store %arg9[%swap3A_734, %swap3A_735], %swap3A_738 {strides = array<i32>} : memref<64x64xf32, #tpu.memory_space<vmem>>, vector<1x16xf32>,
    %swap3A_739 = arith.constant 30 : i32
    %swap3A_740 = arith.index_cast %swap3A_739 : i32 to index
    %swap3A_741 = arith.constant 48 : index
    %swap3A_742 = tpu.vector_load %arg9[%swap3A_740, %swap3A_741] {strides = array<i32>} : memref<64x64xf32, #tpu.memory_space<vmem>>, vector<1x16xf32>,
    %swap3A_743 = vector.shape_cast %swap3A_742 : vector<1x16xf32> to vector<16xf32>
    %swap3A_744 = vector.shape_cast %broadcast_in_dim3A_1 : vector<16xf32> to vector<1x16xf32>
    tpu.vector_store %arg9[%swap3A_740, %swap3A_741], %swap3A_744 {strides = array<i32>} : memref<64x64xf32, #tpu.memory_space<vmem>>, vector<1x16xf32>,
    %swap3A_745 = arith.constant 31 : i32
    %swap3A_746 = arith.index_cast %swap3A_745 : i32 to index
    %swap3A_747 = arith.constant 0 : index
    %swap3A_748 = tpu.vector_load %arg9[%swap3A_746, %swap3A_747] {strides = array<i32>} : memref<64x64xf32, #tpu.memory_space<vmem>>, vector<1x16xf32>,
    %swap3A_749 = vector.shape_cast %swap3A_748 : vector<1x16xf32> to vector<16xf32>
    %swap3A_750 = vector.shape_cast %broadcast_in_dim3A_1 : vector<16xf32> to vector<1x16xf32>
    tpu.vector_store %arg9[%swap3A_746, %swap3A_747], %swap3A_750 {strides = array<i32>} : memref<64x64xf32, #tpu.memory_space<vmem>>, vector<1x16xf32>,
    %swap3A_751 = arith.constant 31 : i32
    %swap3A_752 = arith.index_cast %swap3A_751 : i32 to index
    %swap3A_753 = arith.constant 16 : index
    %swap3A_754 = tpu.vector_load %arg9[%swap3A_752, %swap3A_753] {strides = array<i32>} : memref<64x64xf32, #tpu.memory_space<vmem>>, vector<1x16xf32>,
    %swap3A_755 = vector.shape_cast %swap3A_754 : vector<1x16xf32> to vector<16xf32>
    %swap3A_756 = vector.shape_cast %broadcast_in_dim3A_1 : vector<16xf32> to vector<1x16xf32>
    tpu.vector_store %arg9[%swap3A_752, %swap3A_753], %swap3A_756 {strides = array<i32>} : memref<64x64xf32, #tpu.memory_space<vmem>>, vector<1x16xf32>,
    %swap3A_757 = arith.constant 31 : i32
    %swap3A_758 = arith.index_cast %swap3A_757 : i32 to index
    %swap3A_759 = arith.constant 32 : index
    %swap3A_760 = tpu.vector_load %arg9[%swap3A_758, %swap3A_759] {strides = array<i32>} : memref<64x64xf32, #tpu.memory_space<vmem>>, vector<1x16xf32>,
    %swap3A_761 = vector.shape_cast %swap3A_760 : vector<1x16xf32> to vector<16xf32>
    %swap3A_762 = vector.shape_cast %broadcast_in_dim3A_1 : vector<16xf32> to vector<1x16xf32>
    tpu.vector_store %arg9[%swap3A_758, %swap3A_759], %swap3A_762 {strides = array<i32>} : memref<64x64xf32, #tpu.memory_space<vmem>>, vector<1x16xf32>,
    %swap3A_763 = arith.constant 31 : i32
    %swap3A_764 = arith.index_cast %swap3A_763 : i32 to index
    %swap3A_765 = arith.constant 48 : index
    %swap3A_766 = tpu.vector_load %arg9[%swap3A_764, %swap3A_765] {strides = array<i32>} : memref<64x64xf32, #tpu.memory_space<vmem>>, vector<1x16xf32>,
    %swap3A_767 = vector.shape_cast %swap3A_766 : vector<1x16xf32> to vector<16xf32>
    %swap3A_768 = vector.shape_cast %broadcast_in_dim3A_1 : vector<16xf32> to vector<1x16xf32>
    tpu.vector_store %arg9[%swap3A_764, %swap3A_765], %swap3A_768 {strides = array<i32>} : memref<64x64xf32, #tpu.memory_space<vmem>>, vector<1x16xf32>,
    %swap3A_769 = arith.constant 32 : i32
    %swap3A_770 = arith.index_cast %swap3A_769 : i32 to index
    %swap3A_771 = arith.constant 0 : index
    %swap3A_772 = tpu.vector_load %arg9[%swap3A_770, %swap3A_771] {strides = array<i32>} : memref<64x64xf32, #tpu.memory_space<vmem>>, vector<1x16xf32>,
    %swap3A_773 = vector.shape_cast %swap3A_772 : vector<1x16xf32> to vector<16xf32>
    %swap3A_774 = vector.shape_cast %broadcast_in_dim3A_1 : vector<16xf32> to vector<1x16xf32>
    tpu.vector_store %arg9[%swap3A_770, %swap3A_771], %swap3A_774 {strides = array<i32>} : memref<64x64xf32, #tpu.memory_space<vmem>>, vector<1x16xf32>,
    %swap3A_775 = arith.constant 32 : i32
    %swap3A_776 = arith.index_cast %swap3A_775 : i32 to index
    %swap3A_777 = arith.constant 16 : index
    %swap3A_778 = tpu.vector_load %arg9[%swap3A_776, %swap3A_777] {strides = array<i32>} : memref<64x64xf32, #tpu.memory_space<vmem>>, vector<1x16xf32>,
    %swap3A_779 = vector.shape_cast %swap3A_778 : vector<1x16xf32> to vector<16xf32>
    %swap3A_780 = vector.shape_cast %broadcast_in_dim3A_1 : vector<16xf32> to vector<1x16xf32>
    tpu.vector_store %arg9[%swap3A_776, %swap3A_777], %swap3A_780 {strides = array<i32>} : memref<64x64xf32, #tpu.memory_space<vmem>>, vector<1x16xf32>,
    %swap3A_781 = arith.constant 32 : i32
    %swap3A_782 = arith.index_cast %swap3A_781 : i32 to index
    %swap3A_783 = arith.constant 32 : index
    %swap3A_784 = tpu.vector_load %arg9[%swap3A_782, %swap3A_783] {strides = array<i32>} : memref<64x64xf32, #tpu.memory_space<vmem>>, vector<1x16xf32>,
    %swap3A_785 = vector.shape_cast %swap3A_784 : vector<1x16xf32> to vector<16xf32>
    %swap3A_786 = vector.shape_cast %broadcast_in_dim3A_1 : vector<16xf32> to vector<1x16xf32>
    tpu.vector_store %arg9[%swap3A_782, %swap3A_783], %swap3A_786 {strides = array<i32>} : memref<64x64xf32, #tpu.memory_space<vmem>>, vector<1x16xf32>,
    %swap3A_787 = arith.constant 32 : i32
    %swap3A_788 = arith.index_cast %swap3A_787 : i32 to index
    %swap3A_789 = arith.constant 48 : index
    %swap3A_790 = tpu.vector_load %arg9[%swap3A_788, %swap3A_789] {strides = array<i32>} : memref<64x64xf32, #tpu.memory_space<vmem>>, vector<1x16xf32>,
    %swap3A_791 = vector.shape_cast %swap3A_790 : vector<1x16xf32> to vector<16xf32>
    %swap3A_792 = vector.shape_cast %broadcast_in_dim3A_1 : vector<16xf32> to vector<1x16xf32>
    tpu.vector_store %arg9[%swap3A_788, %swap3A_789], %swap3A_792 {strides = array<i32>} : memref<64x64xf32, #tpu.memory_space<vmem>>, vector<1x16xf32>,
    %swap3A_793 = arith.constant 33 : i32
    %swap3A_794 = arith.index_cast %swap3A_793 : i32 to index
    %swap3A_795 = arith.constant 0 : index
    %swap3A_796 = tpu.vector_load %arg9[%swap3A_794, %swap3A_795] {strides = array<i32>} : memref<64x64xf32, #tpu.memory_space<vmem>>, vector<1x16xf32>,
    %swap3A_797 = vector.shape_cast %swap3A_796 : vector<1x16xf32> to vector<16xf32>
    %swap3A_798 = vector.shape_cast %broadcast_in_dim3A_1 : vector<16xf32> to vector<1x16xf32>
    tpu.vector_store %arg9[%swap3A_794, %swap3A_795], %swap3A_798 {strides = array<i32>} : memref<64x64xf32, #tpu.memory_space<vmem>>, vector<1x16xf32>,
    %swap3A_799 = arith.constant 33 : i32
    %swap3A_800 = arith.index_cast %swap3A_799 : i32 to index
    %swap3A_801 = arith.constant 16 : index
    %swap3A_802 = tpu.vector_load %arg9[%swap3A_800, %swap3A_801] {strides = array<i32>} : memref<64x64xf32, #tpu.memory_space<vmem>>, vector<1x16xf32>,
    %swap3A_803 = vector.shape_cast %swap3A_802 : vector<1x16xf32> to vector<16xf32>
    %swap3A_804 = vector.shape_cast %broadcast_in_dim3A_1 : vector<16xf32> to vector<1x16xf32>
    tpu.vector_store %arg9[%swap3A_800, %swap3A_801], %swap3A_804 {strides = array<i32>} : memref<64x64xf32, #tpu.memory_space<vmem>>, vector<1x16xf32>,
    %swap3A_805 = arith.constant 33 : i32
    %swap3A_806 = arith.index_cast %swap3A_805 : i32 to index
    %swap3A_807 = arith.constant 32 : index
    %swap3A_808 = tpu.vector_load %arg9[%swap3A_806, %swap3A_807] {strides = array<i32>} : memref<64x64xf32, #tpu.memory_space<vmem>>, vector<1x16xf32>,
    %swap3A_809 = vector.shape_cast %swap3A_808 : vector<1x16xf32> to vector<16xf32>
    %swap3A_810 = vector.shape_cast %broadcast_in_dim3A_1 : vector<16xf32> to vector<1x16xf32>
    tpu.vector_store %arg9[%swap3A_806, %swap3A_807], %swap3A_810 {strides = array<i32>} : memref<64x64xf32, #tpu.memory_space<vmem>>, vector<1x16xf32>,
    %swap3A_811 = arith.constant 33 : i32
    %swap3A_812 = arith.index_cast %swap3A_811 : i32 to index
    %swap3A_813 = arith.constant 48 : index
    %swap3A_814 = tpu.vector_load %arg9[%swap3A_812, %swap3A_813] {strides = array<i32>} : memref<64x64xf32, #tpu.memory_space<vmem>>, vector<1x16xf32>,
    %swap3A_815 = vector.shape_cast %swap3A_814 : vector<1x16xf32> to vector<16xf32>
    %swap3A_816 = vector.shape_cast %broadcast_in_dim3A_1 : vector<16xf32> to vector<1x16xf32>
    tpu.vector_store %arg9[%swap3A_812, %swap3A_813], %swap3A_816 {strides = array<i32>} : memref<64x64xf32, #tpu.memory_space<vmem>>, vector<1x16xf32>,
    %swap3A_817 = arith.constant 34 : i32
    %swap3A_818 = arith.index_cast %swap3A_817 : i32 to index
    %swap3A_819 = arith.constant 0 : index
    %swap3A_820 = tpu.vector_load %arg9[%swap3A_818, %swap3A_819] {strides = array<i32>} : memref<64x64xf32, #tpu.memory_space<vmem>>, vector<1x16xf32>,
    %swap3A_821 = vector.shape_cast %swap3A_820 : vector<1x16xf32> to vector<16xf32>
    %swap3A_822 = vector.shape_cast %broadcast_in_dim3A_1 : vector<16xf32> to vector<1x16xf32>
    tpu.vector_store %arg9[%swap3A_818, %swap3A_819], %swap3A_822 {strides = array<i32>} : memref<64x64xf32, #tpu.memory_space<vmem>>, vector<1x16xf32>,
    %swap3A_823 = arith.constant 34 : i32
    %swap3A_824 = arith.index_cast %swap3A_823 : i32 to index
    %swap3A_825 = arith.constant 16 : index
    %swap3A_826 = tpu.vector_load %arg9[%swap3A_824, %swap3A_825] {strides = array<i32>} : memref<64x64xf32, #tpu.memory_space<vmem>>, vector<1x16xf32>,
    %swap3A_827 = vector.shape_cast %swap3A_826 : vector<1x16xf32> to vector<16xf32>
    %swap3A_828 = vector.shape_cast %broadcast_in_dim3A_1 : vector<16xf32> to vector<1x16xf32>
    tpu.vector_store %arg9[%swap3A_824, %swap3A_825], %swap3A_828 {strides = array<i32>} : memref<64x64xf32, #tpu.memory_space<vmem>>, vector<1x16xf32>,
    %swap3A_829 = arith.constant 34 : i32
    %swap3A_830 = arith.index_cast %swap3A_829 : i32 to index
    %swap3A_831 = arith.constant 32 : index
    %swap3A_832 = tpu.vector_load %arg9[%swap3A_830, %swap3A_831] {strides = array<i32>} : memref<64x64xf32, #tpu.memory_space<vmem>>, vector<1x16xf32>,
    %swap3A_833 = vector.shape_cast %swap3A_832 : vector<1x16xf32> to vector<16xf32>
    %swap3A_834 = vector.shape_cast %broadcast_in_dim3A_1 : vector<16xf32> to vector<1x16xf32>
    tpu.vector_store %arg9[%swap3A_830, %swap3A_831], %swap3A_834 {strides = array<i32>} : memref<64x64xf32, #tpu.memory_space<vmem>>, vector<1x16xf32>,
    %swap3A_835 = arith.constant 34 : i32
    %swap3A_836 = arith.index_cast %swap3A_835 : i32 to index
    %swap3A_837 = arith.constant 48 : index
    %swap3A_838 = tpu.vector_load %arg9[%swap3A_836, %swap3A_837] {strides = array<i32>} : memref<64x64xf32, #tpu.memory_space<vmem>>, vector<1x16xf32>,
    %swap3A_839 = vector.shape_cast %swap3A_838 : vector<1x16xf32> to vector<16xf32>
    %swap3A_840 = vector.shape_cast %broadcast_in_dim3A_1 : vector<16xf32> to vector<1x16xf32>
    tpu.vector_store %arg9[%swap3A_836, %swap3A_837], %swap3A_840 {strides = array<i32>} : memref<64x64xf32, #tpu.memory_space<vmem>>, vector<1x16xf32>,
    %swap3A_841 = arith.constant 35 : i32
    %swap3A_842 = arith.index_cast %swap3A_841 : i32 to index
    %swap3A_843 = arith.constant 0 : index
    %swap3A_844 = tpu.vector_load %arg9[%swap3A_842, %swap3A_843] {strides = array<i32>} : memref<64x64xf32, #tpu.memory_space<vmem>>, vector<1x16xf32>,
    %swap3A_845 = vector.shape_cast %swap3A_844 : vector<1x16xf32> to vector<16xf32>
    %swap3A_846 = vector.shape_cast %broadcast_in_dim3A_1 : vector<16xf32> to vector<1x16xf32>
    tpu.vector_store %arg9[%swap3A_842, %swap3A_843], %swap3A_846 {strides = array<i32>} : memref<64x64xf32, #tpu.memory_space<vmem>>, vector<1x16xf32>,
    %swap3A_847 = arith.constant 35 : i32
    %swap3A_848 = arith.index_cast %swap3A_847 : i32 to index
    %swap3A_849 = arith.constant 16 : index
    %swap3A_850 = tpu.vector_load %arg9[%swap3A_848, %swap3A_849] {strides = array<i32>} : memref<64x64xf32, #tpu.memory_space<vmem>>, vector<1x16xf32>,
    %swap3A_851 = vector.shape_cast %swap3A_850 : vector<1x16xf32> to vector<16xf32>
    %swap3A_852 = vector.shape_cast %broadcast_in_dim3A_1 : vector<16xf32> to vector<1x16xf32>
    tpu.vector_store %arg9[%swap3A_848, %swap3A_849], %swap3A_852 {strides = array<i32>} : memref<64x64xf32, #tpu.memory_space<vmem>>, vector<1x16xf32>,
    %swap3A_853 = arith.constant 35 : i32
    %swap3A_854 = arith.index_cast %swap3A_853 : i32 to index
    %swap3A_855 = arith.constant 32 : index
    %swap3A_856 = tpu.vector_load %arg9[%swap3A_854, %swap3A_855] {strides = array<i32>} : memref<64x64xf32, #tpu.memory_space<vmem>>, vector<1x16xf32>,
    %swap3A_857 = vector.shape_cast %swap3A_856 : vector<1x16xf32> to vector<16xf32>
    %swap3A_858 = vector.shape_cast %broadcast_in_dim3A_1 : vector<16xf32> to vector<1x16xf32>
    tpu.vector_store %arg9[%swap3A_854, %swap3A_855], %swap3A_858 {strides = array<i32>} : memref<64x64xf32, #tpu.memory_space<vmem>>, vector<1x16xf32>,
    %swap3A_859 = arith.constant 35 : i32
    %swap3A_860 = arith.index_cast %swap3A_859 : i32 to index
    %swap3A_861 = arith.constant 48 : index
    %swap3A_862 = tpu.vector_load %arg9[%swap3A_860, %swap3A_861] {strides = array<i32>} : memref<64x64xf32, #tpu.memory_space<vmem>>, vector<1x16xf32>,
    %swap3A_863 = vector.shape_cast %swap3A_862 : vector<1x16xf32> to vector<16xf32>
    %swap3A_864 = vector.shape_cast %broadcast_in_dim3A_1 : vector<16xf32> to vector<1x16xf32>
    tpu.vector_store %arg9[%swap3A_860, %swap3A_861], %swap3A_864 {strides = array<i32>} : memref<64x64xf32, #tpu.memory_space<vmem>>, vector<1x16xf32>,
    %swap3A_865 = arith.constant 36 : i32
    %swap3A_866 = arith.index_cast %swap3A_865 : i32 to index
    %swap3A_867 = arith.constant 0 : index
    %swap3A_868 = tpu.vector_load %arg9[%swap3A_866, %swap3A_867] {strides = array<i32>} : memref<64x64xf32, #tpu.memory_space<vmem>>, vector<1x16xf32>,
    %swap3A_869 = vector.shape_cast %swap3A_868 : vector<1x16xf32> to vector<16xf32>
    %swap3A_870 = vector.shape_cast %broadcast_in_dim3A_1 : vector<16xf32> to vector<1x16xf32>
    tpu.vector_store %arg9[%swap3A_866, %swap3A_867], %swap3A_870 {strides = array<i32>} : memref<64x64xf32, #tpu.memory_space<vmem>>, vector<1x16xf32>,
    %swap3A_871 = arith.constant 36 : i32
    %swap3A_872 = arith.index_cast %swap3A_871 : i32 to index
    %swap3A_873 = arith.constant 16 : index
    %swap3A_874 = tpu.vector_load %arg9[%swap3A_872, %swap3A_873] {strides = array<i32>} : memref<64x64xf32, #tpu.memory_space<vmem>>, vector<1x16xf32>,
    %swap3A_875 = vector.shape_cast %swap3A_874 : vector<1x16xf32> to vector<16xf32>
    %swap3A_876 = vector.shape_cast %broadcast_in_dim3A_1 : vector<16xf32> to vector<1x16xf32>
    tpu.vector_store %arg9[%swap3A_872, %swap3A_873], %swap3A_876 {strides = array<i32>} : memref<64x64xf32, #tpu.memory_space<vmem>>, vector<1x16xf32>,
    %swap3A_877 = arith.constant 36 : i32
    %swap3A_878 = arith.index_cast %swap3A_877 : i32 to index
    %swap3A_879 = arith.constant 32 : index
    %swap3A_880 = tpu.vector_load %arg9[%swap3A_878, %swap3A_879] {strides = array<i32>} : memref<64x64xf32, #tpu.memory_space<vmem>>, vector<1x16xf32>,
    %swap3A_881 = vector.shape_cast %swap3A_880 : vector<1x16xf32> to vector<16xf32>
    %swap3A_882 = vector.shape_cast %broadcast_in_dim3A_1 : vector<16xf32> to vector<1x16xf32>
    tpu.vector_store %arg9[%swap3A_878, %swap3A_879], %swap3A_882 {strides = array<i32>} : memref<64x64xf32, #tpu.memory_space<vmem>>, vector<1x16xf32>,
    %swap3A_883 = arith.constant 36 : i32
    %swap3A_884 = arith.index_cast %swap3A_883 : i32 to index
    %swap3A_885 = arith.constant 48 : index
    %swap3A_886 = tpu.vector_load %arg9[%swap3A_884, %swap3A_885] {strides = array<i32>} : memref<64x64xf32, #tpu.memory_space<vmem>>, vector<1x16xf32>,
    %swap3A_887 = vector.shape_cast %swap3A_886 : vector<1x16xf32> to vector<16xf32>
    %swap3A_888 = vector.shape_cast %broadcast_in_dim3A_1 : vector<16xf32> to vector<1x16xf32>
    tpu.vector_store %arg9[%swap3A_884, %swap3A_885], %swap3A_888 {strides = array<i32>} : memref<64x64xf32, #tpu.memory_space<vmem>>, vector<1x16xf32>,
    %swap3A_889 = arith.constant 37 : i32
    %swap3A_890 = arith.index_cast %swap3A_889 : i32 to index
    %swap3A_891 = arith.constant 0 : index
    %swap3A_892 = tpu.vector_load %arg9[%swap3A_890, %swap3A_891] {strides = array<i32>} : memref<64x64xf32, #tpu.memory_space<vmem>>, vector<1x16xf32>,
    %swap3A_893 = vector.shape_cast %swap3A_892 : vector<1x16xf32> to vector<16xf32>
    %swap3A_894 = vector.shape_cast %broadcast_in_dim3A_1 : vector<16xf32> to vector<1x16xf32>
    tpu.vector_store %arg9[%swap3A_890, %swap3A_891], %swap3A_894 {strides = array<i32>} : memref<64x64xf32, #tpu.memory_space<vmem>>, vector<1x16xf32>,
    %swap3A_895 = arith.constant 37 : i32
    %swap3A_896 = arith.index_cast %swap3A_895 : i32 to index
    %swap3A_897 = arith.constant 16 : index
    %swap3A_898 = tpu.vector_load %arg9[%swap3A_896, %swap3A_897] {strides = array<i32>} : memref<64x64xf32, #tpu.memory_space<vmem>>, vector<1x16xf32>,
    %swap3A_899 = vector.shape_cast %swap3A_898 : vector<1x16xf32> to vector<16xf32>
    %swap3A_900 = vector.shape_cast %broadcast_in_dim3A_1 : vector<16xf32> to vector<1x16xf32>
    tpu.vector_store %arg9[%swap3A_896, %swap3A_897], %swap3A_900 {strides = array<i32>} : memref<64x64xf32, #tpu.memory_space<vmem>>, vector<1x16xf32>,
    %swap3A_901 = arith.constant 37 : i32
    %swap3A_902 = arith.index_cast %swap3A_901 : i32 to index
    %swap3A_903 = arith.constant 32 : index
    %swap3A_904 = tpu.vector_load %arg9[%swap3A_902, %swap3A_903] {strides = array<i32>} : memref<64x64xf32, #tpu.memory_space<vmem>>, vector<1x16xf32>,
    %swap3A_905 = vector.shape_cast %swap3A_904 : vector<1x16xf32> to vector<16xf32>
    %swap3A_906 = vector.shape_cast %broadcast_in_dim3A_1 : vector<16xf32> to vector<1x16xf32>
    tpu.vector_store %arg9[%swap3A_902, %swap3A_903], %swap3A_906 {strides = array<i32>} : memref<64x64xf32, #tpu.memory_space<vmem>>, vector<1x16xf32>,
    %swap3A_907 = arith.constant 37 : i32
    %swap3A_908 = arith.index_cast %swap3A_907 : i32 to index
    %swap3A_909 = arith.constant 48 : index
    %swap3A_910 = tpu.vector_load %arg9[%swap3A_908, %swap3A_909] {strides = array<i32>} : memref<64x64xf32, #tpu.memory_space<vmem>>, vector<1x16xf32>,
    %swap3A_911 = vector.shape_cast %swap3A_910 : vector<1x16xf32> to vector<16xf32>
    %swap3A_912 = vector.shape_cast %broadcast_in_dim3A_1 : vector<16xf32> to vector<1x16xf32>
    tpu.vector_store %arg9[%swap3A_908, %swap3A_909], %swap3A_912 {strides = array<i32>} : memref<64x64xf32, #tpu.memory_space<vmem>>, vector<1x16xf32>,
    %swap3A_913 = arith.constant 38 : i32
    %swap3A_914 = arith.index_cast %swap3A_913 : i32 to index
    %swap3A_915 = arith.constant 0 : index
    %swap3A_916 = tpu.vector_load %arg9[%swap3A_914, %swap3A_915] {strides = array<i32>} : memref<64x64xf32, #tpu.memory_space<vmem>>, vector<1x16xf32>,
    %swap3A_917 = vector.shape_cast %swap3A_916 : vector<1x16xf32> to vector<16xf32>
    %swap3A_918 = vector.shape_cast %broadcast_in_dim3A_1 : vector<16xf32> to vector<1x16xf32>
    tpu.vector_store %arg9[%swap3A_914, %swap3A_915], %swap3A_918 {strides = array<i32>} : memref<64x64xf32, #tpu.memory_space<vmem>>, vector<1x16xf32>,
    %swap3A_919 = arith.constant 38 : i32
    %swap3A_920 = arith.index_cast %swap3A_919 : i32 to index
    %swap3A_921 = arith.constant 16 : index
    %swap3A_922 = tpu.vector_load %arg9[%swap3A_920, %swap3A_921] {strides = array<i32>} : memref<64x64xf32, #tpu.memory_space<vmem>>, vector<1x16xf32>,
    %swap3A_923 = vector.shape_cast %swap3A_922 : vector<1x16xf32> to vector<16xf32>
    %swap3A_924 = vector.shape_cast %broadcast_in_dim3A_1 : vector<16xf32> to vector<1x16xf32>
    tpu.vector_store %arg9[%swap3A_920, %swap3A_921], %swap3A_924 {strides = array<i32>} : memref<64x64xf32, #tpu.memory_space<vmem>>, vector<1x16xf32>,
    %swap3A_925 = arith.constant 38 : i32
    %swap3A_926 = arith.index_cast %swap3A_925 : i32 to index
    %swap3A_927 = arith.constant 32 : index
    %swap3A_928 = tpu.vector_load %arg9[%swap3A_926, %swap3A_927] {strides = array<i32>} : memref<64x64xf32, #tpu.memory_space<vmem>>, vector<1x16xf32>,
    %swap3A_929 = vector.shape_cast %swap3A_928 : vector<1x16xf32> to vector<16xf32>
    %swap3A_930 = vector.shape_cast %broadcast_in_dim3A_1 : vector<16xf32> to vector<1x16xf32>
    tpu.vector_store %arg9[%swap3A_926, %swap3A_927], %swap3A_930 {strides = array<i32>} : memref<64x64xf32, #tpu.memory_space<vmem>>, vector<1x16xf32>,
    %swap3A_931 = arith.constant 38 : i32
    %swap3A_932 = arith.index_cast %swap3A_931 : i32 to index
    %swap3A_933 = arith.constant 48 : index
    %swap3A_934 = tpu.vector_load %arg9[%swap3A_932, %swap3A_933] {strides = array<i32>} : memref<64x64xf32, #tpu.memory_space<vmem>>, vector<1x16xf32>,
    %swap3A_935 = vector.shape_cast %swap3A_934 : vector<1x16xf32> to vector<16xf32>
    %swap3A_936 = vector.shape_cast %broadcast_in_dim3A_1 : vector<16xf32> to vector<1x16xf32>
    tpu.vector_store %arg9[%swap3A_932, %swap3A_933], %swap3A_936 {strides = array<i32>} : memref<64x64xf32, #tpu.memory_space<vmem>>, vector<1x16xf32>,
    %swap3A_937 = arith.constant 39 : i32
    %swap3A_938 = arith.index_cast %swap3A_937 : i32 to index
    %swap3A_939 = arith.constant 0 : index
    %swap3A_940 = tpu.vector_load %arg9[%swap3A_938, %swap3A_939] {strides = array<i32>} : memref<64x64xf32, #tpu.memory_space<vmem>>, vector<1x16xf32>,
    %swap3A_941 = vector.shape_cast %swap3A_940 : vector<1x16xf32> to vector<16xf32>
    %swap3A_942 = vector.shape_cast %broadcast_in_dim3A_1 : vector<16xf32> to vector<1x16xf32>
    tpu.vector_store %arg9[%swap3A_938, %swap3A_939], %swap3A_942 {strides = array<i32>} : memref<64x64xf32, #tpu.memory_space<vmem>>, vector<1x16xf32>,
    %swap3A_943 = arith.constant 39 : i32
    %swap3A_944 = arith.index_cast %swap3A_943 : i32 to index
    %swap3A_945 = arith.constant 16 : index
    %swap3A_946 = tpu.vector_load %arg9[%swap3A_944, %swap3A_945] {strides = array<i32>} : memref<64x64xf32, #tpu.memory_space<vmem>>, vector<1x16xf32>,
    %swap3A_947 = vector.shape_cast %swap3A_946 : vector<1x16xf32> to vector<16xf32>
    %swap3A_948 = vector.shape_cast %broadcast_in_dim3A_1 : vector<16xf32> to vector<1x16xf32>
    tpu.vector_store %arg9[%swap3A_944, %swap3A_945], %swap3A_948 {strides = array<i32>} : memref<64x64xf32, #tpu.memory_space<vmem>>, vector<1x16xf32>,
    %swap3A_949 = arith.constant 39 : i32
    %swap3A_950 = arith.index_cast %swap3A_949 : i32 to index
    %swap3A_951 = arith.constant 32 : index
    %swap3A_952 = tpu.vector_load %arg9[%swap3A_950, %swap3A_951] {strides = array<i32>} : memref<64x64xf32, #tpu.memory_space<vmem>>, vector<1x16xf32>,
    %swap3A_953 = vector.shape_cast %swap3A_952 : vector<1x16xf32> to vector<16xf32>
    %swap3A_954 = vector.shape_cast %broadcast_in_dim3A_1 : vector<16xf32> to vector<1x16xf32>
    tpu.vector_store %arg9[%swap3A_950, %swap3A_951], %swap3A_954 {strides = array<i32>} : memref<64x64xf32, #tpu.memory_space<vmem>>, vector<1x16xf32>,
    %swap3A_955 = arith.constant 39 : i32
    %swap3A_956 = arith.index_cast %swap3A_955 : i32 to index
    %swap3A_957 = arith.constant 48 : index
    %swap3A_958 = tpu.vector_load %arg9[%swap3A_956, %swap3A_957] {strides = array<i32>} : memref<64x64xf32, #tpu.memory_space<vmem>>, vector<1x16xf32>,
    %swap3A_959 = vector.shape_cast %swap3A_958 : vector<1x16xf32> to vector<16xf32>
    %swap3A_960 = vector.shape_cast %broadcast_in_dim3A_1 : vector<16xf32> to vector<1x16xf32>
    tpu.vector_store %arg9[%swap3A_956, %swap3A_957], %swap3A_960 {strides = array<i32>} : memref<64x64xf32, #tpu.memory_space<vmem>>, vector<1x16xf32>,
    %swap3A_961 = arith.constant 40 : i32
    %swap3A_962 = arith.index_cast %swap3A_961 : i32 to index
    %swap3A_963 = arith.constant 0 : index
    %swap3A_964 = tpu.vector_load %arg9[%swap3A_962, %swap3A_963] {strides = array<i32>} : memref<64x64xf32, #tpu.memory_space<vmem>>, vector<1x16xf32>,
    %swap3A_965 = vector.shape_cast %swap3A_964 : vector<1x16xf32> to vector<16xf32>
    %swap3A_966 = vector.shape_cast %broadcast_in_dim3A_1 : vector<16xf32> to vector<1x16xf32>
    tpu.vector_store %arg9[%swap3A_962, %swap3A_963], %swap3A_966 {strides = array<i32>} : memref<64x64xf32, #tpu.memory_space<vmem>>, vector<1x16xf32>,
    %swap3A_967 = arith.constant 40 : i32
    %swap3A_968 = arith.index_cast %swap3A_967 : i32 to index
    %swap3A_969 = arith.constant 16 : index
    %swap3A_970 = tpu.vector_load %arg9[%swap3A_968, %swap3A_969] {strides = array<i32>} : memref<64x64xf32, #tpu.memory_space<vmem>>, vector<1x16xf32>,
    %swap3A_971 = vector.shape_cast %swap3A_970 : vector<1x16xf32> to vector<16xf32>
    %swap3A_972 = vector.shape_cast %broadcast_in_dim3A_1 : vector<16xf32> to vector<1x16xf32>
    tpu.vector_store %arg9[%swap3A_968, %swap3A_969], %swap3A_972 {strides = array<i32>} : memref<64x64xf32, #tpu.memory_space<vmem>>, vector<1x16xf32>,
    %swap3A_973 = arith.constant 40 : i32
    %swap3A_974 = arith.index_cast %swap3A_973 : i32 to index
    %swap3A_975 = arith.constant 32 : index
    %swap3A_976 = tpu.vector_load %arg9[%swap3A_974, %swap3A_975] {strides = array<i32>} : memref<64x64xf32, #tpu.memory_space<vmem>>, vector<1x16xf32>,
    %swap3A_977 = vector.shape_cast %swap3A_976 : vector<1x16xf32> to vector<16xf32>
    %swap3A_978 = vector.shape_cast %broadcast_in_dim3A_1 : vector<16xf32> to vector<1x16xf32>
    tpu.vector_store %arg9[%swap3A_974, %swap3A_975], %swap3A_978 {strides = array<i32>} : memref<64x64xf32, #tpu.memory_space<vmem>>, vector<1x16xf32>,
    %swap3A_979 = arith.constant 40 : i32
    %swap3A_980 = arith.index_cast %swap3A_979 : i32 to index
    %swap3A_981 = arith.constant 48 : index
    %swap3A_982 = tpu.vector_load %arg9[%swap3A_980, %swap3A_981] {strides = array<i32>} : memref<64x64xf32, #tpu.memory_space<vmem>>, vector<1x16xf32>,
    %swap3A_983 = vector.shape_cast %swap3A_982 : vector<1x16xf32> to vector<16xf32>
    %swap3A_984 = vector.shape_cast %broadcast_in_dim3A_1 : vector<16xf32> to vector<1x16xf32>
    tpu.vector_store %arg9[%swap3A_980, %swap3A_981], %swap3A_984 {strides = array<i32>} : memref<64x64xf32, #tpu.memory_space<vmem>>, vector<1x16xf32>,
    %swap3A_985 = arith.constant 41 : i32
    %swap3A_986 = arith.index_cast %swap3A_985 : i32 to index
    %swap3A_987 = arith.constant 0 : index
    %swap3A_988 = tpu.vector_load %arg9[%swap3A_986, %swap3A_987] {strides = array<i32>} : memref<64x64xf32, #tpu.memory_space<vmem>>, vector<1x16xf32>,
    %swap3A_989 = vector.shape_cast %swap3A_988 : vector<1x16xf32> to vector<16xf32>
    %swap3A_990 = vector.shape_cast %broadcast_in_dim3A_1 : vector<16xf32> to vector<1x16xf32>
    tpu.vector_store %arg9[%swap3A_986, %swap3A_987], %swap3A_990 {strides = array<i32>} : memref<64x64xf32, #tpu.memory_space<vmem>>, vector<1x16xf32>,
    %swap3A_991 = arith.constant 41 : i32
    %swap3A_992 = arith.index_cast %swap3A_991 : i32 to index
    %swap3A_993 = arith.constant 16 : index
    %swap3A_994 = tpu.vector_load %arg9[%swap3A_992, %swap3A_993] {strides = array<i32>} : memref<64x64xf32, #tpu.memory_space<vmem>>, vector<1x16xf32>,
    %swap3A_995 = vector.shape_cast %swap3A_994 : vector<1x16xf32> to vector<16xf32>
    %swap3A_996 = vector.shape_cast %broadcast_in_dim3A_1 : vector<16xf32> to vector<1x16xf32>
    tpu.vector_store %arg9[%swap3A_992, %swap3A_993], %swap3A_996 {strides = array<i32>} : memref<64x64xf32, #tpu.memory_space<vmem>>, vector<1x16xf32>,
    %swap3A_997 = arith.constant 41 : i32
    %swap3A_998 = arith.index_cast %swap3A_997 : i32 to index
    %swap3A_999 = arith.constant 32 : index
    %swap3A_1000 = tpu.vector_load %arg9[%swap3A_998, %swap3A_999] {strides = array<i32>} : memref<64x64xf32, #tpu.memory_space<vmem>>, vector<1x16xf32>,
    %swap3A_1001 = vector.shape_cast %swap3A_1000 : vector<1x16xf32> to vector<16xf32>
    %swap3A_1002 = vector.shape_cast %broadcast_in_dim3A_1 : vector<16xf32> to vector<1x16xf32>
    tpu.vector_store %arg9[%swap3A_998, %swap3A_999], %swap3A_1002 {strides = array<i32>} : memref<64x64xf32, #tpu.memory_space<vmem>>, vector<1x16xf32>,
    %swap3A_1003 = arith.constant 41 : i32
    %swap3A_1004 = arith.index_cast %swap3A_1003 : i32 to index
    %swap3A_1005 = arith.constant 48 : index
    %swap3A_1006 = tpu.vector_load %arg9[%swap3A_1004, %swap3A_1005] {strides = array<i32>} : memref<64x64xf32, #tpu.memory_space<vmem>>, vector<1x16xf32>,
    %swap3A_1007 = vector.shape_cast %swap3A_1006 : vector<1x16xf32> to vector<16xf32>
    %swap3A_1008 = vector.shape_cast %broadcast_in_dim3A_1 : vector<16xf32> to vector<1x16xf32>
    tpu.vector_store %arg9[%swap3A_1004, %swap3A_1005], %swap3A_1008 {strides = array<i32>} : memref<64x64xf32, #tpu.memory_space<vmem>>, vector<1x16xf32>,
    %swap3A_1009 = arith.constant 42 : i32
    %swap3A_1010 = arith.index_cast %swap3A_1009 : i32 to index
    %swap3A_1011 = arith.constant 0 : index
    %swap3A_1012 = tpu.vector_load %arg9[%swap3A_1010, %swap3A_1011] {strides = array<i32>} : memref<64x64xf32, #tpu.memory_space<vmem>>, vector<1x16xf32>,
    %swap3A_1013 = vector.shape_cast %swap3A_1012 : vector<1x16xf32> to vector<16xf32>
    %swap3A_1014 = vector.shape_cast %broadcast_in_dim3A_1 : vector<16xf32> to vector<1x16xf32>
    tpu.vector_store %arg9[%swap3A_1010, %swap3A_1011], %swap3A_1014 {strides = array<i32>} : memref<64x64xf32, #tpu.memory_space<vmem>>, vector<1x16xf32>,
    %swap3A_1015 = arith.constant 42 : i32
    %swap3A_1016 = arith.index_cast %swap3A_1015 : i32 to index
    %swap3A_1017 = arith.constant 16 : index
    %swap3A_1018 = tpu.vector_load %arg9[%swap3A_1016, %swap3A_1017] {strides = array<i32>} : memref<64x64xf32, #tpu.memory_space<vmem>>, vector<1x16xf32>,
    %swap3A_1019 = vector.shape_cast %swap3A_1018 : vector<1x16xf32> to vector<16xf32>
    %swap3A_1020 = vector.shape_cast %broadcast_in_dim3A_1 : vector<16xf32> to vector<1x16xf32>
    tpu.vector_store %arg9[%swap3A_1016, %swap3A_1017], %swap3A_1020 {strides = array<i32>} : memref<64x64xf32, #tpu.memory_space<vmem>>, vector<1x16xf32>,
    %swap3A_1021 = arith.constant 42 : i32
    %swap3A_1022 = arith.index_cast %swap3A_1021 : i32 to index
    %swap3A_1023 = arith.constant 32 : index
    %swap3A_1024 = tpu.vector_load %arg9[%swap3A_1022, %swap3A_1023] {strides = array<i32>} : memref<64x64xf32, #tpu.memory_space<vmem>>, vector<1x16xf32>,
    %swap3A_1025 = vector.shape_cast %swap3A_1024 : vector<1x16xf32> to vector<16xf32>
    %swap3A_1026 = vector.shape_cast %broadcast_in_dim3A_1 : vector<16xf32> to vector<1x16xf32>
    tpu.vector_store %arg9[%swap3A_1022, %swap3A_1023], %swap3A_1026 {strides = array<i32>} : memref<64x64xf32, #tpu.memory_space<vmem>>, vector<1x16xf32>,
    %swap3A_1027 = arith.constant 42 : i32
    %swap3A_1028 = arith.index_cast %swap3A_1027 : i32 to index
    %swap3A_1029 = arith.constant 48 : index
    %swap3A_1030 = tpu.vector_load %arg9[%swap3A_1028, %swap3A_1029] {strides = array<i32>} : memref<64x64xf32, #tpu.memory_space<vmem>>, vector<1x16xf32>,
    %swap3A_1031 = vector.shape_cast %swap3A_1030 : vector<1x16xf32> to vector<16xf32>
    %swap3A_1032 = vector.shape_cast %broadcast_in_dim3A_1 : vector<16xf32> to vector<1x16xf32>
    tpu.vector_store %arg9[%swap3A_1028, %swap3A_1029], %swap3A_1032 {strides = array<i32>} : memref<64x64xf32, #tpu.memory_space<vmem>>, vector<1x16xf32>,
    %swap3A_1033 = arith.constant 43 : i32
    %swap3A_1034 = arith.index_cast %swap3A_1033 : i32 to index
    %swap3A_1035 = arith.constant 0 : index
    %swap3A_1036 = tpu.vector_load %arg9[%swap3A_1034, %swap3A_1035] {strides = array<i32>} : memref<64x64xf32, #tpu.memory_space<vmem>>, vector<1x16xf32>,
    %swap3A_1037 = vector.shape_cast %swap3A_1036 : vector<1x16xf32> to vector<16xf32>
    %swap3A_1038 = vector.shape_cast %broadcast_in_dim3A_1 : vector<16xf32> to vector<1x16xf32>
    tpu.vector_store %arg9[%swap3A_1034, %swap3A_1035], %swap3A_1038 {strides = array<i32>} : memref<64x64xf32, #tpu.memory_space<vmem>>, vector<1x16xf32>,
    %swap3A_1039 = arith.constant 43 : i32
    %swap3A_1040 = arith.index_cast %swap3A_1039 : i32 to index
    %swap3A_1041 = arith.constant 16 : index
    %swap3A_1042 = tpu.vector_load %arg9[%swap3A_1040, %swap3A_1041] {strides = array<i32>} : memref<64x64xf32, #tpu.memory_space<vmem>>, vector<1x16xf32>,
    %swap3A_1043 = vector.shape_cast %swap3A_1042 : vector<1x16xf32> to vector<16xf32>
    %swap3A_1044 = vector.shape_cast %broadcast_in_dim3A_1 : vector<16xf32> to vector<1x16xf32>
    tpu.vector_store %arg9[%swap3A_1040, %swap3A_1041], %swap3A_1044 {strides = array<i32>} : memref<64x64xf32, #tpu.memory_space<vmem>>, vector<1x16xf32>,
    %swap3A_1045 = arith.constant 43 : i32
    %swap3A_1046 = arith.index_cast %swap3A_1045 : i32 to index
    %swap3A_1047 = arith.constant 32 : index
    %swap3A_1048 = tpu.vector_load %arg9[%swap3A_1046, %swap3A_1047] {strides = array<i32>} : memref<64x64xf32, #tpu.memory_space<vmem>>, vector<1x16xf32>,
    %swap3A_1049 = vector.shape_cast %swap3A_1048 : vector<1x16xf32> to vector<16xf32>
    %swap3A_1050 = vector.shape_cast %broadcast_in_dim3A_1 : vector<16xf32> to vector<1x16xf32>
    tpu.vector_store %arg9[%swap3A_1046, %swap3A_1047], %swap3A_1050 {strides = array<i32>} : memref<64x64xf32, #tpu.memory_space<vmem>>, vector<1x16xf32>,
    %swap3A_1051 = arith.constant 43 : i32
    %swap3A_1052 = arith.index_cast %swap3A_1051 : i32 to index
    %swap3A_1053 = arith.constant 48 : index
    %swap3A_1054 = tpu.vector_load %arg9[%swap3A_1052, %swap3A_1053] {strides = array<i32>} : memref<64x64xf32, #tpu.memory_space<vmem>>, vector<1x16xf32>,
    %swap3A_1055 = vector.shape_cast %swap3A_1054 : vector<1x16xf32> to vector<16xf32>
    %swap3A_1056 = vector.shape_cast %broadcast_in_dim3A_1 : vector<16xf32> to vector<1x16xf32>
    tpu.vector_store %arg9[%swap3A_1052, %swap3A_1053], %swap3A_1056 {strides = array<i32>} : memref<64x64xf32, #tpu.memory_space<vmem>>, vector<1x16xf32>,
    %swap3A_1057 = arith.constant 44 : i32
    %swap3A_1058 = arith.index_cast %swap3A_1057 : i32 to index
    %swap3A_1059 = arith.constant 0 : index
    %swap3A_1060 = tpu.vector_load %arg9[%swap3A_1058, %swap3A_1059] {strides = array<i32>} : memref<64x64xf32, #tpu.memory_space<vmem>>, vector<1x16xf32>,
    %swap3A_1061 = vector.shape_cast %swap3A_1060 : vector<1x16xf32> to vector<16xf32>
    %swap3A_1062 = vector.shape_cast %broadcast_in_dim3A_1 : vector<16xf32> to vector<1x16xf32>
    tpu.vector_store %arg9[%swap3A_1058, %swap3A_1059], %swap3A_1062 {strides = array<i32>} : memref<64x64xf32, #tpu.memory_space<vmem>>, vector<1x16xf32>,
    %swap3A_1063 = arith.constant 44 : i32
    %swap3A_1064 = arith.index_cast %swap3A_1063 : i32 to index
    %swap3A_1065 = arith.constant 16 : index
    %swap3A_1066 = tpu.vector_load %arg9[%swap3A_1064, %swap3A_1065] {strides = array<i32>} : memref<64x64xf32, #tpu.memory_space<vmem>>, vector<1x16xf32>,
    %swap3A_1067 = vector.shape_cast %swap3A_1066 : vector<1x16xf32> to vector<16xf32>
    %swap3A_1068 = vector.shape_cast %broadcast_in_dim3A_1 : vector<16xf32> to vector<1x16xf32>
    tpu.vector_store %arg9[%swap3A_1064, %swap3A_1065], %swap3A_1068 {strides = array<i32>} : memref<64x64xf32, #tpu.memory_space<vmem>>, vector<1x16xf32>,
    %swap3A_1069 = arith.constant 44 : i32
    %swap3A_1070 = arith.index_cast %swap3A_1069 : i32 to index
    %swap3A_1071 = arith.constant 32 : index
    %swap3A_1072 = tpu.vector_load %arg9[%swap3A_1070, %swap3A_1071] {strides = array<i32>} : memref<64x64xf32, #tpu.memory_space<vmem>>, vector<1x16xf32>,
    %swap3A_1073 = vector.shape_cast %swap3A_1072 : vector<1x16xf32> to vector<16xf32>
    %swap3A_1074 = vector.shape_cast %broadcast_in_dim3A_1 : vector<16xf32> to vector<1x16xf32>
    tpu.vector_store %arg9[%swap3A_1070, %swap3A_1071], %swap3A_1074 {strides = array<i32>} : memref<64x64xf32, #tpu.memory_space<vmem>>, vector<1x16xf32>,
    %swap3A_1075 = arith.constant 44 : i32
    %swap3A_1076 = arith.index_cast %swap3A_1075 : i32 to index
    %swap3A_1077 = arith.constant 48 : index
    %swap3A_1078 = tpu.vector_load %arg9[%swap3A_1076, %swap3A_1077] {strides = array<i32>} : memref<64x64xf32, #tpu.memory_space<vmem>>, vector<1x16xf32>,
    %swap3A_1079 = vector.shape_cast %swap3A_1078 : vector<1x16xf32> to vector<16xf32>
    %swap3A_1080 = vector.shape_cast %broadcast_in_dim3A_1 : vector<16xf32> to vector<1x16xf32>
    tpu.vector_store %arg9[%swap3A_1076, %swap3A_1077], %swap3A_1080 {strides = array<i32>} : memref<64x64xf32, #tpu.memory_space<vmem>>, vector<1x16xf32>,
    %swap3A_1081 = arith.constant 45 : i32
    %swap3A_1082 = arith.index_cast %swap3A_1081 : i32 to index
    %swap3A_1083 = arith.constant 0 : index
    %swap3A_1084 = tpu.vector_load %arg9[%swap3A_1082, %swap3A_1083] {strides = array<i32>} : memref<64x64xf32, #tpu.memory_space<vmem>>, vector<1x16xf32>,
    %swap3A_1085 = vector.shape_cast %swap3A_1084 : vector<1x16xf32> to vector<16xf32>
    %swap3A_1086 = vector.shape_cast %broadcast_in_dim3A_1 : vector<16xf32> to vector<1x16xf32>
    tpu.vector_store %arg9[%swap3A_1082, %swap3A_1083], %swap3A_1086 {strides = array<i32>} : memref<64x64xf32, #tpu.memory_space<vmem>>, vector<1x16xf32>,
    %swap3A_1087 = arith.constant 45 : i32
    %swap3A_1088 = arith.index_cast %swap3A_1087 : i32 to index
    %swap3A_1089 = arith.constant 16 : index
    %swap3A_1090 = tpu.vector_load %arg9[%swap3A_1088, %swap3A_1089] {strides = array<i32>} : memref<64x64xf32, #tpu.memory_space<vmem>>, vector<1x16xf32>,
    %swap3A_1091 = vector.shape_cast %swap3A_1090 : vector<1x16xf32> to vector<16xf32>
    %swap3A_1092 = vector.shape_cast %broadcast_in_dim3A_1 : vector<16xf32> to vector<1x16xf32>
    tpu.vector_store %arg9[%swap3A_1088, %swap3A_1089], %swap3A_1092 {strides = array<i32>} : memref<64x64xf32, #tpu.memory_space<vmem>>, vector<1x16xf32>,
    %swap3A_1093 = arith.constant 45 : i32
    %swap3A_1094 = arith.index_cast %swap3A_1093 : i32 to index
    %swap3A_1095 = arith.constant 32 : index
    %swap3A_1096 = tpu.vector_load %arg9[%swap3A_1094, %swap3A_1095] {strides = array<i32>} : memref<64x64xf32, #tpu.memory_space<vmem>>, vector<1x16xf32>,
    %swap3A_1097 = vector.shape_cast %swap3A_1096 : vector<1x16xf32> to vector<16xf32>
    %swap3A_1098 = vector.shape_cast %broadcast_in_dim3A_1 : vector<16xf32> to vector<1x16xf32>
    tpu.vector_store %arg9[%swap3A_1094, %swap3A_1095], %swap3A_1098 {strides = array<i32>} : memref<64x64xf32, #tpu.memory_space<vmem>>, vector<1x16xf32>,
    %swap3A_1099 = arith.constant 45 : i32
    %swap3A_1100 = arith.index_cast %swap3A_1099 : i32 to index
    %swap3A_1101 = arith.constant 48 : index
    %swap3A_1102 = tpu.vector_load %arg9[%swap3A_1100, %swap3A_1101] {strides = array<i32>} : memref<64x64xf32, #tpu.memory_space<vmem>>, vector<1x16xf32>,
    %swap3A_1103 = vector.shape_cast %swap3A_1102 : vector<1x16xf32> to vector<16xf32>
    %swap3A_1104 = vector.shape_cast %broadcast_in_dim3A_1 : vector<16xf32> to vector<1x16xf32>
    tpu.vector_store %arg9[%swap3A_1100, %swap3A_1101], %swap3A_1104 {strides = array<i32>} : memref<64x64xf32, #tpu.memory_space<vmem>>, vector<1x16xf32>,
    %swap3A_1105 = arith.constant 46 : i32
    %swap3A_1106 = arith.index_cast %swap3A_1105 : i32 to index
    %swap3A_1107 = arith.constant 0 : index
    %swap3A_1108 = tpu.vector_load %arg9[%swap3A_1106, %swap3A_1107] {strides = array<i32>} : memref<64x64xf32, #tpu.memory_space<vmem>>, vector<1x16xf32>,
    %swap3A_1109 = vector.shape_cast %swap3A_1108 : vector<1x16xf32> to vector<16xf32>
    %swap3A_1110 = vector.shape_cast %broadcast_in_dim3A_1 : vector<16xf32> to vector<1x16xf32>
    tpu.vector_store %arg9[%swap3A_1106, %swap3A_1107], %swap3A_1110 {strides = array<i32>} : memref<64x64xf32, #tpu.memory_space<vmem>>, vector<1x16xf32>,
    %swap3A_1111 = arith.constant 46 : i32
    %swap3A_1112 = arith.index_cast %swap3A_1111 : i32 to index
    %swap3A_1113 = arith.constant 16 : index
    %swap3A_1114 = tpu.vector_load %arg9[%swap3A_1112, %swap3A_1113] {strides = array<i32>} : memref<64x64xf32, #tpu.memory_space<vmem>>, vector<1x16xf32>,
    %swap3A_1115 = vector.shape_cast %swap3A_1114 : vector<1x16xf32> to vector<16xf32>
    %swap3A_1116 = vector.shape_cast %broadcast_in_dim3A_1 : vector<16xf32> to vector<1x16xf32>
    tpu.vector_store %arg9[%swap3A_1112, %swap3A_1113], %swap3A_1116 {strides = array<i32>} : memref<64x64xf32, #tpu.memory_space<vmem>>, vector<1x16xf32>,
    %swap3A_1117 = arith.constant 46 : i32
    %swap3A_1118 = arith.index_cast %swap3A_1117 : i32 to index
    %swap3A_1119 = arith.constant 32 : index
    %swap3A_1120 = tpu.vector_load %arg9[%swap3A_1118, %swap3A_1119] {strides = array<i32>} : memref<64x64xf32, #tpu.memory_space<vmem>>, vector<1x16xf32>,
    %swap3A_1121 = vector.shape_cast %swap3A_1120 : vector<1x16xf32> to vector<16xf32>
    %swap3A_1122 = vector.shape_cast %broadcast_in_dim3A_1 : vector<16xf32> to vector<1x16xf32>
    tpu.vector_store %arg9[%swap3A_1118, %swap3A_1119], %swap3A_1122 {strides = array<i32>} : memref<64x64xf32, #tpu.memory_space<vmem>>, vector<1x16xf32>,
    %swap3A_1123 = arith.constant 46 : i32
    %swap3A_1124 = arith.index_cast %swap3A_1123 : i32 to index
    %swap3A_1125 = arith.constant 48 : index
    %swap3A_1126 = tpu.vector_load %arg9[%swap3A_1124, %swap3A_1125] {strides = array<i32>} : memref<64x64xf32, #tpu.memory_space<vmem>>, vector<1x16xf32>,
    %swap3A_1127 = vector.shape_cast %swap3A_1126 : vector<1x16xf32> to vector<16xf32>
    %swap3A_1128 = vector.shape_cast %broadcast_in_dim3A_1 : vector<16xf32> to vector<1x16xf32>
    tpu.vector_store %arg9[%swap3A_1124, %swap3A_1125], %swap3A_1128 {strides = array<i32>} : memref<64x64xf32, #tpu.memory_space<vmem>>, vector<1x16xf32>,
    %swap3A_1129 = arith.constant 47 : i32
    %swap3A_1130 = arith.index_cast %swap3A_1129 : i32 to index
    %swap3A_1131 = arith.constant 0 : index
    %swap3A_1132 = tpu.vector_load %arg9[%swap3A_1130, %swap3A_1131] {strides = array<i32>} : memref<64x64xf32, #tpu.memory_space<vmem>>, vector<1x16xf32>,
    %swap3A_1133 = vector.shape_cast %swap3A_1132 : vector<1x16xf32> to vector<16xf32>
    %swap3A_1134 = vector.shape_cast %broadcast_in_dim3A_1 : vector<16xf32> to vector<1x16xf32>
    tpu.vector_store %arg9[%swap3A_1130, %swap3A_1131], %swap3A_1134 {strides = array<i32>} : memref<64x64xf32, #tpu.memory_space<vmem>>, vector<1x16xf32>,
    %swap3A_1135 = arith.constant 47 : i32
    %swap3A_1136 = arith.index_cast %swap3A_1135 : i32 to index
    %swap3A_1137 = arith.constant 16 : index
    %swap3A_1138 = tpu.vector_load %arg9[%swap3A_1136, %swap3A_1137] {strides = array<i32>} : memref<64x64xf32, #tpu.memory_space<vmem>>, vector<1x16xf32>,
    %swap3A_1139 = vector.shape_cast %swap3A_1138 : vector<1x16xf32> to vector<16xf32>
    %swap3A_1140 = vector.shape_cast %broadcast_in_dim3A_1 : vector<16xf32> to vector<1x16xf32>
    tpu.vector_store %arg9[%swap3A_1136, %swap3A_1137], %swap3A_1140 {strides = array<i32>} : memref<64x64xf32, #tpu.memory_space<vmem>>, vector<1x16xf32>,
    %swap3A_1141 = arith.constant 47 : i32
    %swap3A_1142 = arith.index_cast %swap3A_1141 : i32 to index
    %swap3A_1143 = arith.constant 32 : index
    %swap3A_1144 = tpu.vector_load %arg9[%swap3A_1142, %swap3A_1143] {strides = array<i32>} : memref<64x64xf32, #tpu.memory_space<vmem>>, vector<1x16xf32>,
    %swap3A_1145 = vector.shape_cast %swap3A_1144 : vector<1x16xf32> to vector<16xf32>
    %swap3A_1146 = vector.shape_cast %broadcast_in_dim3A_1 : vector<16xf32> to vector<1x16xf32>
    tpu.vector_store %arg9[%swap3A_1142, %swap3A_1143], %swap3A_1146 {strides = array<i32>} : memref<64x64xf32, #tpu.memory_space<vmem>>, vector<1x16xf32>,
    %swap3A_1147 = arith.constant 47 : i32
    %swap3A_1148 = arith.index_cast %swap3A_1147 : i32 to index
    %swap3A_1149 = arith.constant 48 : index
    %swap3A_1150 = tpu.vector_load %arg9[%swap3A_1148, %swap3A_1149] {strides = array<i32>} : memref<64x64xf32, #tpu.memory_space<vmem>>, vector<1x16xf32>,
    %swap3A_1151 = vector.shape_cast %swap3A_1150 : vector<1x16xf32> to vector<16xf32>
    %swap3A_1152 = vector.shape_cast %broadcast_in_dim3A_1 : vector<16xf32> to vector<1x16xf32>
    tpu.vector_store %arg9[%swap3A_1148, %swap3A_1149], %swap3A_1152 {strides = array<i32>} : memref<64x64xf32, #tpu.memory_space<vmem>>, vector<1x16xf32>,
    %swap3A_1153 = arith.constant 48 : i32
    %swap3A_1154 = arith.index_cast %swap3A_1153 : i32 to index
    %swap3A_1155 = arith.constant 0 : index
    %swap3A_1156 = tpu.vector_load %arg9[%swap3A_1154, %swap3A_1155] {strides = array<i32>} : memref<64x64xf32, #tpu.memory_space<vmem>>, vector<1x16xf32>,
    %swap3A_1157 = vector.shape_cast %swap3A_1156 : vector<1x16xf32> to vector<16xf32>
    %swap3A_1158 = vector.shape_cast %broadcast_in_dim3A_1 : vector<16xf32> to vector<1x16xf32>
    tpu.vector_store %arg9[%swap3A_1154, %swap3A_1155], %swap3A_1158 {strides = array<i32>} : memref<64x64xf32, #tpu.memory_space<vmem>>, vector<1x16xf32>,
    %swap3A_1159 = arith.constant 48 : i32
    %swap3A_1160 = arith.index_cast %swap3A_1159 : i32 to index
    %swap3A_1161 = arith.constant 16 : index
    %swap3A_1162 = tpu.vector_load %arg9[%swap3A_1160, %swap3A_1161] {strides = array<i32>} : memref<64x64xf32, #tpu.memory_space<vmem>>, vector<1x16xf32>,
    %swap3A_1163 = vector.shape_cast %swap3A_1162 : vector<1x16xf32> to vector<16xf32>
    %swap3A_1164 = vector.shape_cast %broadcast_in_dim3A_1 : vector<16xf32> to vector<1x16xf32>
    tpu.vector_store %arg9[%swap3A_1160, %swap3A_1161], %swap3A_1164 {strides = array<i32>} : memref<64x64xf32, #tpu.memory_space<vmem>>, vector<1x16xf32>,
    %swap3A_1165 = arith.constant 48 : i32
    %swap3A_1166 = arith.index_cast %swap3A_1165 : i32 to index
    %swap3A_1167 = arith.constant 32 : index
    %swap3A_1168 = tpu.vector_load %arg9[%swap3A_1166, %swap3A_1167] {strides = array<i32>} : memref<64x64xf32, #tpu.memory_space<vmem>>, vector<1x16xf32>,
    %swap3A_1169 = vector.shape_cast %swap3A_1168 : vector<1x16xf32> to vector<16xf32>
    %swap3A_1170 = vector.shape_cast %broadcast_in_dim3A_1 : vector<16xf32> to vector<1x16xf32>
    tpu.vector_store %arg9[%swap3A_1166, %swap3A_1167], %swap3A_1170 {strides = array<i32>} : memref<64x64xf32, #tpu.memory_space<vmem>>, vector<1x16xf32>,
    %swap3A_1171 = arith.constant 48 : i32
    %swap3A_1172 = arith.index_cast %swap3A_1171 : i32 to index
    %swap3A_1173 = arith.constant 48 : index
    %swap3A_1174 = tpu.vector_load %arg9[%swap3A_1172, %swap3A_1173] {strides = array<i32>} : memref<64x64xf32, #tpu.memory_space<vmem>>, vector<1x16xf32>,
    %swap3A_1175 = vector.shape_cast %swap3A_1174 : vector<1x16xf32> to vector<16xf32>
    %swap3A_1176 = vector.shape_cast %broadcast_in_dim3A_1 : vector<16xf32> to vector<1x16xf32>
    tpu.vector_store %arg9[%swap3A_1172, %swap3A_1173], %swap3A_1176 {strides = array<i32>} : memref<64x64xf32, #tpu.memory_space<vmem>>, vector<1x16xf32>,
    %swap3A_1177 = arith.constant 49 : i32
    %swap3A_1178 = arith.index_cast %swap3A_1177 : i32 to index
    %swap3A_1179 = arith.constant 0 : index
    %swap3A_1180 = tpu.vector_load %arg9[%swap3A_1178, %swap3A_1179] {strides = array<i32>} : memref<64x64xf32, #tpu.memory_space<vmem>>, vector<1x16xf32>,
    %swap3A_1181 = vector.shape_cast %swap3A_1180 : vector<1x16xf32> to vector<16xf32>
    %swap3A_1182 = vector.shape_cast %broadcast_in_dim3A_1 : vector<16xf32> to vector<1x16xf32>
    tpu.vector_store %arg9[%swap3A_1178, %swap3A_1179], %swap3A_1182 {strides = array<i32>} : memref<64x64xf32, #tpu.memory_space<vmem>>, vector<1x16xf32>,
    %swap3A_1183 = arith.constant 49 : i32
    %swap3A_1184 = arith.index_cast %swap3A_1183 : i32 to index
    %swap3A_1185 = arith.constant 16 : index
    %swap3A_1186 = tpu.vector_load %arg9[%swap3A_1184, %swap3A_1185] {strides = array<i32>} : memref<64x64xf32, #tpu.memory_space<vmem>>, vector<1x16xf32>,
    %swap3A_1187 = vector.shape_cast %swap3A_1186 : vector<1x16xf32> to vector<16xf32>
    %swap3A_1188 = vector.shape_cast %broadcast_in_dim3A_1 : vector<16xf32> to vector<1x16xf32>
    tpu.vector_store %arg9[%swap3A_1184, %swap3A_1185], %swap3A_1188 {strides = array<i32>} : memref<64x64xf32, #tpu.memory_space<vmem>>, vector<1x16xf32>,
    %swap3A_1189 = arith.constant 49 : i32
    %swap3A_1190 = arith.index_cast %swap3A_1189 : i32 to index
    %swap3A_1191 = arith.constant 32 : index
    %swap3A_1192 = tpu.vector_load %arg9[%swap3A_1190, %swap3A_1191] {strides = array<i32>} : memref<64x64xf32, #tpu.memory_space<vmem>>, vector<1x16xf32>,
    %swap3A_1193 = vector.shape_cast %swap3A_1192 : vector<1x16xf32> to vector<16xf32>
    %swap3A_1194 = vector.shape_cast %broadcast_in_dim3A_1 : vector<16xf32> to vector<1x16xf32>
    tpu.vector_store %arg9[%swap3A_1190, %swap3A_1191], %swap3A_1194 {strides = array<i32>} : memref<64x64xf32, #tpu.memory_space<vmem>>, vector<1x16xf32>,
    %swap3A_1195 = arith.constant 49 : i32
    %swap3A_1196 = arith.index_cast %swap3A_1195 : i32 to index
    %swap3A_1197 = arith.constant 48 : index
    %swap3A_1198 = tpu.vector_load %arg9[%swap3A_1196, %swap3A_1197] {strides = array<i32>} : memref<64x64xf32, #tpu.memory_space<vmem>>, vector<1x16xf32>,
    %swap3A_1199 = vector.shape_cast %swap3A_1198 : vector<1x16xf32> to vector<16xf32>
    %swap3A_1200 = vector.shape_cast %broadcast_in_dim3A_1 : vector<16xf32> to vector<1x16xf32>
    tpu.vector_store %arg9[%swap3A_1196, %swap3A_1197], %swap3A_1200 {strides = array<i32>} : memref<64x64xf32, #tpu.memory_space<vmem>>, vector<1x16xf32>,
    %swap3A_1201 = arith.constant 50 : i32
    %swap3A_1202 = arith.index_cast %swap3A_1201 : i32 to index
    %swap3A_1203 = arith.constant 0 : index
    %swap3A_1204 = tpu.vector_load %arg9[%swap3A_1202, %swap3A_1203] {strides = array<i32>} : memref<64x64xf32, #tpu.memory_space<vmem>>, vector<1x16xf32>,
    %swap3A_1205 = vector.shape_cast %swap3A_1204 : vector<1x16xf32> to vector<16xf32>
    %swap3A_1206 = vector.shape_cast %broadcast_in_dim3A_1 : vector<16xf32> to vector<1x16xf32>
    tpu.vector_store %arg9[%swap3A_1202, %swap3A_1203], %swap3A_1206 {strides = array<i32>} : memref<64x64xf32, #tpu.memory_space<vmem>>, vector<1x16xf32>,
    %swap3A_1207 = arith.constant 50 : i32
    %swap3A_1208 = arith.index_cast %swap3A_1207 : i32 to index
    %swap3A_1209 = arith.constant 16 : index
    %swap3A_1210 = tpu.vector_load %arg9[%swap3A_1208, %swap3A_1209] {strides = array<i32>} : memref<64x64xf32, #tpu.memory_space<vmem>>, vector<1x16xf32>,
    %swap3A_1211 = vector.shape_cast %swap3A_1210 : vector<1x16xf32> to vector<16xf32>
    %swap3A_1212 = vector.shape_cast %broadcast_in_dim3A_1 : vector<16xf32> to vector<1x16xf32>
    tpu.vector_store %arg9[%swap3A_1208, %swap3A_1209], %swap3A_1212 {strides = array<i32>} : memref<64x64xf32, #tpu.memory_space<vmem>>, vector<1x16xf32>,
    %swap3A_1213 = arith.constant 50 : i32
    %swap3A_1214 = arith.index_cast %swap3A_1213 : i32 to index
    %swap3A_1215 = arith.constant 32 : index
    %swap3A_1216 = tpu.vector_load %arg9[%swap3A_1214, %swap3A_1215] {strides = array<i32>} : memref<64x64xf32, #tpu.memory_space<vmem>>, vector<1x16xf32>,
    %swap3A_1217 = vector.shape_cast %swap3A_1216 : vector<1x16xf32> to vector<16xf32>
    %swap3A_1218 = vector.shape_cast %broadcast_in_dim3A_1 : vector<16xf32> to vector<1x16xf32>
    tpu.vector_store %arg9[%swap3A_1214, %swap3A_1215], %swap3A_1218 {strides = array<i32>} : memref<64x64xf32, #tpu.memory_space<vmem>>, vector<1x16xf32>,
    %swap3A_1219 = arith.constant 50 : i32
    %swap3A_1220 = arith.index_cast %swap3A_1219 : i32 to index
    %swap3A_1221 = arith.constant 48 : index
    %swap3A_1222 = tpu.vector_load %arg9[%swap3A_1220, %swap3A_1221] {strides = array<i32>} : memref<64x64xf32, #tpu.memory_space<vmem>>, vector<1x16xf32>,
    %swap3A_1223 = vector.shape_cast %swap3A_1222 : vector<1x16xf32> to vector<16xf32>
    %swap3A_1224 = vector.shape_cast %broadcast_in_dim3A_1 : vector<16xf32> to vector<1x16xf32>
    tpu.vector_store %arg9[%swap3A_1220, %swap3A_1221], %swap3A_1224 {strides = array<i32>} : memref<64x64xf32, #tpu.memory_space<vmem>>, vector<1x16xf32>,
    %swap3A_1225 = arith.constant 51 : i32
    %swap3A_1226 = arith.index_cast %swap3A_1225 : i32 to index
    %swap3A_1227 = arith.constant 0 : index
    %swap3A_1228 = tpu.vector_load %arg9[%swap3A_1226, %swap3A_1227] {strides = array<i32>} : memref<64x64xf32, #tpu.memory_space<vmem>>, vector<1x16xf32>,
    %swap3A_1229 = vector.shape_cast %swap3A_1228 : vector<1x16xf32> to vector<16xf32>
    %swap3A_1230 = vector.shape_cast %broadcast_in_dim3A_1 : vector<16xf32> to vector<1x16xf32>
    tpu.vector_store %arg9[%swap3A_1226, %swap3A_1227], %swap3A_1230 {strides = array<i32>} : memref<64x64xf32, #tpu.memory_space<vmem>>, vector<1x16xf32>,
    %swap3A_1231 = arith.constant 51 : i32
    %swap3A_1232 = arith.index_cast %swap3A_1231 : i32 to index
    %swap3A_1233 = arith.constant 16 : index
    %swap3A_1234 = tpu.vector_load %arg9[%swap3A_1232, %swap3A_1233] {strides = array<i32>} : memref<64x64xf32, #tpu.memory_space<vmem>>, vector<1x16xf32>,
    %swap3A_1235 = vector.shape_cast %swap3A_1234 : vector<1x16xf32> to vector<16xf32>
    %swap3A_1236 = vector.shape_cast %broadcast_in_dim3A_1 : vector<16xf32> to vector<1x16xf32>
    tpu.vector_store %arg9[%swap3A_1232, %swap3A_1233], %swap3A_1236 {strides = array<i32>} : memref<64x64xf32, #tpu.memory_space<vmem>>, vector<1x16xf32>,
    %swap3A_1237 = arith.constant 51 : i32
    %swap3A_1238 = arith.index_cast %swap3A_1237 : i32 to index
    %swap3A_1239 = arith.constant 32 : index
    %swap3A_1240 = tpu.vector_load %arg9[%swap3A_1238, %swap3A_1239] {strides = array<i32>} : memref<64x64xf32, #tpu.memory_space<vmem>>, vector<1x16xf32>,
    %swap3A_1241 = vector.shape_cast %swap3A_1240 : vector<1x16xf32> to vector<16xf32>
    %swap3A_1242 = vector.shape_cast %broadcast_in_dim3A_1 : vector<16xf32> to vector<1x16xf32>
    tpu.vector_store %arg9[%swap3A_1238, %swap3A_1239], %swap3A_1242 {strides = array<i32>} : memref<64x64xf32, #tpu.memory_space<vmem>>, vector<1x16xf32>,
    %swap3A_1243 = arith.constant 51 : i32
    %swap3A_1244 = arith.index_cast %swap3A_1243 : i32 to index
    %swap3A_1245 = arith.constant 48 : index
    %swap3A_1246 = tpu.vector_load %arg9[%swap3A_1244, %swap3A_1245] {strides = array<i32>} : memref<64x64xf32, #tpu.memory_space<vmem>>, vector<1x16xf32>,
    %swap3A_1247 = vector.shape_cast %swap3A_1246 : vector<1x16xf32> to vector<16xf32>
    %swap3A_1248 = vector.shape_cast %broadcast_in_dim3A_1 : vector<16xf32> to vector<1x16xf32>
    tpu.vector_store %arg9[%swap3A_1244, %swap3A_1245], %swap3A_1248 {strides = array<i32>} : memref<64x64xf32, #tpu.memory_space<vmem>>, vector<1x16xf32>,
    %swap3A_1249 = arith.constant 52 : i32
    %swap3A_1250 = arith.index_cast %swap3A_1249 : i32 to index
    %swap3A_1251 = arith.constant 0 : index
    %swap3A_1252 = tpu.vector_load %arg9[%swap3A_1250, %swap3A_1251] {strides = array<i32>} : memref<64x64xf32, #tpu.memory_space<vmem>>, vector<1x16xf32>,
    %swap3A_1253 = vector.shape_cast %swap3A_1252 : vector<1x16xf32> to vector<16xf32>
    %swap3A_1254 = vector.shape_cast %broadcast_in_dim3A_1 : vector<16xf32> to vector<1x16xf32>
    tpu.vector_store %arg9[%swap3A_1250, %swap3A_1251], %swap3A_1254 {strides = array<i32>} : memref<64x64xf32, #tpu.memory_space<vmem>>, vector<1x16xf32>,
    %swap3A_1255 = arith.constant 52 : i32
    %swap3A_1256 = arith.index_cast %swap3A_1255 : i32 to index
    %swap3A_1257 = arith.constant 16 : index
    %swap3A_1258 = tpu.vector_load %arg9[%swap3A_1256, %swap3A_1257] {strides = array<i32>} : memref<64x64xf32, #tpu.memory_space<vmem>>, vector<1x16xf32>,
    %swap3A_1259 = vector.shape_cast %swap3A_1258 : vector<1x16xf32> to vector<16xf32>
    %swap3A_1260 = vector.shape_cast %broadcast_in_dim3A_1 : vector<16xf32> to vector<1x16xf32>
    tpu.vector_store %arg9[%swap3A_1256, %swap3A_1257], %swap3A_1260 {strides = array<i32>} : memref<64x64xf32, #tpu.memory_space<vmem>>, vector<1x16xf32>,
    %swap3A_1261 = arith.constant 52 : i32
    %swap3A_1262 = arith.index_cast %swap3A_1261 : i32 to index
    %swap3A_1263 = arith.constant 32 : index
    %swap3A_1264 = tpu.vector_load %arg9[%swap3A_1262, %swap3A_1263] {strides = array<i32>} : memref<64x64xf32, #tpu.memory_space<vmem>>, vector<1x16xf32>,
    %swap3A_1265 = vector.shape_cast %swap3A_1264 : vector<1x16xf32> to vector<16xf32>
    %swap3A_1266 = vector.shape_cast %broadcast_in_dim3A_1 : vector<16xf32> to vector<1x16xf32>
    tpu.vector_store %arg9[%swap3A_1262, %swap3A_1263], %swap3A_1266 {strides = array<i32>} : memref<64x64xf32, #tpu.memory_space<vmem>>, vector<1x16xf32>,
    %swap3A_1267 = arith.constant 52 : i32
    %swap3A_1268 = arith.index_cast %swap3A_1267 : i32 to index
    %swap3A_1269 = arith.constant 48 : index
    %swap3A_1270 = tpu.vector_load %arg9[%swap3A_1268, %swap3A_1269] {strides = array<i32>} : memref<64x64xf32, #tpu.memory_space<vmem>>, vector<1x16xf32>,
    %swap3A_1271 = vector.shape_cast %swap3A_1270 : vector<1x16xf32> to vector<16xf32>
    %swap3A_1272 = vector.shape_cast %broadcast_in_dim3A_1 : vector<16xf32> to vector<1x16xf32>
    tpu.vector_store %arg9[%swap3A_1268, %swap3A_1269], %swap3A_1272 {strides = array<i32>} : memref<64x64xf32, #tpu.memory_space<vmem>>, vector<1x16xf32>,
    %swap3A_1273 = arith.constant 53 : i32
    %swap3A_1274 = arith.index_cast %swap3A_1273 : i32 to index
    %swap3A_1275 = arith.constant 0 : index
    %swap3A_1276 = tpu.vector_load %arg9[%swap3A_1274, %swap3A_1275] {strides = array<i32>} : memref<64x64xf32, #tpu.memory_space<vmem>>, vector<1x16xf32>,
    %swap3A_1277 = vector.shape_cast %swap3A_1276 : vector<1x16xf32> to vector<16xf32>
    %swap3A_1278 = vector.shape_cast %broadcast_in_dim3A_1 : vector<16xf32> to vector<1x16xf32>
    tpu.vector_store %arg9[%swap3A_1274, %swap3A_1275], %swap3A_1278 {strides = array<i32>} : memref<64x64xf32, #tpu.memory_space<vmem>>, vector<1x16xf32>,
    %swap3A_1279 = arith.constant 53 : i32
    %swap3A_1280 = arith.index_cast %swap3A_1279 : i32 to index
    %swap3A_1281 = arith.constant 16 : index
    %swap3A_1282 = tpu.vector_load %arg9[%swap3A_1280, %swap3A_1281] {strides = array<i32>} : memref<64x64xf32, #tpu.memory_space<vmem>>, vector<1x16xf32>,
    %swap3A_1283 = vector.shape_cast %swap3A_1282 : vector<1x16xf32> to vector<16xf32>
    %swap3A_1284 = vector.shape_cast %broadcast_in_dim3A_1 : vector<16xf32> to vector<1x16xf32>
    tpu.vector_store %arg9[%swap3A_1280, %swap3A_1281], %swap3A_1284 {strides = array<i32>} : memref<64x64xf32, #tpu.memory_space<vmem>>, vector<1x16xf32>,
    %swap3A_1285 = arith.constant 53 : i32
    %swap3A_1286 = arith.index_cast %swap3A_1285 : i32 to index
    %swap3A_1287 = arith.constant 32 : index
    %swap3A_1288 = tpu.vector_load %arg9[%swap3A_1286, %swap3A_1287] {strides = array<i32>} : memref<64x64xf32, #tpu.memory_space<vmem>>, vector<1x16xf32>,
    %swap3A_1289 = vector.shape_cast %swap3A_1288 : vector<1x16xf32> to vector<16xf32>
    %swap3A_1290 = vector.shape_cast %broadcast_in_dim3A_1 : vector<16xf32> to vector<1x16xf32>
    tpu.vector_store %arg9[%swap3A_1286, %swap3A_1287], %swap3A_1290 {strides = array<i32>} : memref<64x64xf32, #tpu.memory_space<vmem>>, vector<1x16xf32>,
    %swap3A_1291 = arith.constant 53 : i32
    %swap3A_1292 = arith.index_cast %swap3A_1291 : i32 to index
    %swap3A_1293 = arith.constant 48 : index
    %swap3A_1294 = tpu.vector_load %arg9[%swap3A_1292, %swap3A_1293] {strides = array<i32>} : memref<64x64xf32, #tpu.memory_space<vmem>>, vector<1x16xf32>,
    %swap3A_1295 = vector.shape_cast %swap3A_1294 : vector<1x16xf32> to vector<16xf32>
    %swap3A_1296 = vector.shape_cast %broadcast_in_dim3A_1 : vector<16xf32> to vector<1x16xf32>
    tpu.vector_store %arg9[%swap3A_1292, %swap3A_1293], %swap3A_1296 {strides = array<i32>} : memref<64x64xf32, #tpu.memory_space<vmem>>, vector<1x16xf32>,
    %swap3A_1297 = arith.constant 54 : i32
    %swap3A_1298 = arith.index_cast %swap3A_1297 : i32 to index
    %swap3A_1299 = arith.constant 0 : index
    %swap3A_1300 = tpu.vector_load %arg9[%swap3A_1298, %swap3A_1299] {strides = array<i32>} : memref<64x64xf32, #tpu.memory_space<vmem>>, vector<1x16xf32>,
    %swap3A_1301 = vector.shape_cast %swap3A_1300 : vector<1x16xf32> to vector<16xf32>
    %swap3A_1302 = vector.shape_cast %broadcast_in_dim3A_1 : vector<16xf32> to vector<1x16xf32>
    tpu.vector_store %arg9[%swap3A_1298, %swap3A_1299], %swap3A_1302 {strides = array<i32>} : memref<64x64xf32, #tpu.memory_space<vmem>>, vector<1x16xf32>,
    %swap3A_1303 = arith.constant 54 : i32
    %swap3A_1304 = arith.index_cast %swap3A_1303 : i32 to index
    %swap3A_1305 = arith.constant 16 : index
    %swap3A_1306 = tpu.vector_load %arg9[%swap3A_1304, %swap3A_1305] {strides = array<i32>} : memref<64x64xf32, #tpu.memory_space<vmem>>, vector<1x16xf32>,
    %swap3A_1307 = vector.shape_cast %swap3A_1306 : vector<1x16xf32> to vector<16xf32>
    %swap3A_1308 = vector.shape_cast %broadcast_in_dim3A_1 : vector<16xf32> to vector<1x16xf32>
    tpu.vector_store %arg9[%swap3A_1304, %swap3A_1305], %swap3A_1308 {strides = array<i32>} : memref<64x64xf32, #tpu.memory_space<vmem>>, vector<1x16xf32>,
    %swap3A_1309 = arith.constant 54 : i32
    %swap3A_1310 = arith.index_cast %swap3A_1309 : i32 to index
    %swap3A_1311 = arith.constant 32 : index
    %swap3A_1312 = tpu.vector_load %arg9[%swap3A_1310, %swap3A_1311] {strides = array<i32>} : memref<64x64xf32, #tpu.memory_space<vmem>>, vector<1x16xf32>,
    %swap3A_1313 = vector.shape_cast %swap3A_1312 : vector<1x16xf32> to vector<16xf32>
    %swap3A_1314 = vector.shape_cast %broadcast_in_dim3A_1 : vector<16xf32> to vector<1x16xf32>
    tpu.vector_store %arg9[%swap3A_1310, %swap3A_1311], %swap3A_1314 {strides = array<i32>} : memref<64x64xf32, #tpu.memory_space<vmem>>, vector<1x16xf32>,
    %swap3A_1315 = arith.constant 54 : i32
    %swap3A_1316 = arith.index_cast %swap3A_1315 : i32 to index
    %swap3A_1317 = arith.constant 48 : index
    %swap3A_1318 = tpu.vector_load %arg9[%swap3A_1316, %swap3A_1317] {strides = array<i32>} : memref<64x64xf32, #tpu.memory_space<vmem>>, vector<1x16xf32>,
    %swap3A_1319 = vector.shape_cast %swap3A_1318 : vector<1x16xf32> to vector<16xf32>
    %swap3A_1320 = vector.shape_cast %broadcast_in_dim3A_1 : vector<16xf32> to vector<1x16xf32>
    tpu.vector_store %arg9[%swap3A_1316, %swap3A_1317], %swap3A_1320 {strides = array<i32>} : memref<64x64xf32, #tpu.memory_space<vmem>>, vector<1x16xf32>,
    %swap3A_1321 = arith.constant 55 : i32
    %swap3A_1322 = arith.index_cast %swap3A_1321 : i32 to index
    %swap3A_1323 = arith.constant 0 : index
    %swap3A_1324 = tpu.vector_load %arg9[%swap3A_1322, %swap3A_1323] {strides = array<i32>} : memref<64x64xf32, #tpu.memory_space<vmem>>, vector<1x16xf32>,
    %swap3A_1325 = vector.shape_cast %swap3A_1324 : vector<1x16xf32> to vector<16xf32>
    %swap3A_1326 = vector.shape_cast %broadcast_in_dim3A_1 : vector<16xf32> to vector<1x16xf32>
    tpu.vector_store %arg9[%swap3A_1322, %swap3A_1323], %swap3A_1326 {strides = array<i32>} : memref<64x64xf32, #tpu.memory_space<vmem>>, vector<1x16xf32>,
    %swap3A_1327 = arith.constant 55 : i32
    %swap3A_1328 = arith.index_cast %swap3A_1327 : i32 to index
    %swap3A_1329 = arith.constant 16 : index
    %swap3A_1330 = tpu.vector_load %arg9[%swap3A_1328, %swap3A_1329] {strides = array<i32>} : memref<64x64xf32, #tpu.memory_space<vmem>>, vector<1x16xf32>,
    %swap3A_1331 = vector.shape_cast %swap3A_1330 : vector<1x16xf32> to vector<16xf32>
    %swap3A_1332 = vector.shape_cast %broadcast_in_dim3A_1 : vector<16xf32> to vector<1x16xf32>
    tpu.vector_store %arg9[%swap3A_1328, %swap3A_1329], %swap3A_1332 {strides = array<i32>} : memref<64x64xf32, #tpu.memory_space<vmem>>, vector<1x16xf32>,
    %swap3A_1333 = arith.constant 55 : i32
    %swap3A_1334 = arith.index_cast %swap3A_1333 : i32 to index
    %swap3A_1335 = arith.constant 32 : index
    %swap3A_1336 = tpu.vector_load %arg9[%swap3A_1334, %swap3A_1335] {strides = array<i32>} : memref<64x64xf32, #tpu.memory_space<vmem>>, vector<1x16xf32>,
    %swap3A_1337 = vector.shape_cast %swap3A_1336 : vector<1x16xf32> to vector<16xf32>
    %swap3A_1338 = vector.shape_cast %broadcast_in_dim3A_1 : vector<16xf32> to vector<1x16xf32>
    tpu.vector_store %arg9[%swap3A_1334, %swap3A_1335], %swap3A_1338 {strides = array<i32>} : memref<64x64xf32, #tpu.memory_space<vmem>>, vector<1x16xf32>,
    %swap3A_1339 = arith.constant 55 : i32
    %swap3A_1340 = arith.index_cast %swap3A_1339 : i32 to index
    %swap3A_1341 = arith.constant 48 : index
    %swap3A_1342 = tpu.vector_load %arg9[%swap3A_1340, %swap3A_1341] {strides = array<i32>} : memref<64x64xf32, #tpu.memory_space<vmem>>, vector<1x16xf32>,
    %swap3A_1343 = vector.shape_cast %swap3A_1342 : vector<1x16xf32> to vector<16xf32>
    %swap3A_1344 = vector.shape_cast %broadcast_in_dim3A_1 : vector<16xf32> to vector<1x16xf32>
    tpu.vector_store %arg9[%swap3A_1340, %swap3A_1341], %swap3A_1344 {strides = array<i32>} : memref<64x64xf32, #tpu.memory_space<vmem>>, vector<1x16xf32>,
    %swap3A_1345 = arith.constant 56 : i32
    %swap3A_1346 = arith.index_cast %swap3A_1345 : i32 to index
    %swap3A_1347 = arith.constant 0 : index
    %swap3A_1348 = tpu.vector_load %arg9[%swap3A_1346, %swap3A_1347] {strides = array<i32>} : memref<64x64xf32, #tpu.memory_space<vmem>>, vector<1x16xf32>,
    %swap3A_1349 = vector.shape_cast %swap3A_1348 : vector<1x16xf32> to vector<16xf32>
    %swap3A_1350 = vector.shape_cast %broadcast_in_dim3A_1 : vector<16xf32> to vector<1x16xf32>
    tpu.vector_store %arg9[%swap3A_1346, %swap3A_1347], %swap3A_1350 {strides = array<i32>} : memref<64x64xf32, #tpu.memory_space<vmem>>, vector<1x16xf32>,
    %swap3A_1351 = arith.constant 56 : i32
    %swap3A_1352 = arith.index_cast %swap3A_1351 : i32 to index
    %swap3A_1353 = arith.constant 16 : index
    %swap3A_1354 = tpu.vector_load %arg9[%swap3A_1352, %swap3A_1353] {strides = array<i32>} : memref<64x64xf32, #tpu.memory_space<vmem>>, vector<1x16xf32>,
    %swap3A_1355 = vector.shape_cast %swap3A_1354 : vector<1x16xf32> to vector<16xf32>
    %swap3A_1356 = vector.shape_cast %broadcast_in_dim3A_1 : vector<16xf32> to vector<1x16xf32>
    tpu.vector_store %arg9[%swap3A_1352, %swap3A_1353], %swap3A_1356 {strides = array<i32>} : memref<64x64xf32, #tpu.memory_space<vmem>>, vector<1x16xf32>,
    %swap3A_1357 = arith.constant 56 : i32
    %swap3A_1358 = arith.index_cast %swap3A_1357 : i32 to index
    %swap3A_1359 = arith.constant 32 : index
    %swap3A_1360 = tpu.vector_load %arg9[%swap3A_1358, %swap3A_1359] {strides = array<i32>} : memref<64x64xf32, #tpu.memory_space<vmem>>, vector<1x16xf32>,
    %swap3A_1361 = vector.shape_cast %swap3A_1360 : vector<1x16xf32> to vector<16xf32>
    %swap3A_1362 = vector.shape_cast %broadcast_in_dim3A_1 : vector<16xf32> to vector<1x16xf32>
    tpu.vector_store %arg9[%swap3A_1358, %swap3A_1359], %swap3A_1362 {strides = array<i32>} : memref<64x64xf32, #tpu.memory_space<vmem>>, vector<1x16xf32>,
    %swap3A_1363 = arith.constant 56 : i32
    %swap3A_1364 = arith.index_cast %swap3A_1363 : i32 to index
    %swap3A_1365 = arith.constant 48 : index
    %swap3A_1366 = tpu.vector_load %arg9[%swap3A_1364, %swap3A_1365] {strides = array<i32>} : memref<64x64xf32, #tpu.memory_space<vmem>>, vector<1x16xf32>,
    %swap3A_1367 = vector.shape_cast %swap3A_1366 : vector<1x16xf32> to vector<16xf32>
    %swap3A_1368 = vector.shape_cast %broadcast_in_dim3A_1 : vector<16xf32> to vector<1x16xf32>
    tpu.vector_store %arg9[%swap3A_1364, %swap3A_1365], %swap3A_1368 {strides = array<i32>} : memref<64x64xf32, #tpu.memory_space<vmem>>, vector<1x16xf32>,
    %swap3A_1369 = arith.constant 57 : i32
    %swap3A_1370 = arith.index_cast %swap3A_1369 : i32 to index
    %swap3A_1371 = arith.constant 0 : index
    %swap3A_1372 = tpu.vector_load %arg9[%swap3A_1370, %swap3A_1371] {strides = array<i32>} : memref<64x64xf32, #tpu.memory_space<vmem>>, vector<1x16xf32>,
    %swap3A_1373 = vector.shape_cast %swap3A_1372 : vector<1x16xf32> to vector<16xf32>
    %swap3A_1374 = vector.shape_cast %broadcast_in_dim3A_1 : vector<16xf32> to vector<1x16xf32>
    tpu.vector_store %arg9[%swap3A_1370, %swap3A_1371], %swap3A_1374 {strides = array<i32>} : memref<64x64xf32, #tpu.memory_space<vmem>>, vector<1x16xf32>,
    %swap3A_1375 = arith.constant 57 : i32
    %swap3A_1376 = arith.index_cast %swap3A_1375 : i32 to index
    %swap3A_1377 = arith.constant 16 : index
    %swap3A_1378 = tpu.vector_load %arg9[%swap3A_1376, %swap3A_1377] {strides = array<i32>} : memref<64x64xf32, #tpu.memory_space<vmem>>, vector<1x16xf32>,
    %swap3A_1379 = vector.shape_cast %swap3A_1378 : vector<1x16xf32> to vector<16xf32>
    %swap3A_1380 = vector.shape_cast %broadcast_in_dim3A_1 : vector<16xf32> to vector<1x16xf32>
    tpu.vector_store %arg9[%swap3A_1376, %swap3A_1377], %swap3A_1380 {strides = array<i32>} : memref<64x64xf32, #tpu.memory_space<vmem>>, vector<1x16xf32>,
    %swap3A_1381 = arith.constant 57 : i32
    %swap3A_1382 = arith.index_cast %swap3A_1381 : i32 to index
    %swap3A_1383 = arith.constant 32 : index
    %swap3A_1384 = tpu.vector_load %arg9[%swap3A_1382, %swap3A_1383] {strides = array<i32>} : memref<64x64xf32, #tpu.memory_space<vmem>>, vector<1x16xf32>,
    %swap3A_1385 = vector.shape_cast %swap3A_1384 : vector<1x16xf32> to vector<16xf32>
    %swap3A_1386 = vector.shape_cast %broadcast_in_dim3A_1 : vector<16xf32> to vector<1x16xf32>
    tpu.vector_store %arg9[%swap3A_1382, %swap3A_1383], %swap3A_1386 {strides = array<i32>} : memref<64x64xf32, #tpu.memory_space<vmem>>, vector<1x16xf32>,
    %swap3A_1387 = arith.constant 57 : i32
    %swap3A_1388 = arith.index_cast %swap3A_1387 : i32 to index
    %swap3A_1389 = arith.constant 48 : index
    %swap3A_1390 = tpu.vector_load %arg9[%swap3A_1388, %swap3A_1389] {strides = array<i32>} : memref<64x64xf32, #tpu.memory_space<vmem>>, vector<1x16xf32>,
    %swap3A_1391 = vector.shape_cast %swap3A_1390 : vector<1x16xf32> to vector<16xf32>
    %swap3A_1392 = vector.shape_cast %broadcast_in_dim3A_1 : vector<16xf32> to vector<1x16xf32>
    tpu.vector_store %arg9[%swap3A_1388, %swap3A_1389], %swap3A_1392 {strides = array<i32>} : memref<64x64xf32, #tpu.memory_space<vmem>>, vector<1x16xf32>,
    %swap3A_1393 = arith.constant 58 : i32
    %swap3A_1394 = arith.index_cast %swap3A_1393 : i32 to index
    %swap3A_1395 = arith.constant 0 : index
    %swap3A_1396 = tpu.vector_load %arg9[%swap3A_1394, %swap3A_1395] {strides = array<i32>} : memref<64x64xf32, #tpu.memory_space<vmem>>, vector<1x16xf32>,
    %swap3A_1397 = vector.shape_cast %swap3A_1396 : vector<1x16xf32> to vector<16xf32>
    %swap3A_1398 = vector.shape_cast %broadcast_in_dim3A_1 : vector<16xf32> to vector<1x16xf32>
    tpu.vector_store %arg9[%swap3A_1394, %swap3A_1395], %swap3A_1398 {strides = array<i32>} : memref<64x64xf32, #tpu.memory_space<vmem>>, vector<1x16xf32>,
    %swap3A_1399 = arith.constant 58 : i32
    %swap3A_1400 = arith.index_cast %swap3A_1399 : i32 to index
    %swap3A_1401 = arith.constant 16 : index
    %swap3A_1402 = tpu.vector_load %arg9[%swap3A_1400, %swap3A_1401] {strides = array<i32>} : memref<64x64xf32, #tpu.memory_space<vmem>>, vector<1x16xf32>,
    %swap3A_1403 = vector.shape_cast %swap3A_1402 : vector<1x16xf32> to vector<16xf32>
    %swap3A_1404 = vector.shape_cast %broadcast_in_dim3A_1 : vector<16xf32> to vector<1x16xf32>
    tpu.vector_store %arg9[%swap3A_1400, %swap3A_1401], %swap3A_1404 {strides = array<i32>} : memref<64x64xf32, #tpu.memory_space<vmem>>, vector<1x16xf32>,
    %swap3A_1405 = arith.constant 58 : i32
    %swap3A_1406 = arith.index_cast %swap3A_1405 : i32 to index
    %swap3A_1407 = arith.constant 32 : index
    %swap3A_1408 = tpu.vector_load %arg9[%swap3A_1406, %swap3A_1407] {strides = array<i32>} : memref<64x64xf32, #tpu.memory_space<vmem>>, vector<1x16xf32>,
    %swap3A_1409 = vector.shape_cast %swap3A_1408 : vector<1x16xf32> to vector<16xf32>
    %swap3A_1410 = vector.shape_cast %broadcast_in_dim3A_1 : vector<16xf32> to vector<1x16xf32>
    tpu.vector_store %arg9[%swap3A_1406, %swap3A_1407], %swap3A_1410 {strides = array<i32>} : memref<64x64xf32, #tpu.memory_space<vmem>>, vector<1x16xf32>,
    %swap3A_1411 = arith.constant 58 : i32
    %swap3A_1412 = arith.index_cast %swap3A_1411 : i32 to index
    %swap3A_1413 = arith.constant 48 : index
    %swap3A_1414 = tpu.vector_load %arg9[%swap3A_1412, %swap3A_1413] {strides = array<i32>} : memref<64x64xf32, #tpu.memory_space<vmem>>, vector<1x16xf32>,
    %swap3A_1415 = vector.shape_cast %swap3A_1414 : vector<1x16xf32> to vector<16xf32>
    %swap3A_1416 = vector.shape_cast %broadcast_in_dim3A_1 : vector<16xf32> to vector<1x16xf32>
    tpu.vector_store %arg9[%swap3A_1412, %swap3A_1413], %swap3A_1416 {strides = array<i32>} : memref<64x64xf32, #tpu.memory_space<vmem>>, vector<1x16xf32>,
    %swap3A_1417 = arith.constant 59 : i32
    %swap3A_1418 = arith.index_cast %swap3A_1417 : i32 to index
    %swap3A_1419 = arith.constant 0 : index
    %swap3A_1420 = tpu.vector_load %arg9[%swap3A_1418, %swap3A_1419] {strides = array<i32>} : memref<64x64xf32, #tpu.memory_space<vmem>>, vector<1x16xf32>,
    %swap3A_1421 = vector.shape_cast %swap3A_1420 : vector<1x16xf32> to vector<16xf32>
    %swap3A_1422 = vector.shape_cast %broadcast_in_dim3A_1 : vector<16xf32> to vector<1x16xf32>
    tpu.vector_store %arg9[%swap3A_1418, %swap3A_1419], %swap3A_1422 {strides = array<i32>} : memref<64x64xf32, #tpu.memory_space<vmem>>, vector<1x16xf32>,
    %swap3A_1423 = arith.constant 59 : i32
    %swap3A_1424 = arith.index_cast %swap3A_1423 : i32 to index
    %swap3A_1425 = arith.constant 16 : index
    %swap3A_1426 = tpu.vector_load %arg9[%swap3A_1424, %swap3A_1425] {strides = array<i32>} : memref<64x64xf32, #tpu.memory_space<vmem>>, vector<1x16xf32>,
    %swap3A_1427 = vector.shape_cast %swap3A_1426 : vector<1x16xf32> to vector<16xf32>
    %swap3A_1428 = vector.shape_cast %broadcast_in_dim3A_1 : vector<16xf32> to vector<1x16xf32>
    tpu.vector_store %arg9[%swap3A_1424, %swap3A_1425], %swap3A_1428 {strides = array<i32>} : memref<64x64xf32, #tpu.memory_space<vmem>>, vector<1x16xf32>,
    %swap3A_1429 = arith.constant 59 : i32
    %swap3A_1430 = arith.index_cast %swap3A_1429 : i32 to index
    %swap3A_1431 = arith.constant 32 : index
    %swap3A_1432 = tpu.vector_load %arg9[%swap3A_1430, %swap3A_1431] {strides = array<i32>} : memref<64x64xf32, #tpu.memory_space<vmem>>, vector<1x16xf32>,
    %swap3A_1433 = vector.shape_cast %swap3A_1432 : vector<1x16xf32> to vector<16xf32>
    %swap3A_1434 = vector.shape_cast %broadcast_in_dim3A_1 : vector<16xf32> to vector<1x16xf32>
    tpu.vector_store %arg9[%swap3A_1430, %swap3A_1431], %swap3A_1434 {strides = array<i32>} : memref<64x64xf32, #tpu.memory_space<vmem>>, vector<1x16xf32>,
    %swap3A_1435 = arith.constant 59 : i32
    %swap3A_1436 = arith.index_cast %swap3A_1435 : i32 to index
    %swap3A_1437 = arith.constant 48 : index
    %swap3A_1438 = tpu.vector_load %arg9[%swap3A_1436, %swap3A_1437] {strides = array<i32>} : memref<64x64xf32, #tpu.memory_space<vmem>>, vector<1x16xf32>,
    %swap3A_1439 = vector.shape_cast %swap3A_1438 : vector<1x16xf32> to vector<16xf32>
    %swap3A_1440 = vector.shape_cast %broadcast_in_dim3A_1 : vector<16xf32> to vector<1x16xf32>
    tpu.vector_store %arg9[%swap3A_1436, %swap3A_1437], %swap3A_1440 {strides = array<i32>} : memref<64x64xf32, #tpu.memory_space<vmem>>, vector<1x16xf32>,
    %swap3A_1441 = arith.constant 60 : i32
    %swap3A_1442 = arith.index_cast %swap3A_1441 : i32 to index
    %swap3A_1443 = arith.constant 0 : index
    %swap3A_1444 = tpu.vector_load %arg9[%swap3A_1442, %swap3A_1443] {strides = array<i32>} : memref<64x64xf32, #tpu.memory_space<vmem>>, vector<1x16xf32>,
    %swap3A_1445 = vector.shape_cast %swap3A_1444 : vector<1x16xf32> to vector<16xf32>
    %swap3A_1446 = vector.shape_cast %broadcast_in_dim3A_1 : vector<16xf32> to vector<1x16xf32>
    tpu.vector_store %arg9[%swap3A_1442, %swap3A_1443], %swap3A_1446 {strides = array<i32>} : memref<64x64xf32, #tpu.memory_space<vmem>>, vector<1x16xf32>,
    %swap3A_1447 = arith.constant 60 : i32
    %swap3A_1448 = arith.index_cast %swap3A_1447 : i32 to index
    %swap3A_1449 = arith.constant 16 : index
    %swap3A_1450 = tpu.vector_load %arg9[%swap3A_1448, %swap3A_1449] {strides = array<i32>} : memref<64x64xf32, #tpu.memory_space<vmem>>, vector<1x16xf32>,
    %swap3A_1451 = vector.shape_cast %swap3A_1450 : vector<1x16xf32> to vector<16xf32>
    %swap3A_1452 = vector.shape_cast %broadcast_in_dim3A_1 : vector<16xf32> to vector<1x16xf32>
    tpu.vector_store %arg9[%swap3A_1448, %swap3A_1449], %swap3A_1452 {strides = array<i32>} : memref<64x64xf32, #tpu.memory_space<vmem>>, vector<1x16xf32>,
    %swap3A_1453 = arith.constant 60 : i32
    %swap3A_1454 = arith.index_cast %swap3A_1453 : i32 to index
    %swap3A_1455 = arith.constant 32 : index
    %swap3A_1456 = tpu.vector_load %arg9[%swap3A_1454, %swap3A_1455] {strides = array<i32>} : memref<64x64xf32, #tpu.memory_space<vmem>>, vector<1x16xf32>,
    %swap3A_1457 = vector.shape_cast %swap3A_1456 : vector<1x16xf32> to vector<16xf32>
    %swap3A_1458 = vector.shape_cast %broadcast_in_dim3A_1 : vector<16xf32> to vector<1x16xf32>
    tpu.vector_store %arg9[%swap3A_1454, %swap3A_1455], %swap3A_1458 {strides = array<i32>} : memref<64x64xf32, #tpu.memory_space<vmem>>, vector<1x16xf32>,
    %swap3A_1459 = arith.constant 60 : i32
    %swap3A_1460 = arith.index_cast %swap3A_1459 : i32 to index
    %swap3A_1461 = arith.constant 48 : index
    %swap3A_1462 = tpu.vector_load %arg9[%swap3A_1460, %swap3A_1461] {strides = array<i32>} : memref<64x64xf32, #tpu.memory_space<vmem>>, vector<1x16xf32>,
    %swap3A_1463 = vector.shape_cast %swap3A_1462 : vector<1x16xf32> to vector<16xf32>
    %swap3A_1464 = vector.shape_cast %broadcast_in_dim3A_1 : vector<16xf32> to vector<1x16xf32>
    tpu.vector_store %arg9[%swap3A_1460, %swap3A_1461], %swap3A_1464 {strides = array<i32>} : memref<64x64xf32, #tpu.memory_space<vmem>>, vector<1x16xf32>,
    %swap3A_1465 = arith.constant 61 : i32
    %swap3A_1466 = arith.index_cast %swap3A_1465 : i32 to index
    %swap3A_1467 = arith.constant 0 : index
    %swap3A_1468 = tpu.vector_load %arg9[%swap3A_1466, %swap3A_1467] {strides = array<i32>} : memref<64x64xf32, #tpu.memory_space<vmem>>, vector<1x16xf32>,
    %swap3A_1469 = vector.shape_cast %swap3A_1468 : vector<1x16xf32> to vector<16xf32>
    %swap3A_1470 = vector.shape_cast %broadcast_in_dim3A_1 : vector<16xf32> to vector<1x16xf32>
    tpu.vector_store %arg9[%swap3A_1466, %swap3A_1467], %swap3A_1470 {strides = array<i32>} : memref<64x64xf32, #tpu.memory_space<vmem>>, vector<1x16xf32>,
    %swap3A_1471 = arith.constant 61 : i32
    %swap3A_1472 = arith.index_cast %swap3A_1471 : i32 to index
    %swap3A_1473 = arith.constant 16 : index
    %swap3A_1474 = tpu.vector_load %arg9[%swap3A_1472, %swap3A_1473] {strides = array<i32>} : memref<64x64xf32, #tpu.memory_space<vmem>>, vector<1x16xf32>,
    %swap3A_1475 = vector.shape_cast %swap3A_1474 : vector<1x16xf32> to vector<16xf32>
    %swap3A_1476 = vector.shape_cast %broadcast_in_dim3A_1 : vector<16xf32> to vector<1x16xf32>
    tpu.vector_store %arg9[%swap3A_1472, %swap3A_1473], %swap3A_1476 {strides = array<i32>} : memref<64x64xf32, #tpu.memory_space<vmem>>, vector<1x16xf32>,
    %swap3A_1477 = arith.constant 61 : i32
    %swap3A_1478 = arith.index_cast %swap3A_1477 : i32 to index
    %swap3A_1479 = arith.constant 32 : index
    %swap3A_1480 = tpu.vector_load %arg9[%swap3A_1478, %swap3A_1479] {strides = array<i32>} : memref<64x64xf32, #tpu.memory_space<vmem>>, vector<1x16xf32>,
    %swap3A_1481 = vector.shape_cast %swap3A_1480 : vector<1x16xf32> to vector<16xf32>
    %swap3A_1482 = vector.shape_cast %broadcast_in_dim3A_1 : vector<16xf32> to vector<1x16xf32>
    tpu.vector_store %arg9[%swap3A_1478, %swap3A_1479], %swap3A_1482 {strides = array<i32>} : memref<64x64xf32, #tpu.memory_space<vmem>>, vector<1x16xf32>,
    %swap3A_1483 = arith.constant 61 : i32
    %swap3A_1484 = arith.index_cast %swap3A_1483 : i32 to index
    %swap3A_1485 = arith.constant 48 : index
    %swap3A_1486 = tpu.vector_load %arg9[%swap3A_1484, %swap3A_1485] {strides = array<i32>} : memref<64x64xf32, #tpu.memory_space<vmem>>, vector<1x16xf32>,
    %swap3A_1487 = vector.shape_cast %swap3A_1486 : vector<1x16xf32> to vector<16xf32>
    %swap3A_1488 = vector.shape_cast %broadcast_in_dim3A_1 : vector<16xf32> to vector<1x16xf32>
    tpu.vector_store %arg9[%swap3A_1484, %swap3A_1485], %swap3A_1488 {strides = array<i32>} : memref<64x64xf32, #tpu.memory_space<vmem>>, vector<1x16xf32>,
    %swap3A_1489 = arith.constant 62 : i32
    %swap3A_1490 = arith.index_cast %swap3A_1489 : i32 to index
    %swap3A_1491 = arith.constant 0 : index
    %swap3A_1492 = tpu.vector_load %arg9[%swap3A_1490, %swap3A_1491] {strides = array<i32>} : memref<64x64xf32, #tpu.memory_space<vmem>>, vector<1x16xf32>,
    %swap3A_1493 = vector.shape_cast %swap3A_1492 : vector<1x16xf32> to vector<16xf32>
    %swap3A_1494 = vector.shape_cast %broadcast_in_dim3A_1 : vector<16xf32> to vector<1x16xf32>
    tpu.vector_store %arg9[%swap3A_1490, %swap3A_1491], %swap3A_1494 {strides = array<i32>} : memref<64x64xf32, #tpu.memory_space<vmem>>, vector<1x16xf32>,
    %swap3A_1495 = arith.constant 62 : i32
    %swap3A_1496 = arith.index_cast %swap3A_1495 : i32 to index
    %swap3A_1497 = arith.constant 16 : index
    %swap3A_1498 = tpu.vector_load %arg9[%swap3A_1496, %swap3A_1497] {strides = array<i32>} : memref<64x64xf32, #tpu.memory_space<vmem>>, vector<1x16xf32>,
    %swap3A_1499 = vector.shape_cast %swap3A_1498 : vector<1x16xf32> to vector<16xf32>
    %swap3A_1500 = vector.shape_cast %broadcast_in_dim3A_1 : vector<16xf32> to vector<1x16xf32>
    tpu.vector_store %arg9[%swap3A_1496, %swap3A_1497], %swap3A_1500 {strides = array<i32>} : memref<64x64xf32, #tpu.memory_space<vmem>>, vector<1x16xf32>,
    %swap3A_1501 = arith.constant 62 : i32
    %swap3A_1502 = arith.index_cast %swap3A_1501 : i32 to index
    %swap3A_1503 = arith.constant 32 : index
    %swap3A_1504 = tpu.vector_load %arg9[%swap3A_1502, %swap3A_1503] {strides = array<i32>} : memref<64x64xf32, #tpu.memory_space<vmem>>, vector<1x16xf32>,
    %swap3A_1505 = vector.shape_cast %swap3A_1504 : vector<1x16xf32> to vector<16xf32>
    %swap3A_1506 = vector.shape_cast %broadcast_in_dim3A_1 : vector<16xf32> to vector<1x16xf32>
    tpu.vector_store %arg9[%swap3A_1502, %swap3A_1503], %swap3A_1506 {strides = array<i32>} : memref<64x64xf32, #tpu.memory_space<vmem>>, vector<1x16xf32>,
    %swap3A_1507 = arith.constant 62 : i32
    %swap3A_1508 = arith.index_cast %swap3A_1507 : i32 to index
    %swap3A_1509 = arith.constant 48 : index
    %swap3A_1510 = tpu.vector_load %arg9[%swap3A_1508, %swap3A_1509] {strides = array<i32>} : memref<64x64xf32, #tpu.memory_space<vmem>>, vector<1x16xf32>,
    %swap3A_1511 = vector.shape_cast %swap3A_1510 : vector<1x16xf32> to vector<16xf32>
    %swap3A_1512 = vector.shape_cast %broadcast_in_dim3A_1 : vector<16xf32> to vector<1x16xf32>
    tpu.vector_store %arg9[%swap3A_1508, %swap3A_1509], %swap3A_1512 {strides = array<i32>} : memref<64x64xf32, #tpu.memory_space<vmem>>, vector<1x16xf32>,
    %swap3A_1513 = arith.constant 63 : i32
    %swap3A_1514 = arith.index_cast %swap3A_1513 : i32 to index
    %swap3A_1515 = arith.constant 0 : index
    %swap3A_1516 = tpu.vector_load %arg9[%swap3A_1514, %swap3A_1515] {strides = array<i32>} : memref<64x64xf32, #tpu.memory_space<vmem>>, vector<1x16xf32>,
    %swap3A_1517 = vector.shape_cast %swap3A_1516 : vector<1x16xf32> to vector<16xf32>
    %swap3A_1518 = vector.shape_cast %broadcast_in_dim3A_1 : vector<16xf32> to vector<1x16xf32>
    tpu.vector_store %arg9[%swap3A_1514, %swap3A_1515], %swap3A_1518 {strides = array<i32>} : memref<64x64xf32, #tpu.memory_space<vmem>>, vector<1x16xf32>,
    %swap3A_1519 = arith.constant 63 : i32
    %swap3A_1520 = arith.index_cast %swap3A_1519 : i32 to index
    %swap3A_1521 = arith.constant 16 : index
    %swap3A_1522 = tpu.vector_load %arg9[%swap3A_1520, %swap3A_1521] {strides = array<i32>} : memref<64x64xf32, #tpu.memory_space<vmem>>, vector<1x16xf32>,
    %swap3A_1523 = vector.shape_cast %swap3A_1522 : vector<1x16xf32> to vector<16xf32>
    %swap3A_1524 = vector.shape_cast %broadcast_in_dim3A_1 : vector<16xf32> to vector<1x16xf32>
    tpu.vector_store %arg9[%swap3A_1520, %swap3A_1521], %swap3A_1524 {strides = array<i32>} : memref<64x64xf32, #tpu.memory_space<vmem>>, vector<1x16xf32>,
    %swap3A_1525 = arith.constant 63 : i32
    %swap3A_1526 = arith.index_cast %swap3A_1525 : i32 to index
    %swap3A_1527 = arith.constant 32 : index
    %swap3A_1528 = tpu.vector_load %arg9[%swap3A_1526, %swap3A_1527] {strides = array<i32>} : memref<64x64xf32, #tpu.memory_space<vmem>>, vector<1x16xf32>,
    %swap3A_1529 = vector.shape_cast %swap3A_1528 : vector<1x16xf32> to vector<16xf32>
    %swap3A_1530 = vector.shape_cast %broadcast_in_dim3A_1 : vector<16xf32> to vector<1x16xf32>
    tpu.vector_store %arg9[%swap3A_1526, %swap3A_1527], %swap3A_1530 {strides = array<i32>} : memref<64x64xf32, #tpu.memory_space<vmem>>, vector<1x16xf32>,
    %swap3A_1531 = arith.constant 63 : i32
    %swap3A_1532 = arith.index_cast %swap3A_1531 : i32 to index
    %swap3A_1533 = arith.constant 48 : index
    %swap3A_1534 = tpu.vector_load %arg9[%swap3A_1532, %swap3A_1533] {strides = array<i32>} : memref<64x64xf32, #tpu.memory_space<vmem>>, vector<1x16xf32>,
    %swap3A_1535 = vector.shape_cast %swap3A_1534 : vector<1x16xf32> to vector<16xf32>
    %swap3A_1536 = vector.shape_cast %broadcast_in_dim3A_1 : vector<16xf32> to vector<1x16xf32>
    tpu.vector_store %arg9[%swap3A_1532, %swap3A_1533], %swap3A_1536 {strides = array<i32>} : memref<64x64xf32, #tpu.memory_space<vmem>>, vector<1x16xf32>,
    %mul3A_1537 = arith.constant 640 : i32
    %mul3A_1538 = arith.muli %arg1, %mul3A_1537 : i32
    %add3A_1539 = arith.constant 0 : i32
    %add3A_1540 = arith.addi %mul3A_1538, %add3A_1539 : i32
    "tpu.region"() ({
      %run_scoped3A = tpu.sem_alloc : memref<!tpu.dma_semaphore, #tpu.memory_space<semaphore_mem>>
      %dma_start3A = arith.constant 0 : i32
      %dma_start3A_1594 = tpu.memref_slice %arg12[%add3A_1540, %dma_start3A] : memref<10240x64xf32, #tpu.memory_space<vmem_shared>> -> memref<64x64xf32, #tpu.memory_space<vmem_shared>>
      %dma_start3A_1595 = arith.constant 0 : i32
      %dma_start3A_1596 = tpu.memref_slice %arg12[%add3A_1540, %dma_start3A_1595] : memref<10240x64xf32, #tpu.memory_space<vmem_shared>> -> memref<64x64xf32, #tpu.memory_space<vmem_shared>>
      tpu.enqueue_dma source(%arg9 : memref<64x64xf32, #tpu.memory_space<vmem>>) target(%dma_start3A_1596 : memref<64x64xf32, #tpu.memory_space<vmem_shared>>) target_semaphore(%run_scoped3A : memref<!tpu.dma_semaphore, #tpu.memory_space<semaphore_mem>>)
      %dma_wait3A = arith.constant 0 : i32
      %dma_wait3A_1597 = tpu.memref_slice %arg12[%add3A_1540, %dma_wait3A] : memref<10240x64xf32, #tpu.memory_space<vmem_shared>> -> memref<64x64xf32, #tpu.memory_space<vmem_shared>>
      %dma_wait3A_1598 = arith.constant 0 : i32
      %dma_wait3A_1599 = tpu.memref_slice %arg12[%add3A_1540, %dma_wait3A_1598] : memref<10240x64xf32, #tpu.memory_space<vmem_shared>> -> memref<64x64xf32, #tpu.memory_space<vmem_shared>>
      tpu.wait_dma2 semaphore(%run_scoped3A : memref<!tpu.dma_semaphore, #tpu.memory_space<semaphore_mem>>) src(%arg9 : memref<64x64xf32, #tpu.memory_space<vmem>>) dst(%dma_wait3A_1599 : memref<64x64xf32, #tpu.memory_space<vmem_shared>>)
      tpu.yield
    }) : () -> ()
    %mul3A_1541 = arith.constant 640 : i32
    %mul3A_1542 = arith.muli %arg1, %mul3A_1541 : i32
    %add3A_1543 = arith.constant 64 : i32
    %add3A_1544 = arith.addi %mul3A_1542, %add3A_1543 : i32
    "tpu.region"() ({
      %run_scoped3A = tpu.sem_alloc : memref<!tpu.dma_semaphore, #tpu.memory_space<semaphore_mem>>
      %dma_start3A = arith.constant 0 : i32
      %dma_start3A_1594 = tpu.memref_slice %arg12[%add3A_1544, %dma_start3A] : memref<10240x64xf32, #tpu.memory_space<vmem_shared>> -> memref<64x64xf32, #tpu.memory_space<vmem_shared>>
      %dma_start3A_1595 = arith.constant 0 : i32
      %dma_start3A_1596 = tpu.memref_slice %arg12[%add3A_1544, %dma_start3A_1595] : memref<10240x64xf32, #tpu.memory_space<vmem_shared>> -> memref<64x64xf32, #tpu.memory_space<vmem_shared>>
      tpu.enqueue_dma source(%arg9 : memref<64x64xf32, #tpu.memory_space<vmem>>) target(%dma_start3A_1596 : memref<64x64xf32, #tpu.memory_space<vmem_shared>>) target_semaphore(%run_scoped3A : memref<!tpu.dma_semaphore, #tpu.memory_space<semaphore_mem>>)
      %dma_wait3A = arith.constant 0 : i32
      %dma_wait3A_1597 = tpu.memref_slice %arg12[%add3A_1544, %dma_wait3A] : memref<10240x64xf32, #tpu.memory_space<vmem_shared>> -> memref<64x64xf32, #tpu.memory_space<vmem_shared>>
      %dma_wait3A_1598 = arith.constant 0 : i32
      %dma_wait3A_1599 = tpu.memref_slice %arg12[%add3A_1544, %dma_wait3A_1598] : memref<10240x64xf32, #tpu.memory_space<vmem_shared>> -> memref<64x64xf32, #tpu.memory_space<vmem_shared>>
      tpu.wait_dma2 semaphore(%run_scoped3A : memref<!tpu.dma_semaphore, #tpu.memory_space<semaphore_mem>>) src(%arg9 : memref<64x64xf32, #tpu.memory_space<vmem>>) dst(%dma_wait3A_1599 : memref<64x64xf32, #tpu.memory_space<vmem_shared>>)
      tpu.yield
    }) : () -> ()
    %mul3A_1545 = arith.constant 640 : i32
    %mul3A_1546 = arith.muli %arg1, %mul3A_1545 : i32
    %add3A_1547 = arith.constant 128 : i32
    %add3A_1548 = arith.addi %mul3A_1546, %add3A_1547 : i32
    "tpu.region"() ({
      %run_scoped3A = tpu.sem_alloc : memref<!tpu.dma_semaphore, #tpu.memory_space<semaphore_mem>>
      %dma_start3A = arith.constant 0 : i32
      %dma_start3A_1594 = tpu.memref_slice %arg12[%add3A_1548, %dma_start3A] : memref<10240x64xf32, #tpu.memory_space<vmem_shared>> -> memref<64x64xf32, #tpu.memory_space<vmem_shared>>
      %dma_start3A_1595 = arith.constant 0 : i32
      %dma_start3A_1596 = tpu.memref_slice %arg12[%add3A_1548, %dma_start3A_1595] : memref<10240x64xf32, #tpu.memory_space<vmem_shared>> -> memref<64x64xf32, #tpu.memory_space<vmem_shared>>
      tpu.enqueue_dma source(%arg9 : memref<64x64xf32, #tpu.memory_space<vmem>>) target(%dma_start3A_1596 : memref<64x64xf32, #tpu.memory_space<vmem_shared>>) target_semaphore(%run_scoped3A : memref<!tpu.dma_semaphore, #tpu.memory_space<semaphore_mem>>)
      %dma_wait3A = arith.constant 0 : i32
      %dma_wait3A_1597 = tpu.memref_slice %arg12[%add3A_1548, %dma_wait3A] : memref<10240x64xf32, #tpu.memory_space<vmem_shared>> -> memref<64x64xf32, #tpu.memory_space<vmem_shared>>
      %dma_wait3A_1598 = arith.constant 0 : i32
      %dma_wait3A_1599 = tpu.memref_slice %arg12[%add3A_1548, %dma_wait3A_1598] : memref<10240x64xf32, #tpu.memory_space<vmem_shared>> -> memref<64x64xf32, #tpu.memory_space<vmem_shared>>
      tpu.wait_dma2 semaphore(%run_scoped3A : memref<!tpu.dma_semaphore, #tpu.memory_space<semaphore_mem>>) src(%arg9 : memref<64x64xf32, #tpu.memory_space<vmem>>) dst(%dma_wait3A_1599 : memref<64x64xf32, #tpu.memory_space<vmem_shared>>)
      tpu.yield
    }) : () -> ()
    %mul3A_1549 = arith.constant 640 : i32
    %mul3A_1550 = arith.muli %arg1, %mul3A_1549 : i32
    %add3A_1551 = arith.constant 192 : i32
    %add3A_1552 = arith.addi %mul3A_1550, %add3A_1551 : i32
    "tpu.region"() ({
      %run_scoped3A = tpu.sem_alloc : memref<!tpu.dma_semaphore, #tpu.memory_space<semaphore_mem>>
      %dma_start3A = arith.constant 0 : i32
      %dma_start3A_1594 = tpu.memref_slice %arg12[%add3A_1552, %dma_start3A] : memref<10240x64xf32, #tpu.memory_space<vmem_shared>> -> memref<64x64xf32, #tpu.memory_space<vmem_shared>>
      %dma_start3A_1595 = arith.constant 0 : i32
      %dma_start3A_1596 = tpu.memref_slice %arg12[%add3A_1552, %dma_start3A_1595] : memref<10240x64xf32, #tpu.memory_space<vmem_shared>> -> memref<64x64xf32, #tpu.memory_space<vmem_shared>>
      tpu.enqueue_dma source(%arg9 : memref<64x64xf32, #tpu.memory_space<vmem>>) target(%dma_start3A_1596 : memref<64x64xf32, #tpu.memory_space<vmem_shared>>) target_semaphore(%run_scoped3A : memref<!tpu.dma_semaphore, #tpu.memory_space<semaphore_mem>>)
      %dma_wait3A = arith.constant 0 : i32
      %dma_wait3A_1597 = tpu.memref_slice %arg12[%add3A_1552, %dma_wait3A] : memref<10240x64xf32, #tpu.memory_space<vmem_shared>> -> memref<64x64xf32, #tpu.memory_space<vmem_shared>>
      %dma_wait3A_1598 = arith.constant 0 : i32
      %dma_wait3A_1599 = tpu.memref_slice %arg12[%add3A_1552, %dma_wait3A_1598] : memref<10240x64xf32, #tpu.memory_space<vmem_shared>> -> memref<64x64xf32, #tpu.memory_space<vmem_shared>>
      tpu.wait_dma2 semaphore(%run_scoped3A : memref<!tpu.dma_semaphore, #tpu.memory_space<semaphore_mem>>) src(%arg9 : memref<64x64xf32, #tpu.memory_space<vmem>>) dst(%dma_wait3A_1599 : memref<64x64xf32, #tpu.memory_space<vmem_shared>>)
      tpu.yield
    }) : () -> ()
    %mul3A_1553 = arith.constant 640 : i32
    %mul3A_1554 = arith.muli %arg1, %mul3A_1553 : i32
    %add3A_1555 = arith.constant 256 : i32
    %add3A_1556 = arith.addi %mul3A_1554, %add3A_1555 : i32
    "tpu.region"() ({
      %run_scoped3A = tpu.sem_alloc : memref<!tpu.dma_semaphore, #tpu.memory_space<semaphore_mem>>
      %dma_start3A = arith.constant 0 : i32
      %dma_start3A_1594 = tpu.memref_slice %arg12[%add3A_1556, %dma_start3A] : memref<10240x64xf32, #tpu.memory_space<vmem_shared>> -> memref<64x64xf32, #tpu.memory_space<vmem_shared>>
      %dma_start3A_1595 = arith.constant 0 : i32
      %dma_start3A_1596 = tpu.memref_slice %arg12[%add3A_1556, %dma_start3A_1595] : memref<10240x64xf32, #tpu.memory_space<vmem_shared>> -> memref<64x64xf32, #tpu.memory_space<vmem_shared>>
      tpu.enqueue_dma source(%arg9 : memref<64x64xf32, #tpu.memory_space<vmem>>) target(%dma_start3A_1596 : memref<64x64xf32, #tpu.memory_space<vmem_shared>>) target_semaphore(%run_scoped3A : memref<!tpu.dma_semaphore, #tpu.memory_space<semaphore_mem>>)
      %dma_wait3A = arith.constant 0 : i32
      %dma_wait3A_1597 = tpu.memref_slice %arg12[%add3A_1556, %dma_wait3A] : memref<10240x64xf32, #tpu.memory_space<vmem_shared>> -> memref<64x64xf32, #tpu.memory_space<vmem_shared>>
      %dma_wait3A_1598 = arith.constant 0 : i32
      %dma_wait3A_1599 = tpu.memref_slice %arg12[%add3A_1556, %dma_wait3A_1598] : memref<10240x64xf32, #tpu.memory_space<vmem_shared>> -> memref<64x64xf32, #tpu.memory_space<vmem_shared>>
      tpu.wait_dma2 semaphore(%run_scoped3A : memref<!tpu.dma_semaphore, #tpu.memory_space<semaphore_mem>>) src(%arg9 : memref<64x64xf32, #tpu.memory_space<vmem>>) dst(%dma_wait3A_1599 : memref<64x64xf32, #tpu.memory_space<vmem_shared>>)
      tpu.yield
    }) : () -> ()
    %mul3A_1557 = arith.constant 640 : i32
    %mul3A_1558 = arith.muli %arg1, %mul3A_1557 : i32
    %add3A_1559 = arith.constant 320 : i32
    %add3A_1560 = arith.addi %mul3A_1558, %add3A_1559 : i32
    "tpu.region"() ({
      %run_scoped3A = tpu.sem_alloc : memref<!tpu.dma_semaphore, #tpu.memory_space<semaphore_mem>>
      %dma_start3A = arith.constant 0 : i32
      %dma_start3A_1594 = tpu.memref_slice %arg12[%add3A_1560, %dma_start3A] : memref<10240x64xf32, #tpu.memory_space<vmem_shared>> -> memref<64x64xf32, #tpu.memory_space<vmem_shared>>
      %dma_start3A_1595 = arith.constant 0 : i32
      %dma_start3A_1596 = tpu.memref_slice %arg12[%add3A_1560, %dma_start3A_1595] : memref<10240x64xf32, #tpu.memory_space<vmem_shared>> -> memref<64x64xf32, #tpu.memory_space<vmem_shared>>
      tpu.enqueue_dma source(%arg9 : memref<64x64xf32, #tpu.memory_space<vmem>>) target(%dma_start3A_1596 : memref<64x64xf32, #tpu.memory_space<vmem_shared>>) target_semaphore(%run_scoped3A : memref<!tpu.dma_semaphore, #tpu.memory_space<semaphore_mem>>)
      %dma_wait3A = arith.constant 0 : i32
      %dma_wait3A_1597 = tpu.memref_slice %arg12[%add3A_1560, %dma_wait3A] : memref<10240x64xf32, #tpu.memory_space<vmem_shared>> -> memref<64x64xf32, #tpu.memory_space<vmem_shared>>
      %dma_wait3A_1598 = arith.constant 0 : i32
      %dma_wait3A_1599 = tpu.memref_slice %arg12[%add3A_1560, %dma_wait3A_1598] : memref<10240x64xf32, #tpu.memory_space<vmem_shared>> -> memref<64x64xf32, #tpu.memory_space<vmem_shared>>
      tpu.wait_dma2 semaphore(%run_scoped3A : memref<!tpu.dma_semaphore, #tpu.memory_space<semaphore_mem>>) src(%arg9 : memref<64x64xf32, #tpu.memory_space<vmem>>) dst(%dma_wait3A_1599 : memref<64x64xf32, #tpu.memory_space<vmem_shared>>)
      tpu.yield
    }) : () -> ()
    %mul3A_1561 = arith.constant 640 : i32
    %mul3A_1562 = arith.muli %arg1, %mul3A_1561 : i32
    %add3A_1563 = arith.constant 384 : i32
    %add3A_1564 = arith.addi %mul3A_1562, %add3A_1563 : i32
    "tpu.region"() ({
      %run_scoped3A = tpu.sem_alloc : memref<!tpu.dma_semaphore, #tpu.memory_space<semaphore_mem>>
      %dma_start3A = arith.constant 0 : i32
      %dma_start3A_1594 = tpu.memref_slice %arg12[%add3A_1564, %dma_start3A] : memref<10240x64xf32, #tpu.memory_space<vmem_shared>> -> memref<64x64xf32, #tpu.memory_space<vmem_shared>>
      %dma_start3A_1595 = arith.constant 0 : i32
      %dma_start3A_1596 = tpu.memref_slice %arg12[%add3A_1564, %dma_start3A_1595] : memref<10240x64xf32, #tpu.memory_space<vmem_shared>> -> memref<64x64xf32, #tpu.memory_space<vmem_shared>>
      tpu.enqueue_dma source(%arg9 : memref<64x64xf32, #tpu.memory_space<vmem>>) target(%dma_start3A_1596 : memref<64x64xf32, #tpu.memory_space<vmem_shared>>) target_semaphore(%run_scoped3A : memref<!tpu.dma_semaphore, #tpu.memory_space<semaphore_mem>>)
      %dma_wait3A = arith.constant 0 : i32
      %dma_wait3A_1597 = tpu.memref_slice %arg12[%add3A_1564, %dma_wait3A] : memref<10240x64xf32, #tpu.memory_space<vmem_shared>> -> memref<64x64xf32, #tpu.memory_space<vmem_shared>>
      %dma_wait3A_1598 = arith.constant 0 : i32
      %dma_wait3A_1599 = tpu.memref_slice %arg12[%add3A_1564, %dma_wait3A_1598] : memref<10240x64xf32, #tpu.memory_space<vmem_shared>> -> memref<64x64xf32, #tpu.memory_space<vmem_shared>>
      tpu.wait_dma2 semaphore(%run_scoped3A : memref<!tpu.dma_semaphore, #tpu.memory_space<semaphore_mem>>) src(%arg9 : memref<64x64xf32, #tpu.memory_space<vmem>>) dst(%dma_wait3A_1599 : memref<64x64xf32, #tpu.memory_space<vmem_shared>>)
      tpu.yield
    }) : () -> ()
    %mul3A_1565 = arith.constant 640 : i32
    %mul3A_1566 = arith.muli %arg1, %mul3A_1565 : i32
    %add3A_1567 = arith.constant 448 : i32
    %add3A_1568 = arith.addi %mul3A_1566, %add3A_1567 : i32
    "tpu.region"() ({
      %run_scoped3A = tpu.sem_alloc : memref<!tpu.dma_semaphore, #tpu.memory_space<semaphore_mem>>
      %dma_start3A = arith.constant 0 : i32
      %dma_start3A_1594 = tpu.memref_slice %arg12[%add3A_1568, %dma_start3A] : memref<10240x64xf32, #tpu.memory_space<vmem_shared>> -> memref<64x64xf32, #tpu.memory_space<vmem_shared>>
      %dma_start3A_1595 = arith.constant 0 : i32
      %dma_start3A_1596 = tpu.memref_slice %arg12[%add3A_1568, %dma_start3A_1595] : memref<10240x64xf32, #tpu.memory_space<vmem_shared>> -> memref<64x64xf32, #tpu.memory_space<vmem_shared>>
      tpu.enqueue_dma source(%arg9 : memref<64x64xf32, #tpu.memory_space<vmem>>) target(%dma_start3A_1596 : memref<64x64xf32, #tpu.memory_space<vmem_shared>>) target_semaphore(%run_scoped3A : memref<!tpu.dma_semaphore, #tpu.memory_space<semaphore_mem>>)
      %dma_wait3A = arith.constant 0 : i32
      %dma_wait3A_1597 = tpu.memref_slice %arg12[%add3A_1568, %dma_wait3A] : memref<10240x64xf32, #tpu.memory_space<vmem_shared>> -> memref<64x64xf32, #tpu.memory_space<vmem_shared>>
      %dma_wait3A_1598 = arith.constant 0 : i32
      %dma_wait3A_1599 = tpu.memref_slice %arg12[%add3A_1568, %dma_wait3A_1598] : memref<10240x64xf32, #tpu.memory_space<vmem_shared>> -> memref<64x64xf32, #tpu.memory_space<vmem_shared>>
      tpu.wait_dma2 semaphore(%run_scoped3A : memref<!tpu.dma_semaphore, #tpu.memory_space<semaphore_mem>>) src(%arg9 : memref<64x64xf32, #tpu.memory_space<vmem>>) dst(%dma_wait3A_1599 : memref<64x64xf32, #tpu.memory_space<vmem_shared>>)
      tpu.yield
    }) : () -> ()
    %mul3A_1569 = arith.constant 640 : i32
    %mul3A_1570 = arith.muli %arg1, %mul3A_1569 : i32
    %add3A_1571 = arith.constant 512 : i32
    %add3A_1572 = arith.addi %mul3A_1570, %add3A_1571 : i32
    "tpu.region"() ({
      %run_scoped3A = tpu.sem_alloc : memref<!tpu.dma_semaphore, #tpu.memory_space<semaphore_mem>>
      %dma_start3A = arith.constant 0 : i32
      %dma_start3A_1594 = tpu.memref_slice %arg12[%add3A_1572, %dma_start3A] : memref<10240x64xf32, #tpu.memory_space<vmem_shared>> -> memref<64x64xf32, #tpu.memory_space<vmem_shared>>
      %dma_start3A_1595 = arith.constant 0 : i32
      %dma_start3A_1596 = tpu.memref_slice %arg12[%add3A_1572, %dma_start3A_1595] : memref<10240x64xf32, #tpu.memory_space<vmem_shared>> -> memref<64x64xf32, #tpu.memory_space<vmem_shared>>
      tpu.enqueue_dma source(%arg9 : memref<64x64xf32, #tpu.memory_space<vmem>>) target(%dma_start3A_1596 : memref<64x64xf32, #tpu.memory_space<vmem_shared>>) target_semaphore(%run_scoped3A : memref<!tpu.dma_semaphore, #tpu.memory_space<semaphore_mem>>)
      %dma_wait3A = arith.constant 0 : i32
      %dma_wait3A_1597 = tpu.memref_slice %arg12[%add3A_1572, %dma_wait3A] : memref<10240x64xf32, #tpu.memory_space<vmem_shared>> -> memref<64x64xf32, #tpu.memory_space<vmem_shared>>
      %dma_wait3A_1598 = arith.constant 0 : i32
      %dma_wait3A_1599 = tpu.memref_slice %arg12[%add3A_1572, %dma_wait3A_1598] : memref<10240x64xf32, #tpu.memory_space<vmem_shared>> -> memref<64x64xf32, #tpu.memory_space<vmem_shared>>
      tpu.wait_dma2 semaphore(%run_scoped3A : memref<!tpu.dma_semaphore, #tpu.memory_space<semaphore_mem>>) src(%arg9 : memref<64x64xf32, #tpu.memory_space<vmem>>) dst(%dma_wait3A_1599 : memref<64x64xf32, #tpu.memory_space<vmem_shared>>)
      tpu.yield
    }) : () -> ()
    %mul3A_1573 = arith.constant 640 : i32
    %mul3A_1574 = arith.muli %arg1, %mul3A_1573 : i32
    %add3A_1575 = arith.constant 576 : i32
    %add3A_1576 = arith.addi %mul3A_1574, %add3A_1575 : i32
    "tpu.region"() ({
      %run_scoped3A = tpu.sem_alloc : memref<!tpu.dma_semaphore, #tpu.memory_space<semaphore_mem>>
      %dma_start3A = arith.constant 0 : i32
      %dma_start3A_1594 = tpu.memref_slice %arg12[%add3A_1576, %dma_start3A] : memref<10240x64xf32, #tpu.memory_space<vmem_shared>> -> memref<64x64xf32, #tpu.memory_space<vmem_shared>>
      %dma_start3A_1595 = arith.constant 0 : i32
      %dma_start3A_1596 = tpu.memref_slice %arg12[%add3A_1576, %dma_start3A_1595] : memref<10240x64xf32, #tpu.memory_space<vmem_shared>> -> memref<64x64xf32, #tpu.memory_space<vmem_shared>>
      tpu.enqueue_dma source(%arg9 : memref<64x64xf32, #tpu.memory_space<vmem>>) target(%dma_start3A_1596 : memref<64x64xf32, #tpu.memory_space<vmem_shared>>) target_semaphore(%run_scoped3A : memref<!tpu.dma_semaphore, #tpu.memory_space<semaphore_mem>>)
      %dma_wait3A = arith.constant 0 : i32
      %dma_wait3A_1597 = tpu.memref_slice %arg12[%add3A_1576, %dma_wait3A] : memref<10240x64xf32, #tpu.memory_space<vmem_shared>> -> memref<64x64xf32, #tpu.memory_space<vmem_shared>>
      %dma_wait3A_1598 = arith.constant 0 : i32
      %dma_wait3A_1599 = tpu.memref_slice %arg12[%add3A_1576, %dma_wait3A_1598] : memref<10240x64xf32, #tpu.memory_space<vmem_shared>> -> memref<64x64xf32, #tpu.memory_space<vmem_shared>>
      tpu.wait_dma2 semaphore(%run_scoped3A : memref<!tpu.dma_semaphore, #tpu.memory_space<semaphore_mem>>) src(%arg9 : memref<64x64xf32, #tpu.memory_space<vmem>>) dst(%dma_wait3A_1599 : memref<64x64xf32, #tpu.memory_space<vmem_shared>>)
      tpu.yield
    }) : () -> ()
    %mul3A_1577 = arith.constant 40 : i32
    %mul3A_1578 = arith.muli %add3A, %mul3A_1577 : i32
    "tpu.region"() ({
      %run_scoped3A = tpu.sem_alloc : memref<!tpu.dma_semaphore, #tpu.memory_space<semaphore_mem>>
      %dma_start3A = arith.constant 0 : i32
      %dma_start3A_1594 = tpu.memref_slice %arg3[%mul3A_1578, %dma_start3A] : memref<1280x250xi32, #tpu.memory_space<hbm>> -> memref<40x250xi32, #tpu.memory_space<hbm>>
      %dma_start3A_1595 = arith.constant 0 : i32
      %dma_start3A_1596 = tpu.memref_slice %arg3[%mul3A_1578, %dma_start3A_1595] : memref<1280x250xi32, #tpu.memory_space<hbm>> -> memref<40x250xi32, #tpu.memory_space<hbm>>
      tpu.enqueue_dma source(%dma_start3A_1596 : memref<40x250xi32, #tpu.memory_space<hbm>>) target(%arg6 : memref<40x250xi32, #tpu.memory_space<vmem>>) target_semaphore(%run_scoped3A : memref<!tpu.dma_semaphore, #tpu.memory_space<semaphore_mem>>)
      %dma_wait3A = arith.constant 0 : i32
      %dma_wait3A_1597 = tpu.memref_slice %arg3[%mul3A_1578, %dma_wait3A] : memref<1280x250xi32, #tpu.memory_space<hbm>> -> memref<40x250xi32, #tpu.memory_space<hbm>>
      %dma_wait3A_1598 = arith.constant 0 : i32
      %dma_wait3A_1599 = tpu.memref_slice %arg3[%mul3A_1578, %dma_wait3A_1598] : memref<1280x250xi32, #tpu.memory_space<hbm>> -> memref<40x250xi32, #tpu.memory_space<hbm>>
      tpu.wait_dma2 semaphore(%run_scoped3A : memref<!tpu.dma_semaphore, #tpu.memory_space<semaphore_mem>>) src(%dma_wait3A_1599 : memref<40x250xi32, #tpu.memory_space<hbm>>) dst(%arg6 : memref<40x250xi32, #tpu.memory_space<vmem>>)
      tpu.yield
    }) : () -> ()
    %mul3A_1579 = arith.constant 40 : i32
    %mul3A_1580 = arith.muli %add3A, %mul3A_1579 : i32
    "tpu.region"() ({
      %run_scoped3A = tpu.sem_alloc : memref<!tpu.dma_semaphore, #tpu.memory_space<semaphore_mem>>
      %dma_start3A = arith.constant 0 : i32
      %dma_start3A_1594 = tpu.memref_slice %arg4[%mul3A_1580, %dma_start3A] : memref<1280x250xi32, #tpu.memory_space<hbm>> -> memref<40x250xi32, #tpu.memory_space<hbm>>
      %dma_start3A_1595 = arith.constant 0 : i32
      %dma_start3A_1596 = tpu.memref_slice %arg4[%mul3A_1580, %dma_start3A_1595] : memref<1280x250xi32, #tpu.memory_space<hbm>> -> memref<40x250xi32, #tpu.memory_space<hbm>>
      tpu.enqueue_dma source(%dma_start3A_1596 : memref<40x250xi32, #tpu.memory_space<hbm>>) target(%arg7 : memref<40x250xi32, #tpu.memory_space<vmem>>) target_semaphore(%run_scoped3A : memref<!tpu.dma_semaphore, #tpu.memory_space<semaphore_mem>>)
      %dma_wait3A = arith.constant 0 : i32
      %dma_wait3A_1597 = tpu.memref_slice %arg4[%mul3A_1580, %dma_wait3A] : memref<1280x250xi32, #tpu.memory_space<hbm>> -> memref<40x250xi32, #tpu.memory_space<hbm>>
      %dma_wait3A_1598 = arith.constant 0 : i32
      %dma_wait3A_1599 = tpu.memref_slice %arg4[%mul3A_1580, %dma_wait3A_1598] : memref<1280x250xi32, #tpu.memory_space<hbm>> -> memref<40x250xi32, #tpu.memory_space<hbm>>
      tpu.wait_dma2 semaphore(%run_scoped3A : memref<!tpu.dma_semaphore, #tpu.memory_space<semaphore_mem>>) src(%dma_wait3A_1599 : memref<40x250xi32, #tpu.memory_space<hbm>>) dst(%arg7 : memref<40x250xi32, #tpu.memory_space<vmem>>)
      tpu.yield
    }) : () -> ()
    %barrier3A = arith.constant 0 : index
    tpu.barrier barrier_id(%barrier3A)
    %scan3A = arith.constant 0 : i32
    %scan3A_1581 = arith.constant 0 : i32
    %scan3A_1582 = arith.constant 10 : i32
    %scan3A_1583 = arith.addi %scan3A_1581, %scan3A_1582 : i32
    %scan3A_1584 = arith.constant 1 : i32
    scf.for %scan3A_1594 = %scan3A_1581 to %scan3A_1583 step %scan3A_1584  : i32 {
      %mul3A_1595 = arith.constant 4 : i32
      %mul3A_1596 = arith.muli %scan3A_1594, %mul3A_1595 : i32
      %add3A_1597 = arith.constant 0 : i32
      %add3A_1598 = arith.addi %mul3A_1596, %add3A_1597 : i32
      %dma_start3A = arith.constant 0 : i32
      %dma_start3A_1599 = arith.constant 0 : i32
      %dma_start3A_1600 = arith.constant 0 : i32
      %dma_start3A_1601 = tpu.memref_slice %arg8[%dma_start3A, %dma_start3A_1599, %dma_start3A_1600] : memref<4x250x64xf32, #tpu.memory_space<vmem>> -> memref<1x250x64xf32, #tpu.memory_space<vmem>>
      %dma_start3A_1602 = tpu.memref_squeeze %dma_start3A_1601 : memref<1x250x64xf32, #tpu.memory_space<vmem>> -> memref<250x64xf32, #tpu.memory_space<vmem>>
      %dma_start3A_1603 = arith.constant 0 : i32
      %dma_start3A_1604 = tpu.memref_slice %arg6[%add3A_1598, %dma_start3A_1603] : memref<40x250xi32, #tpu.memory_space<vmem>> -> memref<1x250xi32, #tpu.memory_space<vmem>>
      %dma_start3A_1605 = tpu.memref_squeeze %dma_start3A_1604 : memref<1x250xi32, #tpu.memory_space<vmem>> -> memref<250xi32, #tpu.memory_space<vmem>>
      %dma_start3A_1606 = arith.constant 0 : i32
      %dma_start3A_1607 = arith.constant 0 : i32
      %dma_start3A_1608 = tpu.memref_slice %arg2[%dma_start3A_1606, %dma_start3A_1607] : memref<10240x64xf32, #tpu.memory_space<hbm>> -> memref<10240x64xf32, #tpu.memory_space<hbm>>
      tpu.enqueue_indirect_dma source(%dma_start3A_1608 : memref<10240x64xf32, #tpu.memory_space<hbm>>) target(%dma_start3A_1602 : memref<250x64xf32, #tpu.memory_space<vmem>>) offsets(%dma_start3A_1605 : memref<250xi32, #tpu.memory_space<vmem>>) semaphore(%arg10 : memref<!tpu.dma_semaphore, #tpu.memory_space<semaphore_mem>>)
      %add3A_1609 = arith.constant 1 : i32
      %add3A_1610 = arith.addi %mul3A_1596, %add3A_1609 : i32
      %dma_start3A_1611 = arith.constant 1 : i32
      %dma_start3A_1612 = arith.constant 0 : i32
      %dma_start3A_1613 = arith.constant 0 : i32
      %dma_start3A_1614 = tpu.memref_slice %arg8[%dma_start3A_1611, %dma_start3A_1612, %dma_start3A_1613] : memref<4x250x64xf32, #tpu.memory_space<vmem>> -> memref<1x250x64xf32, #tpu.memory_space<vmem>>
      %dma_start3A_1615 = tpu.memref_squeeze %dma_start3A_1614 : memref<1x250x64xf32, #tpu.memory_space<vmem>> -> memref<250x64xf32, #tpu.memory_space<vmem>>
      %dma_start3A_1616 = arith.constant 0 : i32
      %dma_start3A_1617 = tpu.memref_slice %arg6[%add3A_1610, %dma_start3A_1616] : memref<40x250xi32, #tpu.memory_space<vmem>> -> memref<1x250xi32, #tpu.memory_space<vmem>>
      %dma_start3A_1618 = tpu.memref_squeeze %dma_start3A_1617 : memref<1x250xi32, #tpu.memory_space<vmem>> -> memref<250xi32, #tpu.memory_space<vmem>>
      %dma_start3A_1619 = arith.constant 0 : i32
      %dma_start3A_1620 = arith.constant 0 : i32
      %dma_start3A_1621 = tpu.memref_slice %arg2[%dma_start3A_1619, %dma_start3A_1620] : memref<10240x64xf32, #tpu.memory_space<hbm>> -> memref<10240x64xf32, #tpu.memory_space<hbm>>
      tpu.enqueue_indirect_dma source(%dma_start3A_1621 : memref<10240x64xf32, #tpu.memory_space<hbm>>) target(%dma_start3A_1615 : memref<250x64xf32, #tpu.memory_space<vmem>>) offsets(%dma_start3A_1618 : memref<250xi32, #tpu.memory_space<vmem>>) semaphore(%arg10 : memref<!tpu.dma_semaphore, #tpu.memory_space<semaphore_mem>>)
      %add3A_1622 = arith.constant 2 : i32
      %add3A_1623 = arith.addi %mul3A_1596, %add3A_1622 : i32
      %dma_start3A_1624 = arith.constant 2 : i32
      %dma_start3A_1625 = arith.constant 0 : i32
      %dma_start3A_1626 = arith.constant 0 : i32
      %dma_start3A_1627 = tpu.memref_slice %arg8[%dma_start3A_1624, %dma_start3A_1625, %dma_start3A_1626] : memref<4x250x64xf32, #tpu.memory_space<vmem>> -> memref<1x250x64xf32, #tpu.memory_space<vmem>>
      %dma_start3A_1628 = tpu.memref_squeeze %dma_start3A_1627 : memref<1x250x64xf32, #tpu.memory_space<vmem>> -> memref<250x64xf32, #tpu.memory_space<vmem>>
      %dma_start3A_1629 = arith.constant 0 : i32
      %dma_start3A_1630 = tpu.memref_slice %arg6[%add3A_1623, %dma_start3A_1629] : memref<40x250xi32, #tpu.memory_space<vmem>> -> memref<1x250xi32, #tpu.memory_space<vmem>>
      %dma_start3A_1631 = tpu.memref_squeeze %dma_start3A_1630 : memref<1x250xi32, #tpu.memory_space<vmem>> -> memref<250xi32, #tpu.memory_space<vmem>>
      %dma_start3A_1632 = arith.constant 0 : i32
      %dma_start3A_1633 = arith.constant 0 : i32
      %dma_start3A_1634 = tpu.memref_slice %arg2[%dma_start3A_1632, %dma_start3A_1633] : memref<10240x64xf32, #tpu.memory_space<hbm>> -> memref<10240x64xf32, #tpu.memory_space<hbm>>
      tpu.enqueue_indirect_dma source(%dma_start3A_1634 : memref<10240x64xf32, #tpu.memory_space<hbm>>) target(%dma_start3A_1628 : memref<250x64xf32, #tpu.memory_space<vmem>>) offsets(%dma_start3A_1631 : memref<250xi32, #tpu.memory_space<vmem>>) semaphore(%arg10 : memref<!tpu.dma_semaphore, #tpu.memory_space<semaphore_mem>>)
      %add3A_1635 = arith.constant 3 : i32
      %add3A_1636 = arith.addi %mul3A_1596, %add3A_1635 : i32
      %dma_start3A_1637 = arith.constant 3 : i32
      %dma_start3A_1638 = arith.constant 0 : i32
      %dma_start3A_1639 = arith.constant 0 : i32
      %dma_start3A_1640 = tpu.memref_slice %arg8[%dma_start3A_1637, %dma_start3A_1638, %dma_start3A_1639] : memref<4x250x64xf32, #tpu.memory_space<vmem>> -> memref<1x250x64xf32, #tpu.memory_space<vmem>>
      %dma_start3A_1641 = tpu.memref_squeeze %dma_start3A_1640 : memref<1x250x64xf32, #tpu.memory_space<vmem>> -> memref<250x64xf32, #tpu.memory_space<vmem>>
      %dma_start3A_1642 = arith.constant 0 : i32
      %dma_start3A_1643 = tpu.memref_slice %arg6[%add3A_1636, %dma_start3A_1642] : memref<40x250xi32, #tpu.memory_space<vmem>> -> memref<1x250xi32, #tpu.memory_space<vmem>>
      %dma_start3A_1644 = tpu.memref_squeeze %dma_start3A_1643 : memref<1x250xi32, #tpu.memory_space<vmem>> -> memref<250xi32, #tpu.memory_space<vmem>>
      %dma_start3A_1645 = arith.constant 0 : i32
      %dma_start3A_1646 = arith.constant 0 : i32
      %dma_start3A_1647 = tpu.memref_slice %arg2[%dma_start3A_1645, %dma_start3A_1646] : memref<10240x64xf32, #tpu.memory_space<hbm>> -> memref<10240x64xf32, #tpu.memory_space<hbm>>
      tpu.enqueue_indirect_dma source(%dma_start3A_1647 : memref<10240x64xf32, #tpu.memory_space<hbm>>) target(%dma_start3A_1641 : memref<250x64xf32, #tpu.memory_space<vmem>>) offsets(%dma_start3A_1644 : memref<250xi32, #tpu.memory_space<vmem>>) semaphore(%arg10 : memref<!tpu.dma_semaphore, #tpu.memory_space<semaphore_mem>>)
      %dma_wait3A = arith.constant 0 : i32
      %dma_wait3A_1648 = arith.constant 0 : i32
      %dma_wait3A_1649 = arith.constant 0 : i32
      %dma_wait3A_1650 = tpu.memref_slice %arg8[%dma_wait3A, %dma_wait3A_1648, %dma_wait3A_1649] : memref<4x250x64xf32, #tpu.memory_space<vmem>> -> memref<1x250x64xf32, #tpu.memory_space<vmem>>
      %dma_wait3A_1651 = tpu.memref_squeeze %dma_wait3A_1650 : memref<1x250x64xf32, #tpu.memory_space<vmem>> -> memref<250x64xf32, #tpu.memory_space<vmem>>
      %dma_wait3A_1652 = arith.constant 0 : i32
      %dma_wait3A_1653 = tpu.memref_slice %arg6[%add3A_1598, %dma_wait3A_1652] : memref<40x250xi32, #tpu.memory_space<vmem>> -> memref<1x250xi32, #tpu.memory_space<vmem>>
      %dma_wait3A_1654 = tpu.memref_squeeze %dma_wait3A_1653 : memref<1x250xi32, #tpu.memory_space<vmem>> -> memref<250xi32, #tpu.memory_space<vmem>>
      %dma_wait3A_1655 = arith.constant 0 : i32
      %dma_wait3A_1656 = arith.constant 0 : i32
      %dma_wait3A_1657 = tpu.memref_slice %arg2[%dma_wait3A_1655, %dma_wait3A_1656] : memref<10240x64xf32, #tpu.memory_space<hbm>> -> memref<10240x64xf32, #tpu.memory_space<hbm>>
      tpu.wait_indirect_dma semaphore(%arg10 : memref<!tpu.dma_semaphore, #tpu.memory_space<semaphore_mem>>) src(%dma_wait3A_1657 : memref<10240x64xf32, #tpu.memory_space<hbm>>) dst(%dma_wait3A_1651 : memref<250x64xf32, #tpu.memory_space<vmem>>)
      %add3A_1658 = arith.constant 0 : i32
      %add3A_1659 = arith.addi %mul3A_1596, %add3A_1658 : i32
      %dma_start3A_1660 = arith.constant 0 : i32
      %dma_start3A_1661 = arith.constant 0 : i32
      %dma_start3A_1662 = arith.constant 0 : i32
      %dma_start3A_1663 = tpu.memref_slice %arg8[%dma_start3A_1660, %dma_start3A_1661, %dma_start3A_1662] : memref<4x250x64xf32, #tpu.memory_space<vmem>> -> memref<1x250x64xf32, #tpu.memory_space<vmem>>
      %dma_start3A_1664 = tpu.memref_squeeze %dma_start3A_1663 : memref<1x250x64xf32, #tpu.memory_space<vmem>> -> memref<250x64xf32, #tpu.memory_space<vmem>>
      %dma_start3A_1665 = arith.constant 0 : i32
      %dma_start3A_1666 = tpu.memref_slice %arg7[%add3A_1659, %dma_start3A_1665] : memref<40x250xi32, #tpu.memory_space<vmem>> -> memref<1x250xi32, #tpu.memory_space<vmem>>
      %dma_start3A_1667 = tpu.memref_squeeze %dma_start3A_1666 : memref<1x250xi32, #tpu.memory_space<vmem>> -> memref<250xi32, #tpu.memory_space<vmem>>
      %dma_start3A_1668 = arith.constant 0 : i32
      %dma_start3A_1669 = arith.constant 0 : i32
      %dma_start3A_1670 = tpu.memref_slice %arg12[%dma_start3A_1668, %dma_start3A_1669] : memref<10240x64xf32, #tpu.memory_space<vmem_shared>> -> memref<10240x64xf32, #tpu.memory_space<vmem_shared>>
      tpu.enqueue_indirect_dma source(%dma_start3A_1664 : memref<250x64xf32, #tpu.memory_space<vmem>>) target(%dma_start3A_1670 : memref<10240x64xf32, #tpu.memory_space<vmem_shared>>) offsets(%dma_start3A_1667 : memref<250xi32, #tpu.memory_space<vmem>>) semaphore(%arg11 : memref<!tpu.dma_semaphore, #tpu.memory_space<semaphore_mem>>) {add = true}
      %dma_wait3A_1671 = arith.constant 1 : i32
      %dma_wait3A_1672 = arith.constant 0 : i32
      %dma_wait3A_1673 = arith.constant 0 : i32
      %dma_wait3A_1674 = tpu.memref_slice %arg8[%dma_wait3A_1671, %dma_wait3A_1672, %dma_wait3A_1673] : memref<4x250x64xf32, #tpu.memory_space<vmem>> -> memref<1x250x64xf32, #tpu.memory_space<vmem>>
      %dma_wait3A_1675 = tpu.memref_squeeze %dma_wait3A_1674 : memref<1x250x64xf32, #tpu.memory_space<vmem>> -> memref<250x64xf32, #tpu.memory_space<vmem>>
      %dma_wait3A_1676 = arith.constant 0 : i32
      %dma_wait3A_1677 = tpu.memref_slice %arg6[%add3A_1610, %dma_wait3A_1676] : memref<40x250xi32, #tpu.memory_space<vmem>> -> memref<1x250xi32, #tpu.memory_space<vmem>>
      %dma_wait3A_1678 = tpu.memref_squeeze %dma_wait3A_1677 : memref<1x250xi32, #tpu.memory_space<vmem>> -> memref<250xi32, #tpu.memory_space<vmem>>
      %dma_wait3A_1679 = arith.constant 0 : i32
      %dma_wait3A_1680 = arith.constant 0 : i32
      %dma_wait3A_1681 = tpu.memref_slice %arg2[%dma_wait3A_1679, %dma_wait3A_1680] : memref<10240x64xf32, #tpu.memory_space<hbm>> -> memref<10240x64xf32, #tpu.memory_space<hbm>>
      tpu.wait_indirect_dma semaphore(%arg10 : memref<!tpu.dma_semaphore, #tpu.memory_space<semaphore_mem>>) src(%dma_wait3A_1681 : memref<10240x64xf32, #tpu.memory_space<hbm>>) dst(%dma_wait3A_1675 : memref<250x64xf32, #tpu.memory_space<vmem>>)
      %add3A_1682 = arith.constant 1 : i32
      %add3A_1683 = arith.addi %mul3A_1596, %add3A_1682 : i32
      %dma_start3A_1684 = arith.constant 1 : i32
      %dma_start3A_1685 = arith.constant 0 : i32
      %dma_start3A_1686 = arith.constant 0 : i32
      %dma_start3A_1687 = tpu.memref_slice %arg8[%dma_start3A_1684, %dma_start3A_1685, %dma_start3A_1686] : memref<4x250x64xf32, #tpu.memory_space<vmem>> -> memref<1x250x64xf32, #tpu.memory_space<vmem>>
      %dma_start3A_1688 = tpu.memref_squeeze %dma_start3A_1687 : memref<1x250x64xf32, #tpu.memory_space<vmem>> -> memref<250x64xf32, #tpu.memory_space<vmem>>
      %dma_start3A_1689 = arith.constant 0 : i32
      %dma_start3A_1690 = tpu.memref_slice %arg7[%add3A_1683, %dma_start3A_1689] : memref<40x250xi32, #tpu.memory_space<vmem>> -> memref<1x250xi32, #tpu.memory_space<vmem>>
      %dma_start3A_1691 = tpu.memref_squeeze %dma_start3A_1690 : memref<1x250xi32, #tpu.memory_space<vmem>> -> memref<250xi32, #tpu.memory_space<vmem>>
      %dma_start3A_1692 = arith.constant 0 : i32
      %dma_start3A_1693 = arith.constant 0 : i32
      %dma_start3A_1694 = tpu.memref_slice %arg12[%dma_start3A_1692, %dma_start3A_1693] : memref<10240x64xf32, #tpu.memory_space<vmem_shared>> -> memref<10240x64xf32, #tpu.memory_space<vmem_shared>>
      tpu.enqueue_indirect_dma source(%dma_start3A_1688 : memref<250x64xf32, #tpu.memory_space<vmem>>) target(%dma_start3A_1694 : memref<10240x64xf32, #tpu.memory_space<vmem_shared>>) offsets(%dma_start3A_1691 : memref<250xi32, #tpu.memory_space<vmem>>) semaphore(%arg11 : memref<!tpu.dma_semaphore, #tpu.memory_space<semaphore_mem>>) {add = true}
      %dma_wait3A_1695 = arith.constant 2 : i32
      %dma_wait3A_1696 = arith.constant 0 : i32
      %dma_wait3A_1697 = arith.constant 0 : i32
      %dma_wait3A_1698 = tpu.memref_slice %arg8[%dma_wait3A_1695, %dma_wait3A_1696, %dma_wait3A_1697] : memref<4x250x64xf32, #tpu.memory_space<vmem>> -> memref<1x250x64xf32, #tpu.memory_space<vmem>>
      %dma_wait3A_1699 = tpu.memref_squeeze %dma_wait3A_1698 : memref<1x250x64xf32, #tpu.memory_space<vmem>> -> memref<250x64xf32, #tpu.memory_space<vmem>>
      %dma_wait3A_1700 = arith.constant 0 : i32
      %dma_wait3A_1701 = tpu.memref_slice %arg6[%add3A_1623, %dma_wait3A_1700] : memref<40x250xi32, #tpu.memory_space<vmem>> -> memref<1x250xi32, #tpu.memory_space<vmem>>
      %dma_wait3A_1702 = tpu.memref_squeeze %dma_wait3A_1701 : memref<1x250xi32, #tpu.memory_space<vmem>> -> memref<250xi32, #tpu.memory_space<vmem>>
      %dma_wait3A_1703 = arith.constant 0 : i32
      %dma_wait3A_1704 = arith.constant 0 : i32
      %dma_wait3A_1705 = tpu.memref_slice %arg2[%dma_wait3A_1703, %dma_wait3A_1704] : memref<10240x64xf32, #tpu.memory_space<hbm>> -> memref<10240x64xf32, #tpu.memory_space<hbm>>
      tpu.wait_indirect_dma semaphore(%arg10 : memref<!tpu.dma_semaphore, #tpu.memory_space<semaphore_mem>>) src(%dma_wait3A_1705 : memref<10240x64xf32, #tpu.memory_space<hbm>>) dst(%dma_wait3A_1699 : memref<250x64xf32, #tpu.memory_space<vmem>>)
      %add3A_1706 = arith.constant 2 : i32
      %add3A_1707 = arith.addi %mul3A_1596, %add3A_1706 : i32
      %dma_start3A_1708 = arith.constant 2 : i32
      %dma_start3A_1709 = arith.constant 0 : i32
      %dma_start3A_1710 = arith.constant 0 : i32
      %dma_start3A_1711 = tpu.memref_slice %arg8[%dma_start3A_1708, %dma_start3A_1709, %dma_start3A_1710] : memref<4x250x64xf32, #tpu.memory_space<vmem>> -> memref<1x250x64xf32, #tpu.memory_space<vmem>>
      %dma_start3A_1712 = tpu.memref_squeeze %dma_start3A_1711 : memref<1x250x64xf32, #tpu.memory_space<vmem>> -> memref<250x64xf32, #tpu.memory_space<vmem>>
      %dma_start3A_1713 = arith.constant 0 : i32
      %dma_start3A_1714 = tpu.memref_slice %arg7[%add3A_1707, %dma_start3A_1713] : memref<40x250xi32, #tpu.memory_space<vmem>> -> memref<1x250xi32, #tpu.memory_space<vmem>>
      %dma_start3A_1715 = tpu.memref_squeeze %dma_start3A_1714 : memref<1x250xi32, #tpu.memory_space<vmem>> -> memref<250xi32, #tpu.memory_space<vmem>>
      %dma_start3A_1716 = arith.constant 0 : i32
      %dma_start3A_1717 = arith.constant 0 : i32
      %dma_start3A_1718 = tpu.memref_slice %arg12[%dma_start3A_1716, %dma_start3A_1717] : memref<10240x64xf32, #tpu.memory_space<vmem_shared>> -> memref<10240x64xf32, #tpu.memory_space<vmem_shared>>
      tpu.enqueue_indirect_dma source(%dma_start3A_1712 : memref<250x64xf32, #tpu.memory_space<vmem>>) target(%dma_start3A_1718 : memref<10240x64xf32, #tpu.memory_space<vmem_shared>>) offsets(%dma_start3A_1715 : memref<250xi32, #tpu.memory_space<vmem>>) semaphore(%arg11 : memref<!tpu.dma_semaphore, #tpu.memory_space<semaphore_mem>>) {add = true}
      %dma_wait3A_1719 = arith.constant 3 : i32
      %dma_wait3A_1720 = arith.constant 0 : i32
      %dma_wait3A_1721 = arith.constant 0 : i32
      %dma_wait3A_1722 = tpu.memref_slice %arg8[%dma_wait3A_1719, %dma_wait3A_1720, %dma_wait3A_1721] : memref<4x250x64xf32, #tpu.memory_space<vmem>> -> memref<1x250x64xf32, #tpu.memory_space<vmem>>
      %dma_wait3A_1723 = tpu.memref_squeeze %dma_wait3A_1722 : memref<1x250x64xf32, #tpu.memory_space<vmem>> -> memref<250x64xf32, #tpu.memory_space<vmem>>
      %dma_wait3A_1724 = arith.constant 0 : i32
      %dma_wait3A_1725 = tpu.memref_slice %arg6[%add3A_1636, %dma_wait3A_1724] : memref<40x250xi32, #tpu.memory_space<vmem>> -> memref<1x250xi32, #tpu.memory_space<vmem>>
      %dma_wait3A_1726 = tpu.memref_squeeze %dma_wait3A_1725 : memref<1x250xi32, #tpu.memory_space<vmem>> -> memref<250xi32, #tpu.memory_space<vmem>>
      %dma_wait3A_1727 = arith.constant 0 : i32
      %dma_wait3A_1728 = arith.constant 0 : i32
      %dma_wait3A_1729 = tpu.memref_slice %arg2[%dma_wait3A_1727, %dma_wait3A_1728] : memref<10240x64xf32, #tpu.memory_space<hbm>> -> memref<10240x64xf32, #tpu.memory_space<hbm>>
      tpu.wait_indirect_dma semaphore(%arg10 : memref<!tpu.dma_semaphore, #tpu.memory_space<semaphore_mem>>) src(%dma_wait3A_1729 : memref<10240x64xf32, #tpu.memory_space<hbm>>) dst(%dma_wait3A_1723 : memref<250x64xf32, #tpu.memory_space<vmem>>)
      %add3A_1730 = arith.constant 3 : i32
      %add3A_1731 = arith.addi %mul3A_1596, %add3A_1730 : i32
      %dma_start3A_1732 = arith.constant 3 : i32
      %dma_start3A_1733 = arith.constant 0 : i32
      %dma_start3A_1734 = arith.constant 0 : i32
      %dma_start3A_1735 = tpu.memref_slice %arg8[%dma_start3A_1732, %dma_start3A_1733, %dma_start3A_1734] : memref<4x250x64xf32, #tpu.memory_space<vmem>> -> memref<1x250x64xf32, #tpu.memory_space<vmem>>
      %dma_start3A_1736 = tpu.memref_squeeze %dma_start3A_1735 : memref<1x250x64xf32, #tpu.memory_space<vmem>> -> memref<250x64xf32, #tpu.memory_space<vmem>>
      %dma_start3A_1737 = arith.constant 0 : i32
      %dma_start3A_1738 = tpu.memref_slice %arg7[%add3A_1731, %dma_start3A_1737] : memref<40x250xi32, #tpu.memory_space<vmem>> -> memref<1x250xi32, #tpu.memory_space<vmem>>
      %dma_start3A_1739 = tpu.memref_squeeze %dma_start3A_1738 : memref<1x250xi32, #tpu.memory_space<vmem>> -> memref<250xi32, #tpu.memory_space<vmem>>
      %dma_start3A_1740 = arith.constant 0 : i32
      %dma_start3A_1741 = arith.constant 0 : i32
      %dma_start3A_1742 = tpu.memref_slice %arg12[%dma_start3A_1740, %dma_start3A_1741] : memref<10240x64xf32, #tpu.memory_space<vmem_shared>> -> memref<10240x64xf32, #tpu.memory_space<vmem_shared>>
      tpu.enqueue_indirect_dma source(%dma_start3A_1736 : memref<250x64xf32, #tpu.memory_space<vmem>>) target(%dma_start3A_1742 : memref<10240x64xf32, #tpu.memory_space<vmem_shared>>) offsets(%dma_start3A_1739 : memref<250xi32, #tpu.memory_space<vmem>>) semaphore(%arg11 : memref<!tpu.dma_semaphore, #tpu.memory_space<semaphore_mem>>) {add = true}
      %dma_wait3A_1743 = arith.constant 0 : i32
      %dma_wait3A_1744 = arith.constant 0 : i32
      %dma_wait3A_1745 = arith.constant 0 : i32
      %dma_wait3A_1746 = tpu.memref_slice %arg8[%dma_wait3A_1743, %dma_wait3A_1744, %dma_wait3A_1745] : memref<4x250x64xf32, #tpu.memory_space<vmem>> -> memref<1x250x64xf32, #tpu.memory_space<vmem>>
      %dma_wait3A_1747 = tpu.memref_squeeze %dma_wait3A_1746 : memref<1x250x64xf32, #tpu.memory_space<vmem>> -> memref<250x64xf32, #tpu.memory_space<vmem>>
      %dma_wait3A_1748 = arith.constant 0 : i32
      %dma_wait3A_1749 = tpu.memref_slice %arg7[%add3A_1659, %dma_wait3A_1748] : memref<40x250xi32, #tpu.memory_space<vmem>> -> memref<1x250xi32, #tpu.memory_space<vmem>>
      %dma_wait3A_1750 = tpu.memref_squeeze %dma_wait3A_1749 : memref<1x250xi32, #tpu.memory_space<vmem>> -> memref<250xi32, #tpu.memory_space<vmem>>
      %dma_wait3A_1751 = arith.constant 0 : i32
      %dma_wait3A_1752 = arith.constant 0 : i32
      %dma_wait3A_1753 = tpu.memref_slice %arg12[%dma_wait3A_1751, %dma_wait3A_1752] : memref<10240x64xf32, #tpu.memory_space<vmem_shared>> -> memref<10240x64xf32, #tpu.memory_space<vmem_shared>>
      tpu.wait_indirect_dma semaphore(%arg11 : memref<!tpu.dma_semaphore, #tpu.memory_space<semaphore_mem>>) src(%dma_wait3A_1747 : memref<250x64xf32, #tpu.memory_space<vmem>>) dst(%dma_wait3A_1753 : memref<10240x64xf32, #tpu.memory_space<vmem_shared>>)
      %dma_wait3A_1754 = arith.constant 1 : i32
      %dma_wait3A_1755 = arith.constant 0 : i32
      %dma_wait3A_1756 = arith.constant 0 : i32
      %dma_wait3A_1757 = tpu.memref_slice %arg8[%dma_wait3A_1754, %dma_wait3A_1755, %dma_wait3A_1756] : memref<4x250x64xf32, #tpu.memory_space<vmem>> -> memref<1x250x64xf32, #tpu.memory_space<vmem>>
      %dma_wait3A_1758 = tpu.memref_squeeze %dma_wait3A_1757 : memref<1x250x64xf32, #tpu.memory_space<vmem>> -> memref<250x64xf32, #tpu.memory_space<vmem>>
      %dma_wait3A_1759 = arith.constant 0 : i32
      %dma_wait3A_1760 = tpu.memref_slice %arg7[%add3A_1683, %dma_wait3A_1759] : memref<40x250xi32, #tpu.memory_space<vmem>> -> memref<1x250xi32, #tpu.memory_space<vmem>>
      %dma_wait3A_1761 = tpu.memref_squeeze %dma_wait3A_1760 : memref<1x250xi32, #tpu.memory_space<vmem>> -> memref<250xi32, #tpu.memory_space<vmem>>
      %dma_wait3A_1762 = arith.constant 0 : i32
      %dma_wait3A_1763 = arith.constant 0 : i32
      %dma_wait3A_1764 = tpu.memref_slice %arg12[%dma_wait3A_1762, %dma_wait3A_1763] : memref<10240x64xf32, #tpu.memory_space<vmem_shared>> -> memref<10240x64xf32, #tpu.memory_space<vmem_shared>>
      tpu.wait_indirect_dma semaphore(%arg11 : memref<!tpu.dma_semaphore, #tpu.memory_space<semaphore_mem>>) src(%dma_wait3A_1758 : memref<250x64xf32, #tpu.memory_space<vmem>>) dst(%dma_wait3A_1764 : memref<10240x64xf32, #tpu.memory_space<vmem_shared>>)
      %dma_wait3A_1765 = arith.constant 2 : i32
      %dma_wait3A_1766 = arith.constant 0 : i32
      %dma_wait3A_1767 = arith.constant 0 : i32
      %dma_wait3A_1768 = tpu.memref_slice %arg8[%dma_wait3A_1765, %dma_wait3A_1766, %dma_wait3A_1767] : memref<4x250x64xf32, #tpu.memory_space<vmem>> -> memref<1x250x64xf32, #tpu.memory_space<vmem>>
      %dma_wait3A_1769 = tpu.memref_squeeze %dma_wait3A_1768 : memref<1x250x64xf32, #tpu.memory_space<vmem>> -> memref<250x64xf32, #tpu.memory_space<vmem>>
      %dma_wait3A_1770 = arith.constant 0 : i32
      %dma_wait3A_1771 = tpu.memref_slice %arg7[%add3A_1707, %dma_wait3A_1770] : memref<40x250xi32, #tpu.memory_space<vmem>> -> memref<1x250xi32, #tpu.memory_space<vmem>>
      %dma_wait3A_1772 = tpu.memref_squeeze %dma_wait3A_1771 : memref<1x250xi32, #tpu.memory_space<vmem>> -> memref<250xi32, #tpu.memory_space<vmem>>
      %dma_wait3A_1773 = arith.constant 0 : i32
      %dma_wait3A_1774 = arith.constant 0 : i32
      %dma_wait3A_1775 = tpu.memref_slice %arg12[%dma_wait3A_1773, %dma_wait3A_1774] : memref<10240x64xf32, #tpu.memory_space<vmem_shared>> -> memref<10240x64xf32, #tpu.memory_space<vmem_shared>>
      tpu.wait_indirect_dma semaphore(%arg11 : memref<!tpu.dma_semaphore, #tpu.memory_space<semaphore_mem>>) src(%dma_wait3A_1769 : memref<250x64xf32, #tpu.memory_space<vmem>>) dst(%dma_wait3A_1775 : memref<10240x64xf32, #tpu.memory_space<vmem_shared>>)
      %dma_wait3A_1776 = arith.constant 3 : i32
      %dma_wait3A_1777 = arith.constant 0 : i32
      %dma_wait3A_1778 = arith.constant 0 : i32
      %dma_wait3A_1779 = tpu.memref_slice %arg8[%dma_wait3A_1776, %dma_wait3A_1777, %dma_wait3A_1778] : memref<4x250x64xf32, #tpu.memory_space<vmem>> -> memref<1x250x64xf32, #tpu.memory_space<vmem>>
      %dma_wait3A_1780 = tpu.memref_squeeze %dma_wait3A_1779 : memref<1x250x64xf32, #tpu.memory_space<vmem>> -> memref<250x64xf32, #tpu.memory_space<vmem>>
      %dma_wait3A_1781 = arith.constant 0 : i32
      %dma_wait3A_1782 = tpu.memref_slice %arg7[%add3A_1731, %dma_wait3A_1781] : memref<40x250xi32, #tpu.memory_space<vmem>> -> memref<1x250xi32, #tpu.memory_space<vmem>>
      %dma_wait3A_1783 = tpu.memref_squeeze %dma_wait3A_1782 : memref<1x250xi32, #tpu.memory_space<vmem>> -> memref<250xi32, #tpu.memory_space<vmem>>
      %dma_wait3A_1784 = arith.constant 0 : i32
      %dma_wait3A_1785 = arith.constant 0 : i32
      %dma_wait3A_1786 = tpu.memref_slice %arg12[%dma_wait3A_1784, %dma_wait3A_1785] : memref<10240x64xf32, #tpu.memory_space<vmem_shared>> -> memref<10240x64xf32, #tpu.memory_space<vmem_shared>>
      tpu.wait_indirect_dma semaphore(%arg11 : memref<!tpu.dma_semaphore, #tpu.memory_space<semaphore_mem>>) src(%dma_wait3A_1780 : memref<250x64xf32, #tpu.memory_space<vmem>>) dst(%dma_wait3A_1786 : memref<10240x64xf32, #tpu.memory_space<vmem_shared>>)
    }
    %scan3A_1585 = arith.constant 10 : i32
    %barrier3A_1586 = arith.constant 0 : index
    tpu.barrier barrier_id(%barrier3A_1586)
    %mul3A_1587 = arith.constant 640 : i32
    %mul3A_1588 = arith.muli %arg1, %mul3A_1587 : i32
    %mul3A_1589 = arith.constant 10240 : i32
    %mul3A_1590 = arith.muli %arg0, %mul3A_1589 : i32
    %mul3A_1591 = arith.constant 640 : i32
    %mul3A_1592 = arith.muli %arg1, %mul3A_1591 : i32
    %add3A_1593 = arith.addi %mul3A_1590, %mul3A_1592 : i32
    "tpu.region"() ({
      %run_scoped3A = tpu.sem_alloc : memref<!tpu.dma_semaphore, #tpu.memory_space<semaphore_mem>>
      %dma_start3A = arith.constant 0 : i32
      %dma_start3A_1594 = tpu.memref_slice %arg5[%add3A_1593, %dma_start3A] : memref<20480x64xf32, #tpu.memory_space<hbm>> -> memref<640x64xf32, #tpu.memory_space<hbm>>
      %dma_start3A_1595 = arith.constant 0 : i32
      %dma_start3A_1596 = tpu.memref_slice %arg12[%mul3A_1588, %dma_start3A_1595] : memref<10240x64xf32, #tpu.memory_space<vmem_shared>> -> memref<640x64xf32, #tpu.memory_space<vmem_shared>>
      tpu.enqueue_dma source(%dma_start3A_1596 : memref<640x64xf32, #tpu.memory_space<vmem_shared>>) target(%dma_start3A_1594 : memref<640x64xf32, #tpu.memory_space<hbm>>) target_semaphore(%run_scoped3A : memref<!tpu.dma_semaphore, #tpu.memory_space<semaphore_mem>>)
      %dma_wait3A = arith.constant 0 : i32
      %dma_wait3A_1597 = tpu.memref_slice %arg5[%add3A_1593, %dma_wait3A] : memref<20480x64xf32, #tpu.memory_space<hbm>> -> memref<640x64xf32, #tpu.memory_space<hbm>>
      %dma_wait3A_1598 = arith.constant 0 : i32
      %dma_wait3A_1599 = tpu.memref_slice %arg12[%mul3A_1588, %dma_wait3A_1598] : memref<10240x64xf32, #tpu.memory_space<vmem_shared>> -> memref<640x64xf32, #tpu.memory_space<vmem_shared>>
      tpu.wait_dma2 semaphore(%run_scoped3A : memref<!tpu.dma_semaphore, #tpu.memory_space<semaphore_mem>>) src(%dma_wait3A_1599 : memref<640x64xf32, #tpu.memory_space<vmem_shared>>) dst(%dma_wait3A_1597 : memref<640x64xf32, #tpu.memory_space<hbm>>)
      tpu.yield
    }) : () -> ()
    return
  }
}

module attributes {stable_mosaic.version = 14 : i64} {
  func.func @_dense_body(%arg0: memref<10000x128xf32, #tpu.memory_space<vmem>>, %arg1: memref<128x32xf32, #tpu.memory_space<vmem>>, %arg2: memref<1x32xf32, #tpu.memory_space<vmem>>, %arg3: memref<32x128xf32, #tpu.memory_space<vmem>>, %arg4: memref<128x64xf32, #tpu.memory_space<vmem>>, %arg5: memref<1x128xf32, #tpu.memory_space<vmem>>, %arg6: memref<2x10240xf32, #tpu.memory_space<vmem>>, %arg7: memref<10240x64xf32, #tpu.memory_space<vmem>>) attributes {dimension_semantics = [], scalar_prefetch = 0 : i64, scratch_operands = 0 : i64, tpu.core_type = #tpu.core_type<tc>} {
    %get3A = arith.constant 0 : index
    %get3A_0 = arith.constant 0 : index
    %get3A_1 = vector.load %arg3[%get3A, %get3A_0] : memref<32x128xf32, #tpu.memory_space<vmem>>, vector<32x128xf32>
    %get3A_2 = arith.constant 0 : index
    %get3A_3 = arith.constant 0 : index
    %get3A_4 = vector.load %arg4[%get3A_2, %get3A_3] : memref<128x64xf32, #tpu.memory_space<vmem>>, vector<128x64xf32>
    %dot_general3A = arith.constant dense<0.000000e+00> : vector<32x64xf32>
    %dot_general3A_5 = tpu.matmul %get3A_1, %get3A_4, %dot_general3A {dimension_numbers = #tpu.dot_dimension_numbers<[1], [0], [0], [1], [0, 0, 1, 1], [], []>, transpose_lhs_hint = false} : vector<32x128xf32>, vector<128x64xf32>, vector<32x64xf32> -> vector<32x64xf32>
    %get3A_6 = arith.constant 0 : index
    %get3A_7 = arith.constant 0 : index
    %get3A_8 = vector.load %arg0[%get3A_6, %get3A_7] : memref<10000x128xf32, #tpu.memory_space<vmem>>, vector<10000x128xf32>
    %get3A_9 = arith.constant 0 : index
    %get3A_10 = arith.constant 0 : index
    %get3A_11 = vector.load %arg1[%get3A_9, %get3A_10] : memref<128x32xf32, #tpu.memory_space<vmem>>, vector<128x32xf32>
    %dot_general3A_12 = arith.constant dense<0.000000e+00> : vector<10000x32xf32>
    %dot_general3A_13 = tpu.matmul %get3A_8, %get3A_11, %dot_general3A_12 {dimension_numbers = #tpu.dot_dimension_numbers<[1], [0], [0], [1], [0, 0, 1, 1], [], []>, transpose_lhs_hint = false} : vector<10000x128xf32>, vector<128x32xf32>, vector<10000x32xf32> -> vector<10000x32xf32>
    %get3A_14 = arith.constant 0 : index
    %get3A_15 = arith.constant 0 : index
    %get3A_16 = vector.load %arg2[%get3A_14, %get3A_15] : memref<1x32xf32, #tpu.memory_space<vmem>>, vector<1x32xf32>
    %add3A = vector.broadcast %get3A_16 : vector<1x32xf32> to vector<10000x32xf32>
    %add3A_17 = arith.addf %dot_general3A_13, %add3A : vector<10000x32xf32>
    %max3A = arith.constant 0.000000e+00 : f32
    %max3A_18 = vector.broadcast %max3A : f32 to vector<10000x32xf32>
    %max3A_19 = arith.maximumf %add3A_17, %max3A_18 : vector<10000x32xf32>
    %get3A_20 = arith.constant 0 : index
    %get3A_21 = arith.constant 0 : index
    %get3A_22 = vector.load %arg5[%get3A_20, %get3A_21] : memref<1x128xf32, #tpu.memory_space<vmem>>, vector<1x128xf32>
    %get3A_23 = arith.constant 0 : index
    %get3A_24 = arith.constant 0 : index
    %get3A_25 = vector.load %arg4[%get3A_23, %get3A_24] : memref<128x64xf32, #tpu.memory_space<vmem>>, vector<128x64xf32>
    %dot_general3A_26 = arith.constant dense<0.000000e+00> : vector<1x64xf32>
    %dot_general3A_27 = tpu.matmul %get3A_22, %get3A_25, %dot_general3A_26 {dimension_numbers = #tpu.dot_dimension_numbers<[1], [0], [0], [1], [0, 0, 1, 1], [], []>, transpose_lhs_hint = false} : vector<1x128xf32>, vector<128x64xf32>, vector<1x64xf32> -> vector<1x64xf32>
    %dot_general3A_28 = arith.constant dense<0.000000e+00> : vector<10000x64xf32>
    %dot_general3A_29 = tpu.matmul %max3A_19, %dot_general3A_5, %dot_general3A_28 {dimension_numbers = #tpu.dot_dimension_numbers<[1], [0], [0], [1], [0, 0, 1, 1], [], []>, transpose_lhs_hint = false} : vector<10000x32xf32>, vector<32x64xf32>, vector<10000x64xf32> -> vector<10000x64xf32>
    %add3A_30 = vector.broadcast %dot_general3A_27 : vector<1x64xf32> to vector<10000x64xf32>
    %add3A_31 = arith.addf %dot_general3A_29, %add3A_30 : vector<10000x64xf32>
    %get3A_32 = arith.constant 0 : index
    %get3A_33 = arith.constant 0 : index
    %get3A_34 = vector.load %arg6[%get3A_32, %get3A_33] : memref<2x10240xf32, #tpu.memory_space<vmem>>, vector<1x10000xf32>
    %get3A_35 = vector.shape_cast %get3A_34 : vector<1x10000xf32> to vector<10000xf32>
    %get3A_36 = arith.constant 1 : index
    %get3A_37 = arith.constant 0 : index
    %get3A_38 = vector.load %arg6[%get3A_36, %get3A_37] : memref<2x10240xf32, #tpu.memory_space<vmem>>, vector<1x10000xf32>
    %get3A_39 = vector.shape_cast %get3A_38 : vector<1x10000xf32> to vector<10000xf32>
    %add3A_40 = arith.addf %get3A_35, %get3A_39 : vector<10000xf32>
    %add3A_41 = arith.constant 1.000000e+00 : f32
    %add3A_42 = vector.broadcast %add3A_41 : f32 to vector<10000xf32>
    %add3A_43 = arith.addf %add3A_40, %add3A_42 : vector<10000xf32>
    %rsqrt3A = math.rsqrt %add3A_43 : vector<10000xf32>
    %broadcast_in_dim3A = vector.shape_cast %rsqrt3A : vector<10000xf32> to vector<10000x1xf32>
    %mul3A = vector.broadcast %broadcast_in_dim3A : vector<10000x1xf32> to vector<10000x64xf32>
    %mul3A_44 = arith.mulf %add3A_31, %mul3A : vector<10000x64xf32>
    %swap3A = arith.constant 0 : index
    %swap3A_45 = arith.constant 0 : index
    %swap3A_46 = vector.load %arg7[%swap3A, %swap3A_45] : memref<10240x64xf32, #tpu.memory_space<vmem>>, vector<10000x64xf32>
    tpu.vector_store %arg7[%swap3A, %swap3A_45], %mul3A_44 {strides = array<i32>} : memref<10240x64xf32, #tpu.memory_space<vmem>>, vector<10000x64xf32>,
    %broadcast_in_dim3A_47 = arith.constant 0.000000e+00 : f32
    %broadcast_in_dim3A_48 = vector.broadcast %broadcast_in_dim3A_47 : f32 to vector<240x64xf32>
    %swap3A_49 = arith.constant 10000 : index
    %swap3A_50 = arith.constant 0 : index
    %swap3A_51 = vector.load %arg7[%swap3A_49, %swap3A_50] : memref<10240x64xf32, #tpu.memory_space<vmem>>, vector<240x64xf32>
    tpu.vector_store %arg7[%swap3A_49, %swap3A_50], %broadcast_in_dim3A_48 {strides = array<i32>} : memref<10240x64xf32, #tpu.memory_space<vmem>>, vector<240x64xf32>,
    return
  }
}

module attributes {stable_mosaic.version = 14 : i64} {
  func.func @_bn_body(%arg0: memref<20480x64xf32, #tpu.memory_space<vmem>>, %arg1: memref<10240x64xf32, #tpu.memory_space<vmem>>, %arg2: memref<2x10240xf32, #tpu.memory_space<vmem>>, %arg3: memref<1x64xf32, #tpu.memory_space<vmem>>, %arg4: memref<1x64xf32, #tpu.memory_space<vmem>>, %arg5: memref<64x2xf32, #tpu.memory_space<vmem>>, %arg6: memref<10240x16xf32, #tpu.memory_space<vmem>>) attributes {dimension_semantics = [], scalar_prefetch = 0 : i64, scratch_operands = 0 : i64, tpu.core_type = #tpu.core_type<tc>} {
    %get3A = arith.constant 0 : index
    %get3A_0 = arith.constant 0 : index
    %get3A_1 = vector.load %arg2[%get3A, %get3A_0] : memref<2x10240xf32, #tpu.memory_space<vmem>>, vector<1x10000xf32>
    %get3A_2 = vector.shape_cast %get3A_1 : vector<1x10000xf32> to vector<10000xf32>
    %get3A_3 = arith.constant 1 : index
    %get3A_4 = arith.constant 0 : index
    %get3A_5 = vector.load %arg2[%get3A_3, %get3A_4] : memref<2x10240xf32, #tpu.memory_space<vmem>>, vector<1x10000xf32>
    %get3A_6 = vector.shape_cast %get3A_5 : vector<1x10000xf32> to vector<10000xf32>
    %add3A = arith.addf %get3A_2, %get3A_6 : vector<10000xf32>
    %add3A_7 = arith.constant 1.000000e+00 : f32
    %add3A_8 = vector.broadcast %add3A_7 : f32 to vector<10000xf32>
    %add3A_9 = arith.addf %add3A, %add3A_8 : vector<10000xf32>
    %rsqrt3A = math.rsqrt %add3A_9 : vector<10000xf32>
    %broadcast_in_dim3A = vector.shape_cast %rsqrt3A : vector<10000xf32> to vector<10000x1xf32>
    %get3A_10 = arith.constant 0 : index
    %get3A_11 = arith.constant 0 : index
    %get3A_12 = vector.load %arg0[%get3A_10, %get3A_11] : memref<20480x64xf32, #tpu.memory_space<vmem>>, vector<10000x64xf32>
    %get3A_13 = arith.constant 10240 : index
    %get3A_14 = arith.constant 0 : index
    %get3A_15 = vector.load %arg0[%get3A_13, %get3A_14] : memref<20480x64xf32, #tpu.memory_space<vmem>>, vector<10000x64xf32>
    %add3A_16 = arith.addf %get3A_12, %get3A_15 : vector<10000x64xf32>
    %get3A_17 = arith.constant 0 : index
    %get3A_18 = arith.constant 0 : index
    %get3A_19 = vector.load %arg1[%get3A_17, %get3A_18] : memref<10240x64xf32, #tpu.memory_space<vmem>>, vector<10000x64xf32>
    %add3A_20 = arith.addf %add3A_16, %get3A_19 : vector<10000x64xf32>
    %mul3A = vector.broadcast %broadcast_in_dim3A : vector<10000x1xf32> to vector<10000x64xf32>
    %mul3A_21 = arith.mulf %mul3A, %add3A_20 : vector<10000x64xf32>
    %broadcast_in_dim3A_22 = arith.constant 1.000000e+00 : f32
    %broadcast_in_dim3A_23 = vector.broadcast %broadcast_in_dim3A_22 : f32 to vector<1x10000xf32>
    %dot_general3A = arith.constant dense<0.000000e+00> : vector<1x64xf32>
    %dot_general3A_24 = tpu.matmul %broadcast_in_dim3A_23, %mul3A_21, %dot_general3A {dimension_numbers = #tpu.dot_dimension_numbers<[1], [0], [0], [1], [0, 0, 1, 1], [], []>, transpose_lhs_hint = false} : vector<1x10000xf32>, vector<10000x64xf32>, vector<1x64xf32> -> vector<1x64xf32>
    %div3A = arith.constant 1.000000e+04 : f32
    %div3A_25 = vector.broadcast %div3A : f32 to vector<1x64xf32>
    %div3A_26 = arith.divf %dot_general3A_24, %div3A_25 : vector<1x64xf32>
    %sub3A = vector.broadcast %div3A_26 : vector<1x64xf32> to vector<10000x64xf32>
    %sub3A_27 = arith.subf %mul3A_21, %sub3A : vector<10000x64xf32>
    %mul3A_28 = arith.mulf %sub3A_27, %sub3A_27 : vector<10000x64xf32>
    %dot_general3A_29 = arith.constant dense<0.000000e+00> : vector<1x64xf32>
    %dot_general3A_30 = tpu.matmul %broadcast_in_dim3A_23, %mul3A_28, %dot_general3A_29 {dimension_numbers = #tpu.dot_dimension_numbers<[1], [0], [0], [1], [0, 0, 1, 1], [], []>, transpose_lhs_hint = false} : vector<1x10000xf32>, vector<10000x64xf32>, vector<1x64xf32> -> vector<1x64xf32>
    %div3A_31 = arith.constant 1.000000e+04 : f32
    %div3A_32 = vector.broadcast %div3A_31 : f32 to vector<1x64xf32>
    %div3A_33 = arith.divf %dot_general3A_30, %div3A_32 : vector<1x64xf32>
    %sub3A_34 = vector.broadcast %div3A_26 : vector<1x64xf32> to vector<10000x64xf32>
    %sub3A_35 = arith.subf %mul3A_21, %sub3A_34 : vector<10000x64xf32>
    %add3A_36 = arith.constant 9.99999974E-6 : f32
    %add3A_37 = vector.broadcast %add3A_36 : f32 to vector<1x64xf32>
    %add3A_38 = arith.addf %div3A_33, %add3A_37 : vector<1x64xf32>
    %rsqrt3A_39 = math.rsqrt %add3A_38 : vector<1x64xf32>
    %mul3A_40 = vector.broadcast %rsqrt3A_39 : vector<1x64xf32> to vector<10000x64xf32>
    %mul3A_41 = arith.mulf %sub3A_35, %mul3A_40 : vector<10000x64xf32>
    %get3A_42 = arith.constant 0 : index
    %get3A_43 = arith.constant 0 : index
    %get3A_44 = vector.load %arg3[%get3A_42, %get3A_43] : memref<1x64xf32, #tpu.memory_space<vmem>>, vector<1x64xf32>
    %mul3A_45 = vector.broadcast %get3A_44 : vector<1x64xf32> to vector<10000x64xf32>
    %mul3A_46 = arith.mulf %mul3A_41, %mul3A_45 : vector<10000x64xf32>
    %get3A_47 = arith.constant 0 : index
    %get3A_48 = arith.constant 0 : index
    %get3A_49 = vector.load %arg4[%get3A_47, %get3A_48] : memref<1x64xf32, #tpu.memory_space<vmem>>, vector<1x64xf32>
    %add3A_50 = vector.broadcast %get3A_49 : vector<1x64xf32> to vector<10000x64xf32>
    %add3A_51 = arith.addf %mul3A_46, %add3A_50 : vector<10000x64xf32>
    %max3A = arith.constant 0.000000e+00 : f32
    %max3A_52 = vector.broadcast %max3A : f32 to vector<10000x64xf32>
    %max3A_53 = arith.maximumf %add3A_51, %max3A_52 : vector<10000x64xf32>
    %get3A_54 = arith.constant 0 : index
    %get3A_55 = arith.constant 0 : index
    %get3A_56 = vector.load %arg5[%get3A_54, %get3A_55] : memref<64x2xf32, #tpu.memory_space<vmem>>, vector<64x2xf32>
    %dot_general3A_57 = arith.constant dense<0.000000e+00> : vector<10000x2xf32>
    %dot_general3A_58 = tpu.matmul %max3A_53, %get3A_56, %dot_general3A_57 {dimension_numbers = #tpu.dot_dimension_numbers<[1], [0], [0], [1], [0, 0, 1, 1], [], []>, transpose_lhs_hint = false} : vector<10000x64xf32>, vector<64x2xf32>, vector<10000x2xf32> -> vector<10000x2xf32>
    %mul3A_59 = vector.broadcast %broadcast_in_dim3A : vector<10000x1xf32> to vector<10000x2xf32>
    %mul3A_60 = arith.mulf %dot_general3A_58, %mul3A_59 : vector<10000x2xf32>
    %broadcast_in_dim3A_61 = arith.constant 0.000000e+00 : f32
    %broadcast_in_dim3A_62 = vector.broadcast %broadcast_in_dim3A_61 : f32 to vector<10000x14xf32>
    %concatenate3A = tpu.concatenate %mul3A_60, %broadcast_in_dim3A_62 in 1 : vector<10000x2xf32>, vector<10000x14xf32> -> vector<10000x16xf32>
    %swap3A = arith.constant 0 : index
    %swap3A_63 = arith.constant 0 : index
    %swap3A_64 = vector.load %arg6[%swap3A, %swap3A_63] : memref<10240x16xf32, #tpu.memory_space<vmem>>, vector<10000x16xf32>
    tpu.vector_store %arg6[%swap3A, %swap3A_63], %concatenate3A {strides = array<i32>} : memref<10240x16xf32, #tpu.memory_space<vmem>>, vector<10000x16xf32>,
    %broadcast_in_dim3A_65 = arith.constant 0.000000e+00 : f32
    %broadcast_in_dim3A_66 = vector.broadcast %broadcast_in_dim3A_65 : f32 to vector<240x16xf32>
    %swap3A_67 = arith.constant 10000 : index
    %swap3A_68 = arith.constant 0 : index
    %swap3A_69 = vector.load %arg6[%swap3A_67, %swap3A_68] : memref<10240x16xf32, #tpu.memory_space<vmem>>, vector<240x16xf32>
    tpu.vector_store %arg6[%swap3A_67, %swap3A_68], %broadcast_in_dim3A_66 {strides = array<i32>} : memref<10240x16xf32, #tpu.memory_space<vmem>>, vector<240x16xf32>,
    return
  }
}

module attributes {stable_mosaic.version = 14 : i64} {
  func.func @_final_body(%arg0: memref<20480x16xf32, #tpu.memory_space<vmem>>, %arg1: memref<10240x16xf32, #tpu.memory_space<vmem>>, %arg2: memref<2x10240xf32, #tpu.memory_space<vmem>>, %arg3: memref<1x2xf32, #tpu.memory_space<vmem>>, %arg4: memref<10000x2xf32, #tpu.memory_space<vmem>>) attributes {dimension_semantics = [], scalar_prefetch = 0 : i64, scratch_operands = 0 : i64, tpu.core_type = #tpu.core_type<tc>} {
    %get3A = arith.constant 0 : index
    %get3A_0 = arith.constant 0 : index
    %get3A_1 = vector.load %arg2[%get3A, %get3A_0] : memref<2x10240xf32, #tpu.memory_space<vmem>>, vector<1x10000xf32>
    %get3A_2 = vector.shape_cast %get3A_1 : vector<1x10000xf32> to vector<10000xf32>
    %get3A_3 = arith.constant 1 : index
    %get3A_4 = arith.constant 0 : index
    %get3A_5 = vector.load %arg2[%get3A_3, %get3A_4] : memref<2x10240xf32, #tpu.memory_space<vmem>>, vector<1x10000xf32>
    %get3A_6 = vector.shape_cast %get3A_5 : vector<1x10000xf32> to vector<10000xf32>
    %add3A = arith.addf %get3A_2, %get3A_6 : vector<10000xf32>
    %add3A_7 = arith.constant 1.000000e+00 : f32
    %add3A_8 = vector.broadcast %add3A_7 : f32 to vector<10000xf32>
    %add3A_9 = arith.addf %add3A, %add3A_8 : vector<10000xf32>
    %rsqrt3A = math.rsqrt %add3A_9 : vector<10000xf32>
    %broadcast_in_dim3A = vector.shape_cast %rsqrt3A : vector<10000xf32> to vector<10000x1xf32>
    %get3A_10 = arith.constant 0 : index
    %get3A_11 = arith.constant 0 : index
    %get3A_12 = vector.load %arg0[%get3A_10, %get3A_11] : memref<20480x16xf32, #tpu.memory_space<vmem>>, vector<10000x2xf32>
    %get3A_13 = arith.constant 10240 : index
    %get3A_14 = arith.constant 0 : index
    %get3A_15 = vector.load %arg0[%get3A_13, %get3A_14] : memref<20480x16xf32, #tpu.memory_space<vmem>>, vector<10000x2xf32>
    %add3A_16 = arith.addf %get3A_12, %get3A_15 : vector<10000x2xf32>
    %get3A_17 = arith.constant 0 : index
    %get3A_18 = arith.constant 0 : index
    %get3A_19 = vector.load %arg1[%get3A_17, %get3A_18] : memref<10240x16xf32, #tpu.memory_space<vmem>>, vector<10000x2xf32>
    %add3A_20 = arith.addf %add3A_16, %get3A_19 : vector<10000x2xf32>
    %mul3A = vector.broadcast %broadcast_in_dim3A : vector<10000x1xf32> to vector<10000x2xf32>
    %mul3A_21 = arith.mulf %mul3A, %add3A_20 : vector<10000x2xf32>
    %get3A_22 = arith.constant 0 : index
    %get3A_23 = arith.constant 0 : index
    %get3A_24 = vector.load %arg3[%get3A_22, %get3A_23] : memref<1x2xf32, #tpu.memory_space<vmem>>, vector<1x2xf32>
    %add3A_25 = vector.broadcast %get3A_24 : vector<1x2xf32> to vector<10000x2xf32>
    %add3A_26 = arith.addf %mul3A_21, %add3A_25 : vector<10000x2xf32>
    %swap3A = arith.constant 0 : index
    %swap3A_27 = arith.constant 0 : index
    %swap3A_28 = vector.load %arg4[%swap3A, %swap3A_27] : memref<10000x2xf32, #tpu.memory_space<vmem>>, vector<10000x2xf32>
    tpu.vector_store %arg4[%swap3A, %swap3A_27], %add3A_26 {strides = array<i32>} : memref<10000x2xf32, #tpu.memory_space<vmem>>, vector<10000x2xf32>,
    return
  }
}

</mosaic_0001>

<sc_bundles>
// kernel: kernel.11.cloned.1.call-start
scs
__scs_entry_jumppad:
0x0: {  	(pc) =	sbr.rel $0x88, $3  }
0x1: {  	(tag) =	ssettag $0x0;
	lr =	simm.s32 $0x1  }
0x2: {  	[smem:$0x3F96] =	sst lr;
	_ =	strace $0xD0000000  }
0x3: {  	_ = 	snop  }
0x4: {  	_ = 	snop  }
0x5: {  	_ = 	snop  }
0x6: {  	_ = 	snop  }
0x7: {  	_ = 	snop  }
__scs_overlays_trampoline_lowered:
0x8: {  	[smem:$0x3FA5] =	sst s0  }
0x9: {  	[smem:$0x3FA6] =	sst s1  }
0xa: {  	[smem:$0x3FA7] =	sst s2  }
0xb: {  	[smem:$0x3FA8] =	sst s3  }
0xc: {  	[smem:$0x3FA9] =	sst s4  }
0xd: {  	[smem:$0x3FAA] =	sst s5  }
0xe: {  	[smem:$0x3FAB] =	sst s6  }
0xf: {  	[smem:$0x3FAC] =	sst s7  }
0x10: {  	[smem:$0x3FAD] =	sst s8  }
0x11: {  	[smem:$0x3FAE] =	sst s9;
	s0 =	simm.s32 @!p0 $0x0  }
0x12: {  	s1 =	sld [smem:$0x3F94];
	s0 =	simm.s32 @p0 $0x1  }
0x13: {  	[smem:$0x3FAF] =	sst s0;
	s0 =	simm.s32 @!p1 $0x0  }
0x14: {  	s2 =	sld [smem:$0x3F93];
	s0 =	simm.s32 @p1 $0x1  }
0x15: {  	[smem:$0x3FB0] =	sst s0;
	s0 =	simm.s32 @!p2 $0x0  }
0x16: {  	s3 =	sld [smem:$0x3FDB];
	s0 =	simm.s32 @p2 $0x1  }
0x17: {  	s4 =	simm.s32 $0x1BF5;
	[smem:$0x3FB2] =	sst s0  }
0x18: {  	s0 =	sld [smem:$0x3F95];
	_ =	swait.ge [sflag:s4], $0x0  }
0x19: {  	s7 =	sld [smem:$0x3F96]  }
0x1a: {  	s8 =	sadd.s32 $0xFFFFE003, lr  }
0x1b: {  	s9 =	sadd.s32 $0xFFFFFEF7, lr;
	s5 =	simm.s32 $0xFFFFFFFF;
	p2 =	slt.u32 s8, $0xFFFFF086  }
0x1c: {  	p1 =	slt.u32 s9, $0xF7A;
	s5 =	simm.s32 @!p2 $0x0  }
0x1d: {  	s5 =	simm.s32 @p1 $0x1;
	p0 =	seq.s32 s7, s2  }
0x1e: {  	s7 =	smul.u32 @!p0 $0xF7A, s2;
	p2 =	seq.s32 @!p0 s5, $0x0  }
0x1f: {  	s9 =	smul.u32 $0xF7A, s1;
	s8 =	simm.s32 @!p0 $0x1BF5;
	p2 =	por !p2, p0  }
0x20: {  	[sflag:s8] =	ssyncset.s32 @!p0 $0xFFFFF086;
	s6 =	sadd.s32 @!p0 s3, s7;
	s7 =	simm.s32 @!p0 $0x108  }
0x21: {  	s3 =	sadd.s32 s3, s9;
	s6 =	sadd.s32 @!p0 $0x88, s6;
	s7 =	simm.s32 @p2 $0x1082  }
0x22: {  	[simem:s7], [sflag:s8] =	dma.local @!p0 [hbm:s6], $0xF7A  }
0x23: {  	s9 =	sor.u32 $0xD0000000, s2;
	s6 =	simm.s32 $0x108;
	_ =	swait.ge @!p0 [sflag:s8], $0x0  }
0x24: {  	s3 =	sadd.s32 $0x88, s3;
	s6 =	simm.s32 @!p1 $0x1082;
	[sflag:s4] =	ssyncset.s32 $0xFFFFF086  }
0x25: {  	[simem:s6], [sflag:s4] =	dma.local [hbm:s3], $0xF7A  }
0x26: {  	[smem:$0x3F96] =	sst s1;
	(tag) =	ssettag s2;
	_ =	strace s9  }
0x27: {  	s1 =	sld [smem:$0x3FA6]  }
0x28: {  	s2 =	sld [smem:$0x3FA7]  }
0x29: {  	s4 =	sld [smem:$0x3FA9]  }
0x2a: {  	p0 =	seq.s32 s5, $0x0;
	s5 =	sld [smem:$0x3FAA]  }
0x2b: {  	s6 =	sld [smem:$0x3FAB]  }
0x2c: {  	s7 =	sld [smem:$0x3FAC]  }
0x2d: {  	s3 =	simm.s32 $0x108;
	s8 =	sld [smem:$0x3FAD]  }
0x2e: {  	s3 =	simm.s32 @!p0 $0x1082;
	s9 =	sld [smem:$0x3FAE]  }
0x2f: {  	lr =	sadd.s32 s0, s3;
	s0 =	sld [smem:$0x3FA5]  }
0x30: {  	s3 =	sld [smem:$0x3FA8]  }
0x31: {  	[smem:$0x3FB1] =	sst s10  }
0x32: {  	s10 =	sld [smem:$0x3FAF];
	_ =	sdelay $0x3  }
0x33: {  	p0 =	seq.s32 s10, $0x1;
	s10 =	sld [smem:$0x3FB1];
	_ =	sdelay $0x3  }
0x34: {  	[smem:$0x3FB1] =	sst s10  }
0x35: {  	s10 =	sld [smem:$0x3FB0];
	_ =	sdelay $0x3  }
0x36: {  	p1 =	seq.s32 s10, $0x1;
	s10 =	sld [smem:$0x3FB1];
	_ =	sdelay $0x3  }
0x37: {  	[smem:$0x3FB1] =	sst s10  }
0x38: {  	s10 =	sld [smem:$0x3FB2]  }
0x39: {  	_ = 	snop;
	(pc) =	sbr.ind lr, $3  }
0x3a: {  	_ = 	snop  }
0x3b: {  	_ = 	snop  }
0x3c: {  	p2 =	seq.s32 s10, $0x1;
	s10 =	sld [smem:$0x3FB1]  }
0x3d: {  	_ =	shalt  }
0x3e: {  	_ =	shalt  }
0x3f: {  	_ =	shalt  }
0x40: {  	_ =	shalt  }
0x41: {  	_ =	shalt  }
0x42: {  	_ =	shalt  }
0x43: {  	_ =	shalt  }
0x44: {  	_ =	shalt  }
0x45: {  	_ =	shalt  }
0x46: {  	_ =	shalt  }
0x47: {  	_ =	shalt  }
0x48: {  	_ =	shalt  }
0x49: {  	_ =	shalt  }
0x4a: {  	_ =	shalt  }
0x4b: {  	_ =	shalt  }
0x4c: {  	_ =	shalt  }
0x4d: {  	_ =	shalt  }
0x4e: {  	_ =	shalt  }
0x4f: {  	_ =	shalt  }
0x50: {  	_ =	shalt  }
0x51: {  	_ =	shalt  }
0x52: {  	_ =	shalt  }
0x53: {  	_ =	shalt  }
0x54: {  	_ =	shalt  }
0x55: {  	_ =	shalt  }
0x56: {  	_ =	shalt  }
0x57: {  	_ =	shalt  }
0x58: {  	_ =	shalt  }
0x59: {  	_ =	shalt  }
0x5a: {  	_ =	shalt  }
0x5b: {  	_ =	shalt  }
0x5c: {  	_ =	shalt  }
0x5d: {  	_ =	shalt  }
0x5e: {  	_ =	shalt  }
0x5f: {  	_ =	shalt  }
0x60: {  	_ =	shalt  }
0x61: {  	_ =	shalt  }
0x62: {  	_ =	shalt  }
0x63: {  	_ =	shalt  }
0x64: {  	_ =	shalt  }
0x65: {  	_ =	shalt  }
0x66: {  	_ =	shalt  }
0x67: {  	_ =	shalt  }
0x68: {  	_ =	shalt  }
0x69: {  	_ =	shalt  }
0x6a: {  	_ =	shalt  }
0x6b: {  	_ =	shalt  }
0x6c: {  	_ =	shalt  }
0x6d: {  	_ =	shalt  }
0x6e: {  	_ =	shalt  }
0x6f: {  	_ =	shalt  }
0x70: {  	_ =	shalt  }
0x71: {  	_ =	shalt  }
0x72: {  	_ =	shalt  }
0x73: {  	_ =	shalt  }
0x74: {  	_ =	shalt  }
0x75: {  	_ =	shalt  }
0x76: {  	_ =	shalt  }
0x77: {  	_ =	shalt  }
0x78: {  	_ =	shalt  }
0x79: {  	_ =	shalt  }
0x7a: {  	_ =	shalt  }
0x7b: {  	_ =	shalt  }
0x7c: {  	_ =	shalt  }
0x7d: {  	_ =	shalt  }
0x7e: {  	_ =	shalt  }
0x7f: {  	_ =	shalt  }
0x80: {  	_ =	shalt  }
0x81: {  	_ =	shalt  }
0x82: {  	_ =	shalt  }
0x83: {  	_ =	shalt  }
0x84: {  	_ =	shalt  }
0x85: {  	_ =	shalt  }
0x86: {  	_ =	shalt  }
0x87: {  	_ =	shalt  }
.Lfunc_end0:
.L_simem_size_0:
called_computation.1_lowered:
.L_overlay_start_0:
0x88: {  	s2 =	sld [smem:$0x3FD9]  }
0x89: {  	s3 =	sld [smem:$0x3FFE];
	_ =	sdelay $0x1  }
0x8a: {  	s1 =	srdreg.scid  }
0x8b: {  	s0 =	sand.u32 $0x1, s1  }
0x8c: {  	s16 =	sshll.u32 s0, $0xA;
	s2 =	sadd.s32 s3, s2  }
0x8d: {  	s2 =	sadd.s32 s2, s16  }
0x8e: {  	[smem:$0x3FBD] =	sst s2  }
0x8f: {  	_ = 	snop  }
0x90: {  	(tm) =	ssettm $0x1  }
0x91: {  	s17 =	sld [smem:$0x3FFB];
	_ =	sdelay $0x3  }
0x92: {  	_ =	strace s17  }
0x93: {  	s2 =	sld [smem:$0x3FFC];
	_ =	sdelay $0x3  }
0x94: {  	_ =	strace s2  }
0x95: {  	s2 =	sld [smem:$0x3FFD];
	_ =	sdelay $0x3  }
0x96: {  	_ =	strace s2  }
0x97: {  	_ =	strace $0x8FFFFFFF  }
0x98: {  	s18 =	sld [smem:$0x3FDB];
	_ =	sdelay $0x1  }
0x99: {  	s19 =	simm.s32 $_scs_section_size  }
0x9a: {  	s4 =	simm.s32 $_size__tile_overlayer_lowered;
	s5 =	simm.s32 $_tile_overlayer_lowered  }
0x9b: {  	s22 =	simm.s32 $0x1BFF;
	s21 =	sshll.u32 s5, $0x1;
	s2 =	sadd.s32 s19, s18  }
0x9c: {  	s6 =	simm.s32 $0x0;
	s20 =	sshll.u32 s4, $0x1;
	s4 =	sadd.s32 s21, s2  }
0x9d: {  	[timem:s6], [sflag:s22] =	dma.local [hbm:s4], s20  }
0x9e: {  	_ =	swait.ge [sflag:s22], s20  }
0x9f: {  	s3 =	ssub.s32 $0x0, s20;
	[sflag:s22] =	ssyncset.done $0x0  }
0xa0: {  	[sflag:s22] =	ssyncadd.s32 s3;
	_ =	sdelay $0x1  }
0xa1: {  	s23 =	simm.s32 $0x1B8B  }
0xa2: {  	_ =	swait.ge [sflag:s23], $0x1  }
0xa3: {  	[sflag:s23] =	ssyncset.done $0x0  }
0xa4: {  	s25 =	simm.s32 $0x1B8E;
	s24 =	sld [smem:$0x3FFE];
	[sflag:s23] =	ssyncadd.s32 $0xFFFFFFFF  }
0xa5: {  	s26 =	simm.s32 $execute0_lowered;
	[smem:$0x3FD2] =	sst s25  }
0xa6: {  	s4 =	sshll.u32 s26, $0x1;
	_ =	strace $0x80000049;
	[dreg:$0x1] =	wrdreg $0xFFFFFFFF  }
0xa7: {  	s28 =	simm.s32 $_size_execute0_lowered;
	s2 =	sadd.s32 s2, s4;
	[dreg:$0x0] =	wrdreg $0x0  }
0xa8: {  	s4 =	sshll.u32 s28, $0x1;
	[dreg:$0x2] =	wrdreg s2  }
0xa9: {  	[dreg:$0x3] =	wrdreg s4  }
0xaa: {  	[dreg:$0x4] =	wrdreg $0xC0  }
0xab: {  	_ =	task [dreg:s6], $0x5FFFF  }
0xac: {  	[dreg:$0x1] =	wrdreg $0xFFFFFFFF  }
0xad: {  	[dreg:$0x0] =	wrdreg $0x60  }
0xae: {  	[dreg:$0x2] =	wrdreg s24  }
0xaf: {  	[dreg:$0x3] =	wrdreg $0x15A000  }
0xb0: {  	[dreg:$0x4] =	wrdreg $0x9  }
0xb1: {  	_ =	task.clear_ibuf [dreg:s6], $0x5FFFF;
	_ =	strace $0x90000049  }
0xb2: {  	s29 =	simm.s32 $0x9;
	_ =	strace $0x8000004B  }
0xb3: {  	_ =	swait.ge [sflag:s29], $0x1  }
0xb4: {  	[sflag:s29] =	ssyncadd.s32 $0xFFFFFFFF  }
0xb5: {  	_ =	strace $0x9000004B  }
0xb6: {  	_ =	sfence  }
0xb7: {  	s30 =	sld [smem:$0x0];
	_ =	sdelay $0x2  }
0xb8: {  	s31 =	sshll.u32 s1, $0xD;
	s1 =	sshrl.u32 s1, $0x2  }
0xb9: {  	s3 =	sand.u32 $0x4000, s31;
	s1 =	sadd.s32 s1, s30  }
0xba: {  	s0 =	sor.u32 s3, s0;
	s1 =	sshll.u32 s1, $0x11  }
0xbb: {  	s0 =	sor.u32 s1, s0  }
0xbc: {  	s0 =	sadd.s32 $0x8F2B, s0  }
0xbd: {  	[sflag:s0] =	ssyncadd.remote.s32 $0x1  }
0xbe: {  	_ =	sfence.sel $0xFFFF  }
0xbf: {  	[dreg:$0x0] =	wrdreg $0xFFFFFFFF;
	(pc) =	sbr.abs _section_cstart, $3  }
0xc0: {  	[dreg:$0x1] =	wrdreg $0xFFFFFFFF  }
0xc1: {  	_ =	task.clear_ibuf [dreg:s6], $0x2FFFF;
	_ =	strace $0x9FFFFFFF  }
0xc2: {  	(tm) =	ssettm $0x7FFFFFFF  }
0xc3: {  	_ =	shalt  }
tec
execute0_lowered:
.L_overlay_start_1:
0x0: {  	(tag) =	ssettag $0x1  }
0x1: {  	s1 =	srdreg.scid  }
0x2: {  	s0 =	stileid.u32;
	s5 =	rddreg [dreg:$0x0];
	s19 =	simm.s32 $0x14A00  }
0x3: {  	s20 =	simm.s32 $0x3;
	s22 =	simm.s32 $0xFA;
	s23 =	simm.s32 $0x5000  }
0x4: {  	s24 =	simm.s32 $0x8E80;
	s28 =	simm.s32 $0x1;
	s29 =	simm.s32 $0x2  }
0x5: {  	s30 =	simm.s32 $0x0;
	s1 =	sand.u32 $0x1, s1;
	s7 =	smul.u32 $0x1400, s0  }
0x6: {  	s2 =	sshll.u32 s0, $0x1;
	s9 =	smul.u32 $0x28000, s0;
	s4 =	sadd.s32 $0x20800, s5  }
0x7: {  	s3 =	sor.u32 s1, s2;
	s2 =	rddreg [dreg:$0x1];
	s8 =	smul.u32 $0x14000, s1  }
0x8: {  	s1 =	ssub.s32 $0x2, s1;
	s6 =	smul.u32 $0x500, s3;
	s3 =	simm.s32 $0x0  }
0x9: {  	s26 =	sshrl.u32 s1, $0x1;
	s31 =	sshrl.u32 s9, $0x2;
	[smem:$0x7FF] =	sst s3  }
0xa: {  	s25 =	sadd.s32 s7, s8;
	s1 =	ssub.s32 s1, s26;
	s26 =	simm.s32 $0x10B80  }
0xb: {  	_ =	strace $0x8000004A;
	s16 =	sadd.s32 s6, s5;
	s17 =	sadd.s32 s25, s5  }
0xc: {  	s5 =	sadd.s32 s31, s2;
	s18 =	smax.u32 s1, $0x1;
	s25 =	simm.s32 $0xCD00  }
0xd: {  	s6 =	sadd.s32 $0x1000, s5;
	s7 =	sadd.s32 $0x2000, s5;
	s8 =	sadd.s32 $0x3000, s5  }
0xe: {  	s9 =	sadd.s32 $0x4000, s5;
	s10 =	sadd.s32 $0x5000, s5;
	s11 =	sadd.s32 $0x6000, s5  }
0xf: {  	s12 =	sadd.s32 $0x7000, s5;
	s13 =	sadd.s32 $0x8000, s5;
	s14 =	sadd.s32 $0x9000, s5  }
0x10: {  	v0 =	vimm.f32 $0.0e+00;
	s15 =	sadd.s32 $0x16800, s16;
	s16 =	sadd.s32 $0xC800, s16;
	s17 =	sadd.s32 $0x34800, s17  }
.LBB2_1:
0x11: {  	[tilespmem:$0x14A00] =	vst v0  }
0x12: {  	[tilespmem:$0x14A10] =	vst v0  }
0x13: {  	[tilespmem:$0x14A20] =	vst v0  }
0x14: {  	[tilespmem:$0x14A30] =	vst v0  }
0x15: {  	[tilespmem:$0x14A40] =	vst v0  }
0x16: {  	[tilespmem:$0x14A50] =	vst v0  }
0x17: {  	[tilespmem:$0x14A60] =	vst v0  }
0x18: {  	[tilespmem:$0x14A70] =	vst v0  }
0x19: {  	[tilespmem:$0x14A80] =	vst v0  }
0x1a: {  	[tilespmem:$0x14A90] =	vst v0  }
0x1b: {  	[tilespmem:$0x14AA0] =	vst v0  }
0x1c: {  	[tilespmem:$0x14AB0] =	vst v0  }
0x1d: {  	[tilespmem:$0x14AC0] =	vst v0  }
0x1e: {  	[tilespmem:$0x14AD0] =	vst v0  }
0x1f: {  	[tilespmem:$0x14AE0] =	vst v0  }
0x20: {  	[tilespmem:$0x14AF0] =	vst v0  }
0x21: {  	[tilespmem:$0x14B00] =	vst v0  }
0x22: {  	[tilespmem:$0x14B10] =	vst v0  }
0x23: {  	[tilespmem:$0x14B20] =	vst v0  }
0x24: {  	[tilespmem:$0x14B30] =	vst v0  }
0x25: {  	[tilespmem:$0x14B40] =	vst v0  }
0x26: {  	[tilespmem:$0x14B50] =	vst v0  }
0x27: {  	[tilespmem:$0x14B60] =	vst v0  }
0x28: {  	[tilespmem:$0x14B70] =	vst v0  }
0x29: {  	[tilespmem:$0x14B80] =	vst v0  }
0x2a: {  	[tilespmem:$0x14B90] =	vst v0  }
0x2b: {  	[tilespmem:$0x14BA0] =	vst v0  }
0x2c: {  	[tilespmem:$0x14BB0] =	vst v0  }
0x2d: {  	[tilespmem:$0x14BC0] =	vst v0  }
0x2e: {  	[tilespmem:$0x14BD0] =	vst v0  }
0x2f: {  	[tilespmem:$0x14BE0] =	vst v0  }
0x30: {  	[tilespmem:$0x14BF0] =	vst v0  }
0x31: {  	[tilespmem:$0x14C00] =	vst v0  }
0x32: {  	[tilespmem:$0x14C10] =	vst v0  }
0x33: {  	[tilespmem:$0x14C20] =	vst v0  }
0x34: {  	[tilespmem:$0x14C30] =	vst v0  }
0x35: {  	[tilespmem:$0x14C40] =	vst v0  }
0x36: {  	[tilespmem:$0x14C50] =	vst v0  }
0x37: {  	[tilespmem:$0x14C60] =	vst v0  }
0x38: {  	[tilespmem:$0x14C70] =	vst v0  }
0x39: {  	[tilespmem:$0x14C80] =	vst v0  }
0x3a: {  	[tilespmem:$0x14C90] =	vst v0  }
0x3b: {  	[tilespmem:$0x14CA0] =	vst v0  }
0x3c: {  	[tilespmem:$0x14CB0] =	vst v0  }
0x3d: {  	[tilespmem:$0x14CC0] =	vst v0  }
0x3e: {  	[tilespmem:$0x14CD0] =	vst v0  }
0x3f: {  	[tilespmem:$0x14CE0] =	vst v0  }
0x40: {  	[tilespmem:$0x14CF0] =	vst v0  }
0x41: {  	[tilespmem:$0x14D00] =	vst v0  }
0x42: {  	[tilespmem:$0x14D10] =	vst v0  }
0x43: {  	[tilespmem:$0x14D20] =	vst v0  }
0x44: {  	[tilespmem:$0x14D30] =	vst v0  }
0x45: {  	[tilespmem:$0x14D40] =	vst v0  }
0x46: {  	[tilespmem:$0x14D50] =	vst v0  }
0x47: {  	[tilespmem:$0x14D60] =	vst v0  }
0x48: {  	[tilespmem:$0x14D70] =	vst v0  }
0x49: {  	[tilespmem:$0x14D80] =	vst v0  }
0x4a: {  	[tilespmem:$0x14D90] =	vst v0  }
0x4b: {  	[tilespmem:$0x14DA0] =	vst v0  }
0x4c: {  	[tilespmem:$0x14DB0] =	vst v0  }
0x4d: {  	[tilespmem:$0x14DC0] =	vst v0  }
0x4e: {  	[tilespmem:$0x14DD0] =	vst v0  }
0x4f: {  	[tilespmem:$0x14DE0] =	vst v0  }
0x50: {  	[tilespmem:$0x14DF0] =	vst v0  }
0x51: {  	[tilespmem:$0x14E00] =	vst v0  }
0x52: {  	[tilespmem:$0x14E10] =	vst v0  }
0x53: {  	[tilespmem:$0x14E20] =	vst v0  }
0x54: {  	[tilespmem:$0x14E30] =	vst v0  }
0x55: {  	[tilespmem:$0x14E40] =	vst v0  }
0x56: {  	[tilespmem:$0x14E50] =	vst v0  }
0x57: {  	[tilespmem:$0x14E60] =	vst v0  }
0x58: {  	[tilespmem:$0x14E70] =	vst v0  }
0x59: {  	[tilespmem:$0x14E80] =	vst v0  }
0x5a: {  	[tilespmem:$0x14E90] =	vst v0  }
0x5b: {  	[tilespmem:$0x14EA0] =	vst v0  }
0x5c: {  	[tilespmem:$0x14EB0] =	vst v0  }
0x5d: {  	[tilespmem:$0x14EC0] =	vst v0  }
0x5e: {  	[tilespmem:$0x14ED0] =	vst v0  }
0x5f: {  	[tilespmem:$0x14EE0] =	vst v0  }
0x60: {  	[tilespmem:$0x14EF0] =	vst v0  }
0x61: {  	[tilespmem:$0x14F00] =	vst v0  }
0x62: {  	[tilespmem:$0x14F10] =	vst v0  }
0x63: {  	[tilespmem:$0x14F20] =	vst v0  }
0x64: {  	[tilespmem:$0x14F30] =	vst v0  }
0x65: {  	[tilespmem:$0x14F40] =	vst v0  }
0x66: {  	[tilespmem:$0x14F50] =	vst v0  }
0x67: {  	[tilespmem:$0x14F60] =	vst v0  }
0x68: {  	[tilespmem:$0x14F70] =	vst v0  }
0x69: {  	[tilespmem:$0x14F80] =	vst v0  }
0x6a: {  	[tilespmem:$0x14F90] =	vst v0  }
0x6b: {  	[tilespmem:$0x14FA0] =	vst v0  }
0x6c: {  	[tilespmem:$0x14FB0] =	vst v0  }
0x6d: {  	[tilespmem:$0x14FC0] =	vst v0  }
0x6e: {  	[tilespmem:$0x14FD0] =	vst v0  }
0x6f: {  	[tilespmem:$0x14FE0] =	vst v0  }
0x70: {  	[tilespmem:$0x14FF0] =	vst v0  }
0x71: {  	[tilespmem:$0x15000] =	vst v0  }
0x72: {  	[tilespmem:$0x15010] =	vst v0  }
0x73: {  	[tilespmem:$0x15020] =	vst v0  }
0x74: {  	[tilespmem:$0x15030] =	vst v0  }
0x75: {  	[tilespmem:$0x15040] =	vst v0  }
0x76: {  	[tilespmem:$0x15050] =	vst v0  }
0x77: {  	[tilespmem:$0x15060] =	vst v0  }
0x78: {  	[tilespmem:$0x15070] =	vst v0  }
0x79: {  	[tilespmem:$0x15080] =	vst v0  }
0x7a: {  	[tilespmem:$0x15090] =	vst v0  }
0x7b: {  	[tilespmem:$0x150A0] =	vst v0  }
0x7c: {  	[tilespmem:$0x150B0] =	vst v0  }
0x7d: {  	[tilespmem:$0x150C0] =	vst v0  }
0x7e: {  	[tilespmem:$0x150D0] =	vst v0  }
0x7f: {  	[tilespmem:$0x150E0] =	vst v0  }
0x80: {  	[tilespmem:$0x150F0] =	vst v0  }
0x81: {  	[tilespmem:$0x15100] =	vst v0  }
0x82: {  	[tilespmem:$0x15110] =	vst v0  }
0x83: {  	[tilespmem:$0x15120] =	vst v0  }
0x84: {  	[tilespmem:$0x15130] =	vst v0  }
0x85: {  	[tilespmem:$0x15140] =	vst v0  }
0x86: {  	[tilespmem:$0x15150] =	vst v0  }
0x87: {  	[tilespmem:$0x15160] =	vst v0  }
0x88: {  	[tilespmem:$0x15170] =	vst v0  }
0x89: {  	[tilespmem:$0x15180] =	vst v0  }
0x8a: {  	[tilespmem:$0x15190] =	vst v0  }
0x8b: {  	[tilespmem:$0x151A0] =	vst v0  }
0x8c: {  	[tilespmem:$0x151B0] =	vst v0  }
0x8d: {  	[tilespmem:$0x151C0] =	vst v0  }
0x8e: {  	[tilespmem:$0x151D0] =	vst v0  }
0x8f: {  	[tilespmem:$0x151E0] =	vst v0  }
0x90: {  	[tilespmem:$0x151F0] =	vst v0  }
0x91: {  	[tilespmem:$0x15200] =	vst v0  }
0x92: {  	[tilespmem:$0x15210] =	vst v0  }
0x93: {  	[tilespmem:$0x15220] =	vst v0  }
0x94: {  	[tilespmem:$0x15230] =	vst v0  }
0x95: {  	[tilespmem:$0x15240] =	vst v0  }
0x96: {  	[tilespmem:$0x15250] =	vst v0  }
0x97: {  	[tilespmem:$0x15260] =	vst v0  }
0x98: {  	[tilespmem:$0x15270] =	vst v0  }
0x99: {  	[tilespmem:$0x15280] =	vst v0  }
0x9a: {  	[tilespmem:$0x15290] =	vst v0  }
0x9b: {  	[tilespmem:$0x152A0] =	vst v0  }
0x9c: {  	[tilespmem:$0x152B0] =	vst v0  }
0x9d: {  	[tilespmem:$0x152C0] =	vst v0  }
0x9e: {  	[tilespmem:$0x152D0] =	vst v0  }
0x9f: {  	[tilespmem:$0x152E0] =	vst v0  }
0xa0: {  	[tilespmem:$0x152F0] =	vst v0  }
0xa1: {  	[tilespmem:$0x15300] =	vst v0  }
0xa2: {  	[tilespmem:$0x15310] =	vst v0  }
0xa3: {  	[tilespmem:$0x15320] =	vst v0  }
0xa4: {  	[tilespmem:$0x15330] =	vst v0  }
0xa5: {  	[tilespmem:$0x15340] =	vst v0  }
0xa6: {  	[tilespmem:$0x15350] =	vst v0  }
0xa7: {  	[tilespmem:$0x15360] =	vst v0  }
0xa8: {  	[tilespmem:$0x15370] =	vst v0  }
0xa9: {  	[tilespmem:$0x15380] =	vst v0  }
0xaa: {  	[tilespmem:$0x15390] =	vst v0  }
0xab: {  	[tilespmem:$0x153A0] =	vst v0  }
0xac: {  	[tilespmem:$0x153B0] =	vst v0  }
0xad: {  	[tilespmem:$0x153C0] =	vst v0  }
0xae: {  	[tilespmem:$0x153D0] =	vst v0  }
0xaf: {  	[tilespmem:$0x153E0] =	vst v0  }
0xb0: {  	[tilespmem:$0x153F0] =	vst v0  }
0xb1: {  	[tilespmem:$0x15400] =	vst v0  }
0xb2: {  	[tilespmem:$0x15410] =	vst v0  }
0xb3: {  	[tilespmem:$0x15420] =	vst v0  }
0xb4: {  	[tilespmem:$0x15430] =	vst v0  }
0xb5: {  	[tilespmem:$0x15440] =	vst v0  }
0xb6: {  	[tilespmem:$0x15450] =	vst v0  }
0xb7: {  	[tilespmem:$0x15460] =	vst v0  }
0xb8: {  	[tilespmem:$0x15470] =	vst v0  }
0xb9: {  	[tilespmem:$0x15480] =	vst v0  }
0xba: {  	[tilespmem:$0x15490] =	vst v0  }
0xbb: {  	[tilespmem:$0x154A0] =	vst v0  }
0xbc: {  	[tilespmem:$0x154B0] =	vst v0  }
0xbd: {  	[tilespmem:$0x154C0] =	vst v0  }
0xbe: {  	[tilespmem:$0x154D0] =	vst v0  }
0xbf: {  	[tilespmem:$0x154E0] =	vst v0  }
0xc0: {  	[tilespmem:$0x154F0] =	vst v0  }
0xc1: {  	[tilespmem:$0x15500] =	vst v0  }
0xc2: {  	[tilespmem:$0x15510] =	vst v0  }
0xc3: {  	[tilespmem:$0x15520] =	vst v0  }
0xc4: {  	[tilespmem:$0x15530] =	vst v0  }
0xc5: {  	[tilespmem:$0x15540] =	vst v0  }
0xc6: {  	[tilespmem:$0x15550] =	vst v0  }
0xc7: {  	[tilespmem:$0x15560] =	vst v0  }
0xc8: {  	[tilespmem:$0x15570] =	vst v0  }
0xc9: {  	[tilespmem:$0x15580] =	vst v0  }
0xca: {  	[tilespmem:$0x15590] =	vst v0  }
0xcb: {  	[tilespmem:$0x155A0] =	vst v0  }
0xcc: {  	[tilespmem:$0x155B0] =	vst v0  }
0xcd: {  	[tilespmem:$0x155C0] =	vst v0  }
0xce: {  	[tilespmem:$0x155D0] =	vst v0  }
0xcf: {  	[tilespmem:$0x155E0] =	vst v0  }
0xd0: {  	[tilespmem:$0x155F0] =	vst v0  }
0xd1: {  	[tilespmem:$0x15600] =	vst v0  }
0xd2: {  	[tilespmem:$0x15610] =	vst v0  }
0xd3: {  	[tilespmem:$0x15620] =	vst v0  }
0xd4: {  	[tilespmem:$0x15630] =	vst v0  }
0xd5: {  	[tilespmem:$0x15640] =	vst v0  }
0xd6: {  	[tilespmem:$0x15650] =	vst v0  }
0xd7: {  	[tilespmem:$0x15660] =	vst v0  }
0xd8: {  	[tilespmem:$0x15670] =	vst v0  }
0xd9: {  	[tilespmem:$0x15680] =	vst v0  }
0xda: {  	[tilespmem:$0x15690] =	vst v0  }
0xdb: {  	[tilespmem:$0x156A0] =	vst v0  }
0xdc: {  	[tilespmem:$0x156B0] =	vst v0  }
0xdd: {  	[tilespmem:$0x156C0] =	vst v0  }
0xde: {  	[tilespmem:$0x156D0] =	vst v0  }
0xdf: {  	[tilespmem:$0x156E0] =	vst v0  }
0xe0: {  	[tilespmem:$0x156F0] =	vst v0  }
0xe1: {  	[tilespmem:$0x15700] =	vst v0  }
0xe2: {  	[tilespmem:$0x15710] =	vst v0  }
0xe3: {  	[tilespmem:$0x15720] =	vst v0  }
0xe4: {  	[tilespmem:$0x15730] =	vst v0  }
0xe5: {  	[tilespmem:$0x15740] =	vst v0  }
0xe6: {  	[tilespmem:$0x15750] =	vst v0  }
0xe7: {  	[tilespmem:$0x15760] =	vst v0  }
0xe8: {  	[tilespmem:$0x15770] =	vst v0  }
0xe9: {  	[tilespmem:$0x15780] =	vst v0  }
0xea: {  	[tilespmem:$0x15790] =	vst v0  }
0xeb: {  	[tilespmem:$0x157A0] =	vst v0  }
0xec: {  	[tilespmem:$0x157B0] =	vst v0  }
0xed: {  	[tilespmem:$0x157C0] =	vst v0  }
0xee: {  	[tilespmem:$0x157D0] =	vst v0  }
0xef: {  	[tilespmem:$0x157E0] =	vst v0  }
0xf0: {  	[tilespmem:$0x157F0] =	vst v0  }
0xf1: {  	[tilespmem:$0x15800] =	vst v0  }
0xf2: {  	[tilespmem:$0x15810] =	vst v0  }
0xf3: {  	[tilespmem:$0x15820] =	vst v0  }
0xf4: {  	[tilespmem:$0x15830] =	vst v0  }
0xf5: {  	[tilespmem:$0x15840] =	vst v0  }
0xf6: {  	[tilespmem:$0x15850] =	vst v0  }
0xf7: {  	[tilespmem:$0x15860] =	vst v0  }
0xf8: {  	[tilespmem:$0x15870] =	vst v0  }
0xf9: {  	[tilespmem:$0x15880] =	vst v0  }
0xfa: {  	[tilespmem:$0x15890] =	vst v0  }
0xfb: {  	[tilespmem:$0x158A0] =	vst v0  }
0xfc: {  	[tilespmem:$0x158B0] =	vst v0  }
0xfd: {  	[tilespmem:$0x158C0] =	vst v0  }
0xfe: {  	[tilespmem:$0x158D0] =	vst v0  }
0xff: {  	[tilespmem:$0x158E0] =	vst v0  }
0x100: {  	[tilespmem:$0x158F0] =	vst v0  }
0x101: {  	[tilespmem:$0x15900] =	vst v0  }
0x102: {  	[tilespmem:$0x15910] =	vst v0  }
0x103: {  	[tilespmem:$0x15920] =	vst v0  }
0x104: {  	[tilespmem:$0x15930] =	vst v0  }
0x105: {  	[tilespmem:$0x15940] =	vst v0  }
0x106: {  	[tilespmem:$0x15950] =	vst v0  }
0x107: {  	[tilespmem:$0x15960] =	vst v0  }
0x108: {  	[tilespmem:$0x15970] =	vst v0  }
0x109: {  	[tilespmem:$0x15980] =	vst v0  }
0x10a: {  	[tilespmem:$0x15990] =	vst v0  }
0x10b: {  	[tilespmem:$0x159A0] =	vst v0  }
0x10c: {  	[tilespmem:$0x159B0] =	vst v0  }
0x10d: {  	[tilespmem:$0x159C0] =	vst v0  }
0x10e: {  	[tilespmem:$0x159D0] =	vst v0  }
0x10f: {  	[tilespmem:$0x159E0] =	vst v0  }
0x110: {  	[tilespmem:$0x159F0] =	vst v0  }
0x111: {  	[spmem:s5] =	stream.linear.scatter [tilespmem:s19], [sflag:$0x3], $0x1000, $0x38;
	[tilespmem:$0x1FA00] =	vst v63  }
0x112: {  	_ =	swait.ge [sflag:s20], $0x1000  }
0x113: {  	[sflag:s20] =	ssyncset.done $0x0  }
0x114: {  	[sflag:s20] =	ssyncadd.s32 $0xFFFFF000  }
0x115: {  	[spmem:s6] =	stream.linear.scatter [tilespmem:s19], [sflag:$0x3], $0x1000, $0x38;
	[tilespmem:$0x1FA00] =	vst v63  }
0x116: {  	_ =	swait.ge [sflag:s20], $0x1000  }
0x117: {  	[sflag:s20] =	ssyncset.done $0x0  }
0x118: {  	[sflag:s20] =	ssyncadd.s32 $0xFFFFF000  }
0x119: {  	[spmem:s7] =	stream.linear.scatter [tilespmem:s19], [sflag:$0x3], $0x1000, $0x38;
	[tilespmem:$0x1FA00] =	vst v63  }
0x11a: {  	_ =	swait.ge [sflag:s20], $0x1000  }
0x11b: {  	[sflag:s20] =	ssyncset.done $0x0  }
0x11c: {  	[sflag:s20] =	ssyncadd.s32 $0xFFFFF000  }
0x11d: {  	[spmem:s8] =	stream.linear.scatter [tilespmem:s19], [sflag:$0x3], $0x1000, $0x38;
	[tilespmem:$0x1FA00] =	vst v63  }
0x11e: {  	_ =	swait.ge [sflag:s20], $0x1000  }
0x11f: {  	[sflag:s20] =	ssyncset.done $0x0  }
0x120: {  	[sflag:s20] =	ssyncadd.s32 $0xFFFFF000  }
0x121: {  	[spmem:s9] =	stream.linear.scatter [tilespmem:s19], [sflag:$0x3], $0x1000, $0x38;
	[tilespmem:$0x1FA00] =	vst v63  }
0x122: {  	_ =	swait.ge [sflag:s20], $0x1000  }
0x123: {  	[sflag:s20] =	ssyncset.done $0x0  }
0x124: {  	[sflag:s20] =	ssyncadd.s32 $0xFFFFF000  }
0x125: {  	[spmem:s10] =	stream.linear.scatter [tilespmem:s19], [sflag:$0x3], $0x1000, $0x38;
	[tilespmem:$0x1FA00] =	vst v63  }
0x126: {  	_ =	swait.ge [sflag:s20], $0x1000  }
0x127: {  	[sflag:s20] =	ssyncset.done $0x0  }
0x128: {  	[sflag:s20] =	ssyncadd.s32 $0xFFFFF000  }
0x129: {  	[spmem:s11] =	stream.linear.scatter [tilespmem:s19], [sflag:$0x3], $0x1000, $0x38;
	[tilespmem:$0x1FA00] =	vst v63  }
0x12a: {  	_ =	swait.ge [sflag:s20], $0x1000  }
0x12b: {  	[sflag:s20] =	ssyncset.done $0x0  }
0x12c: {  	[sflag:s20] =	ssyncadd.s32 $0xFFFFF000  }
0x12d: {  	[spmem:s12] =	stream.linear.scatter [tilespmem:s19], [sflag:$0x3], $0x1000, $0x38;
	[tilespmem:$0x1FA00] =	vst v63  }
0x12e: {  	_ =	swait.ge [sflag:s20], $0x1000  }
0x12f: {  	[sflag:s20] =	ssyncset.done $0x0  }
0x130: {  	[sflag:s20] =	ssyncadd.s32 $0xFFFFF000  }
0x131: {  	[spmem:s13] =	stream.linear.scatter [tilespmem:s19], [sflag:$0x3], $0x1000, $0x38;
	[tilespmem:$0x1FA00] =	vst v63  }
0x132: {  	_ =	swait.ge [sflag:s20], $0x1000  }
0x133: {  	[sflag:s20] =	ssyncset.done $0x0  }
0x134: {  	[sflag:s20] =	ssyncadd.s32 $0xFFFFF000  }
0x135: {  	[spmem:s14] =	stream.linear.scatter [tilespmem:s19], [sflag:$0x3], $0x1000, $0x38;
	[tilespmem:$0x1FA00] =	vst v63  }
0x136: {  	_ =	swait.ge [sflag:s20], $0x1000  }
0x137: {  	[sflag:s20] =	ssyncset.done $0x0  }
0x138: {  	[sflag:s20] =	ssyncadd.s32 $0xFFFFF000  }
0x139: {  	[tilespmem:s3], [sflag:$0x3] =	stream.linear.gather [hbm4b:s15+s3], $0x2800, $0x38;
	[tilespmem:$0x1FA00] =	vst v63  }
0x13a: {  	_ =	swait.ge [sflag:s20], $0x2800  }
0x13b: {  	[sflag:s20] =	ssyncset.done $0x0  }
0x13c: {  	s0 =	simm.s32 $0x2800;
	[sflag:s20] =	ssyncadd.s32 $0xFFFFD800  }
0x13d: {  	[tilespmem:s0], [sflag:$0x3] =	stream.linear.gather [hbm4b:s16+s3], $0x2800, $0x38;
	[tilespmem:$0x1FA00] =	vst v63  }
0x13e: {  	_ =	swait.ge [sflag:s20], $0x2800  }
0x13f: {  	[sflag:s20] =	ssyncset.done $0x0  }
0x140: {  	[sflag:s20] =	ssyncadd.s32 $0xFFFFD800  }
0x141: {  	s1 =	simm.s32 $0x0;
	[bflag:$0x0] =	sbarrier.arrive $0xFFFF  }
0x142: {  	[tilespmem:s23], [sflag:$0x1] =	stream.indirect.gather [hbm4b:s4+s22], $0x40, s1, s22, $0xb8;
	[tilespmem:$0x1FA00] =	vst v63  }
0x143: {  	s21 =	simm.s32 $0x100  }
0x144: {  	[tilespmem:s24], [sflag:$0x1] =	stream.indirect.gather [hbm4b:s4+s22], $0x40, s21, s22, $0xb8;
	[tilespmem:$0x1FA00] =	vst v63  }
0x145: {  	s0 =	simm.s32 $0x200  }
0x146: {  	[tilespmem:s25], [sflag:$0x1] =	stream.indirect.gather [hbm4b:s4+s22], $0x40, s0, s22, $0xb8;
	[tilespmem:$0x1FA00] =	vst v63  }
0x147: {  	s21 =	simm.s32 $0x300  }
0x148: {  	[tilespmem:s26], [sflag:$0x1] =	stream.indirect.gather [hbm4b:s4+s22], $0x40, s21, s22, $0xb8;
	[tilespmem:$0x1FA00] =	vst v63  }
0x149: {  	_ =	swait.ge [sflag:s28], $0x3E80  }
0x14a: {  	[sflag:s28] =	ssyncset.done $0x0  }
0x14b: {  	s0 =	simm.s32 $0x2800;
	[sflag:s28] =	ssyncadd.s32 $0xFFFFC180  }
0x14c: {  	[spmem:s2] =	stream.indirect.scatter.add.f32 [tilespmem:s23], [sflag:$0x2], $0x40, s0, s22, $0xb8;
	[tilespmem:$0x1FA00] =	vst v63  }
0x14d: {  	_ =	swait.ge [sflag:s28], $0x3E80  }
0x14e: {  	[sflag:s28] =	ssyncset.done $0x0  }
0x14f: {  	s21 =	simm.s32 $0x2900;
	[sflag:s28] =	ssyncadd.s32 $0xFFFFC180  }
0x150: {  	[spmem:s2] =	stream.indirect.scatter.add.f32 [tilespmem:s24], [sflag:$0x2], $0x40, s21, s22, $0xb8;
	[tilespmem:$0x1FA00] =	vst v63  }
0x151: {  	_ =	swait.ge [sflag:s28], $0x3E80  }
0x152: {  	[sflag:s28] =	ssyncset.done $0x0  }
0x153: {  	s0 =	simm.s32 $0x2A00;
	[sflag:s28] =	ssyncadd.s32 $0xFFFFC180  }
0x154: {  	[spmem:s2] =	stream.indirect.scatter.add.f32 [tilespmem:s25], [sflag:$0x2], $0x40, s0, s22, $0xb8;
	[tilespmem:$0x1FA00] =	vst v63  }
0x155: {  	_ =	swait.ge [sflag:s28], $0x3E80  }
0x156: {  	[sflag:s28] =	ssyncset.done $0x0  }
0x157: {  	s21 =	simm.s32 $0x2B00;
	[sflag:s28] =	ssyncadd.s32 $0xFFFFC180  }
0x158: {  	[spmem:s2] =	stream.indirect.scatter.add.f32 [tilespmem:s26], [sflag:$0x2], $0x40, s21, s22, $0xb8;
	[tilespmem:$0x1FA00] =	vst v63  }
0x159: {  	_ =	swait.ge [sflag:s29], $0x3E80  }
0x15a: {  	[sflag:s29] =	ssyncset.done $0x0  }
0x15b: {  	[sflag:s29] =	ssyncadd.s32 $0xFFFFC180  }
0x15c: {  	_ =	swait.ge [sflag:s29], $0x3E80  }
0x15d: {  	[sflag:s29] =	ssyncset.done $0x0  }
0x15e: {  	[sflag:s29] =	ssyncadd.s32 $0xFFFFC180  }
0x15f: {  	_ =	swait.ge [sflag:s29], $0x3E80  }
0x160: {  	[sflag:s29] =	ssyncset.done $0x0  }
0x161: {  	[sflag:s29] =	ssyncadd.s32 $0xFFFFC180  }
0x162: {  	_ =	swait.ge [sflag:s29], $0x3E80  }
0x163: {  	s31 =	simm.s32 $0x1000;
	s1 =	simm.s32 $0x2000;
	[sflag:s29] =	ssyncset.done $0x0  }
.LBB2_2:
0x164: {  	s0 =	sshra.s32 s31, $0x2  }
0x165: {  	[sflag:s29] =	ssyncadd.s32 $0xFFFFC180;
	s31 =	smov.u32 s1;
	s21 =	sadd.s32 $0x1000, s1  }
0x166: {  	[tilespmem:s23], [sflag:$0x1] =	stream.indirect.gather [hbm4b:s4+s22], $0x40, s0, s22, $0xb8;
	[tilespmem:$0x1FA00] =	vst v63  }
0x167: {  	p0 =	sne.s32 s1, $0x9000;
	s1 =	sadd.s32 $0x100, s0  }
0x168: {  	[tilespmem:s24], [sflag:$0x1] =	stream.indirect.gather [hbm4b:s4+s22], $0x40, s1, s22, $0xb8;
	[tilespmem:$0x1FA00] =	vst v63  }
0x169: {  	s1 =	sadd.s32 $0x200, s0  }
0x16a: {  	[tilespmem:s25], [sflag:$0x1] =	stream.indirect.gather [hbm4b:s4+s22], $0x40, s1, s22, $0xb8;
	[tilespmem:$0x1FA00] =	vst v63  }
0x16b: {  	s1 =	sadd.s32 $0x300, s0  }
0x16c: {  	[tilespmem:s26], [sflag:$0x1] =	stream.indirect.gather [hbm4b:s4+s22], $0x40, s1, s22, $0xb8;
	[tilespmem:$0x1FA00] =	vst v63  }
0x16d: {  	_ =	swait.ge [sflag:s28], $0x3E80  }
0x16e: {  	[sflag:s28] =	ssyncset.done $0x0  }
0x16f: {  	s1 =	sadd.s32 $0x2800, s0;
	[sflag:s28] =	ssyncadd.s32 $0xFFFFC180  }
0x170: {  	[spmem:s2] =	stream.indirect.scatter.add.f32 [tilespmem:s23], [sflag:$0x2], $0x40, s1, s22, $0xb8;
	[tilespmem:$0x1FA00] =	vst v63  }
0x171: {  	_ =	swait.ge [sflag:s28], $0x3E80  }
0x172: {  	[sflag:s28] =	ssyncset.done $0x0  }
0x173: {  	s1 =	sadd.s32 $0x2900, s0;
	[sflag:s28] =	ssyncadd.s32 $0xFFFFC180  }
0x174: {  	[spmem:s2] =	stream.indirect.scatter.add.f32 [tilespmem:s24], [sflag:$0x2], $0x40, s1, s22, $0xb8;
	[tilespmem:$0x1FA00] =	vst v63  }
0x175: {  	_ =	swait.ge [sflag:s28], $0x3E80  }
0x176: {  	[sflag:s28] =	ssyncset.done $0x0  }
0x177: {  	s1 =	sadd.s32 $0x2A00, s0;
	[sflag:s28] =	ssyncadd.s32 $0xFFFFC180  }
0x178: {  	[spmem:s2] =	stream.indirect.scatter.add.f32 [tilespmem:s25], [sflag:$0x2], $0x40, s1, s22, $0xb8;
	[tilespmem:$0x1FA00] =	vst v63  }
0x179: {  	_ =	swait.ge [sflag:s28], $0x3E80  }
0x17a: {  	[sflag:s28] =	ssyncset.done $0x0  }
0x17b: {  	s0 =	sadd.s32 $0x2B00, s0;
	[sflag:s28] =	ssyncadd.s32 $0xFFFFC180  }
0x17c: {  	[spmem:s2] =	stream.indirect.scatter.add.f32 [tilespmem:s26], [sflag:$0x2], $0x40, s0, s22, $0xb8;
	[tilespmem:$0x1FA00] =	vst v63  }
0x17d: {  	_ =	swait.ge [sflag:s29], $0x3E80  }
0x17e: {  	[sflag:s29] =	ssyncset.done $0x0  }
0x17f: {  	[sflag:s29] =	ssyncadd.s32 $0xFFFFC180  }
0x180: {  	_ =	swait.ge [sflag:s29], $0x3E80  }
0x181: {  	[sflag:s29] =	ssyncset.done $0x0  }
0x182: {  	[sflag:s29] =	ssyncadd.s32 $0xFFFFC180  }
.Ltmp0:
0x183: {  	_ =	swait.ge [sflag:s29], $0x3E80;
	(pc) =	sbr.rel @p0 .LBB2_2-.Ltmp0, $4  }
0x184: {  	[sflag:s29] =	ssyncset.done $0x0  }
0x185: {  	[sflag:s29] =	ssyncadd.s32 $0xFFFFC180  }
0x186: {  	_ =	swait.ge [sflag:s29], $0x3E80  }
0x187: {  	s1 =	smov.u32 s21;
	[sflag:s29] =	ssyncset.done $0x0  }
0x188: {  	s0 =	sshra.s32 s31, $0x2;
	[sflag:s29] =	ssyncadd.s32 $0xFFFFC180  }
0x189: {  	[tilespmem:s23], [sflag:$0x1] =	stream.indirect.gather [hbm4b:s4+s22], $0x40, s0, s22, $0xb8;
	[tilespmem:$0x1FA00] =	vst v63  }
0x18a: {  	s1 =	sadd.s32 $0x100, s0  }
0x18b: {  	[tilespmem:s24], [sflag:$0x1] =	stream.indirect.gather [hbm4b:s4+s22], $0x40, s1, s22, $0xb8;
	[tilespmem:$0x1FA00] =	vst v63  }
0x18c: {  	s31 =	sadd.s32 $0x200, s0  }
0x18d: {  	[tilespmem:s25], [sflag:$0x1] =	stream.indirect.gather [hbm4b:s4+s22], $0x40, s31, s22, $0xb8;
	[tilespmem:$0x1FA00] =	vst v63  }
0x18e: {  	s21 =	sadd.s32 $0x300, s0  }
0x18f: {  	[tilespmem:s26], [sflag:$0x1] =	stream.indirect.gather [hbm4b:s4+s22], $0x40, s21, s22, $0xb8;
	[tilespmem:$0x1FA00] =	vst v63  }
0x190: {  	_ =	swait.ge [sflag:s28], $0x3E80  }
0x191: {  	[sflag:s28] =	ssyncset.done $0x0  }
0x192: {  	s31 =	sadd.s32 $0x2800, s0;
	[sflag:s28] =	ssyncadd.s32 $0xFFFFC180  }
0x193: {  	[spmem:s2] =	stream.indirect.scatter.add.f32 [tilespmem:s23], [sflag:$0x2], $0x40, s31, s22, $0xb8;
	[tilespmem:$0x1FA00] =	vst v63  }
0x194: {  	_ =	swait.ge [sflag:s28], $0x3E80  }
0x195: {  	[sflag:s28] =	ssyncset.done $0x0  }
0x196: {  	s21 =	sadd.s32 $0x2900, s0;
	[sflag:s28] =	ssyncadd.s32 $0xFFFFC180  }
0x197: {  	[spmem:s2] =	stream.indirect.scatter.add.f32 [tilespmem:s24], [sflag:$0x2], $0x40, s21, s22, $0xb8;
	[tilespmem:$0x1FA00] =	vst v63  }
0x198: {  	_ =	swait.ge [sflag:s28], $0x3E80  }
0x199: {  	[sflag:s28] =	ssyncset.done $0x0  }
0x19a: {  	s31 =	sadd.s32 $0x2A00, s0;
	[sflag:s28] =	ssyncadd.s32 $0xFFFFC180  }
0x19b: {  	[spmem:s2] =	stream.indirect.scatter.add.f32 [tilespmem:s25], [sflag:$0x2], $0x40, s31, s22, $0xb8;
	[tilespmem:$0x1FA00] =	vst v63  }
0x19c: {  	_ =	swait.ge [sflag:s28], $0x3E80  }
0x19d: {  	[sflag:s28] =	ssyncset.done $0x0  }
0x19e: {  	s0 =	sadd.s32 $0x2B00, s0;
	[sflag:s28] =	ssyncadd.s32 $0xFFFFC180  }
0x19f: {  	[spmem:s2] =	stream.indirect.scatter.add.f32 [tilespmem:s26], [sflag:$0x2], $0x40, s0, s22, $0xb8;
	[tilespmem:$0x1FA00] =	vst v63  }
0x1a0: {  	_ =	swait.ge [sflag:s29], $0x3E80  }
0x1a1: {  	[sflag:s29] =	ssyncset.done $0x0  }
0x1a2: {  	[sflag:s29] =	ssyncadd.s32 $0xFFFFC180  }
0x1a3: {  	_ =	swait.ge [sflag:s29], $0x3E80  }
0x1a4: {  	[sflag:s29] =	ssyncset.done $0x0  }
0x1a5: {  	[sflag:s29] =	ssyncadd.s32 $0xFFFFC180  }
0x1a6: {  	_ =	swait.ge [sflag:s29], $0x3E80  }
0x1a7: {  	[sflag:s29] =	ssyncset.done $0x0  }
0x1a8: {  	[sflag:s29] =	ssyncadd.s32 $0xFFFFC180  }
0x1a9: {  	s30 =	sadd.s32 $0x1, s30;
	_ =	swait.ge [sflag:s29], $0x3E80  }
0x1aa: {  	p0 =	sne.s32 s30, s18;
	s21 =	stileid.u32;
	[sflag:s29] =	ssyncset.done $0x0  }
0x1ab: {  	s31 =	sshrl.u32 s5, $0x3;
	s0 =	sshll.u32 s21, $0x6;
	[sflag:s29] =	ssyncadd.s32 $0xFFFFC180  }
.Ltmp1:
0x1ac: {  	s0 =	sor.u32 $0x1C03, s0;
	[bflag:$0x0] =	sbarrier.arrive $0xFFFF;
	(pc) =	sbr.rel @p0 .LBB2_1-.Ltmp1, $4  }
0x1ad: {  	[hbm:s17], [sflag:s0] =	dma.local [spmem:s31], $0x1400  }
0x1ae: {  	_ =	swait.ge [sflag:s20], $0x1400  }
0x1af: {  	[sflag:s20] =	ssyncset.done $0x0  }
0x1b0: {  	[sflag:s20] =	ssyncadd.s32 $0xFFFFEC00  }
0x1b1: {  	_ =	sfence.sel $0x180000  }
0x1b2: {  	[bflag:$0x0] =	sbarrier.arrive $0xFFFF  }
0x1b3: {  	_ =	strace $0x9000004A  }
0x1b4: {  	s0 =	stileid.u32;
	[bflag:$0x2] =	sbarrier.arrive $0xFFFF  }
0x1b5: {  	p0 =	sne.s32 s0, $0x0;
	s0 =	rddreg [dreg:$0x2]  }
0x1b6: {  	s0 =	sadd.s32 @!p0 $0x100000, s0  }
0x1b7: {  	[sflag:s0] =	ssyncadd.tile.s32 @!p0 $0x1;
	_ =	shalt  }
.Lfunc_end2:
_tile_overlayer_lowered:
.L_overlay_start_2:
0x1b8: {  	(tag) =	ssettag $0x2  }
0x1b9: {  	s0 =	rddreg [dreg:$0x0];
	s2 =	stileid.u32  }
0x1ba: {  	s1 =	rddreg [dreg:$0x1];
	p0 =	sne.s32 s2, $0x0  }
0x1bb: {  	s3 =	rddreg [dreg:$0x2];
	[bflag:$0x3] =	sbarrier.arrive $0xFFFF;
	s2 =	simm.s32 @!p0 $0x1C03  }
0x1bc: {  	[timem:s3], [sflag:s2] =	dma.local @!p0 [hbm:s0], s1  }
0x1bd: {  	s0 =	simm.s32 @!p0 $0x3  }
0x1be: {  	_ =	swait.ge @!p0 [sflag:s0], s1  }
0x1bf: {  	s1 =	ssub.s32 @!p0 $0x0, s1;
	[sflag:s0] =	ssyncset.done @!p0 $0x0  }
0x1c0: {  	[sflag:s0] =	ssyncadd.s32 @!p0 s1  }
0x1c1: {  	[bflag:$0x3] =	sbarrier.arrive $0xFFFF  }
0x1c2: {  	_ =	shalt  }

// kernel: kernel.14.cloned.1.call-start
scs
__scs_entry_jumppad:
0x0: {  	(pc) =	sbr.rel $0x88, $3  }
0x1: {  	(tag) =	ssettag $0x0;
	lr =	simm.s32 $0x1  }
0x2: {  	[smem:$0x3F96] =	sst lr;
	_ =	strace $0xD0000000  }
0x3: {  	_ = 	snop  }
0x4: {  	_ = 	snop  }
0x5: {  	_ = 	snop  }
0x6: {  	_ = 	snop  }
0x7: {  	_ = 	snop  }
__scs_overlays_trampoline_lowered:
0x8: {  	[smem:$0x3FA5] =	sst s0  }
0x9: {  	[smem:$0x3FA6] =	sst s1  }
0xa: {  	[smem:$0x3FA7] =	sst s2  }
0xb: {  	[smem:$0x3FA8] =	sst s3  }
0xc: {  	[smem:$0x3FA9] =	sst s4  }
0xd: {  	[smem:$0x3FAA] =	sst s5  }
0xe: {  	[smem:$0x3FAB] =	sst s6  }
0xf: {  	[smem:$0x3FAC] =	sst s7  }
0x10: {  	[smem:$0x3FAD] =	sst s8  }
0x11: {  	[smem:$0x3FAE] =	sst s9;
	s0 =	simm.s32 @!p0 $0x0  }
0x12: {  	s1 =	sld [smem:$0x3F94];
	s0 =	simm.s32 @p0 $0x1  }
0x13: {  	[smem:$0x3FAF] =	sst s0;
	s0 =	simm.s32 @!p1 $0x0  }
0x14: {  	s2 =	sld [smem:$0x3F93];
	s0 =	simm.s32 @p1 $0x1  }
0x15: {  	[smem:$0x3FB0] =	sst s0;
	s0 =	simm.s32 @!p2 $0x0  }
0x16: {  	s3 =	sld [smem:$0x3FDB];
	s0 =	simm.s32 @p2 $0x1  }
0x17: {  	s4 =	simm.s32 $0x1BF5;
	[smem:$0x3FB2] =	sst s0  }
0x18: {  	s0 =	sld [smem:$0x3F95];
	_ =	swait.ge [sflag:s4], $0x0  }
0x19: {  	s7 =	sld [smem:$0x3F96]  }
0x1a: {  	s8 =	sadd.s32 $0xFFFFE003, lr  }
0x1b: {  	s9 =	sadd.s32 $0xFFFFFEF7, lr;
	s5 =	simm.s32 $0xFFFFFFFF;
	p2 =	slt.u32 s8, $0xFFFFF086  }
0x1c: {  	p1 =	slt.u32 s9, $0xF7A;
	s5 =	simm.s32 @!p2 $0x0  }
0x1d: {  	s5 =	simm.s32 @p1 $0x1;
	p0 =	seq.s32 s7, s2  }
0x1e: {  	s7 =	smul.u32 @!p0 $0xF7A, s2;
	p2 =	seq.s32 @!p0 s5, $0x0  }
0x1f: {  	s9 =	smul.u32 $0xF7A, s1;
	s8 =	simm.s32 @!p0 $0x1BF5;
	p2 =	por !p2, p0  }
0x20: {  	[sflag:s8] =	ssyncset.s32 @!p0 $0xFFFFF086;
	s6 =	sadd.s32 @!p0 s3, s7;
	s7 =	simm.s32 @!p0 $0x108  }
0x21: {  	s3 =	sadd.s32 s3, s9;
	s6 =	sadd.s32 @!p0 $0x88, s6;
	s7 =	simm.s32 @p2 $0x1082  }
0x22: {  	[simem:s7], [sflag:s8] =	dma.local @!p0 [hbm:s6], $0xF7A  }
0x23: {  	s9 =	sor.u32 $0xD0000000, s2;
	s6 =	simm.s32 $0x108;
	_ =	swait.ge @!p0 [sflag:s8], $0x0  }
0x24: {  	s3 =	sadd.s32 $0x88, s3;
	s6 =	simm.s32 @!p1 $0x1082;
	[sflag:s4] =	ssyncset.s32 $0xFFFFF086  }
0x25: {  	[simem:s6], [sflag:s4] =	dma.local [hbm:s3], $0xF7A  }
0x26: {  	[smem:$0x3F96] =	sst s1;
	(tag) =	ssettag s2;
	_ =	strace s9  }
0x27: {  	s1 =	sld [smem:$0x3FA6]  }
0x28: {  	s2 =	sld [smem:$0x3FA7]  }
0x29: {  	s4 =	sld [smem:$0x3FA9]  }
0x2a: {  	p0 =	seq.s32 s5, $0x0;
	s5 =	sld [smem:$0x3FAA]  }
0x2b: {  	s6 =	sld [smem:$0x3FAB]  }
0x2c: {  	s7 =	sld [smem:$0x3FAC]  }
0x2d: {  	s3 =	simm.s32 $0x108;
	s8 =	sld [smem:$0x3FAD]  }
0x2e: {  	s3 =	simm.s32 @!p0 $0x1082;
	s9 =	sld [smem:$0x3FAE]  }
0x2f: {  	lr =	sadd.s32 s0, s3;
	s0 =	sld [smem:$0x3FA5]  }
0x30: {  	s3 =	sld [smem:$0x3FA8]  }
0x31: {  	[smem:$0x3FB1] =	sst s10  }
0x32: {  	s10 =	sld [smem:$0x3FAF];
	_ =	sdelay $0x3  }
0x33: {  	p0 =	seq.s32 s10, $0x1;
	s10 =	sld [smem:$0x3FB1];
	_ =	sdelay $0x3  }
0x34: {  	[smem:$0x3FB1] =	sst s10  }
0x35: {  	s10 =	sld [smem:$0x3FB0];
	_ =	sdelay $0x3  }
0x36: {  	p1 =	seq.s32 s10, $0x1;
	s10 =	sld [smem:$0x3FB1];
	_ =	sdelay $0x3  }
0x37: {  	[smem:$0x3FB1] =	sst s10  }
0x38: {  	s10 =	sld [smem:$0x3FB2]  }
0x39: {  	_ = 	snop;
	(pc) =	sbr.ind lr, $3  }
0x3a: {  	_ = 	snop  }
0x3b: {  	_ = 	snop  }
0x3c: {  	p2 =	seq.s32 s10, $0x1;
	s10 =	sld [smem:$0x3FB1]  }
0x3d: {  	_ =	shalt  }
0x3e: {  	_ =	shalt  }
0x3f: {  	_ =	shalt  }
0x40: {  	_ =	shalt  }
0x41: {  	_ =	shalt  }
0x42: {  	_ =	shalt  }
0x43: {  	_ =	shalt  }
0x44: {  	_ =	shalt  }
0x45: {  	_ =	shalt  }
0x46: {  	_ =	shalt  }
0x47: {  	_ =	shalt  }
0x48: {  	_ =	shalt  }
0x49: {  	_ =	shalt  }
0x4a: {  	_ =	shalt  }
0x4b: {  	_ =	shalt  }
0x4c: {  	_ =	shalt  }
0x4d: {  	_ =	shalt  }
0x4e: {  	_ =	shalt  }
0x4f: {  	_ =	shalt  }
0x50: {  	_ =	shalt  }
0x51: {  	_ =	shalt  }
0x52: {  	_ =	shalt  }
0x53: {  	_ =	shalt  }
0x54: {  	_ =	shalt  }
0x55: {  	_ =	shalt  }
0x56: {  	_ =	shalt  }
0x57: {  	_ =	shalt  }
0x58: {  	_ =	shalt  }
0x59: {  	_ =	shalt  }
0x5a: {  	_ =	shalt  }
0x5b: {  	_ =	shalt  }
0x5c: {  	_ =	shalt  }
0x5d: {  	_ =	shalt  }
0x5e: {  	_ =	shalt  }
0x5f: {  	_ =	shalt  }
0x60: {  	_ =	shalt  }
0x61: {  	_ =	shalt  }
0x62: {  	_ =	shalt  }
0x63: {  	_ =	shalt  }
0x64: {  	_ =	shalt  }
0x65: {  	_ =	shalt  }
0x66: {  	_ =	shalt  }
0x67: {  	_ =	shalt  }
0x68: {  	_ =	shalt  }
0x69: {  	_ =	shalt  }
0x6a: {  	_ =	shalt  }
0x6b: {  	_ =	shalt  }
0x6c: {  	_ =	shalt  }
0x6d: {  	_ =	shalt  }
0x6e: {  	_ =	shalt  }
0x6f: {  	_ =	shalt  }
0x70: {  	_ =	shalt  }
0x71: {  	_ =	shalt  }
0x72: {  	_ =	shalt  }
0x73: {  	_ =	shalt  }
0x74: {  	_ =	shalt  }
0x75: {  	_ =	shalt  }
0x76: {  	_ =	shalt  }
0x77: {  	_ =	shalt  }
0x78: {  	_ =	shalt  }
0x79: {  	_ =	shalt  }
0x7a: {  	_ =	shalt  }
0x7b: {  	_ =	shalt  }
0x7c: {  	_ =	shalt  }
0x7d: {  	_ =	shalt  }
0x7e: {  	_ =	shalt  }
0x7f: {  	_ =	shalt  }
0x80: {  	_ =	shalt  }
0x81: {  	_ =	shalt  }
0x82: {  	_ =	shalt  }
0x83: {  	_ =	shalt  }
0x84: {  	_ =	shalt  }
0x85: {  	_ =	shalt  }
0x86: {  	_ =	shalt  }
0x87: {  	_ =	shalt  }
.Lfunc_end0:
.L_simem_size_0:
called_computation.2_lowered:
.L_overlay_start_0:
0x88: {  	s2 =	sld [smem:$0x3FD9]  }
0x89: {  	s3 =	sld [smem:$0x3FFE];
	_ =	sdelay $0x1  }
0x8a: {  	s1 =	srdreg.scid  }
0x8b: {  	s0 =	sand.u32 $0x1, s1  }
0x8c: {  	s16 =	sshll.u32 s0, $0xA;
	s2 =	sadd.s32 s3, s2  }
0x8d: {  	s2 =	sadd.s32 s2, s16  }
0x8e: {  	[smem:$0x3FBD] =	sst s2  }
0x8f: {  	_ = 	snop  }
0x90: {  	(tm) =	ssettm $0x1  }
0x91: {  	s17 =	sld [smem:$0x3FFB];
	_ =	sdelay $0x3  }
0x92: {  	_ =	strace s17  }
0x93: {  	s2 =	sld [smem:$0x3FFC];
	_ =	sdelay $0x3  }
0x94: {  	_ =	strace s2  }
0x95: {  	s2 =	sld [smem:$0x3FFD];
	_ =	sdelay $0x3  }
0x96: {  	_ =	strace s2  }
0x97: {  	_ =	strace $0x8FFFFFFF  }
0x98: {  	s18 =	sld [smem:$0x3FDB];
	_ =	sdelay $0x1  }
0x99: {  	s19 =	simm.s32 $_scs_section_size  }
0x9a: {  	s4 =	simm.s32 $_size__tile_overlayer_lowered;
	s5 =	simm.s32 $_tile_overlayer_lowered  }
0x9b: {  	s22 =	simm.s32 $0x1BFF;
	s21 =	sshll.u32 s5, $0x1;
	s2 =	sadd.s32 s19, s18  }
0x9c: {  	s6 =	simm.s32 $0x0;
	s20 =	sshll.u32 s4, $0x1;
	s4 =	sadd.s32 s21, s2  }
0x9d: {  	[timem:s6], [sflag:s22] =	dma.local [hbm:s4], s20  }
0x9e: {  	_ =	swait.ge [sflag:s22], s20  }
0x9f: {  	s3 =	ssub.s32 $0x0, s20;
	[sflag:s22] =	ssyncset.done $0x0  }
0xa0: {  	[sflag:s22] =	ssyncadd.s32 s3;
	_ =	sdelay $0x1  }
0xa1: {  	s23 =	simm.s32 $0x1B8B  }
0xa2: {  	_ =	swait.ge [sflag:s23], $0x1  }
0xa3: {  	[sflag:s23] =	ssyncset.done $0x0  }
0xa4: {  	s25 =	simm.s32 $0x1B8E;
	s24 =	sld [smem:$0x3FFE];
	[sflag:s23] =	ssyncadd.s32 $0xFFFFFFFF  }
0xa5: {  	s26 =	simm.s32 $execute0_lowered;
	[smem:$0x3FD2] =	sst s25  }
0xa6: {  	s4 =	sshll.u32 s26, $0x1;
	_ =	strace $0x8000004C;
	[dreg:$0x1] =	wrdreg $0xFFFFFFFF  }
0xa7: {  	s28 =	simm.s32 $_size_execute0_lowered;
	s2 =	sadd.s32 s2, s4;
	[dreg:$0x0] =	wrdreg $0x0  }
0xa8: {  	s4 =	sshll.u32 s28, $0x1;
	[dreg:$0x2] =	wrdreg s2  }
0xa9: {  	[dreg:$0x3] =	wrdreg s4  }
0xaa: {  	[dreg:$0x4] =	wrdreg $0xC0  }
0xab: {  	_ =	task [dreg:s6], $0x5FFFF  }
0xac: {  	[dreg:$0x1] =	wrdreg $0xFFFFFFFF  }
0xad: {  	[dreg:$0x0] =	wrdreg $0x60  }
0xae: {  	[dreg:$0x2] =	wrdreg s24  }
0xaf: {  	[dreg:$0x3] =	wrdreg $0x18B800  }
0xb0: {  	[dreg:$0x4] =	wrdreg $0x9  }
0xb1: {  	_ =	task.clear_ibuf [dreg:s6], $0x5FFFF;
	_ =	strace $0x9000004C  }
0xb2: {  	s29 =	simm.s32 $0x9;
	_ =	strace $0x8000004E  }
0xb3: {  	_ =	swait.ge [sflag:s29], $0x1  }
0xb4: {  	[sflag:s29] =	ssyncadd.s32 $0xFFFFFFFF  }
0xb5: {  	_ =	strace $0x9000004E  }
0xb6: {  	_ =	sfence  }
0xb7: {  	s30 =	sld [smem:$0x0];
	_ =	sdelay $0x2  }
0xb8: {  	s31 =	sshll.u32 s1, $0xD;
	s1 =	sshrl.u32 s1, $0x2  }
0xb9: {  	s3 =	sand.u32 $0x4000, s31;
	s1 =	sadd.s32 s1, s30  }
0xba: {  	s0 =	sor.u32 s3, s0;
	s1 =	sshll.u32 s1, $0x11  }
0xbb: {  	s0 =	sor.u32 s1, s0  }
0xbc: {  	s0 =	sadd.s32 $0x8F2B, s0  }
0xbd: {  	[sflag:s0] =	ssyncadd.remote.s32 $0x1  }
0xbe: {  	_ =	sfence.sel $0xFFFF  }
0xbf: {  	[dreg:$0x0] =	wrdreg $0xFFFFFFFF;
	(pc) =	sbr.abs _section_cstart, $3  }
0xc0: {  	[dreg:$0x1] =	wrdreg $0xFFFFFFFF  }
0xc1: {  	_ =	task.clear_ibuf [dreg:s6], $0x2FFFF;
	_ =	strace $0x9FFFFFFF  }
0xc2: {  	(tm) =	ssettm $0x7FFFFFFF  }
0xc3: {  	_ =	shalt  }
tec
execute0_lowered:
.L_overlay_start_1:
0x0: {  	(tag) =	ssettag $0x1  }
0x1: {  	s8 =	rddreg [dreg:$0x0];
	s2 =	simm.s32 $0x0  }
0x2: {  	v0 =	vimm.f32 $0.0e+00;
	[smem:$0x7FF] =	sst s2  }
0x3: {  	s1 =	rddreg [dreg:$0x1];
	_ =	strace $0x8000004D;
	[tilespmem:$0x187B0] =	vst v0  }
0x4: {  	[tilespmem:$0x187C0] =	vst v0  }
0x5: {  	[tilespmem:$0x187D0] =	vst v0  }
0x6: {  	[tilespmem:$0x187E0] =	vst v0  }
0x7: {  	[tilespmem:$0x187F0] =	vst v0  }
0x8: {  	[tilespmem:$0x18800] =	vst v0  }
0x9: {  	[tilespmem:$0x18810] =	vst v0  }
0xa: {  	[tilespmem:$0x18820] =	vst v0  }
0xb: {  	[tilespmem:$0x18830] =	vst v0  }
0xc: {  	[tilespmem:$0x18840] =	vst v0  }
0xd: {  	[tilespmem:$0x18850] =	vst v0  }
0xe: {  	[tilespmem:$0x18860] =	vst v0  }
0xf: {  	[tilespmem:$0x18870] =	vst v0  }
0x10: {  	[tilespmem:$0x18880] =	vst v0  }
0x11: {  	[tilespmem:$0x18890] =	vst v0  }
0x12: {  	[tilespmem:$0x188A0] =	vst v0  }
0x13: {  	[tilespmem:$0x188B0] =	vst v0  }
0x14: {  	[tilespmem:$0x188C0] =	vst v0  }
0x15: {  	[tilespmem:$0x188D0] =	vst v0  }
0x16: {  	[tilespmem:$0x188E0] =	vst v0  }
0x17: {  	[tilespmem:$0x188F0] =	vst v0  }
0x18: {  	[tilespmem:$0x18900] =	vst v0  }
0x19: {  	[tilespmem:$0x18910] =	vst v0  }
0x1a: {  	[tilespmem:$0x18920] =	vst v0  }
0x1b: {  	[tilespmem:$0x18930] =	vst v0  }
0x1c: {  	[tilespmem:$0x18940] =	vst v0  }
0x1d: {  	[tilespmem:$0x18950] =	vst v0  }
0x1e: {  	[tilespmem:$0x18960] =	vst v0  }
0x1f: {  	s10 =	simm.s32 $0x4F0;
	[tilespmem:$0x18970] =	vst v0  }
0x20: {  	s11 =	simm.s32 $0x768;
	[tilespmem:$0x18980] =	vst v0;
	[dreg:$0x10] =	wrdreg s10  }
0x21: {  	s12 =	simm.s32 $0x9E0;
	[tilespmem:$0x18780] =	vst v0;
	[dreg:$0x11] =	wrdreg s11  }
0x22: {  	s0 =	stileid.u32;
	s13 =	simm.s32 $0xC58;
	[tilespmem:$0x18B70] =	vst v0;
	[dreg:$0x12] =	wrdreg s12  }
0x23: {  	s14 =	simm.s32 $0xED0;
	s4 =	smul.u32 $0xA000, s0;
	[tilespmem:$0x18B60] =	vst v0;
	[dreg:$0x13] =	wrdreg s13  }
0x24: {  	s15 =	simm.s32 $0x1148;
	[tilespmem:$0x18B50] =	vst v0;
	[dreg:$0x14] =	wrdreg s14  }
0x25: {  	s16 =	simm.s32 $0x29F8;
	[tilespmem:$0x18B40] =	vst v0;
	[dreg:$0x15] =	wrdreg s15;
	s4 =	sshrl.u32 s4, $0x2  }
0x26: {  	s17 =	simm.s32 $0x2C70;
	[tilespmem:$0x18B30] =	vst v0;
	[dreg:$0x16] =	wrdreg s16;
	s4 =	sadd.s32 s4, s1  }
0x27: {  	[tilespmem:$0x18B20] =	vst v0;
	[dreg:$0x17] =	wrdreg s17;
	s6 =	sadd.s32 $0x400, s4  }
0x28: {  	[tilespmem:$0x18B10] =	vst v0;
	s18 =	sadd.s32 $0x800, s4;
	[dreg:$0x3] =	wrdreg s6  }
0x29: {  	s5 =	srdreg.scid;
	[tilespmem:$0x18B00] =	vst v0;
	s20 =	sadd.s32 $0xC00, s4;
	[dreg:$0x4] =	wrdreg s18  }
0x2a: {  	s28 =	sand.u32 $0x1, s5;
	[tilespmem:$0x18AF0] =	vst v0;
	s21 =	sadd.s32 $0x1000, s4;
	[dreg:$0x5] =	wrdreg s20  }
0x2b: {  	s19 =	sshll.u32 s0, $0x5;
	[tilespmem:$0x18AE0] =	vst v0;
	s22 =	sadd.s32 $0x1400, s4;
	[dreg:$0x6] =	wrdreg s21  }
0x2c: {  	s24 =	smul.u32 $0x500, s0;
	[tilespmem:$0x18AD0] =	vst v0;
	s23 =	sadd.s32 $0x1800, s4;
	[dreg:$0x7] =	wrdreg s22  }
0x2d: {  	s7 =	sshll.u32 s28, $0x4;
	[tilespmem:$0x18AC0] =	vst v0;
	s25 =	sadd.s32 $0x1C00, s4;
	[dreg:$0x8] =	wrdreg s23  }
0x2e: {  	s9 =	smul.u32 $0x5000, s28;
	[tilespmem:$0x18AB0] =	vst v0;
	s26 =	sadd.s32 $0x2000, s4;
	[dreg:$0x9] =	wrdreg s25  }
0x2f: {  	[tilespmem:$0x18AA0] =	vst v0;
	s31 =	sadd.s32 $0x2400, s4;
	s6 =	sor.u32 s7, s19;
	[dreg:$0xa] =	wrdreg s26  }
0x30: {  	[tilespmem:$0x18A90] =	vst v0;
	s7 =	sadd.s32 s24, s9;
	[dreg:$0xb] =	wrdreg s31;
	s9 =	simm.s32 $0x278  }
0x31: {  	[tilespmem:$0x18A80] =	vst v0;
	s18 =	simm.s32 $0x2EE8;
	[dreg:$0xf] =	wrdreg s9  }
0x32: {  	[tilespmem:$0x18A70] =	vst v0;
	s19 =	simm.s32 $0x3160;
	[dreg:$0x18] =	wrdreg s18  }
0x33: {  	[tilespmem:$0x18A60] =	vst v0;
	s20 =	simm.s32 $0x33D8;
	[dreg:$0x19] =	wrdreg s19  }
0x34: {  	[tilespmem:$0x18A50] =	vst v0;
	s21 =	simm.s32 $0x3650;
	[dreg:$0x1a] =	wrdreg s20  }
0x35: {  	[tilespmem:$0x18A40] =	vst v0;
	s22 =	simm.s32 $0x38C8;
	[dreg:$0x1b] =	wrdreg s21  }
0x36: {  	[tilespmem:$0x18A30] =	vst v0;
	s23 =	simm.s32 $0x13C0;
	[dreg:$0x1c] =	wrdreg s22  }
0x37: {  	[tilespmem:$0x18A20] =	vst v0;
	s24 =	simm.s32 $0x1638;
	[dreg:$0x1d] =	wrdreg s23  }
0x38: {  	[tilespmem:$0x18A10] =	vst v0;
	s25 =	simm.s32 $0x18B0;
	[dreg:$0x1e] =	wrdreg s24  }
0x39: {  	[tilespmem:$0x18A00] =	vst v0;
	s26 =	simm.s32 $0x1B28;
	[dreg:$0x1f] =	wrdreg s25  }
0x3a: {  	[tilespmem:$0x189F0] =	vst v0;
	s31 =	simm.s32 $0x1DA0;
	s6 =	smul.u32 $0x4F, s6;
	[smem:$0x7F8] =	sst s26  }
0x3b: {  	[tilespmem:$0x189E0] =	vst v0;
	s7 =	sadd.s32 s7, s8;
	[smem:$0x7F9] =	sst s31;
	s9 =	simm.s32 $0x3B40  }
0x3c: {  	[tilespmem:$0x189D0] =	vst v0;
	s7 =	sadd.s32 $0x10C00, s7;
	[smem:$0x7FD] =	sst s9  }
0x3d: {  	[tilespmem:$0x189C0] =	vst v0;
	s6 =	sadd.s32 s6, s8;
	[dreg:$0xe] =	wrdreg s7;
	s7 =	simm.s32 $0x2508  }
0x3e: {  	[tilespmem:$0x189B0] =	vst v0;
	s3 =	sadd.s32 $0x5C800, s6;
	[smem:$0x7FC] =	sst s7  }
0x3f: {  	[tilespmem:$0x189A0] =	vst v0;
	s6 =	sadd.s32 $0x1E00, s6;
	[dreg:$0xc] =	wrdreg s3  }
0x40: {  	[tilespmem:$0x187A0] =	vst v0;
	[dreg:$0xd] =	wrdreg s6;
	s3 =	simm.s32 $0x2018  }
0x41: {  	[tilespmem:$0x18990] =	vst v0;
	s6 =	simm.s32 $0x2290;
	[smem:$0x7FA] =	sst s3  }
0x42: {  	s5 =	simm.s32 $0x3;
	[tilespmem:$0x18790] =	vst v0;
	[smem:$0x7FB] =	sst s6;
	s6 =	simm.s32 $0x18780  }
0x43: {  	[spmem:s4] =	stream.linear.scatter [tilespmem:s6], [sflag:$0x3], $0x400, $0x38;
	[tilespmem:$0x1B380] =	vst v63  }
0x44: {  	_ =	swait.ge [sflag:s5], $0x400  }
0x45: {  	[sflag:s5] =	ssyncset.done $0x0  }
0x46: {  	s10 =	rddreg [dreg:$0x3];
	[sflag:s5] =	ssyncadd.s32 $0xFFFFFC00  }
0x47: {  	[spmem:s10] =	stream.linear.scatter [tilespmem:s6], [sflag:$0x3], $0x400, $0x38;
	[tilespmem:$0x1B380] =	vst v63  }
0x48: {  	_ =	swait.ge [sflag:s5], $0x400  }
0x49: {  	[sflag:s5] =	ssyncset.done $0x0  }
0x4a: {  	s11 =	rddreg [dreg:$0x4];
	[sflag:s5] =	ssyncadd.s32 $0xFFFFFC00  }
0x4b: {  	[spmem:s11] =	stream.linear.scatter [tilespmem:s6], [sflag:$0x3], $0x400, $0x38;
	[tilespmem:$0x1B380] =	vst v63  }
0x4c: {  	_ =	swait.ge [sflag:s5], $0x400  }
0x4d: {  	[sflag:s5] =	ssyncset.done $0x0  }
0x4e: {  	s12 =	rddreg [dreg:$0x5];
	[sflag:s5] =	ssyncadd.s32 $0xFFFFFC00  }
0x4f: {  	[spmem:s12] =	stream.linear.scatter [tilespmem:s6], [sflag:$0x3], $0x400, $0x38;
	[tilespmem:$0x1B380] =	vst v63  }
0x50: {  	_ =	swait.ge [sflag:s5], $0x400  }
0x51: {  	[sflag:s5] =	ssyncset.done $0x0  }
0x52: {  	s13 =	rddreg [dreg:$0x6];
	[sflag:s5] =	ssyncadd.s32 $0xFFFFFC00  }
0x53: {  	[spmem:s13] =	stream.linear.scatter [tilespmem:s6], [sflag:$0x3], $0x400, $0x38;
	[tilespmem:$0x1B380] =	vst v63  }
0x54: {  	_ =	swait.ge [sflag:s5], $0x400  }
0x55: {  	[sflag:s5] =	ssyncset.done $0x0  }
0x56: {  	s14 =	rddreg [dreg:$0x7];
	[sflag:s5] =	ssyncadd.s32 $0xFFFFFC00  }
0x57: {  	[spmem:s14] =	stream.linear.scatter [tilespmem:s6], [sflag:$0x3], $0x400, $0x38;
	[tilespmem:$0x1B380] =	vst v63  }
0x58: {  	_ =	swait.ge [sflag:s5], $0x400  }
0x59: {  	[sflag:s5] =	ssyncset.done $0x0  }
0x5a: {  	s15 =	rddreg [dreg:$0x8];
	[sflag:s5] =	ssyncadd.s32 $0xFFFFFC00  }
0x5b: {  	[spmem:s15] =	stream.linear.scatter [tilespmem:s6], [sflag:$0x3], $0x400, $0x38;
	[tilespmem:$0x1B380] =	vst v63  }
0x5c: {  	_ =	swait.ge [sflag:s5], $0x400  }
0x5d: {  	[sflag:s5] =	ssyncset.done $0x0  }
0x5e: {  	s16 =	rddreg [dreg:$0x9];
	[sflag:s5] =	ssyncadd.s32 $0xFFFFFC00  }
0x5f: {  	[spmem:s16] =	stream.linear.scatter [tilespmem:s6], [sflag:$0x3], $0x400, $0x38;
	[tilespmem:$0x1B380] =	vst v63  }
0x60: {  	_ =	swait.ge [sflag:s5], $0x400  }
0x61: {  	[sflag:s5] =	ssyncset.done $0x0  }
0x62: {  	s17 =	rddreg [dreg:$0xa];
	[sflag:s5] =	ssyncadd.s32 $0xFFFFFC00  }
0x63: {  	[spmem:s17] =	stream.linear.scatter [tilespmem:s6], [sflag:$0x3], $0x400, $0x38;
	[tilespmem:$0x1B380] =	vst v63  }
0x64: {  	_ =	swait.ge [sflag:s5], $0x400  }
0x65: {  	[sflag:s5] =	ssyncset.done $0x0  }
0x66: {  	s18 =	rddreg [dreg:$0xb];
	[sflag:s5] =	ssyncadd.s32 $0xFFFFFC00  }
0x67: {  	[spmem:s18] =	stream.linear.scatter [tilespmem:s6], [sflag:$0x3], $0x400, $0x38;
	[tilespmem:$0x1B380] =	vst v63  }
0x68: {  	_ =	swait.ge [sflag:s5], $0x400  }
0x69: {  	[sflag:s5] =	ssyncset.done $0x0  }
0x6a: {  	s19 =	rddreg [dreg:$0xc];
	[sflag:s5] =	ssyncadd.s32 $0xFFFFFC00  }
0x6b: {  	[tilespmem:s2], [sflag:$0x3] =	stream.linear.gather [hbm4b:s19+s2], $0x2780, $0x38;
	[tilespmem:$0x1B380] =	vst v63  }
0x6c: {  	_ =	swait.ge [sflag:s5], $0x2780  }
0x6d: {  	[sflag:s5] =	ssyncset.done $0x0  }
0x6e: {  	s7 =	simm.s32 $0x2780;
	s20 =	rddreg [dreg:$0xd];
	[sflag:s5] =	ssyncadd.s32 $0xFFFFD880  }
0x6f: {  	[tilespmem:s7], [sflag:$0x3] =	stream.linear.gather [hbm4b:s20+s2], $0x2780, $0x38;
	[tilespmem:$0x1B380] =	vst v63  }
0x70: {  	_ =	swait.ge [sflag:s5], $0x2780  }
0x71: {  	[sflag:s5] =	ssyncset.done $0x0  }
0x72: {  	s9 =	simm.s32 $0x271;
	[sflag:s5] =	ssyncadd.s32 $0xFFFFD880  }
0x73: {  	s8 =	sadd.s32 $0xBC00, s8;
	s10 =	simm.s32 $0x4F00;
	[bflag:$0x0] =	sbarrier.arrive $0xFFFF  }
0x74: {  	[tilespmem:s10], [sflag:$0x1] =	stream.indirect.gather [hbm4b:s8+s9], $0x10, s2, s9, $0xb8;
	[tilespmem:$0x1B380] =	vst v63  }
0x75: {  	s11 =	simm.s32 $0x7610;
	s12 =	rddreg [dreg:$0xf]  }
0x76: {  	[tilespmem:s11], [sflag:$0x1] =	stream.indirect.gather [hbm4b:s8+s9], $0x10, s12, s9, $0xb8;
	[tilespmem:$0x1B380] =	vst v63  }
0x77: {  	s13 =	rddreg [dreg:$0x10];
	s12 =	simm.s32 $0x9D20  }
0x78: {  	[tilespmem:s12], [sflag:$0x1] =	stream.indirect.gather [hbm4b:s8+s9], $0x10, s13, s9, $0xb8;
	[tilespmem:$0x1B380] =	vst v63  }
0x79: {  	s14 =	rddreg [dreg:$0x11];
	s13 =	simm.s32 $0xC430  }
0x7a: {  	[tilespmem:s13], [sflag:$0x1] =	stream.indirect.gather [hbm4b:s8+s9], $0x10, s14, s9, $0xb8;
	[tilespmem:$0x1B380] =	vst v63  }
0x7b: {  	s15 =	rddreg [dreg:$0x12];
	s14 =	simm.s32 $0xEB40  }
0x7c: {  	[tilespmem:s14], [sflag:$0x1] =	stream.indirect.gather [hbm4b:s8+s9], $0x10, s15, s9, $0xb8;
	[tilespmem:$0x1B380] =	vst v63  }
0x7d: {  	s16 =	rddreg [dreg:$0x13];
	s15 =	simm.s32 $0x11250  }
0x7e: {  	[tilespmem:s15], [sflag:$0x1] =	stream.indirect.gather [hbm4b:s8+s9], $0x10, s16, s9, $0xb8;
	[tilespmem:$0x1B380] =	vst v63  }
0x7f: {  	s17 =	rddreg [dreg:$0x14];
	s16 =	simm.s32 $0x13960  }
0x80: {  	[tilespmem:s16], [sflag:$0x1] =	stream.indirect.gather [hbm4b:s8+s9], $0x10, s17, s9, $0xb8;
	[tilespmem:$0x1B380] =	vst v63  }
0x81: {  	s18 =	simm.s32 $0x1;
	s19 =	rddreg [dreg:$0x15];
	s17 =	simm.s32 $0x16070  }
0x82: {  	[tilespmem:s17], [sflag:$0x1] =	stream.indirect.gather [hbm4b:s8+s9], $0x10, s19, s9, $0xb8;
	[tilespmem:$0x1B380] =	vst v63  }
0x83: {  	_ =	swait.ge [sflag:s18], $0x2710  }
0x84: {  	[sflag:s18] =	ssyncset.done $0x0  }
0x85: {  	[sflag:s18] =	ssyncadd.s32 $0xFFFFD8F0  }
0x86: {  	[spmem:s1] =	stream.indirect.scatter.add.f32 [tilespmem:s10], [sflag:$0x2], $0x10, s7, s9, $0xb8;
	[tilespmem:$0x1B380] =	vst v63  }
0x87: {  	_ =	swait.ge [sflag:s18], $0x2710  }
0x88: {  	[sflag:s18] =	ssyncset.done $0x0  }
0x89: {  	s21 =	rddreg [dreg:$0x16];
	[sflag:s18] =	ssyncadd.s32 $0xFFFFD8F0  }
0x8a: {  	[spmem:s1] =	stream.indirect.scatter.add.f32 [tilespmem:s11], [sflag:$0x2], $0x10, s21, s9, $0xb8;
	[tilespmem:$0x1B380] =	vst v63  }
0x8b: {  	_ =	swait.ge [sflag:s18], $0x2710  }
0x8c: {  	[sflag:s18] =	ssyncset.done $0x0  }
0x8d: {  	s22 =	rddreg [dreg:$0x17];
	[sflag:s18] =	ssyncadd.s32 $0xFFFFD8F0  }
0x8e: {  	[spmem:s1] =	stream.indirect.scatter.add.f32 [tilespmem:s12], [sflag:$0x2], $0x10, s22, s9, $0xb8;
	[tilespmem:$0x1B380] =	vst v63  }
0x8f: {  	_ =	swait.ge [sflag:s18], $0x2710  }
0x90: {  	[sflag:s18] =	ssyncset.done $0x0  }
0x91: {  	s23 =	rddreg [dreg:$0x18];
	[sflag:s18] =	ssyncadd.s32 $0xFFFFD8F0  }
0x92: {  	[spmem:s1] =	stream.indirect.scatter.add.f32 [tilespmem:s13], [sflag:$0x2], $0x10, s23, s9, $0xb8;
	[tilespmem:$0x1B380] =	vst v63  }
0x93: {  	_ =	swait.ge [sflag:s18], $0x2710  }
0x94: {  	[sflag:s18] =	ssyncset.done $0x0  }
0x95: {  	s24 =	rddreg [dreg:$0x19];
	[sflag:s18] =	ssyncadd.s32 $0xFFFFD8F0  }
0x96: {  	[spmem:s1] =	stream.indirect.scatter.add.f32 [tilespmem:s14], [sflag:$0x2], $0x10, s24, s9, $0xb8;
	[tilespmem:$0x1B380] =	vst v63  }
0x97: {  	_ =	swait.ge [sflag:s18], $0x2710  }
0x98: {  	[sflag:s18] =	ssyncset.done $0x0  }
0x99: {  	s25 =	rddreg [dreg:$0x1a];
	[sflag:s18] =	ssyncadd.s32 $0xFFFFD8F0  }
0x9a: {  	[spmem:s1] =	stream.indirect.scatter.add.f32 [tilespmem:s15], [sflag:$0x2], $0x10, s25, s9, $0xb8;
	[tilespmem:$0x1B380] =	vst v63  }
0x9b: {  	_ =	swait.ge [sflag:s18], $0x2710  }
0x9c: {  	[sflag:s18] =	ssyncset.done $0x0  }
0x9d: {  	s26 =	rddreg [dreg:$0x1b];
	[sflag:s18] =	ssyncadd.s32 $0xFFFFD8F0  }
0x9e: {  	[spmem:s1] =	stream.indirect.scatter.add.f32 [tilespmem:s16], [sflag:$0x2], $0x10, s26, s9, $0xb8;
	[tilespmem:$0x1B380] =	vst v63  }
0x9f: {  	_ =	swait.ge [sflag:s18], $0x2710  }
0xa0: {  	[sflag:s18] =	ssyncset.done $0x0  }
0xa1: {  	s19 =	simm.s32 $0x2;
	s20 =	rddreg [dreg:$0x1c];
	[sflag:s18] =	ssyncadd.s32 $0xFFFFD8F0  }
0xa2: {  	[spmem:s1] =	stream.indirect.scatter.add.f32 [tilespmem:s17], [sflag:$0x2], $0x10, s20, s9, $0xb8;
	[tilespmem:$0x1B380] =	vst v63  }
0xa3: {  	_ =	swait.ge [sflag:s19], $0x2710  }
0xa4: {  	[sflag:s19] =	ssyncset.done $0x0  }
0xa5: {  	[sflag:s19] =	ssyncadd.s32 $0xFFFFD8F0  }
0xa6: {  	_ =	swait.ge [sflag:s19], $0x2710  }
0xa7: {  	[sflag:s19] =	ssyncset.done $0x0  }
0xa8: {  	[sflag:s19] =	ssyncadd.s32 $0xFFFFD8F0  }
0xa9: {  	_ =	swait.ge [sflag:s19], $0x2710  }
0xaa: {  	[sflag:s19] =	ssyncset.done $0x0  }
0xab: {  	[sflag:s19] =	ssyncadd.s32 $0xFFFFD8F0  }
0xac: {  	_ =	swait.ge [sflag:s19], $0x2710  }
0xad: {  	[sflag:s19] =	ssyncset.done $0x0  }
0xae: {  	[sflag:s19] =	ssyncadd.s32 $0xFFFFD8F0  }
0xaf: {  	_ =	swait.ge [sflag:s19], $0x2710  }
0xb0: {  	[sflag:s19] =	ssyncset.done $0x0  }
0xb1: {  	[sflag:s19] =	ssyncadd.s32 $0xFFFFD8F0  }
0xb2: {  	_ =	swait.ge [sflag:s19], $0x2710  }
0xb3: {  	[sflag:s19] =	ssyncset.done $0x0  }
0xb4: {  	[sflag:s19] =	ssyncadd.s32 $0xFFFFD8F0  }
0xb5: {  	_ =	swait.ge [sflag:s19], $0x2710  }
0xb6: {  	[sflag:s19] =	ssyncset.done $0x0  }
0xb7: {  	[sflag:s19] =	ssyncadd.s32 $0xFFFFD8F0  }
0xb8: {  	_ =	swait.ge [sflag:s19], $0x2710  }
0xb9: {  	s31 =	rddreg [dreg:$0x1d];
	[sflag:s19] =	ssyncset.done $0x0  }
0xba: {  	s21 =	rddreg [dreg:$0x1e];
	[sflag:s19] =	ssyncadd.s32 $0xFFFFD8F0  }
0xbb: {  	[tilespmem:s10], [sflag:$0x1] =	stream.indirect.gather [hbm4b:s8+s9], $0x10, s31, s9, $0xb8;
	[tilespmem:$0x1B380] =	vst v63  }
0xbc: {  	s3 =	rddreg [dreg:$0x1f]  }
0xbd: {  	[tilespmem:s11], [sflag:$0x1] =	stream.indirect.gather [hbm4b:s8+s9], $0x10, s21, s9, $0xb8;
	[tilespmem:$0x1B380] =	vst v63  }
0xbe: {  	s22 =	sld [smem:$0x7F8]  }
0xbf: {  	[tilespmem:s12], [sflag:$0x1] =	stream.indirect.gather [hbm4b:s8+s9], $0x10, s3, s9, $0xb8;
	[tilespmem:$0x1B380] =	vst v63  }
0xc0: {  	s23 =	sld [smem:$0x7F9]  }
0xc1: {  	[tilespmem:s13], [sflag:$0x1] =	stream.indirect.gather [hbm4b:s8+s9], $0x10, s22, s9, $0xb8;
	[tilespmem:$0x1B380] =	vst v63  }
0xc2: {  	s24 =	sld [smem:$0x7FA]  }
0xc3: {  	[tilespmem:s14], [sflag:$0x1] =	stream.indirect.gather [hbm4b:s8+s9], $0x10, s23, s9, $0xb8;
	[tilespmem:$0x1B380] =	vst v63  }
0xc4: {  	s25 =	sld [smem:$0x7FB]  }
0xc5: {  	[tilespmem:s15], [sflag:$0x1] =	stream.indirect.gather [hbm4b:s8+s9], $0x10, s24, s9, $0xb8;
	[tilespmem:$0x1B380] =	vst v63  }
0xc6: {  	s26 =	sld [smem:$0x7FC]  }
0xc7: {  	[tilespmem:s16], [sflag:$0x1] =	stream.indirect.gather [hbm4b:s8+s9], $0x10, s25, s9, $0xb8;
	[tilespmem:$0x1B380] =	vst v63  }
0xc8: {  	_ = 	snop  }
0xc9: {  	[tilespmem:s17], [sflag:$0x1] =	stream.indirect.gather [hbm4b:s8+s9], $0x10, s26, s9, $0xb8;
	[tilespmem:$0x1B380] =	vst v63  }
0xca: {  	_ =	swait.ge [sflag:s18], $0x2710  }
0xcb: {  	s31 =	sld [smem:$0x7FD]  }
0xcc: {  	[sflag:s18] =	ssyncset.done $0x0  }
0xcd: {  	[sflag:s18] =	ssyncadd.s32 $0xFFFFD8F0  }
0xce: {  	[spmem:s1] =	stream.indirect.scatter.add.f32 [tilespmem:s10], [sflag:$0x2], $0x10, s31, s9, $0xb8;
	[tilespmem:$0x1B380] =	vst v63  }
0xcf: {  	_ =	swait.ge [sflag:s18], $0x2710  }
0xd0: {  	[sflag:s18] =	ssyncset.done $0x0  }
0xd1: {  	s20 =	simm.s32 $0x3DB8;
	[sflag:s18] =	ssyncadd.s32 $0xFFFFD8F0  }
0xd2: {  	[spmem:s1] =	stream.indirect.scatter.add.f32 [tilespmem:s11], [sflag:$0x2], $0x10, s20, s9, $0xb8;
	[tilespmem:$0x1B380] =	vst v63  }
0xd3: {  	_ =	swait.ge [sflag:s18], $0x2710  }
0xd4: {  	[sflag:s18] =	ssyncset.done $0x0  }
0xd5: {  	s21 =	simm.s32 $0x4030;
	[sflag:s18] =	ssyncadd.s32 $0xFFFFD8F0  }
0xd6: {  	[spmem:s1] =	stream.indirect.scatter.add.f32 [tilespmem:s12], [sflag:$0x2], $0x10, s21, s9, $0xb8;
	[tilespmem:$0x1B380] =	vst v63  }
0xd7: {  	_ =	swait.ge [sflag:s18], $0x2710  }
0xd8: {  	[sflag:s18] =	ssyncset.done $0x0  }
0xd9: {  	s22 =	simm.s32 $0x42A8;
	[sflag:s18] =	ssyncadd.s32 $0xFFFFD8F0  }
0xda: {  	[spmem:s1] =	stream.indirect.scatter.add.f32 [tilespmem:s13], [sflag:$0x2], $0x10, s22, s9, $0xb8;
	[tilespmem:$0x1B380] =	vst v63  }
0xdb: {  	_ =	swait.ge [sflag:s18], $0x2710  }
0xdc: {  	[sflag:s18] =	ssyncset.done $0x0  }
0xdd: {  	s23 =	simm.s32 $0x4520;
	[sflag:s18] =	ssyncadd.s32 $0xFFFFD8F0  }
0xde: {  	[spmem:s1] =	stream.indirect.scatter.add.f32 [tilespmem:s14], [sflag:$0x2], $0x10, s23, s9, $0xb8;
	[tilespmem:$0x1B380] =	vst v63  }
0xdf: {  	_ =	swait.ge [sflag:s18], $0x2710  }
0xe0: {  	[sflag:s18] =	ssyncset.done $0x0  }
0xe1: {  	s24 =	simm.s32 $0x4798;
	[sflag:s18] =	ssyncadd.s32 $0xFFFFD8F0  }
0xe2: {  	[spmem:s1] =	stream.indirect.scatter.add.f32 [tilespmem:s15], [sflag:$0x2], $0x10, s24, s9, $0xb8;
	[tilespmem:$0x1B380] =	vst v63  }
0xe3: {  	_ =	swait.ge [sflag:s18], $0x2710  }
0xe4: {  	[sflag:s18] =	ssyncset.done $0x0  }
0xe5: {  	s25 =	simm.s32 $0x4A10;
	[sflag:s18] =	ssyncadd.s32 $0xFFFFD8F0  }
0xe6: {  	[spmem:s1] =	stream.indirect.scatter.add.f32 [tilespmem:s16], [sflag:$0x2], $0x10, s25, s9, $0xb8;
	[tilespmem:$0x1B380] =	vst v63  }
0xe7: {  	_ =	swait.ge [sflag:s18], $0x2710  }
0xe8: {  	[sflag:s18] =	ssyncset.done $0x0  }
0xe9: {  	s26 =	simm.s32 $0x4C88;
	[sflag:s18] =	ssyncadd.s32 $0xFFFFD8F0  }
0xea: {  	[spmem:s1] =	stream.indirect.scatter.add.f32 [tilespmem:s17], [sflag:$0x2], $0x10, s26, s9, $0xb8;
	[tilespmem:$0x1B380] =	vst v63  }
0xeb: {  	_ =	swait.ge [sflag:s19], $0x2710  }
0xec: {  	[sflag:s19] =	ssyncset.done $0x0  }
0xed: {  	[sflag:s19] =	ssyncadd.s32 $0xFFFFD8F0  }
0xee: {  	_ =	swait.ge [sflag:s19], $0x2710  }
0xef: {  	[sflag:s19] =	ssyncset.done $0x0  }
0xf0: {  	[sflag:s19] =	ssyncadd.s32 $0xFFFFD8F0  }
0xf1: {  	_ =	swait.ge [sflag:s19], $0x2710  }
0xf2: {  	[sflag:s19] =	ssyncset.done $0x0  }
0xf3: {  	[sflag:s19] =	ssyncadd.s32 $0xFFFFD8F0  }
0xf4: {  	_ =	swait.ge [sflag:s19], $0x2710  }
0xf5: {  	[sflag:s19] =	ssyncset.done $0x0  }
0xf6: {  	[sflag:s19] =	ssyncadd.s32 $0xFFFFD8F0  }
0xf7: {  	_ =	swait.ge [sflag:s19], $0x2710  }
0xf8: {  	[sflag:s19] =	ssyncset.done $0x0  }
0xf9: {  	[sflag:s19] =	ssyncadd.s32 $0xFFFFD8F0  }
0xfa: {  	_ =	swait.ge [sflag:s19], $0x2710  }
0xfb: {  	[sflag:s19] =	ssyncset.done $0x0  }
0xfc: {  	[sflag:s19] =	ssyncadd.s32 $0xFFFFD8F0  }
0xfd: {  	s28 =	ssub.s32 $0x2, s28;
	_ =	swait.ge [sflag:s19], $0x2710  }
0xfe: {  	s29 =	sshrl.u32 s28, $0x1;
	[sflag:s19] =	ssyncset.done $0x0  }
0xff: {  	s3 =	ssub.s32 s28, s29;
	[sflag:s19] =	ssyncadd.s32 $0xFFFFD8F0  }
0x100: {  	s31 =	sshll.u32 s0, $0x6;
	s0 =	smax.u32 s3, $0x1;
	_ =	swait.ge [sflag:s19], $0x2710  }
0x101: {  	p0 =	sne.s32 s0, $0x1;
	[sflag:s19] =	ssyncset.done $0x0  }
.Ltmp0:
0x102: {  	[sflag:s19] =	ssyncadd.s32 $0xFFFFD8F0;
	(pc) =	sbr.rel @!p0 .LBB2_2-.Ltmp0, $4  }
0x103: {  	[bflag:$0x0] =	sbarrier.arrive $0xFFFF  }
0x104: {  	s29 =	sshrl.u32 s4, $0x3;
	s28 =	sor.u32 $0x1C03, s31;
	s30 =	rddreg [dreg:$0xe]  }
0x105: {  	[hbm:s30], [sflag:s28] =	dma.local [spmem:s29], $0x500  }
0x106: {  	s30 =	sadd.s32 $0xFFFFFFFF, s0;
	_ =	swait.ge [sflag:s5], $0x500  }
.LBB2_1:
0x107: {  	[sflag:s5] =	ssyncset.done $0x0  }
0x108: {  	[sflag:s5] =	ssyncadd.s32 $0xFFFFFB00  }
0x109: {  	[tilespmem:$0x187B0] =	vst v0  }
0x10a: {  	[tilespmem:$0x187C0] =	vst v0  }
0x10b: {  	[tilespmem:$0x187D0] =	vst v0  }
0x10c: {  	[tilespmem:$0x187E0] =	vst v0  }
0x10d: {  	[tilespmem:$0x187F0] =	vst v0  }
0x10e: {  	[tilespmem:$0x18800] =	vst v0  }
0x10f: {  	[tilespmem:$0x18810] =	vst v0  }
0x110: {  	[tilespmem:$0x18820] =	vst v0  }
0x111: {  	[tilespmem:$0x18830] =	vst v0  }
0x112: {  	[tilespmem:$0x18840] =	vst v0  }
0x113: {  	[tilespmem:$0x18850] =	vst v0  }
0x114: {  	[tilespmem:$0x18860] =	vst v0  }
0x115: {  	[tilespmem:$0x18870] =	vst v0  }
0x116: {  	[tilespmem:$0x18880] =	vst v0  }
0x117: {  	[tilespmem:$0x18890] =	vst v0  }
0x118: {  	[tilespmem:$0x188A0] =	vst v0  }
0x119: {  	[tilespmem:$0x188B0] =	vst v0  }
0x11a: {  	[tilespmem:$0x188C0] =	vst v0  }
0x11b: {  	[tilespmem:$0x188D0] =	vst v0  }
0x11c: {  	[tilespmem:$0x188E0] =	vst v0  }
0x11d: {  	[tilespmem:$0x188F0] =	vst v0  }
0x11e: {  	[tilespmem:$0x18900] =	vst v0  }
0x11f: {  	[tilespmem:$0x18910] =	vst v0  }
0x120: {  	[tilespmem:$0x18920] =	vst v0  }
0x121: {  	[tilespmem:$0x18930] =	vst v0  }
0x122: {  	[tilespmem:$0x18940] =	vst v0  }
0x123: {  	[tilespmem:$0x18950] =	vst v0  }
0x124: {  	[tilespmem:$0x18960] =	vst v0  }
0x125: {  	[tilespmem:$0x18970] =	vst v0  }
0x126: {  	[tilespmem:$0x18980] =	vst v0  }
0x127: {  	[tilespmem:$0x18780] =	vst v0  }
0x128: {  	[tilespmem:$0x18B70] =	vst v0  }
0x129: {  	[tilespmem:$0x18B60] =	vst v0  }
0x12a: {  	[tilespmem:$0x18B50] =	vst v0  }
0x12b: {  	[tilespmem:$0x18B40] =	vst v0  }
0x12c: {  	[tilespmem:$0x18B30] =	vst v0  }
0x12d: {  	[tilespmem:$0x18B20] =	vst v0  }
0x12e: {  	[tilespmem:$0x18B10] =	vst v0  }
0x12f: {  	[tilespmem:$0x18B00] =	vst v0  }
0x130: {  	[tilespmem:$0x18AF0] =	vst v0  }
0x131: {  	[tilespmem:$0x18AE0] =	vst v0  }
0x132: {  	[tilespmem:$0x18AD0] =	vst v0  }
0x133: {  	[tilespmem:$0x18AC0] =	vst v0  }
0x134: {  	[tilespmem:$0x18AB0] =	vst v0  }
0x135: {  	[tilespmem:$0x18AA0] =	vst v0  }
0x136: {  	[tilespmem:$0x18A90] =	vst v0  }
0x137: {  	[tilespmem:$0x18A80] =	vst v0  }
0x138: {  	[tilespmem:$0x18A70] =	vst v0  }
0x139: {  	[tilespmem:$0x18A60] =	vst v0  }
0x13a: {  	[tilespmem:$0x18A50] =	vst v0  }
0x13b: {  	[tilespmem:$0x18A40] =	vst v0  }
0x13c: {  	[tilespmem:$0x18A30] =	vst v0  }
0x13d: {  	[tilespmem:$0x18A20] =	vst v0  }
0x13e: {  	[tilespmem:$0x18A10] =	vst v0  }
0x13f: {  	[tilespmem:$0x18A00] =	vst v0  }
0x140: {  	[tilespmem:$0x189F0] =	vst v0  }
0x141: {  	[tilespmem:$0x189E0] =	vst v0  }
0x142: {  	[tilespmem:$0x189D0] =	vst v0  }
0x143: {  	[tilespmem:$0x189C0] =	vst v0  }
0x144: {  	[tilespmem:$0x189B0] =	vst v0  }
0x145: {  	[tilespmem:$0x189A0] =	vst v0  }
0x146: {  	[tilespmem:$0x187A0] =	vst v0  }
0x147: {  	[tilespmem:$0x18990] =	vst v0  }
0x148: {  	[tilespmem:$0x18790] =	vst v0  }
0x149: {  	[spmem:s4] =	stream.linear.scatter [tilespmem:s6], [sflag:$0x3], $0x400, $0x38;
	[tilespmem:$0x1B380] =	vst v63  }
0x14a: {  	_ =	swait.ge [sflag:s5], $0x400  }
0x14b: {  	[sflag:s5] =	ssyncset.done $0x0  }
0x14c: {  	s0 =	rddreg [dreg:$0x3];
	[sflag:s5] =	ssyncadd.s32 $0xFFFFFC00  }
0x14d: {  	[spmem:s0] =	stream.linear.scatter [tilespmem:s6], [sflag:$0x3], $0x400, $0x38;
	[tilespmem:$0x1B380] =	vst v63  }
0x14e: {  	_ =	swait.ge [sflag:s5], $0x400  }
0x14f: {  	[sflag:s5] =	ssyncset.done $0x0  }
0x150: {  	s3 =	rddreg [dreg:$0x4];
	[sflag:s5] =	ssyncadd.s32 $0xFFFFFC00  }
0x151: {  	[spmem:s3] =	stream.linear.scatter [tilespmem:s6], [sflag:$0x3], $0x400, $0x38;
	[tilespmem:$0x1B380] =	vst v63  }
0x152: {  	_ =	swait.ge [sflag:s5], $0x400  }
0x153: {  	[sflag:s5] =	ssyncset.done $0x0  }
0x154: {  	s31 =	rddreg [dreg:$0x5];
	[sflag:s5] =	ssyncadd.s32 $0xFFFFFC00  }
0x155: {  	[spmem:s31] =	stream.linear.scatter [tilespmem:s6], [sflag:$0x3], $0x400, $0x38;
	[tilespmem:$0x1B380] =	vst v63  }
0x156: {  	_ =	swait.ge [sflag:s5], $0x400  }
0x157: {  	[sflag:s5] =	ssyncset.done $0x0  }
0x158: {  	s3 =	rddreg [dreg:$0x6];
	[sflag:s5] =	ssyncadd.s32 $0xFFFFFC00  }
0x159: {  	[spmem:s3] =	stream.linear.scatter [tilespmem:s6], [sflag:$0x3], $0x400, $0x38;
	[tilespmem:$0x1B380] =	vst v63  }
0x15a: {  	_ =	swait.ge [sflag:s5], $0x400  }
0x15b: {  	[sflag:s5] =	ssyncset.done $0x0  }
0x15c: {  	s31 =	rddreg [dreg:$0x7];
	[sflag:s5] =	ssyncadd.s32 $0xFFFFFC00  }
0x15d: {  	[spmem:s31] =	stream.linear.scatter [tilespmem:s6], [sflag:$0x3], $0x400, $0x38;
	[tilespmem:$0x1B380] =	vst v63  }
0x15e: {  	_ =	swait.ge [sflag:s5], $0x400  }
0x15f: {  	[sflag:s5] =	ssyncset.done $0x0  }
0x160: {  	s3 =	rddreg [dreg:$0x8];
	[sflag:s5] =	ssyncadd.s32 $0xFFFFFC00  }
0x161: {  	[spmem:s3] =	stream.linear.scatter [tilespmem:s6], [sflag:$0x3], $0x400, $0x38;
	[tilespmem:$0x1B380] =	vst v63  }
0x162: {  	_ =	swait.ge [sflag:s5], $0x400  }
0x163: {  	[sflag:s5] =	ssyncset.done $0x0  }
0x164: {  	s31 =	rddreg [dreg:$0x9];
	[sflag:s5] =	ssyncadd.s32 $0xFFFFFC00  }
0x165: {  	[spmem:s31] =	stream.linear.scatter [tilespmem:s6], [sflag:$0x3], $0x400, $0x38;
	[tilespmem:$0x1B380] =	vst v63  }
0x166: {  	_ =	swait.ge [sflag:s5], $0x400  }
0x167: {  	[sflag:s5] =	ssyncset.done $0x0  }
0x168: {  	s3 =	rddreg [dreg:$0xa];
	[sflag:s5] =	ssyncadd.s32 $0xFFFFFC00  }
0x169: {  	[spmem:s3] =	stream.linear.scatter [tilespmem:s6], [sflag:$0x3], $0x400, $0x38;
	[tilespmem:$0x1B380] =	vst v63  }
0x16a: {  	_ =	swait.ge [sflag:s5], $0x400  }
0x16b: {  	[sflag:s5] =	ssyncset.done $0x0  }
0x16c: {  	s31 =	rddreg [dreg:$0xb];
	[sflag:s5] =	ssyncadd.s32 $0xFFFFFC00  }
0x16d: {  	[spmem:s31] =	stream.linear.scatter [tilespmem:s6], [sflag:$0x3], $0x400, $0x38;
	[tilespmem:$0x1B380] =	vst v63  }
0x16e: {  	_ =	swait.ge [sflag:s5], $0x400  }
0x16f: {  	[sflag:s5] =	ssyncset.done $0x0  }
0x170: {  	s3 =	rddreg [dreg:$0xc];
	[sflag:s5] =	ssyncadd.s32 $0xFFFFFC00  }
0x171: {  	[tilespmem:s2], [sflag:$0x3] =	stream.linear.gather [hbm4b:s3+s2], $0x2780, $0x38;
	[tilespmem:$0x1B380] =	vst v63  }
0x172: {  	_ =	swait.ge [sflag:s5], $0x2780  }
0x173: {  	[sflag:s5] =	ssyncset.done $0x0  }
0x174: {  	s31 =	rddreg [dreg:$0xd];
	[sflag:s5] =	ssyncadd.s32 $0xFFFFD880  }
0x175: {  	[tilespmem:s7], [sflag:$0x3] =	stream.linear.gather [hbm4b:s31+s2], $0x2780, $0x38;
	[tilespmem:$0x1B380] =	vst v63  }
0x176: {  	_ =	swait.ge [sflag:s5], $0x2780  }
0x177: {  	[sflag:s5] =	ssyncset.done $0x0  }
0x178: {  	[sflag:s5] =	ssyncadd.s32 $0xFFFFD880  }
0x179: {  	[bflag:$0x0] =	sbarrier.arrive $0xFFFF  }
0x17a: {  	[tilespmem:s10], [sflag:$0x1] =	stream.indirect.gather [hbm4b:s8+s9], $0x10, s2, s9, $0xb8;
	[tilespmem:$0x1B380] =	vst v63  }
0x17b: {  	s0 =	rddreg [dreg:$0xf]  }
0x17c: {  	[tilespmem:s11], [sflag:$0x1] =	stream.indirect.gather [hbm4b:s8+s9], $0x10, s0, s9, $0xb8;
	[tilespmem:$0x1B380] =	vst v63  }
0x17d: {  	s3 =	rddreg [dreg:$0x10]  }
0x17e: {  	[tilespmem:s12], [sflag:$0x1] =	stream.indirect.gather [hbm4b:s8+s9], $0x10, s3, s9, $0xb8;
	[tilespmem:$0x1B380] =	vst v63  }
0x17f: {  	s31 =	rddreg [dreg:$0x11]  }
0x180: {  	[tilespmem:s13], [sflag:$0x1] =	stream.indirect.gather [hbm4b:s8+s9], $0x10, s31, s9, $0xb8;
	[tilespmem:$0x1B380] =	vst v63  }
0x181: {  	s3 =	rddreg [dreg:$0x12]  }
0x182: {  	[tilespmem:s14], [sflag:$0x1] =	stream.indirect.gather [hbm4b:s8+s9], $0x10, s3, s9, $0xb8;
	[tilespmem:$0x1B380] =	vst v63  }
0x183: {  	s31 =	rddreg [dreg:$0x13]  }
0x184: {  	[tilespmem:s15], [sflag:$0x1] =	stream.indirect.gather [hbm4b:s8+s9], $0x10, s31, s9, $0xb8;
	[tilespmem:$0x1B380] =	vst v63  }
0x185: {  	s0 =	rddreg [dreg:$0x14]  }
0x186: {  	[tilespmem:s16], [sflag:$0x1] =	stream.indirect.gather [hbm4b:s8+s9], $0x10, s0, s9, $0xb8;
	[tilespmem:$0x1B380] =	vst v63  }
0x187: {  	s31 =	rddreg [dreg:$0x15]  }
0x188: {  	[tilespmem:s17], [sflag:$0x1] =	stream.indirect.gather [hbm4b:s8+s9], $0x10, s31, s9, $0xb8;
	[tilespmem:$0x1B380] =	vst v63  }
0x189: {  	_ =	swait.ge [sflag:s18], $0x2710  }
0x18a: {  	[sflag:s18] =	ssyncset.done $0x0  }
0x18b: {  	[sflag:s18] =	ssyncadd.s32 $0xFFFFD8F0  }
0x18c: {  	[spmem:s1] =	stream.indirect.scatter.add.f32 [tilespmem:s10], [sflag:$0x2], $0x10, s7, s9, $0xb8;
	[tilespmem:$0x1B380] =	vst v63  }
0x18d: {  	_ =	swait.ge [sflag:s18], $0x2710  }
0x18e: {  	[sflag:s18] =	ssyncset.done $0x0  }
0x18f: {  	s31 =	rddreg [dreg:$0x16];
	[sflag:s18] =	ssyncadd.s32 $0xFFFFD8F0  }
0x190: {  	[spmem:s1] =	stream.indirect.scatter.add.f32 [tilespmem:s11], [sflag:$0x2], $0x10, s31, s9, $0xb8;
	[tilespmem:$0x1B380] =	vst v63  }
0x191: {  	_ =	swait.ge [sflag:s18], $0x2710  }
0x192: {  	[sflag:s18] =	ssyncset.done $0x0  }
0x193: {  	s3 =	rddreg [dreg:$0x17];
	[sflag:s18] =	ssyncadd.s32 $0xFFFFD8F0  }
0x194: {  	[spmem:s1] =	stream.indirect.scatter.add.f32 [tilespmem:s12], [sflag:$0x2], $0x10, s3, s9, $0xb8;
	[tilespmem:$0x1B380] =	vst v63  }
0x195: {  	_ =	swait.ge [sflag:s18], $0x2710  }
0x196: {  	[sflag:s18] =	ssyncset.done $0x0  }
0x197: {  	s31 =	rddreg [dreg:$0x18];
	[sflag:s18] =	ssyncadd.s32 $0xFFFFD8F0  }
0x198: {  	[spmem:s1] =	stream.indirect.scatter.add.f32 [tilespmem:s13], [sflag:$0x2], $0x10, s31, s9, $0xb8;
	[tilespmem:$0x1B380] =	vst v63  }
0x199: {  	_ =	swait.ge [sflag:s18], $0x2710  }
0x19a: {  	[sflag:s18] =	ssyncset.done $0x0  }
0x19b: {  	s3 =	rddreg [dreg:$0x19];
	[sflag:s18] =	ssyncadd.s32 $0xFFFFD8F0  }
0x19c: {  	[spmem:s1] =	stream.indirect.scatter.add.f32 [tilespmem:s14], [sflag:$0x2], $0x10, s3, s9, $0xb8;
	[tilespmem:$0x1B380] =	vst v63  }
0x19d: {  	_ =	swait.ge [sflag:s18], $0x2710  }
0x19e: {  	[sflag:s18] =	ssyncset.done $0x0  }
0x19f: {  	s31 =	rddreg [dreg:$0x1a];
	[sflag:s18] =	ssyncadd.s32 $0xFFFFD8F0  }
0x1a0: {  	[spmem:s1] =	stream.indirect.scatter.add.f32 [tilespmem:s15], [sflag:$0x2], $0x10, s31, s9, $0xb8;
	[tilespmem:$0x1B380] =	vst v63  }
0x1a1: {  	_ =	swait.ge [sflag:s18], $0x2710  }
0x1a2: {  	[sflag:s18] =	ssyncset.done $0x0  }
0x1a3: {  	s3 =	rddreg [dreg:$0x1b];
	[sflag:s18] =	ssyncadd.s32 $0xFFFFD8F0  }
0x1a4: {  	[spmem:s1] =	stream.indirect.scatter.add.f32 [tilespmem:s16], [sflag:$0x2], $0x10, s3, s9, $0xb8;
	[tilespmem:$0x1B380] =	vst v63  }
0x1a5: {  	_ =	swait.ge [sflag:s18], $0x2710  }
0x1a6: {  	[sflag:s18] =	ssyncset.done $0x0  }
0x1a7: {  	s31 =	rddreg [dreg:$0x1c];
	[sflag:s18] =	ssyncadd.s32 $0xFFFFD8F0  }
0x1a8: {  	[spmem:s1] =	stream.indirect.scatter.add.f32 [tilespmem:s17], [sflag:$0x2], $0x10, s31, s9, $0xb8;
	[tilespmem:$0x1B380] =	vst v63  }
0x1a9: {  	_ =	swait.ge [sflag:s19], $0x2710  }
0x1aa: {  	[sflag:s19] =	ssyncset.done $0x0  }
0x1ab: {  	[sflag:s19] =	ssyncadd.s32 $0xFFFFD8F0  }
0x1ac: {  	_ =	swait.ge [sflag:s19], $0x2710  }
0x1ad: {  	[sflag:s19] =	ssyncset.done $0x0  }
0x1ae: {  	[sflag:s19] =	ssyncadd.s32 $0xFFFFD8F0  }
0x1af: {  	_ =	swait.ge [sflag:s19], $0x2710  }
0x1b0: {  	[sflag:s19] =	ssyncset.done $0x0  }
0x1b1: {  	[sflag:s19] =	ssyncadd.s32 $0xFFFFD8F0  }
0x1b2: {  	_ =	swait.ge [sflag:s19], $0x2710  }
0x1b3: {  	[sflag:s19] =	ssyncset.done $0x0  }
0x1b4: {  	[sflag:s19] =	ssyncadd.s32 $0xFFFFD8F0  }
0x1b5: {  	_ =	swait.ge [sflag:s19], $0x2710  }
0x1b6: {  	[sflag:s19] =	ssyncset.done $0x0  }
0x1b7: {  	[sflag:s19] =	ssyncadd.s32 $0xFFFFD8F0  }
0x1b8: {  	_ =	swait.ge [sflag:s19], $0x2710  }
0x1b9: {  	[sflag:s19] =	ssyncset.done $0x0  }
0x1ba: {  	[sflag:s19] =	ssyncadd.s32 $0xFFFFD8F0  }
0x1bb: {  	_ =	swait.ge [sflag:s19], $0x2710  }
0x1bc: {  	[sflag:s19] =	ssyncset.done $0x0  }
0x1bd: {  	[sflag:s19] =	ssyncadd.s32 $0xFFFFD8F0  }
0x1be: {  	_ =	swait.ge [sflag:s19], $0x2710  }
0x1bf: {  	[sflag:s19] =	ssyncset.done $0x0;
	s0 =	rddreg [dreg:$0x1d]  }
0x1c0: {  	s3 =	rddreg [dreg:$0x1e];
	[sflag:s19] =	ssyncadd.s32 $0xFFFFD8F0  }
0x1c1: {  	[tilespmem:s10], [sflag:$0x1] =	stream.indirect.gather [hbm4b:s8+s9], $0x10, s0, s9, $0xb8;
	[tilespmem:$0x1B380] =	vst v63  }
0x1c2: {  	s31 =	rddreg [dreg:$0x1f]  }
0x1c3: {  	[tilespmem:s11], [sflag:$0x1] =	stream.indirect.gather [hbm4b:s8+s9], $0x10, s3, s9, $0xb8;
	[tilespmem:$0x1B380] =	vst v63  }
0x1c4: {  	s0 =	sld [smem:$0x7F8]  }
0x1c5: {  	[tilespmem:s12], [sflag:$0x1] =	stream.indirect.gather [hbm4b:s8+s9], $0x10, s31, s9, $0xb8;
	[tilespmem:$0x1B380] =	vst v63  }
0x1c6: {  	s3 =	sld [smem:$0x7F9]  }
0x1c7: {  	[tilespmem:s13], [sflag:$0x1] =	stream.indirect.gather [hbm4b:s8+s9], $0x10, s0, s9, $0xb8;
	[tilespmem:$0x1B380] =	vst v63  }
0x1c8: {  	s31 =	sld [smem:$0x7FA]  }
0x1c9: {  	[tilespmem:s14], [sflag:$0x1] =	stream.indirect.gather [hbm4b:s8+s9], $0x10, s3, s9, $0xb8;
	[tilespmem:$0x1B380] =	vst v63  }
0x1ca: {  	s0 =	sld [smem:$0x7FB]  }
0x1cb: {  	[tilespmem:s15], [sflag:$0x1] =	stream.indirect.gather [hbm4b:s8+s9], $0x10, s31, s9, $0xb8;
	[tilespmem:$0x1B380] =	vst v63  }
0x1cc: {  	s3 =	sld [smem:$0x7FC]  }
0x1cd: {  	[tilespmem:s16], [sflag:$0x1] =	stream.indirect.gather [hbm4b:s8+s9], $0x10, s0, s9, $0xb8;
	[tilespmem:$0x1B380] =	vst v63  }
0x1ce: {  	_ = 	snop  }
0x1cf: {  	[tilespmem:s17], [sflag:$0x1] =	stream.indirect.gather [hbm4b:s8+s9], $0x10, s3, s9, $0xb8;
	[tilespmem:$0x1B380] =	vst v63  }
0x1d0: {  	_ =	swait.ge [sflag:s18], $0x2710  }
0x1d1: {  	s3 =	sld [smem:$0x7FD]  }
0x1d2: {  	[sflag:s18] =	ssyncset.done $0x0  }
0x1d3: {  	[sflag:s18] =	ssyncadd.s32 $0xFFFFD8F0  }
0x1d4: {  	[spmem:s1] =	stream.indirect.scatter.add.f32 [tilespmem:s10], [sflag:$0x2], $0x10, s3, s9, $0xb8;
	[tilespmem:$0x1B380] =	vst v63  }
0x1d5: {  	_ =	swait.ge [sflag:s18], $0x2710  }
0x1d6: {  	[sflag:s18] =	ssyncset.done $0x0  }
0x1d7: {  	[sflag:s18] =	ssyncadd.s32 $0xFFFFD8F0  }
0x1d8: {  	[spmem:s1] =	stream.indirect.scatter.add.f32 [tilespmem:s11], [sflag:$0x2], $0x10, s20, s9, $0xb8;
	[tilespmem:$0x1B380] =	vst v63  }
0x1d9: {  	_ =	swait.ge [sflag:s18], $0x2710  }
0x1da: {  	[sflag:s18] =	ssyncset.done $0x0  }
0x1db: {  	[sflag:s18] =	ssyncadd.s32 $0xFFFFD8F0  }
0x1dc: {  	[spmem:s1] =	stream.indirect.scatter.add.f32 [tilespmem:s12], [sflag:$0x2], $0x10, s21, s9, $0xb8;
	[tilespmem:$0x1B380] =	vst v63  }
0x1dd: {  	_ =	swait.ge [sflag:s18], $0x2710  }
0x1de: {  	[sflag:s18] =	ssyncset.done $0x0  }
0x1df: {  	[sflag:s18] =	ssyncadd.s32 $0xFFFFD8F0  }
0x1e0: {  	[spmem:s1] =	stream.indirect.scatter.add.f32 [tilespmem:s13], [sflag:$0x2], $0x10, s22, s9, $0xb8;
	[tilespmem:$0x1B380] =	vst v63  }
0x1e1: {  	_ =	swait.ge [sflag:s18], $0x2710  }
0x1e2: {  	[sflag:s18] =	ssyncset.done $0x0  }
0x1e3: {  	[sflag:s18] =	ssyncadd.s32 $0xFFFFD8F0  }
0x1e4: {  	[spmem:s1] =	stream.indirect.scatter.add.f32 [tilespmem:s14], [sflag:$0x2], $0x10, s23, s9, $0xb8;
	[tilespmem:$0x1B380] =	vst v63  }
0x1e5: {  	_ =	swait.ge [sflag:s18], $0x2710  }
0x1e6: {  	[sflag:s18] =	ssyncset.done $0x0  }
0x1e7: {  	[sflag:s18] =	ssyncadd.s32 $0xFFFFD8F0  }
0x1e8: {  	[spmem:s1] =	stream.indirect.scatter.add.f32 [tilespmem:s15], [sflag:$0x2], $0x10, s24, s9, $0xb8;
	[tilespmem:$0x1B380] =	vst v63  }
0x1e9: {  	_ =	swait.ge [sflag:s18], $0x2710  }
0x1ea: {  	[sflag:s18] =	ssyncset.done $0x0  }
0x1eb: {  	[sflag:s18] =	ssyncadd.s32 $0xFFFFD8F0  }
0x1ec: {  	[spmem:s1] =	stream.indirect.scatter.add.f32 [tilespmem:s16], [sflag:$0x2], $0x10, s25, s9, $0xb8;
	[tilespmem:$0x1B380] =	vst v63  }
0x1ed: {  	_ =	swait.ge [sflag:s18], $0x2710  }
0x1ee: {  	[sflag:s18] =	ssyncset.done $0x0  }
0x1ef: {  	[sflag:s18] =	ssyncadd.s32 $0xFFFFD8F0  }
0x1f0: {  	[spmem:s1] =	stream.indirect.scatter.add.f32 [tilespmem:s17], [sflag:$0x2], $0x10, s26, s9, $0xb8;
	[tilespmem:$0x1B380] =	vst v63  }
0x1f1: {  	_ =	swait.ge [sflag:s19], $0x2710  }
0x1f2: {  	[sflag:s19] =	ssyncset.done $0x0  }
0x1f3: {  	[sflag:s19] =	ssyncadd.s32 $0xFFFFD8F0  }
0x1f4: {  	_ =	swait.ge [sflag:s19], $0x2710  }
0x1f5: {  	[sflag:s19] =	ssyncset.done $0x0  }
0x1f6: {  	[sflag:s19] =	ssyncadd.s32 $0xFFFFD8F0  }
0x1f7: {  	_ =	swait.ge [sflag:s19], $0x2710  }
0x1f8: {  	[sflag:s19] =	ssyncset.done $0x0  }
0x1f9: {  	[sflag:s19] =	ssyncadd.s32 $0xFFFFD8F0  }
0x1fa: {  	_ =	swait.ge [sflag:s19], $0x2710  }
0x1fb: {  	[sflag:s19] =	ssyncset.done $0x0  }
0x1fc: {  	[sflag:s19] =	ssyncadd.s32 $0xFFFFD8F0  }
0x1fd: {  	_ =	swait.ge [sflag:s19], $0x2710  }
0x1fe: {  	[sflag:s19] =	ssyncset.done $0x0  }
0x1ff: {  	[sflag:s19] =	ssyncadd.s32 $0xFFFFD8F0  }
0x200: {  	_ =	swait.ge [sflag:s19], $0x2710  }
0x201: {  	[sflag:s19] =	ssyncset.done $0x0  }
0x202: {  	[sflag:s19] =	ssyncadd.s32 $0xFFFFD8F0  }
0x203: {  	_ =	swait.ge [sflag:s19], $0x2710  }
0x204: {  	[sflag:s19] =	ssyncset.done $0x0  }
0x205: {  	[sflag:s19] =	ssyncadd.s32 $0xFFFFD8F0  }
0x206: {  	_ =	swait.ge [sflag:s19], $0x2710  }
0x207: {  	p0 =	sne.s32 s30, $0x1;
	[sflag:s19] =	ssyncset.done $0x0  }
.Ltmp1:
0x208: {  	[sflag:s19] =	ssyncadd.s32 $0xFFFFD8F0;
	(pc) =	sbr.rel @p0 .LBB2_1-.Ltmp1, $4  }
0x209: {  	[bflag:$0x0] =	sbarrier.arrive $0xFFFF  }
0x20a: {  	s31 =	rddreg [dreg:$0xe]  }
0x20b: {  	[hbm:s31], [sflag:s28] =	dma.local [spmem:s29], $0x500  }
0x20c: {  	s30 =	sadd.s32 $0xFFFFFFFF, s30;
	_ =	swait.ge [sflag:s5], $0x500  }
.LBB2_2:
0x20d: {  	[sflag:s5] =	ssyncset.done $0x0  }
0x20e: {  	[sflag:s5] =	ssyncadd.s32 $0xFFFFFB00  }
0x20f: {  	_ =	sfence.sel $0x180000  }
0x210: {  	[bflag:$0x0] =	sbarrier.arrive $0xFFFF  }
0x211: {  	_ =	strace $0x9000004D  }
0x212: {  	s0 =	stileid.u32;
	[bflag:$0x2] =	sbarrier.arrive $0xFFFF  }
0x213: {  	p0 =	sne.s32 s0, $0x0;
	s0 =	rddreg [dreg:$0x2]  }
0x214: {  	s0 =	sadd.s32 @!p0 $0x100000, s0  }
0x215: {  	[sflag:s0] =	ssyncadd.tile.s32 @!p0 $0x1;
	_ =	shalt  }
.Lfunc_end2:
_tile_overlayer_lowered:
.L_overlay_start_2:
0x216: {  	(tag) =	ssettag $0x2  }
0x217: {  	s0 =	rddreg [dreg:$0x0];
	s2 =	stileid.u32  }
0x218: {  	s1 =	rddreg [dreg:$0x1];
	p0 =	sne.s32 s2, $0x0  }
0x219: {  	s3 =	rddreg [dreg:$0x2];
	[bflag:$0x3] =	sbarrier.arrive $0xFFFF;
	s2 =	simm.s32 @!p0 $0x1C03  }
0x21a: {  	[timem:s3], [sflag:s2] =	dma.local @!p0 [hbm:s0], s1  }
0x21b: {  	s0 =	simm.s32 @!p0 $0x3  }
0x21c: {  	_ =	swait.ge @!p0 [sflag:s0], s1  }
0x21d: {  	s1 =	ssub.s32 @!p0 $0x0, s1;
	[sflag:s0] =	ssyncset.done @!p0 $0x0  }
0x21e: {  	[sflag:s0] =	ssyncadd.s32 @!p0 s1  }
0x21f: {  	[bflag:$0x3] =	sbarrier.arrive $0xFFFF  }
0x220: {  	_ =	shalt  }

// kernel: kernel.8.cloned.1.call-start
scs
__scs_entry_jumppad:
0x0: {  	(pc) =	sbr.rel $0x88, $3  }
0x1: {  	(tag) =	ssettag $0x0;
	lr =	simm.s32 $0x1  }
0x2: {  	[smem:$0x3F96] =	sst lr;
	_ =	strace $0xD0000000  }
0x3: {  	_ = 	snop  }
0x4: {  	_ = 	snop  }
0x5: {  	_ = 	snop  }
0x6: {  	_ = 	snop  }
0x7: {  	_ = 	snop  }
__scs_overlays_trampoline_lowered:
0x8: {  	[smem:$0x3FA5] =	sst s0  }
0x9: {  	[smem:$0x3FA6] =	sst s1  }
0xa: {  	[smem:$0x3FA7] =	sst s2  }
0xb: {  	[smem:$0x3FA8] =	sst s3  }
0xc: {  	[smem:$0x3FA9] =	sst s4  }
0xd: {  	[smem:$0x3FAA] =	sst s5  }
0xe: {  	[smem:$0x3FAB] =	sst s6  }
0xf: {  	[smem:$0x3FAC] =	sst s7  }
0x10: {  	[smem:$0x3FAD] =	sst s8  }
0x11: {  	[smem:$0x3FAE] =	sst s9;
	s0 =	simm.s32 @!p0 $0x0  }
0x12: {  	s1 =	sld [smem:$0x3F94];
	s0 =	simm.s32 @p0 $0x1  }
0x13: {  	[smem:$0x3FAF] =	sst s0;
	s0 =	simm.s32 @!p1 $0x0  }
0x14: {  	s2 =	sld [smem:$0x3F93];
	s0 =	simm.s32 @p1 $0x1  }
0x15: {  	[smem:$0x3FB0] =	sst s0;
	s0 =	simm.s32 @!p2 $0x0  }
0x16: {  	s3 =	sld [smem:$0x3FDB];
	s0 =	simm.s32 @p2 $0x1  }
0x17: {  	s4 =	simm.s32 $0x1BF5;
	[smem:$0x3FB2] =	sst s0  }
0x18: {  	s0 =	sld [smem:$0x3F95];
	_ =	swait.ge [sflag:s4], $0x0  }
0x19: {  	s7 =	sld [smem:$0x3F96]  }
0x1a: {  	s8 =	sadd.s32 $0xFFFFE003, lr  }
0x1b: {  	s9 =	sadd.s32 $0xFFFFFEF7, lr;
	s5 =	simm.s32 $0xFFFFFFFF;
	p2 =	slt.u32 s8, $0xFFFFF086  }
0x1c: {  	p1 =	slt.u32 s9, $0xF7A;
	s5 =	simm.s32 @!p2 $0x0  }
0x1d: {  	s5 =	simm.s32 @p1 $0x1;
	p0 =	seq.s32 s7, s2  }
0x1e: {  	s7 =	smul.u32 @!p0 $0xF7A, s2;
	p2 =	seq.s32 @!p0 s5, $0x0  }
0x1f: {  	s9 =	smul.u32 $0xF7A, s1;
	s8 =	simm.s32 @!p0 $0x1BF5;
	p2 =	por !p2, p0  }
0x20: {  	[sflag:s8] =	ssyncset.s32 @!p0 $0xFFFFF086;
	s6 =	sadd.s32 @!p0 s3, s7;
	s7 =	simm.s32 @!p0 $0x108  }
0x21: {  	s3 =	sadd.s32 s3, s9;
	s6 =	sadd.s32 @!p0 $0x88, s6;
	s7 =	simm.s32 @p2 $0x1082  }
0x22: {  	[simem:s7], [sflag:s8] =	dma.local @!p0 [hbm:s6], $0xF7A  }
0x23: {  	s9 =	sor.u32 $0xD0000000, s2;
	s6 =	simm.s32 $0x108;
	_ =	swait.ge @!p0 [sflag:s8], $0x0  }
0x24: {  	s3 =	sadd.s32 $0x88, s3;
	s6 =	simm.s32 @!p1 $0x1082;
	[sflag:s4] =	ssyncset.s32 $0xFFFFF086  }
0x25: {  	[simem:s6], [sflag:s4] =	dma.local [hbm:s3], $0xF7A  }
0x26: {  	[smem:$0x3F96] =	sst s1;
	(tag) =	ssettag s2;
	_ =	strace s9  }
0x27: {  	s1 =	sld [smem:$0x3FA6]  }
0x28: {  	s2 =	sld [smem:$0x3FA7]  }
0x29: {  	s4 =	sld [smem:$0x3FA9]  }
0x2a: {  	p0 =	seq.s32 s5, $0x0;
	s5 =	sld [smem:$0x3FAA]  }
0x2b: {  	s6 =	sld [smem:$0x3FAB]  }
0x2c: {  	s7 =	sld [smem:$0x3FAC]  }
0x2d: {  	s3 =	simm.s32 $0x108;
	s8 =	sld [smem:$0x3FAD]  }
0x2e: {  	s3 =	simm.s32 @!p0 $0x1082;
	s9 =	sld [smem:$0x3FAE]  }
0x2f: {  	lr =	sadd.s32 s0, s3;
	s0 =	sld [smem:$0x3FA5]  }
0x30: {  	s3 =	sld [smem:$0x3FA8]  }
0x31: {  	[smem:$0x3FB1] =	sst s10  }
0x32: {  	s10 =	sld [smem:$0x3FAF];
	_ =	sdelay $0x3  }
0x33: {  	p0 =	seq.s32 s10, $0x1;
	s10 =	sld [smem:$0x3FB1];
	_ =	sdelay $0x3  }
0x34: {  	[smem:$0x3FB1] =	sst s10  }
0x35: {  	s10 =	sld [smem:$0x3FB0];
	_ =	sdelay $0x3  }
0x36: {  	p1 =	seq.s32 s10, $0x1;
	s10 =	sld [smem:$0x3FB1];
	_ =	sdelay $0x3  }
0x37: {  	[smem:$0x3FB1] =	sst s10  }
0x38: {  	s10 =	sld [smem:$0x3FB2]  }
0x39: {  	_ = 	snop;
	(pc) =	sbr.ind lr, $3  }
0x3a: {  	_ = 	snop  }
0x3b: {  	_ = 	snop  }
0x3c: {  	p2 =	seq.s32 s10, $0x1;
	s10 =	sld [smem:$0x3FB1]  }
0x3d: {  	_ =	shalt  }
0x3e: {  	_ =	shalt  }
0x3f: {  	_ =	shalt  }
0x40: {  	_ =	shalt  }
0x41: {  	_ =	shalt  }
0x42: {  	_ =	shalt  }
0x43: {  	_ =	shalt  }
0x44: {  	_ =	shalt  }
0x45: {  	_ =	shalt  }
0x46: {  	_ =	shalt  }
0x47: {  	_ =	shalt  }
0x48: {  	_ =	shalt  }
0x49: {  	_ =	shalt  }
0x4a: {  	_ =	shalt  }
0x4b: {  	_ =	shalt  }
0x4c: {  	_ =	shalt  }
0x4d: {  	_ =	shalt  }
0x4e: {  	_ =	shalt  }
0x4f: {  	_ =	shalt  }
0x50: {  	_ =	shalt  }
0x51: {  	_ =	shalt  }
0x52: {  	_ =	shalt  }
0x53: {  	_ =	shalt  }
0x54: {  	_ =	shalt  }
0x55: {  	_ =	shalt  }
0x56: {  	_ =	shalt  }
0x57: {  	_ =	shalt  }
0x58: {  	_ =	shalt  }
0x59: {  	_ =	shalt  }
0x5a: {  	_ =	shalt  }
0x5b: {  	_ =	shalt  }
0x5c: {  	_ =	shalt  }
0x5d: {  	_ =	shalt  }
0x5e: {  	_ =	shalt  }
0x5f: {  	_ =	shalt  }
0x60: {  	_ =	shalt  }
0x61: {  	_ =	shalt  }
0x62: {  	_ =	shalt  }
0x63: {  	_ =	shalt  }
0x64: {  	_ =	shalt  }
0x65: {  	_ =	shalt  }
0x66: {  	_ =	shalt  }
0x67: {  	_ =	shalt  }
0x68: {  	_ =	shalt  }
0x69: {  	_ =	shalt  }
0x6a: {  	_ =	shalt  }
0x6b: {  	_ =	shalt  }
0x6c: {  	_ =	shalt  }
0x6d: {  	_ =	shalt  }
0x6e: {  	_ =	shalt  }
0x6f: {  	_ =	shalt  }
0x70: {  	_ =	shalt  }
0x71: {  	_ =	shalt  }
0x72: {  	_ =	shalt  }
0x73: {  	_ =	shalt  }
0x74: {  	_ =	shalt  }
0x75: {  	_ =	shalt  }
0x76: {  	_ =	shalt  }
0x77: {  	_ =	shalt  }
0x78: {  	_ =	shalt  }
0x79: {  	_ =	shalt  }
0x7a: {  	_ =	shalt  }
0x7b: {  	_ =	shalt  }
0x7c: {  	_ =	shalt  }
0x7d: {  	_ =	shalt  }
0x7e: {  	_ =	shalt  }
0x7f: {  	_ =	shalt  }
0x80: {  	_ =	shalt  }
0x81: {  	_ =	shalt  }
0x82: {  	_ =	shalt  }
0x83: {  	_ =	shalt  }
0x84: {  	_ =	shalt  }
0x85: {  	_ =	shalt  }
0x86: {  	_ =	shalt  }
0x87: {  	_ =	shalt  }
.Lfunc_end0:
.L_simem_size_0:
called_computation_lowered:
.L_overlay_start_0:
0x88: {  	s2 =	sld [smem:$0x3FD9]  }
0x89: {  	s3 =	sld [smem:$0x3FFE];
	_ =	sdelay $0x1  }
0x8a: {  	s1 =	srdreg.scid  }
0x8b: {  	s0 =	sand.u32 $0x1, s1  }
0x8c: {  	s16 =	sshll.u32 s0, $0xA;
	s2 =	sadd.s32 s3, s2  }
0x8d: {  	s2 =	sadd.s32 s2, s16  }
0x8e: {  	[smem:$0x3FBD] =	sst s2  }
0x8f: {  	_ = 	snop  }
0x90: {  	(tm) =	ssettm $0x1  }
0x91: {  	s17 =	sld [smem:$0x3FFB];
	_ =	sdelay $0x3  }
0x92: {  	_ =	strace s17  }
0x93: {  	s2 =	sld [smem:$0x3FFC];
	_ =	sdelay $0x3  }
0x94: {  	_ =	strace s2  }
0x95: {  	s2 =	sld [smem:$0x3FFD];
	_ =	sdelay $0x3  }
0x96: {  	_ =	strace s2  }
0x97: {  	_ =	strace $0x8FFFFFFF  }
0x98: {  	s18 =	sld [smem:$0x3FDB];
	_ =	sdelay $0x1  }
0x99: {  	s19 =	simm.s32 $_scs_section_size  }
0x9a: {  	s4 =	simm.s32 $_size__tile_overlayer_lowered;
	s5 =	simm.s32 $_tile_overlayer_lowered  }
0x9b: {  	s22 =	simm.s32 $0x1BFF;
	s21 =	sshll.u32 s5, $0x1;
	s2 =	sadd.s32 s19, s18  }
0x9c: {  	s6 =	simm.s32 $0x0;
	s20 =	sshll.u32 s4, $0x1;
	s4 =	sadd.s32 s21, s2  }
0x9d: {  	[timem:s6], [sflag:s22] =	dma.local [hbm:s4], s20  }
0x9e: {  	_ =	swait.ge [sflag:s22], s20  }
0x9f: {  	s3 =	ssub.s32 $0x0, s20;
	[sflag:s22] =	ssyncset.done $0x0  }
0xa0: {  	[sflag:s22] =	ssyncadd.s32 s3;
	_ =	sdelay $0x1  }
0xa1: {  	s23 =	simm.s32 $0x1B8B  }
0xa2: {  	_ =	swait.ge [sflag:s23], $0x1  }
0xa3: {  	[sflag:s23] =	ssyncset.done $0x0  }
0xa4: {  	s25 =	simm.s32 $0x1B8E;
	s24 =	sld [smem:$0x3FFE];
	[sflag:s23] =	ssyncadd.s32 $0xFFFFFFFF  }
0xa5: {  	s26 =	simm.s32 $execute0_lowered;
	[smem:$0x3FD2] =	sst s25  }
0xa6: {  	s4 =	sshll.u32 s26, $0x1;
	_ =	strace $0x80000046;
	[dreg:$0x1] =	wrdreg $0xFFFFFFFF  }
0xa7: {  	s28 =	simm.s32 $_size_execute0_lowered;
	s2 =	sadd.s32 s2, s4;
	[dreg:$0x0] =	wrdreg $0x0  }
0xa8: {  	s4 =	sshll.u32 s28, $0x1;
	[dreg:$0x2] =	wrdreg s2  }
0xa9: {  	[dreg:$0x3] =	wrdreg s4  }
0xaa: {  	[dreg:$0x4] =	wrdreg $0xC0  }
0xab: {  	_ =	task [dreg:s6], $0x5FFFF  }
0xac: {  	[dreg:$0x1] =	wrdreg $0xFFFFFFFF  }
0xad: {  	[dreg:$0x0] =	wrdreg $0x60  }
0xae: {  	[dreg:$0x2] =	wrdreg s24  }
0xaf: {  	[dreg:$0x3] =	wrdreg $0x2B000  }
0xb0: {  	[dreg:$0x4] =	wrdreg $0x9  }
0xb1: {  	_ =	task.clear_ibuf [dreg:s6], $0x5FFFF;
	_ =	strace $0x90000046  }
0xb2: {  	s29 =	simm.s32 $0x9;
	_ =	strace $0x80000048  }
0xb3: {  	_ =	swait.ge [sflag:s29], $0x1  }
0xb4: {  	[sflag:s29] =	ssyncadd.s32 $0xFFFFFFFF  }
0xb5: {  	_ =	strace $0x90000048  }
0xb6: {  	_ =	sfence  }
0xb7: {  	s30 =	sld [smem:$0x0];
	_ =	sdelay $0x2  }
0xb8: {  	s31 =	sshll.u32 s1, $0xD;
	s1 =	sshrl.u32 s1, $0x2  }
0xb9: {  	s3 =	sand.u32 $0x4000, s31;
	s1 =	sadd.s32 s1, s30  }
0xba: {  	s0 =	sor.u32 s3, s0;
	s1 =	sshll.u32 s1, $0x11  }
0xbb: {  	s0 =	sor.u32 s1, s0  }
0xbc: {  	s0 =	sadd.s32 $0x8F2B, s0  }
0xbd: {  	[sflag:s0] =	ssyncadd.remote.s32 $0x1  }
0xbe: {  	_ =	sfence.sel $0xFFFF  }
0xbf: {  	[dreg:$0x0] =	wrdreg $0xFFFFFFFF;
	(pc) =	sbr.abs _section_cstart, $3  }
0xc0: {  	[dreg:$0x1] =	wrdreg $0xFFFFFFFF  }
0xc1: {  	_ =	task.clear_ibuf [dreg:s6], $0x2FFFF;
	_ =	strace $0x9FFFFFFF  }
0xc2: {  	(tm) =	ssettm $0x7FFFFFFF  }
0xc3: {  	_ =	shalt  }
tec
execute0_lowered:
.L_overlay_start_1:
0x0: {  	(tag) =	ssettag $0x1  }
0x1: {  	s4 =	rddreg [dreg:$0x0]  }
0x2: {  	s2 =	rddreg [dreg:$0x1]  }
0x3: {  	s0 =	rddreg [dreg:$0x2];
	s3 =	srdreg.scid  }
0x4: {  	s1 =	stileid.u32;
	s10 =	simm.s32 $0x7D;
	s11 =	simm.s32 $0x2800  }
0x5: {  	s12 =	simm.s32 $0x1;
	s15 =	simm.s32 $0x0;
	s5 =	sand.u32 $0x1, s3  }
0x6: {  	s6 =	sshll.u32 s1, $0x1;
	s7 =	smul.u32 $0x280, s1;
	s3 =	simm.s32 $0x0  }
0x7: {  	s13 =	sshll.u32 s1, $0x6;
	s6 =	sor.u32 s5, s6;
	s8 =	smul.u32 $0x2800, s5  }
0x8: {  	[smem:$0x7FF] =	sst s3;
	s5 =	ssub.s32 $0x2, s5;
	s13 =	sor.u32 $0x1C02, s13  }
0x9: {  	s6 =	smul.u32 $0x500, s6;
	s9 =	sshrl.u32 s5, $0x1;
	s8 =	sadd.s32 s7, s8  }
0xa: {  	_ =	strace $0x80000047;
	s9 =	ssub.s32 s5, s9;
	s8 =	sshrl.u32 s8, $0x3  }
0xb: {  	s6 =	sadd.s32 s6, s4;
	s8 =	sadd.s32 s8, s4;
	s4 =	sadd.s32 s7, s2  }
0xc: {  	s5 =	sadd.s32 $0x1E00, s6;
	s7 =	smax.u32 s9, $0x1;
	s9 =	simm.s32 $0x2  }
0xd: {  	v0 =	vimm.f32 $1.000000000e+00;
	v1 =	vimm.f32 $0.0e+00;
	s6 =	sadd.s32 $0xBE00, s8;
	s8 =	simm.s32 $0x2880;
	s14 =	sshrl.u32 s4, $0x3  }
.LBB2_1:
0xe: {  	[tilespmem:$0x2800] =	vst v0  }
0xf: {  	[tilespmem:$0x2810] =	vst v0  }
0x10: {  	[tilespmem:$0x2820] =	vst v0  }
0x11: {  	[tilespmem:$0x2830] =	vst v0  }
0x12: {  	[tilespmem:$0x2840] =	vst v0  }
0x13: {  	[tilespmem:$0x2850] =	vst v0  }
0x14: {  	[tilespmem:$0x2860] =	vst v0  }
0x15: {  	[tilespmem:$0x2870] =	vst v0  }
0x16: {  	[tilespmem:$0x2880] =	vst v1  }
0x17: {  	[tilespmem:$0x2890] =	vst v1  }
0x18: {  	[tilespmem:$0x28A0] =	vst v1  }
0x19: {  	[tilespmem:$0x28B0] =	vst v1  }
0x1a: {  	[tilespmem:$0x28C0] =	vst v1  }
0x1b: {  	[tilespmem:$0x28D0] =	vst v1  }
0x1c: {  	[tilespmem:$0x28E0] =	vst v1  }
0x1d: {  	[tilespmem:$0x28F0] =	vst v1  }
0x1e: {  	[tilespmem:$0x2900] =	vst v1  }
0x1f: {  	[tilespmem:$0x2910] =	vst v1  }
0x20: {  	[tilespmem:$0x2920] =	vst v1  }
0x21: {  	[tilespmem:$0x2930] =	vst v1  }
0x22: {  	[tilespmem:$0x2940] =	vst v1  }
0x23: {  	[tilespmem:$0x2950] =	vst v1  }
0x24: {  	[tilespmem:$0x2960] =	vst v1  }
0x25: {  	[tilespmem:$0x2970] =	vst v1  }
0x26: {  	[tilespmem:$0x2980] =	vst v1  }
0x27: {  	[tilespmem:$0x2990] =	vst v1  }
0x28: {  	[tilespmem:$0x29A0] =	vst v1  }
0x29: {  	[tilespmem:$0x29B0] =	vst v1  }
0x2a: {  	[tilespmem:$0x29C0] =	vst v1  }
0x2b: {  	[tilespmem:$0x29D0] =	vst v1  }
0x2c: {  	[tilespmem:$0x29E0] =	vst v1  }
0x2d: {  	[tilespmem:$0x29F0] =	vst v1  }
0x2e: {  	[tilespmem:$0x2A00] =	vst v1  }
0x2f: {  	[tilespmem:$0x2A10] =	vst v1  }
0x30: {  	[tilespmem:$0x2A20] =	vst v1  }
0x31: {  	[tilespmem:$0x2A30] =	vst v1  }
0x32: {  	[tilespmem:$0x2A40] =	vst v1  }
0x33: {  	[tilespmem:$0x2A50] =	vst v1  }
0x34: {  	[tilespmem:$0x2A60] =	vst v1  }
0x35: {  	[tilespmem:$0x2A70] =	vst v1  }
0x36: {  	[tilespmem:$0x2A80] =	vst v1  }
0x37: {  	[tilespmem:$0x2A90] =	vst v1  }
0x38: {  	[tilespmem:$0x2AA0] =	vst v1  }
0x39: {  	[tilespmem:$0x2AB0] =	vst v1  }
0x3a: {  	[tilespmem:$0x2AC0] =	vst v1  }
0x3b: {  	[tilespmem:$0x2AD0] =	vst v1  }
0x3c: {  	[tilespmem:$0x2AE0] =	vst v1  }
0x3d: {  	[tilespmem:$0x2AF0] =	vst v1  }
0x3e: {  	[spmem:s4] =	stream.linear.scatter [tilespmem:s8], [sflag:$0x2], $0x280, $0x38;
	[tilespmem:$0x2D80] =	vst v63  }
0x3f: {  	_ =	swait.ge [sflag:s9], $0x280  }
0x40: {  	[sflag:s9] =	ssyncset.done $0x0  }
0x41: {  	[sflag:s9] =	ssyncadd.s32 $0xFFFFFD80  }
0x42: {  	[tilespmem:s3], [sflag:$0x2] =	stream.linear.gather [hbm4b:s5+s3], $0x2800, $0x38;
	[tilespmem:$0x2D80] =	vst v63  }
0x43: {  	_ =	swait.ge [sflag:s9], $0x2800  }
0x44: {  	[sflag:s9] =	ssyncset.done $0x0  }
0x45: {  	[sflag:s9] =	ssyncadd.s32 $0xFFFFD800  }
0x46: {  	s16 =	simm.s32 $0x0;
	[bflag:$0x0] =	sbarrier.arrive $0xFFFF  }
0x47: {  	[spmem:s2] =	stream.indirect.scatter.add.f32 [tilespmem:s11], [sflag:$0x1], $0x1, s16, s10, $0xb8;
	[tilespmem:$0x2D80] =	vst v63  }
0x48: {  	s29 =	simm.s32 $0x80  }
0x49: {  	[spmem:s2] =	stream.indirect.scatter.add.f32 [tilespmem:s11], [sflag:$0x1], $0x1, s29, s10, $0xb8;
	[tilespmem:$0x2D80] =	vst v63  }
0x4a: {  	s30 =	simm.s32 $0x100  }
0x4b: {  	[spmem:s2] =	stream.indirect.scatter.add.f32 [tilespmem:s11], [sflag:$0x1], $0x1, s30, s10, $0xb8;
	[tilespmem:$0x2D80] =	vst v63  }
0x4c: {  	s31 =	simm.s32 $0x180  }
0x4d: {  	[spmem:s2] =	stream.indirect.scatter.add.f32 [tilespmem:s11], [sflag:$0x1], $0x1, s31, s10, $0xb8;
	[tilespmem:$0x2D80] =	vst v63  }
0x4e: {  	_ =	swait.ge [sflag:s12], $0x7D  }
0x4f: {  	[sflag:s12] =	ssyncset.done $0x0  }
0x50: {  	[sflag:s12] =	ssyncadd.s32 $0xFFFFFF83  }
0x51: {  	_ =	swait.ge [sflag:s12], $0x7D  }
0x52: {  	[sflag:s12] =	ssyncset.done $0x0  }
0x53: {  	[sflag:s12] =	ssyncadd.s32 $0xFFFFFF83  }
0x54: {  	_ =	swait.ge [sflag:s12], $0x7D  }
0x55: {  	[sflag:s12] =	ssyncset.done $0x0  }
0x56: {  	[sflag:s12] =	ssyncadd.s32 $0xFFFFFF83  }
0x57: {  	_ =	swait.ge [sflag:s12], $0x7D  }
0x58: {  	s17 =	simm.s32 $0x1000;
	s16 =	simm.s32 $0x800;
	[sflag:s12] =	ssyncset.done $0x0  }
.LBB2_2:
0x59: {  	s18 =	sshra.s32 s16, $0x2  }
0x5a: {  	[sflag:s12] =	ssyncadd.s32 $0xFFFFFF83;
	s16 =	smov.u32 s17;
	s19 =	sadd.s32 $0x800, s17  }
0x5b: {  	[spmem:s2] =	stream.indirect.scatter.add.f32 [tilespmem:s11], [sflag:$0x1], $0x1, s18, s10, $0xb8;
	[tilespmem:$0x2D80] =	vst v63  }
0x5c: {  	p0 =	sne.s32 s17, $0x9800;
	s17 =	sadd.s32 $0x80, s18  }
0x5d: {  	[spmem:s2] =	stream.indirect.scatter.add.f32 [tilespmem:s11], [sflag:$0x1], $0x1, s17, s10, $0xb8;
	[tilespmem:$0x2D80] =	vst v63  }
0x5e: {  	s17 =	sadd.s32 $0x100, s18  }
0x5f: {  	[spmem:s2] =	stream.indirect.scatter.add.f32 [tilespmem:s11], [sflag:$0x1], $0x1, s17, s10, $0xb8;
	[tilespmem:$0x2D80] =	vst v63  }
0x60: {  	s17 =	sadd.s32 $0x180, s18  }
0x61: {  	[spmem:s2] =	stream.indirect.scatter.add.f32 [tilespmem:s11], [sflag:$0x1], $0x1, s17, s10, $0xb8;
	[tilespmem:$0x2D80] =	vst v63  }
0x62: {  	_ =	swait.ge [sflag:s12], $0x7D  }
0x63: {  	[sflag:s12] =	ssyncset.done $0x0  }
0x64: {  	[sflag:s12] =	ssyncadd.s32 $0xFFFFFF83  }
0x65: {  	_ =	swait.ge [sflag:s12], $0x7D  }
0x66: {  	[sflag:s12] =	ssyncset.done $0x0  }
0x67: {  	[sflag:s12] =	ssyncadd.s32 $0xFFFFFF83  }
.Ltmp0:
0x68: {  	_ =	swait.ge [sflag:s12], $0x7D;
	(pc) =	sbr.rel @p0 .LBB2_2-.Ltmp0, $4  }
0x69: {  	[sflag:s12] =	ssyncset.done $0x0  }
0x6a: {  	[sflag:s12] =	ssyncadd.s32 $0xFFFFFF83  }
0x6b: {  	_ =	swait.ge [sflag:s12], $0x7D  }
0x6c: {  	s17 =	smov.u32 s19;
	[sflag:s12] =	ssyncset.done $0x0  }
0x6d: {  	s16 =	sshra.s32 s16, $0x2;
	[sflag:s12] =	ssyncadd.s32 $0xFFFFFF83  }
0x6e: {  	[spmem:s2] =	stream.indirect.scatter.add.f32 [tilespmem:s11], [sflag:$0x1], $0x1, s16, s10, $0xb8;
	[tilespmem:$0x2D80] =	vst v63  }
0x6f: {  	s17 =	sadd.s32 $0x80, s16  }
0x70: {  	[spmem:s2] =	stream.indirect.scatter.add.f32 [tilespmem:s11], [sflag:$0x1], $0x1, s17, s10, $0xb8;
	[tilespmem:$0x2D80] =	vst v63  }
0x71: {  	s31 =	sadd.s32 $0x100, s16  }
0x72: {  	[spmem:s2] =	stream.indirect.scatter.add.f32 [tilespmem:s11], [sflag:$0x1], $0x1, s31, s10, $0xb8;
	[tilespmem:$0x2D80] =	vst v63  }
0x73: {  	s16 =	sadd.s32 $0x180, s16  }
0x74: {  	[spmem:s2] =	stream.indirect.scatter.add.f32 [tilespmem:s11], [sflag:$0x1], $0x1, s16, s10, $0xb8;
	[tilespmem:$0x2D80] =	vst v63  }
0x75: {  	_ =	swait.ge [sflag:s12], $0x7D  }
0x76: {  	[sflag:s12] =	ssyncset.done $0x0  }
0x77: {  	[sflag:s12] =	ssyncadd.s32 $0xFFFFFF83  }
0x78: {  	_ =	swait.ge [sflag:s12], $0x7D  }
0x79: {  	[sflag:s12] =	ssyncset.done $0x0  }
0x7a: {  	[sflag:s12] =	ssyncadd.s32 $0xFFFFFF83  }
0x7b: {  	_ =	swait.ge [sflag:s12], $0x7D  }
0x7c: {  	[sflag:s12] =	ssyncset.done $0x0  }
0x7d: {  	[sflag:s12] =	ssyncadd.s32 $0xFFFFFF83  }
0x7e: {  	_ =	swait.ge [sflag:s12], $0x7D  }
0x7f: {  	s15 =	sadd.s32 $0x1, s15;
	[sflag:s12] =	ssyncset.done $0x0  }
0x80: {  	p0 =	sne.s32 s15, s7;
	[sflag:s12] =	ssyncadd.s32 $0xFFFFFF83  }
.Ltmp1:
0x81: {  	[bflag:$0x0] =	sbarrier.arrive $0xFFFF;
	(pc) =	sbr.rel @p0 .LBB2_1-.Ltmp1, $4  }
0x82: {  	[hbm:s6], [sflag:s13] =	dma.local [spmem:s14], $0x50  }
0x83: {  	_ =	swait.ge [sflag:s9], $0x50  }
0x84: {  	[sflag:s9] =	ssyncset.done $0x0  }
0x85: {  	[sflag:s9] =	ssyncadd.s32 $0xFFFFFFB0  }
0x86: {  	_ =	sfence.sel $0x180000  }
0x87: {  	[bflag:$0x0] =	sbarrier.arrive $0xFFFF  }
0x88: {  	p0 =	sne.s32 s1, $0x0;
	_ =	strace $0x90000047  }
0x89: {  	s0 =	sadd.s32 @!p0 $0x100000, s0;
	[bflag:$0x2] =	sbarrier.arrive $0xFFFF  }
0x8a: {  	[sflag:s0] =	ssyncadd.tile.s32 @!p0 $0x1;
	_ =	shalt  }
.Lfunc_end2:
_tile_overlayer_lowered:
.L_overlay_start_2:
0x8b: {  	(tag) =	ssettag $0x2  }
0x8c: {  	s0 =	rddreg [dreg:$0x0];
	s2 =	stileid.u32  }
0x8d: {  	s1 =	rddreg [dreg:$0x1];
	p0 =	sne.s32 s2, $0x0  }
0x8e: {  	s3 =	rddreg [dreg:$0x2];
	[bflag:$0x3] =	sbarrier.arrive $0xFFFF;
	s2 =	simm.s32 @!p0 $0x1C02  }
0x8f: {  	[timem:s3], [sflag:s2] =	dma.local @!p0 [hbm:s0], s1  }
0x90: {  	s0 =	simm.s32 @!p0 $0x2  }
0x91: {  	_ =	swait.ge @!p0 [sflag:s0], s1  }
0x92: {  	s1 =	ssub.s32 @!p0 $0x0, s1;
	[sflag:s0] =	ssyncset.done @!p0 $0x0  }
0x93: {  	[sflag:s0] =	ssyncadd.s32 @!p0 s1  }
0x94: {  	[bflag:$0x3] =	sbarrier.arrive $0xFFFF  }
0x95: {  	_ =	shalt  }

</sc_bundles>
